<compile_context>
chip_gen: v7x
topology: tpu7x:2x2x1
jax: 0.10.2.dev20260603
libtpu: 0.0.44.dev20260713+nightly
codegen_flags: <defaults>
</compile_context>

<pallas_src>
import functools

import jax
import jax.numpy as jnp
from jax import lax
from jax.experimental import pallas as pl
from jax.experimental.pallas import tpu as pltpu
from jax.experimental.pallas import tpu_sc as plsc

N = 10000
D = 128
DH = D // 2
E = 500000
NC, NS, L = 2, 16, 16
NW = NC * NS
CHUNK = 128
NCH = -(-E // (NS * CHUNK))
EPAD = NS * NCH * CHUNK
NCH2 = -(-E // (NW * CHUNK))
EPAD2 = NW * NCH2 * CHUNK
NROWS = N
STRIPE = NROWS // NS
SSIZES = (128, 128, 128, 128, 113)
NPAD = EPAD - E
NB = 3
NBODY = (NCH // NB) * NB

_f32 = jnp.float32
_i32 = jnp.int32


def _segsum_body(src_h, dst_h, tbl_h, sum_h,
                 src_v, dst_v, rows_v, acc_sh, gsems, ssems):
    cid = lax.axis_index("c")
    sid = lax.axis_index("s")

    zero16 = jnp.zeros((L,), _f32)

    @pl.loop(0, CHUNK)
    def _(i):
        for j in range(DH // L):
            rows_v[0, i, pl.ds(j * L, L)] = zero16

    off = 0
    for sz in SSIZES:
        sl = pl.ds(sid * STRIPE + off, sz)
        pltpu.sync_copy(rows_v.at[0, pl.ds(0, sz)], acc_sh.at[sl])
        off += sz
    plsc.subcore_barrier()

    pltpu.sync_copy(src_h.at[sid], src_v)
    pltpu.sync_copy(dst_h.at[sid], dst_v)

    for b in range(NB):
        pltpu.async_copy(tbl_h.at[cid].at[src_v.at[b]], rows_v.at[b],
                         gsems[b])

    @pl.loop(0, NBODY // NB)
    def _(r):
        for b in range(NB):
            jj = r * NB + b
            pltpu.make_async_copy(tbl_h.at[cid].at[src_v.at[jj]],
                                  rows_v.at[b], gsems[b]).wait()
            d1 = pltpu.async_copy(rows_v.at[b], acc_sh.at[dst_v.at[jj]],
                                  ssems[b], add=True)
            d1.wait()

            @pl.when(jj + NB < NCH)
            def _():
                pltpu.async_copy(tbl_h.at[cid].at[src_v.at[jj + NB]],
                                 rows_v.at[b], gsems[b])

    for jj in range(NBODY, NCH):
        b = jj % NB
        pltpu.make_async_copy(tbl_h.at[cid].at[src_v.at[jj]],
                              rows_v.at[b], gsems[b]).wait()
        pltpu.sync_copy(rows_v.at[b], acc_sh.at[dst_v.at[jj]], add=True)

    plsc.subcore_barrier()

    off = 0
    for sz in SSIZES:
        sl = pl.ds(sid * STRIPE + off, sz)
        pltpu.sync_copy(acc_sh.at[sl], sum_h.at[cid, sl])
        off += sz


@functools.cache
def _get_segsum():
    return pl.kernel(
        _segsum_body,
        out_type=jax.ShapeDtypeStruct((NC, NROWS, DH), _f32),
        mesh=plsc.VectorSubcoreMesh(core_axis_name="c", subcore_axis_name="s",
                                    num_cores=NC, num_subcores=NS),
        compiler_params=pltpu.CompilerParams(use_tc_tiling_on_sc=False),
        scratch_types=[
            pltpu.VMEM((NCH, CHUNK), _i32),
            pltpu.VMEM((NCH, CHUNK), _i32),
            pltpu.VMEM((NB, CHUNK, DH), _f32),
            pltpu.VMEM_SHARED((NROWS, DH), _f32),
            tuple(pltpu.SemaphoreType.DMA for _ in range(NB)),
            tuple(pltpu.SemaphoreType.DMA for _ in range(NB)),
        ],
    )


CROWS = 2048
CSTRIPE = CROWS // NS
NB2 = 3


def _counts_body(row_h, oh_h, cnt_h, row_v, buf_v, zrow_v, cnt_sh,
                 gsems, ssems):
    cid = lax.axis_index("c")
    sid = lax.axis_index("s")
    wid = cid * NS + sid

    zero16 = jnp.zeros((L,), _f32)

    @pl.loop(0, CSTRIPE)
    def _(i):
        zrow_v[i, :] = zero16

    pltpu.sync_copy(zrow_v, cnt_sh.at[pl.ds(sid * CSTRIPE, CSTRIPE)])
    plsc.subcore_barrier()

    pltpu.sync_copy(row_h.at[wid], row_v)

    for b in range(NB2):
        pltpu.async_copy(oh_h.at[wid, b], buf_v.at[b], gsems[b])

    @pl.loop(0, NCH2 // NB2)
    def _(r):
        for b in range(NB2):
            jj = r * NB2 + b
            pltpu.make_async_copy(oh_h.at[wid, jj], buf_v.at[b],
                                  gsems[b]).wait()
            d1 = pltpu.async_copy(buf_v.at[b], cnt_sh.at[row_v.at[jj]],
                                  ssems[b], add=True)
            d1.wait()

            @pl.when(jj + NB2 < NCH2)
            def _():
                pltpu.async_copy(oh_h.at[wid, jj + NB2], buf_v.at[b],
                                 gsems[b])

    plsc.subcore_barrier()

    pltpu.sync_copy(cnt_sh.at[pl.ds(sid * CSTRIPE, CSTRIPE)],
                    cnt_h.at[cid, pl.ds(sid * CSTRIPE, CSTRIPE)])


@functools.cache
def _get_counts():
    return pl.kernel(
        _counts_body,
        out_type=jax.ShapeDtypeStruct((NC, CROWS, L), _f32),
        mesh=plsc.VectorSubcoreMesh(core_axis_name="c", subcore_axis_name="s",
                                    num_cores=NC, num_subcores=NS),
        compiler_params=pltpu.CompilerParams(use_tc_tiling_on_sc=False),
        scratch_types=[
            pltpu.VMEM((NCH2, CHUNK), _i32),
            pltpu.VMEM((NB2, CHUNK, L), _f32),
            pltpu.VMEM((CSTRIPE, L), _f32),
            pltpu.VMEM_SHARED((CROWS, L), _f32),
            tuple(pltpu.SemaphoreType.DMA for _ in range(NB2)),
            tuple(pltpu.SemaphoreType.DMA for _ in range(NB2)),
        ],
    )


_BM = 1000
_GRID = N // _BM


def _dotT(a, b):
    return lax.dot_general(a, b, (((1,), (1,)), ((), ())),
                           preferred_element_type=_f32)


def _full(shape):
    return pl.BlockSpec(shape, lambda i: (0,) * len(shape))


def _rows(shape):
    if len(shape) == 3:
        return pl.BlockSpec(shape, lambda i: (0, i, 0))
    return pl.BlockSpec(shape, lambda i: (i, 0))


def _split(p_ref, x):
    p_ref[0] = x[:, :DH]
    p_ref[1] = x[:, DH:]


def _inv_cnt(c_ref):
    return 1.0 / jnp.maximum(c_ref[0] + c_ref[1], 1.0)


def _seg_corr(s_ref, t_ref):
    s = jnp.concatenate([s_ref[0], s_ref[1]], axis=1)
    t = jnp.concatenate([t_ref[0], t_ref[1]], axis=1)
    row = pl.program_id(0) * _BM + lax.broadcasted_iota(_i32, (_BM, 1), 0)
    return s - jnp.where(row < NPAD, 1.0, 0.0) * t


def _mm0_body(x_ref, w_ref, o_ref):
    _split(o_ref, _dotT(x_ref[...], w_ref[...]))


_mm0 = pl.pallas_call(
    _mm0_body,
    grid=(_GRID,),
    in_specs=[_rows((_BM, D)), _full((D, D))],
    out_specs=_rows((NC, _BM, DH)),
    out_shape=jax.ShapeDtypeStruct((NC, N, DH), _f32),
)


def _st1_body(s_ref, t_ref, c_ref, ue_ref, w1r_ref, b1l_ref, w2l_ref,
              ux_ref, p2_ref):
    s = _seg_corr(s_ref, t_ref)
    r1 = _dotT(ue_ref[...], w1r_ref[...])
    ux = jnp.maximum(s * _inv_cnt(c_ref) + b1l_ref[...] + r1, 0.0)
    ux_ref[...] = ux
    _split(p2_ref, _dotT(ux, w2l_ref[...]))


_st1 = pl.pallas_call(
    _st1_body,
    grid=(_GRID,),
    in_specs=[_rows((NC, _BM, DH)), _rows((NC, _BM, DH)), _rows((NC, _BM, 1)),
              _full((1, D)), _full((D, D)), _full((1, D)), _full((D, D))],
    out_specs=[_rows((_BM, D)), _rows((NC, _BM, DH))],
    out_shape=[jax.ShapeDtypeStruct((N, D), _f32),
               jax.ShapeDtypeStruct((NC, N, DH), _f32)],
)


def _st2_body(s_ref, t_ref, c_ref, xm_ref, w2r_ref, b2l_ref, w3l_ref,
              wl2_ref, bl2_ref, p3_ref, zm_ref):
    s = _seg_corr(s_ref, t_ref)
    mx = jnp.maximum(
        s * _inv_cnt(c_ref) + b2l_ref[...] + _dotT(xm_ref[...], w2r_ref[...]),
        0.0)
    _split(p3_ref, _dotT(mx, w3l_ref[...]))
    zm_ref[...] = _dotT(mx, wl2_ref[...]) + bl2_ref[...]


_st2 = pl.pallas_call(
    _st2_body,
    grid=(_GRID,),
    in_specs=[_rows((NC, _BM, DH)), _rows((NC, _BM, DH)), _rows((NC, _BM, 1)),
              _rows((_BM, D)),
              _full((D, D)), _full((1, D)), _full((D, D)),
              _full((64, D)), _full((1, 64))],
    out_specs=[_rows((NC, _BM, DH)), _rows((_BM, 64))],
    out_shape=[jax.ShapeDtypeStruct((NC, N, DH), _f32),
               jax.ShapeDtypeStruct((N, 64), _f32)],
)


def _st3_body(s_ref, t_ref, c_ref, ux_ref, w3r_ref, b3l_ref, wl1_ref,
              bl1_ref, zu_ref):
    s = _seg_corr(s_ref, t_ref)
    ux2 = jnp.maximum(
        s * _inv_cnt(c_ref) + b3l_ref[...] + _dotT(ux_ref[...], w3r_ref[...]),
        0.0)
    zu_ref[...] = _dotT(ux2, wl1_ref[...]) + bl1_ref[...]


_st3 = pl.pallas_call(
    _st3_body,
    grid=(_GRID,),
    in_specs=[_rows((NC, _BM, DH)), _rows((NC, _BM, DH)), _rows((NC, _BM, 1)),
              _rows((_BM, D)),
              _full((D, D)), _full((1, D)), _full((64, D)), _full((1, 64))],
    out_specs=_rows((_BM, 64)),
    out_shape=jax.ShapeDtypeStruct((N, 64), _f32),
)


def _pad_edges(src, dst):
    ar = jnp.arange(NPAD, dtype=_i32)
    src3 = jnp.concatenate([src.astype(_i32), ar])
    dst3 = jnp.concatenate([dst.astype(_i32), ar])
    return src3.reshape(NS, NCH, CHUNK), dst3.reshape(NS, NCH, CHUNK)


def _pad_dst2(dst):
    pad = EPAD2 - E
    dst2 = jnp.concatenate([dst.astype(_i32), jnp.full((pad,), N, _i32)])
    dst2 = dst2.reshape(NW, NCH2, CHUNK)
    oh = (dst2[..., None] >> 11 == jnp.arange(L, dtype=_i32)).astype(_f32)
    return dst2 & (CROWS - 1), oh


def kernel(x_movie, x_user, edge_rates, edge_rev, tuples_coo, user_emb,
           W1l, b1l, W1r, W2l, b2l, W2r, W3l, b3l, W3r,
           Wlin1, blin1, Wlin2, blin2):
    n_users = x_user.shape[0]
    srcR, dstR = _pad_edges(edge_rev[0], edge_rev[1])
    srcA, dstA = _pad_edges(edge_rates[0], edge_rates[1])

    ue = user_emb.reshape(1, D)
    b1 = b1l.reshape(1, D)
    b2 = b2l.reshape(1, D)
    b3 = b3l.reshape(1, D)
    bz1 = blin1.reshape(1, 64)
    bz2 = blin2.reshape(1, 64)

    rR, ohR = _pad_dst2(edge_rev[1])
    rA, ohA = _pad_dst2(edge_rates[1])
    c1 = _get_counts()(rR, ohR).transpose(0, 2, 1).reshape(NC, CROWS * L, 1)
    c2 = _get_counts()(rA, ohA).transpose(0, 2, 1).reshape(NC, CROWS * L, 1)

    p1 = _mm0(x_movie, W1l)
    s1 = _get_segsum()(srcR, dstR, p1)
    ux, p2 = _st1(s1, p1, c1, ue, W1r, b1, W2l)

    s2 = _get_segsum()(srcA, dstA, p2)
    p3, zm = _st2(s2, p2, c2, x_movie, W2r, b2, W3l, Wlin2, bz2)

    s3 = _get_segsum()(srcR, dstR, p3)
    zu = _st3(s3, p3, c1, ux, W3r, b3, Wlin1, bz1)

    X = jnp.concatenate([zu, zm], axis=0)
    new_index = jnp.vstack((tuples_coo[0], tuples_coo[1] + n_users))
    return (X, new_index)

# --- scband reference (transcript-rebuilt; emitter-appended) ---
"""Pipeline reference for scband-movie-lens-encoder-64854006170165 (READ-ONLY COPY).

The authoritative reference and input builder live on the scoring server;
editing this copy changes nothing except your own understanding.
"""

import jax, jax.numpy as jnp
import numpy as np

N_USERS = 10000
N_MOVIES = 10000
D_MOVIE = 128
HIDDEN = 128
OUT = 64
N_EDGES = 500000
N_TUPLES = 100000


def setup_inputs(seed: int = 0) -> dict:
    key = jax.random.key(seed)
    ks = jax.random.split(key, 24)
    s = 0.05
    inp = {}
    inp['x_movie'] = jax.random.normal(ks[0], (N_MOVIES, D_MOVIE), jnp.float32)
    inp['x_user'] = jnp.zeros((N_USERS, 1), jnp.float32)
    inp['edge_rates'] = jax.random.randint(ks[1], (2, N_EDGES), 0, N_MOVIES).astype(jnp.int64)
    inp['edge_rev'] = jax.random.randint(ks[2], (2, N_EDGES), 0, N_USERS).astype(jnp.int64)
    inp['tuples_coo'] = jax.random.randint(ks[3], (2, N_TUPLES), 0, N_MOVIES).astype(jnp.int64)
    # learned params
    inp['user_emb'] = jax.random.normal(ks[4], (1, HIDDEN), jnp.float32) * s
    # conv1: src=movie (D_MOVIE), dst=user (HIDDEN after emb repeat)
    inp['W1l'] = jax.random.normal(ks[5], (HIDDEN, D_MOVIE), jnp.float32) * s
    inp['b1l'] = jnp.zeros((HIDDEN,), jnp.float32)
    inp['W1r'] = jax.random.normal(ks[6], (HIDDEN, HIDDEN), jnp.float32) * s
    # conv2: src=user (HIDDEN), dst=movie (D_MOVIE)
    inp['W2l'] = jax.random.normal(ks[7], (HIDDEN, HIDDEN), jnp.float32) * s
    inp['b2l'] = jnp.zeros((HIDDEN,), jnp.float32)
    inp['W2r'] = jax.random.normal(ks[8], (HIDDEN, D_MOVIE), jnp.float32) * s
    # conv3: src=movie_x (HIDDEN), dst=user_x (HIDDEN)
    inp['W3l'] = jax.random.normal(ks[9], (HIDDEN, HIDDEN), jnp.float32) * s
    inp['b3l'] = jnp.zeros((HIDDEN,), jnp.float32)
    inp['W3r'] = jax.random.normal(ks[10], (HIDDEN, HIDDEN), jnp.float32) * s
    inp['Wlin1'] = jax.random.normal(ks[11], (OUT, HIDDEN), jnp.float32) * s
    inp['blin1'] = jnp.zeros((OUT,), jnp.float32)
    inp['Wlin2'] = jax.random.normal(ks[12], (OUT, HIDDEN), jnp.float32) * s
    inp['blin2'] = jnp.zeros((OUT,), jnp.float32)
    return inp


def _sage(x_src, x_dst, edge_index, Wl, bl, Wr):
    # PyG SAGEConv (mean aggr, root_weight=True): lin_l(mean_j x_src[src_j]) + lin_r(x_dst)
    src = edge_index[0]
    dst = edge_index[1]
    msg = jnp.take(x_src, src, axis=0)
    n_dst = x_dst.shape[0]
    summed = jax.ops.segment_sum(msg, dst, num_segments=n_dst)
    cnt = jax.ops.segment_sum(jnp.ones((msg.shape[0],), jnp.float32), dst, num_segments=n_dst)
    mean = summed / jnp.clip(cnt, 1.0)[:, None]
    return mean @ Wl.T + bl + x_dst @ Wr.T


def reference(x_movie, x_user, edge_rates, edge_rev, tuples_coo, user_emb,
              W1l, b1l, W1r, W2l, b2l, W2r, W3l, b3l, W3r,
              Wlin1, blin1, Wlin2, blin2):
    n_users = x_user.shape[0]
    # x_dict['user'] = user_emb.weight.repeat((n_users, 1))
    ux0 = jnp.tile(user_emb, (n_users, 1))
    # conv1((movie, user), rev_rates).relu()
    ux = jax.nn.relu(_sage(x_movie, ux0, edge_rev, W1l, b1l, W1r))
    # conv2((user, movie), rates).relu()
    mx = jax.nn.relu(_sage(ux, x_movie, edge_rates, W2l, b2l, W2r))
    # conv3((movie, user), rev_rates).relu()
    ux = jax.nn.relu(_sage(mx, ux, edge_rev, W3l, b3l, W3r))
    zu = ux @ Wlin1.T + blin1
    zm = mx @ Wlin2.T + blin2
    X = jnp.vstack((zu, zm))
    # relation_schema = ['user', 'movie']: user offset 0, movie offset n_users
    new_index = jnp.vstack((tuples_coo[0], tuples_coo[1] + n_users))
    return (X, new_index)

if __name__ == "__main__":
    import jax
    _d = setup_inputs()
    print(jax.jit(kernel)(*tuple(_d.values())))

</pallas_src>

<mosaic_0001>
#map = affine_map<(d0, d1) -> (0, 0, 0)>
module attributes {stable_mosaic.version = 14 : i64} {
  func.func @_segsum_body(%arg0: i32, %arg1: i32, %arg2: memref<16x245x128xi32, #tpu.memory_space<hbm>>, %arg3: memref<16x245x128xi32, #tpu.memory_space<hbm>>, %arg4: memref<2x10000x64xf32, #tpu.memory_space<hbm>>, %arg5: memref<2x10000x64xf32, #tpu.memory_space<hbm>>, %arg6: memref<245x128xi32, #tpu.memory_space<vmem>>, %arg7: memref<245x128xi32, #tpu.memory_space<vmem>>, %arg8: memref<3x128x64xf32, #tpu.memory_space<vmem>>, %arg9: memref<10000x64xf32, #tpu.memory_space<vmem_shared>>, %arg10: memref<!tpu.dma_semaphore, #tpu.memory_space<semaphore_mem>>, %arg11: memref<!tpu.dma_semaphore, #tpu.memory_space<semaphore_mem>>, %arg12: memref<!tpu.dma_semaphore, #tpu.memory_space<semaphore_mem>>, %arg13: memref<!tpu.dma_semaphore, #tpu.memory_space<semaphore_mem>>, %arg14: memref<!tpu.dma_semaphore, #tpu.memory_space<semaphore_mem>>, %arg15: memref<!tpu.dma_semaphore, #tpu.memory_space<semaphore_mem>>) attributes {dimension_semantics = [#tpu.dimension_semantics<core_parallel>, #tpu.dimension_semantics<subcore_parallel>], iteration_bounds = array<i64: 2, 16>, scalar_prefetch = 0 : i64, scratch_operands = 10 : i64, tpu.core_type = #tpu.core_type<sc_vector_subcore>, window_params = [{transform_indices = #map}, {transform_indices = #map}, {transform_indices = #map}, {transform_indices = #map}]} {
    %broadcast_in_dim3A = arith.constant 0.000000e+00 : f32
    %broadcast_in_dim3A_0 = vector.broadcast %broadcast_in_dim3A : f32 to vector<16xf32>
    %scan3A = arith.constant 0 : i32
    %scan3A_1 = arith.constant 128 : i32
    %scan3A_2 = arith.addi %scan3A, %scan3A_1 : i32
    %scan3A_3 = arith.constant 1 : i32
    scf.for %scan3A_135 = %scan3A to %scan3A_2 step %scan3A_3  : i32 {
      %mul3A_136 = arith.constant 1 : i32
      %mul3A_137 = arith.muli %scan3A_135, %mul3A_136 : i32
      %add3A_138 = arith.constant 0 : i32
      %add3A_139 = arith.addi %add3A_138, %mul3A_137 : i32
      %swap3A = arith.constant 0 : i32
      %swap3A_140 = arith.index_cast %swap3A : i32 to index
      %swap3A_141 = arith.index_cast %add3A_139 : i32 to index
      %swap3A_142 = arith.constant 0 : index
      %swap3A_143 = tpu.vector_load %arg8[%swap3A_140, %swap3A_141, %swap3A_142] {strides = array<i32>} : memref<3x128x64xf32, #tpu.memory_space<vmem>>, vector<1x1x16xf32>,
      %swap3A_144 = vector.shape_cast %swap3A_143 : vector<1x1x16xf32> to vector<16xf32>
      %swap3A_145 = vector.shape_cast %broadcast_in_dim3A_0 : vector<16xf32> to vector<1x1x16xf32>
      tpu.vector_store %arg8[%swap3A_140, %swap3A_141, %swap3A_142], %swap3A_145 {strides = array<i32>} : memref<3x128x64xf32, #tpu.memory_space<vmem>>, vector<1x1x16xf32>,
      %swap3A_146 = arith.constant 0 : i32
      %swap3A_147 = arith.index_cast %swap3A_146 : i32 to index
      %swap3A_148 = arith.index_cast %add3A_139 : i32 to index
      %swap3A_149 = arith.constant 16 : index
      %swap3A_150 = tpu.vector_load %arg8[%swap3A_147, %swap3A_148, %swap3A_149] {strides = array<i32>} : memref<3x128x64xf32, #tpu.memory_space<vmem>>, vector<1x1x16xf32>,
      %swap3A_151 = vector.shape_cast %swap3A_150 : vector<1x1x16xf32> to vector<16xf32>
      %swap3A_152 = vector.shape_cast %broadcast_in_dim3A_0 : vector<16xf32> to vector<1x1x16xf32>
      tpu.vector_store %arg8[%swap3A_147, %swap3A_148, %swap3A_149], %swap3A_152 {strides = array<i32>} : memref<3x128x64xf32, #tpu.memory_space<vmem>>, vector<1x1x16xf32>,
      %swap3A_153 = arith.constant 0 : i32
      %swap3A_154 = arith.index_cast %swap3A_153 : i32 to index
      %swap3A_155 = arith.index_cast %add3A_139 : i32 to index
      %swap3A_156 = arith.constant 32 : index
      %swap3A_157 = tpu.vector_load %arg8[%swap3A_154, %swap3A_155, %swap3A_156] {strides = array<i32>} : memref<3x128x64xf32, #tpu.memory_space<vmem>>, vector<1x1x16xf32>,
      %swap3A_158 = vector.shape_cast %swap3A_157 : vector<1x1x16xf32> to vector<16xf32>
      %swap3A_159 = vector.shape_cast %broadcast_in_dim3A_0 : vector<16xf32> to vector<1x1x16xf32>
      tpu.vector_store %arg8[%swap3A_154, %swap3A_155, %swap3A_156], %swap3A_159 {strides = array<i32>} : memref<3x128x64xf32, #tpu.memory_space<vmem>>, vector<1x1x16xf32>,
      %swap3A_160 = arith.constant 0 : i32
      %swap3A_161 = arith.index_cast %swap3A_160 : i32 to index
      %swap3A_162 = arith.index_cast %add3A_139 : i32 to index
      %swap3A_163 = arith.constant 48 : index
      %swap3A_164 = tpu.vector_load %arg8[%swap3A_161, %swap3A_162, %swap3A_163] {strides = array<i32>} : memref<3x128x64xf32, #tpu.memory_space<vmem>>, vector<1x1x16xf32>,
      %swap3A_165 = vector.shape_cast %swap3A_164 : vector<1x1x16xf32> to vector<16xf32>
      %swap3A_166 = vector.shape_cast %broadcast_in_dim3A_0 : vector<16xf32> to vector<1x1x16xf32>
      tpu.vector_store %arg8[%swap3A_161, %swap3A_162, %swap3A_163], %swap3A_166 {strides = array<i32>} : memref<3x128x64xf32, #tpu.memory_space<vmem>>, vector<1x1x16xf32>,
    }
    %scan3A_4 = arith.constant 128 : i32
    %mul3A = arith.constant 625 : i32
    %mul3A_5 = arith.muli %arg1, %mul3A : i32
    %add3A = arith.constant 0 : i32
    %add3A_6 = arith.addi %mul3A_5, %add3A : i32
    %run_scoped3A = arith.constant 0 : i32
    "tpu.region"() ({
      %run_scoped3A_135 = tpu.sem_alloc : memref<!tpu.dma_semaphore, #tpu.memory_space<semaphore_mem>>
      %dma_start3A_136 = arith.constant 0 : i32
      %dma_start3A_137 = arith.constant 0 : i32
      %dma_start3A_138 = tpu.memref_slice %arg8[%run_scoped3A, %dma_start3A_136, %dma_start3A_137] : memref<3x128x64xf32, #tpu.memory_space<vmem>> -> memref<1x128x64xf32, #tpu.memory_space<vmem>>
      %dma_start3A_139 = tpu.memref_squeeze %dma_start3A_138 : memref<1x128x64xf32, #tpu.memory_space<vmem>> -> memref<128x64xf32, #tpu.memory_space<vmem>>
      %dma_start3A_140 = arith.constant 0 : i32
      %dma_start3A_141 = tpu.memref_slice %arg9[%add3A_6, %dma_start3A_140] : memref<10000x64xf32, #tpu.memory_space<vmem_shared>> -> memref<128x64xf32, #tpu.memory_space<vmem_shared>>
      %dma_start3A_142 = arith.constant 0 : i32
      %dma_start3A_143 = tpu.memref_slice %arg9[%add3A_6, %dma_start3A_142] : memref<10000x64xf32, #tpu.memory_space<vmem_shared>> -> memref<128x64xf32, #tpu.memory_space<vmem_shared>>
      %dma_start3A_144 = arith.constant 0 : i32
      %dma_start3A_145 = arith.constant 0 : i32
      %dma_start3A_146 = tpu.memref_slice %arg8[%run_scoped3A, %dma_start3A_144, %dma_start3A_145] : memref<3x128x64xf32, #tpu.memory_space<vmem>> -> memref<1x128x64xf32, #tpu.memory_space<vmem>>
      %dma_start3A_147 = tpu.memref_squeeze %dma_start3A_146 : memref<1x128x64xf32, #tpu.memory_space<vmem>> -> memref<128x64xf32, #tpu.memory_space<vmem>>
      tpu.enqueue_dma source(%dma_start3A_147 : memref<128x64xf32, #tpu.memory_space<vmem>>) target(%dma_start3A_143 : memref<128x64xf32, #tpu.memory_space<vmem_shared>>) target_semaphore(%run_scoped3A_135 : memref<!tpu.dma_semaphore, #tpu.memory_space<semaphore_mem>>)
      %dma_wait3A_148 = arith.constant 0 : i32
      %dma_wait3A_149 = arith.constant 0 : i32
      %dma_wait3A_150 = tpu.memref_slice %arg8[%run_scoped3A, %dma_wait3A_148, %dma_wait3A_149] : memref<3x128x64xf32, #tpu.memory_space<vmem>> -> memref<1x128x64xf32, #tpu.memory_space<vmem>>
      %dma_wait3A_151 = tpu.memref_squeeze %dma_wait3A_150 : memref<1x128x64xf32, #tpu.memory_space<vmem>> -> memref<128x64xf32, #tpu.memory_space<vmem>>
      %dma_wait3A_152 = arith.constant 0 : i32
      %dma_wait3A_153 = tpu.memref_slice %arg9[%add3A_6, %dma_wait3A_152] : memref<10000x64xf32, #tpu.memory_space<vmem_shared>> -> memref<128x64xf32, #tpu.memory_space<vmem_shared>>
      %dma_wait3A_154 = arith.constant 0 : i32
      %dma_wait3A_155 = tpu.memref_slice %arg9[%add3A_6, %dma_wait3A_154] : memref<10000x64xf32, #tpu.memory_space<vmem_shared>> -> memref<128x64xf32, #tpu.memory_space<vmem_shared>>
      %dma_wait3A_156 = arith.constant 0 : i32
      %dma_wait3A_157 = arith.constant 0 : i32
      %dma_wait3A_158 = tpu.memref_slice %arg8[%run_scoped3A, %dma_wait3A_156, %dma_wait3A_157] : memref<3x128x64xf32, #tpu.memory_space<vmem>> -> memref<1x128x64xf32, #tpu.memory_space<vmem>>
      %dma_wait3A_159 = tpu.memref_squeeze %dma_wait3A_158 : memref<1x128x64xf32, #tpu.memory_space<vmem>> -> memref<128x64xf32, #tpu.memory_space<vmem>>
      tpu.wait_dma2 semaphore(%run_scoped3A_135 : memref<!tpu.dma_semaphore, #tpu.memory_space<semaphore_mem>>) src(%dma_wait3A_159 : memref<128x64xf32, #tpu.memory_space<vmem>>) dst(%dma_wait3A_155 : memref<128x64xf32, #tpu.memory_space<vmem_shared>>)
      tpu.yield
    }) : () -> ()
    %mul3A_7 = arith.constant 625 : i32
    %mul3A_8 = arith.muli %arg1, %mul3A_7 : i32
    %add3A_9 = arith.constant 128 : i32
    %add3A_10 = arith.addi %mul3A_8, %add3A_9 : i32
    %run_scoped3A_11 = arith.constant 0 : i32
    "tpu.region"() ({
      %run_scoped3A_135 = tpu.sem_alloc : memref<!tpu.dma_semaphore, #tpu.memory_space<semaphore_mem>>
      %dma_start3A_136 = arith.constant 0 : i32
      %dma_start3A_137 = arith.constant 0 : i32
      %dma_start3A_138 = tpu.memref_slice %arg8[%run_scoped3A_11, %dma_start3A_136, %dma_start3A_137] : memref<3x128x64xf32, #tpu.memory_space<vmem>> -> memref<1x128x64xf32, #tpu.memory_space<vmem>>
      %dma_start3A_139 = tpu.memref_squeeze %dma_start3A_138 : memref<1x128x64xf32, #tpu.memory_space<vmem>> -> memref<128x64xf32, #tpu.memory_space<vmem>>
      %dma_start3A_140 = arith.constant 0 : i32
      %dma_start3A_141 = tpu.memref_slice %arg9[%add3A_10, %dma_start3A_140] : memref<10000x64xf32, #tpu.memory_space<vmem_shared>> -> memref<128x64xf32, #tpu.memory_space<vmem_shared>>
      %dma_start3A_142 = arith.constant 0 : i32
      %dma_start3A_143 = tpu.memref_slice %arg9[%add3A_10, %dma_start3A_142] : memref<10000x64xf32, #tpu.memory_space<vmem_shared>> -> memref<128x64xf32, #tpu.memory_space<vmem_shared>>
      %dma_start3A_144 = arith.constant 0 : i32
      %dma_start3A_145 = arith.constant 0 : i32
      %dma_start3A_146 = tpu.memref_slice %arg8[%run_scoped3A_11, %dma_start3A_144, %dma_start3A_145] : memref<3x128x64xf32, #tpu.memory_space<vmem>> -> memref<1x128x64xf32, #tpu.memory_space<vmem>>
      %dma_start3A_147 = tpu.memref_squeeze %dma_start3A_146 : memref<1x128x64xf32, #tpu.memory_space<vmem>> -> memref<128x64xf32, #tpu.memory_space<vmem>>
      tpu.enqueue_dma source(%dma_start3A_147 : memref<128x64xf32, #tpu.memory_space<vmem>>) target(%dma_start3A_143 : memref<128x64xf32, #tpu.memory_space<vmem_shared>>) target_semaphore(%run_scoped3A_135 : memref<!tpu.dma_semaphore, #tpu.memory_space<semaphore_mem>>)
      %dma_wait3A_148 = arith.constant 0 : i32
      %dma_wait3A_149 = arith.constant 0 : i32
      %dma_wait3A_150 = tpu.memref_slice %arg8[%run_scoped3A_11, %dma_wait3A_148, %dma_wait3A_149] : memref<3x128x64xf32, #tpu.memory_space<vmem>> -> memref<1x128x64xf32, #tpu.memory_space<vmem>>
      %dma_wait3A_151 = tpu.memref_squeeze %dma_wait3A_150 : memref<1x128x64xf32, #tpu.memory_space<vmem>> -> memref<128x64xf32, #tpu.memory_space<vmem>>
      %dma_wait3A_152 = arith.constant 0 : i32
      %dma_wait3A_153 = tpu.memref_slice %arg9[%add3A_10, %dma_wait3A_152] : memref<10000x64xf32, #tpu.memory_space<vmem_shared>> -> memref<128x64xf32, #tpu.memory_space<vmem_shared>>
      %dma_wait3A_154 = arith.constant 0 : i32
      %dma_wait3A_155 = tpu.memref_slice %arg9[%add3A_10, %dma_wait3A_154] : memref<10000x64xf32, #tpu.memory_space<vmem_shared>> -> memref<128x64xf32, #tpu.memory_space<vmem_shared>>
      %dma_wait3A_156 = arith.constant 0 : i32
      %dma_wait3A_157 = arith.constant 0 : i32
      %dma_wait3A_158 = tpu.memref_slice %arg8[%run_scoped3A_11, %dma_wait3A_156, %dma_wait3A_157] : memref<3x128x64xf32, #tpu.memory_space<vmem>> -> memref<1x128x64xf32, #tpu.memory_space<vmem>>
      %dma_wait3A_159 = tpu.memref_squeeze %dma_wait3A_158 : memref<1x128x64xf32, #tpu.memory_space<vmem>> -> memref<128x64xf32, #tpu.memory_space<vmem>>
      tpu.wait_dma2 semaphore(%run_scoped3A_135 : memref<!tpu.dma_semaphore, #tpu.memory_space<semaphore_mem>>) src(%dma_wait3A_159 : memref<128x64xf32, #tpu.memory_space<vmem>>) dst(%dma_wait3A_155 : memref<128x64xf32, #tpu.memory_space<vmem_shared>>)
      tpu.yield
    }) : () -> ()
    %mul3A_12 = arith.constant 625 : i32
    %mul3A_13 = arith.muli %arg1, %mul3A_12 : i32
    %add3A_14 = arith.constant 256 : i32
    %add3A_15 = arith.addi %mul3A_13, %add3A_14 : i32
    %run_scoped3A_16 = arith.constant 0 : i32
    "tpu.region"() ({
      %run_scoped3A_135 = tpu.sem_alloc : memref<!tpu.dma_semaphore, #tpu.memory_space<semaphore_mem>>
      %dma_start3A_136 = arith.constant 0 : i32
      %dma_start3A_137 = arith.constant 0 : i32
      %dma_start3A_138 = tpu.memref_slice %arg8[%run_scoped3A_16, %dma_start3A_136, %dma_start3A_137] : memref<3x128x64xf32, #tpu.memory_space<vmem>> -> memref<1x128x64xf32, #tpu.memory_space<vmem>>
      %dma_start3A_139 = tpu.memref_squeeze %dma_start3A_138 : memref<1x128x64xf32, #tpu.memory_space<vmem>> -> memref<128x64xf32, #tpu.memory_space<vmem>>
      %dma_start3A_140 = arith.constant 0 : i32
      %dma_start3A_141 = tpu.memref_slice %arg9[%add3A_15, %dma_start3A_140] : memref<10000x64xf32, #tpu.memory_space<vmem_shared>> -> memref<128x64xf32, #tpu.memory_space<vmem_shared>>
      %dma_start3A_142 = arith.constant 0 : i32
      %dma_start3A_143 = tpu.memref_slice %arg9[%add3A_15, %dma_start3A_142] : memref<10000x64xf32, #tpu.memory_space<vmem_shared>> -> memref<128x64xf32, #tpu.memory_space<vmem_shared>>
      %dma_start3A_144 = arith.constant 0 : i32
      %dma_start3A_145 = arith.constant 0 : i32
      %dma_start3A_146 = tpu.memref_slice %arg8[%run_scoped3A_16, %dma_start3A_144, %dma_start3A_145] : memref<3x128x64xf32, #tpu.memory_space<vmem>> -> memref<1x128x64xf32, #tpu.memory_space<vmem>>
      %dma_start3A_147 = tpu.memref_squeeze %dma_start3A_146 : memref<1x128x64xf32, #tpu.memory_space<vmem>> -> memref<128x64xf32, #tpu.memory_space<vmem>>
      tpu.enqueue_dma source(%dma_start3A_147 : memref<128x64xf32, #tpu.memory_space<vmem>>) target(%dma_start3A_143 : memref<128x64xf32, #tpu.memory_space<vmem_shared>>) target_semaphore(%run_scoped3A_135 : memref<!tpu.dma_semaphore, #tpu.memory_space<semaphore_mem>>)
      %dma_wait3A_148 = arith.constant 0 : i32
      %dma_wait3A_149 = arith.constant 0 : i32
      %dma_wait3A_150 = tpu.memref_slice %arg8[%run_scoped3A_16, %dma_wait3A_148, %dma_wait3A_149] : memref<3x128x64xf32, #tpu.memory_space<vmem>> -> memref<1x128x64xf32, #tpu.memory_space<vmem>>
      %dma_wait3A_151 = tpu.memref_squeeze %dma_wait3A_150 : memref<1x128x64xf32, #tpu.memory_space<vmem>> -> memref<128x64xf32, #tpu.memory_space<vmem>>
      %dma_wait3A_152 = arith.constant 0 : i32
      %dma_wait3A_153 = tpu.memref_slice %arg9[%add3A_15, %dma_wait3A_152] : memref<10000x64xf32, #tpu.memory_space<vmem_shared>> -> memref<128x64xf32, #tpu.memory_space<vmem_shared>>
      %dma_wait3A_154 = arith.constant 0 : i32
      %dma_wait3A_155 = tpu.memref_slice %arg9[%add3A_15, %dma_wait3A_154] : memref<10000x64xf32, #tpu.memory_space<vmem_shared>> -> memref<128x64xf32, #tpu.memory_space<vmem_shared>>
      %dma_wait3A_156 = arith.constant 0 : i32
      %dma_wait3A_157 = arith.constant 0 : i32
      %dma_wait3A_158 = tpu.memref_slice %arg8[%run_scoped3A_16, %dma_wait3A_156, %dma_wait3A_157] : memref<3x128x64xf32, #tpu.memory_space<vmem>> -> memref<1x128x64xf32, #tpu.memory_space<vmem>>
      %dma_wait3A_159 = tpu.memref_squeeze %dma_wait3A_158 : memref<1x128x64xf32, #tpu.memory_space<vmem>> -> memref<128x64xf32, #tpu.memory_space<vmem>>
      tpu.wait_dma2 semaphore(%run_scoped3A_135 : memref<!tpu.dma_semaphore, #tpu.memory_space<semaphore_mem>>) src(%dma_wait3A_159 : memref<128x64xf32, #tpu.memory_space<vmem>>) dst(%dma_wait3A_155 : memref<128x64xf32, #tpu.memory_space<vmem_shared>>)
      tpu.yield
    }) : () -> ()
    %mul3A_17 = arith.constant 625 : i32
    %mul3A_18 = arith.muli %arg1, %mul3A_17 : i32
    %add3A_19 = arith.constant 384 : i32
    %add3A_20 = arith.addi %mul3A_18, %add3A_19 : i32
    %run_scoped3A_21 = arith.constant 0 : i32
    "tpu.region"() ({
      %run_scoped3A_135 = tpu.sem_alloc : memref<!tpu.dma_semaphore, #tpu.memory_space<semaphore_mem>>
      %dma_start3A_136 = arith.constant 0 : i32
      %dma_start3A_137 = arith.constant 0 : i32
      %dma_start3A_138 = tpu.memref_slice %arg8[%run_scoped3A_21, %dma_start3A_136, %dma_start3A_137] : memref<3x128x64xf32, #tpu.memory_space<vmem>> -> memref<1x128x64xf32, #tpu.memory_space<vmem>>
      %dma_start3A_139 = tpu.memref_squeeze %dma_start3A_138 : memref<1x128x64xf32, #tpu.memory_space<vmem>> -> memref<128x64xf32, #tpu.memory_space<vmem>>
      %dma_start3A_140 = arith.constant 0 : i32
      %dma_start3A_141 = tpu.memref_slice %arg9[%add3A_20, %dma_start3A_140] : memref<10000x64xf32, #tpu.memory_space<vmem_shared>> -> memref<128x64xf32, #tpu.memory_space<vmem_shared>>
      %dma_start3A_142 = arith.constant 0 : i32
      %dma_start3A_143 = tpu.memref_slice %arg9[%add3A_20, %dma_start3A_142] : memref<10000x64xf32, #tpu.memory_space<vmem_shared>> -> memref<128x64xf32, #tpu.memory_space<vmem_shared>>
      %dma_start3A_144 = arith.constant 0 : i32
      %dma_start3A_145 = arith.constant 0 : i32
      %dma_start3A_146 = tpu.memref_slice %arg8[%run_scoped3A_21, %dma_start3A_144, %dma_start3A_145] : memref<3x128x64xf32, #tpu.memory_space<vmem>> -> memref<1x128x64xf32, #tpu.memory_space<vmem>>
      %dma_start3A_147 = tpu.memref_squeeze %dma_start3A_146 : memref<1x128x64xf32, #tpu.memory_space<vmem>> -> memref<128x64xf32, #tpu.memory_space<vmem>>
      tpu.enqueue_dma source(%dma_start3A_147 : memref<128x64xf32, #tpu.memory_space<vmem>>) target(%dma_start3A_143 : memref<128x64xf32, #tpu.memory_space<vmem_shared>>) target_semaphore(%run_scoped3A_135 : memref<!tpu.dma_semaphore, #tpu.memory_space<semaphore_mem>>)
      %dma_wait3A_148 = arith.constant 0 : i32
      %dma_wait3A_149 = arith.constant 0 : i32
      %dma_wait3A_150 = tpu.memref_slice %arg8[%run_scoped3A_21, %dma_wait3A_148, %dma_wait3A_149] : memref<3x128x64xf32, #tpu.memory_space<vmem>> -> memref<1x128x64xf32, #tpu.memory_space<vmem>>
      %dma_wait3A_151 = tpu.memref_squeeze %dma_wait3A_150 : memref<1x128x64xf32, #tpu.memory_space<vmem>> -> memref<128x64xf32, #tpu.memory_space<vmem>>
      %dma_wait3A_152 = arith.constant 0 : i32
      %dma_wait3A_153 = tpu.memref_slice %arg9[%add3A_20, %dma_wait3A_152] : memref<10000x64xf32, #tpu.memory_space<vmem_shared>> -> memref<128x64xf32, #tpu.memory_space<vmem_shared>>
      %dma_wait3A_154 = arith.constant 0 : i32
      %dma_wait3A_155 = tpu.memref_slice %arg9[%add3A_20, %dma_wait3A_154] : memref<10000x64xf32, #tpu.memory_space<vmem_shared>> -> memref<128x64xf32, #tpu.memory_space<vmem_shared>>
      %dma_wait3A_156 = arith.constant 0 : i32
      %dma_wait3A_157 = arith.constant 0 : i32
      %dma_wait3A_158 = tpu.memref_slice %arg8[%run_scoped3A_21, %dma_wait3A_156, %dma_wait3A_157] : memref<3x128x64xf32, #tpu.memory_space<vmem>> -> memref<1x128x64xf32, #tpu.memory_space<vmem>>
      %dma_wait3A_159 = tpu.memref_squeeze %dma_wait3A_158 : memref<1x128x64xf32, #tpu.memory_space<vmem>> -> memref<128x64xf32, #tpu.memory_space<vmem>>
      tpu.wait_dma2 semaphore(%run_scoped3A_135 : memref<!tpu.dma_semaphore, #tpu.memory_space<semaphore_mem>>) src(%dma_wait3A_159 : memref<128x64xf32, #tpu.memory_space<vmem>>) dst(%dma_wait3A_155 : memref<128x64xf32, #tpu.memory_space<vmem_shared>>)
      tpu.yield
    }) : () -> ()
    %mul3A_22 = arith.constant 625 : i32
    %mul3A_23 = arith.muli %arg1, %mul3A_22 : i32
    %add3A_24 = arith.constant 512 : i32
    %add3A_25 = arith.addi %mul3A_23, %add3A_24 : i32
    %run_scoped3A_26 = arith.constant 0 : i32
    "tpu.region"() ({
      %run_scoped3A_135 = tpu.sem_alloc : memref<!tpu.dma_semaphore, #tpu.memory_space<semaphore_mem>>
      %dma_start3A_136 = arith.constant 0 : i32
      %dma_start3A_137 = arith.constant 0 : i32
      %dma_start3A_138 = tpu.memref_slice %arg8[%run_scoped3A_26, %dma_start3A_136, %dma_start3A_137] : memref<3x128x64xf32, #tpu.memory_space<vmem>> -> memref<1x113x64xf32, #tpu.memory_space<vmem>>
      %dma_start3A_139 = tpu.memref_squeeze %dma_start3A_138 : memref<1x113x64xf32, #tpu.memory_space<vmem>> -> memref<113x64xf32, #tpu.memory_space<vmem>>
      %dma_start3A_140 = arith.constant 0 : i32
      %dma_start3A_141 = tpu.memref_slice %arg9[%add3A_25, %dma_start3A_140] : memref<10000x64xf32, #tpu.memory_space<vmem_shared>> -> memref<113x64xf32, #tpu.memory_space<vmem_shared>>
      %dma_start3A_142 = arith.constant 0 : i32
      %dma_start3A_143 = tpu.memref_slice %arg9[%add3A_25, %dma_start3A_142] : memref<10000x64xf32, #tpu.memory_space<vmem_shared>> -> memref<113x64xf32, #tpu.memory_space<vmem_shared>>
      %dma_start3A_144 = arith.constant 0 : i32
      %dma_start3A_145 = arith.constant 0 : i32
      %dma_start3A_146 = tpu.memref_slice %arg8[%run_scoped3A_26, %dma_start3A_144, %dma_start3A_145] : memref<3x128x64xf32, #tpu.memory_space<vmem>> -> memref<1x113x64xf32, #tpu.memory_space<vmem>>
      %dma_start3A_147 = tpu.memref_squeeze %dma_start3A_146 : memref<1x113x64xf32, #tpu.memory_space<vmem>> -> memref<113x64xf32, #tpu.memory_space<vmem>>
      tpu.enqueue_dma source(%dma_start3A_147 : memref<113x64xf32, #tpu.memory_space<vmem>>) target(%dma_start3A_143 : memref<113x64xf32, #tpu.memory_space<vmem_shared>>) target_semaphore(%run_scoped3A_135 : memref<!tpu.dma_semaphore, #tpu.memory_space<semaphore_mem>>)
      %dma_wait3A_148 = arith.constant 0 : i32
      %dma_wait3A_149 = arith.constant 0 : i32
      %dma_wait3A_150 = tpu.memref_slice %arg8[%run_scoped3A_26, %dma_wait3A_148, %dma_wait3A_149] : memref<3x128x64xf32, #tpu.memory_space<vmem>> -> memref<1x113x64xf32, #tpu.memory_space<vmem>>
      %dma_wait3A_151 = tpu.memref_squeeze %dma_wait3A_150 : memref<1x113x64xf32, #tpu.memory_space<vmem>> -> memref<113x64xf32, #tpu.memory_space<vmem>>
      %dma_wait3A_152 = arith.constant 0 : i32
      %dma_wait3A_153 = tpu.memref_slice %arg9[%add3A_25, %dma_wait3A_152] : memref<10000x64xf32, #tpu.memory_space<vmem_shared>> -> memref<113x64xf32, #tpu.memory_space<vmem_shared>>
      %dma_wait3A_154 = arith.constant 0 : i32
      %dma_wait3A_155 = tpu.memref_slice %arg9[%add3A_25, %dma_wait3A_154] : memref<10000x64xf32, #tpu.memory_space<vmem_shared>> -> memref<113x64xf32, #tpu.memory_space<vmem_shared>>
      %dma_wait3A_156 = arith.constant 0 : i32
      %dma_wait3A_157 = arith.constant 0 : i32
      %dma_wait3A_158 = tpu.memref_slice %arg8[%run_scoped3A_26, %dma_wait3A_156, %dma_wait3A_157] : memref<3x128x64xf32, #tpu.memory_space<vmem>> -> memref<1x113x64xf32, #tpu.memory_space<vmem>>
      %dma_wait3A_159 = tpu.memref_squeeze %dma_wait3A_158 : memref<1x113x64xf32, #tpu.memory_space<vmem>> -> memref<113x64xf32, #tpu.memory_space<vmem>>
      tpu.wait_dma2 semaphore(%run_scoped3A_135 : memref<!tpu.dma_semaphore, #tpu.memory_space<semaphore_mem>>) src(%dma_wait3A_159 : memref<113x64xf32, #tpu.memory_space<vmem>>) dst(%dma_wait3A_155 : memref<113x64xf32, #tpu.memory_space<vmem_shared>>)
      tpu.yield
    }) : () -> ()
    %barrier3A = arith.constant 0 : index
    tpu.barrier barrier_id(%barrier3A)
    "tpu.region"() ({
      %run_scoped3A_135 = tpu.sem_alloc : memref<!tpu.dma_semaphore, #tpu.memory_space<semaphore_mem>>
      %dma_start3A_136 = arith.constant 0 : i32
      %dma_start3A_137 = arith.constant 0 : i32
      %dma_start3A_138 = tpu.memref_slice %arg2[%arg1, %dma_start3A_136, %dma_start3A_137] : memref<16x245x128xi32, #tpu.memory_space<hbm>> -> memref<1x245x128xi32, #tpu.memory_space<hbm>>
      %dma_start3A_139 = tpu.memref_squeeze %dma_start3A_138 : memref<1x245x128xi32, #tpu.memory_space<hbm>> -> memref<245x128xi32, #tpu.memory_space<hbm>>
      %dma_start3A_140 = arith.constant 0 : i32
      %dma_start3A_141 = arith.constant 0 : i32
      %dma_start3A_142 = tpu.memref_slice %arg2[%arg1, %dma_start3A_140, %dma_start3A_141] : memref<16x245x128xi32, #tpu.memory_space<hbm>> -> memref<1x245x128xi32, #tpu.memory_space<hbm>>
      %dma_start3A_143 = tpu.memref_squeeze %dma_start3A_142 : memref<1x245x128xi32, #tpu.memory_space<hbm>> -> memref<245x128xi32, #tpu.memory_space<hbm>>
      tpu.enqueue_dma source(%dma_start3A_143 : memref<245x128xi32, #tpu.memory_space<hbm>>) target(%arg6 : memref<245x128xi32, #tpu.memory_space<vmem>>) target_semaphore(%run_scoped3A_135 : memref<!tpu.dma_semaphore, #tpu.memory_space<semaphore_mem>>)
      %dma_wait3A_144 = arith.constant 0 : i32
      %dma_wait3A_145 = arith.constant 0 : i32
      %dma_wait3A_146 = tpu.memref_slice %arg2[%arg1, %dma_wait3A_144, %dma_wait3A_145] : memref<16x245x128xi32, #tpu.memory_space<hbm>> -> memref<1x245x128xi32, #tpu.memory_space<hbm>>
      %dma_wait3A_147 = tpu.memref_squeeze %dma_wait3A_146 : memref<1x245x128xi32, #tpu.memory_space<hbm>> -> memref<245x128xi32, #tpu.memory_space<hbm>>
      %dma_wait3A_148 = arith.constant 0 : i32
      %dma_wait3A_149 = arith.constant 0 : i32
      %dma_wait3A_150 = tpu.memref_slice %arg2[%arg1, %dma_wait3A_148, %dma_wait3A_149] : memref<16x245x128xi32, #tpu.memory_space<hbm>> -> memref<1x245x128xi32, #tpu.memory_space<hbm>>
      %dma_wait3A_151 = tpu.memref_squeeze %dma_wait3A_150 : memref<1x245x128xi32, #tpu.memory_space<hbm>> -> memref<245x128xi32, #tpu.memory_space<hbm>>
      tpu.wait_dma2 semaphore(%run_scoped3A_135 : memref<!tpu.dma_semaphore, #tpu.memory_space<semaphore_mem>>) src(%dma_wait3A_151 : memref<245x128xi32, #tpu.memory_space<hbm>>) dst(%arg6 : memref<245x128xi32, #tpu.memory_space<vmem>>)
      tpu.yield
    }) : () -> ()
    "tpu.region"() ({
      %run_scoped3A_135 = tpu.sem_alloc : memref<!tpu.dma_semaphore, #tpu.memory_space<semaphore_mem>>
      %dma_start3A_136 = arith.constant 0 : i32
      %dma_start3A_137 = arith.constant 0 : i32
      %dma_start3A_138 = tpu.memref_slice %arg3[%arg1, %dma_start3A_136, %dma_start3A_137] : memref<16x245x128xi32, #tpu.memory_space<hbm>> -> memref<1x245x128xi32, #tpu.memory_space<hbm>>
      %dma_start3A_139 = tpu.memref_squeeze %dma_start3A_138 : memref<1x245x128xi32, #tpu.memory_space<hbm>> -> memref<245x128xi32, #tpu.memory_space<hbm>>
      %dma_start3A_140 = arith.constant 0 : i32
      %dma_start3A_141 = arith.constant 0 : i32
      %dma_start3A_142 = tpu.memref_slice %arg3[%arg1, %dma_start3A_140, %dma_start3A_141] : memref<16x245x128xi32, #tpu.memory_space<hbm>> -> memref<1x245x128xi32, #tpu.memory_space<hbm>>
      %dma_start3A_143 = tpu.memref_squeeze %dma_start3A_142 : memref<1x245x128xi32, #tpu.memory_space<hbm>> -> memref<245x128xi32, #tpu.memory_space<hbm>>
      tpu.enqueue_dma source(%dma_start3A_143 : memref<245x128xi32, #tpu.memory_space<hbm>>) target(%arg7 : memref<245x128xi32, #tpu.memory_space<vmem>>) target_semaphore(%run_scoped3A_135 : memref<!tpu.dma_semaphore, #tpu.memory_space<semaphore_mem>>)
      %dma_wait3A_144 = arith.constant 0 : i32
      %dma_wait3A_145 = arith.constant 0 : i32
      %dma_wait3A_146 = tpu.memref_slice %arg3[%arg1, %dma_wait3A_144, %dma_wait3A_145] : memref<16x245x128xi32, #tpu.memory_space<hbm>> -> memref<1x245x128xi32, #tpu.memory_space<hbm>>
      %dma_wait3A_147 = tpu.memref_squeeze %dma_wait3A_146 : memref<1x245x128xi32, #tpu.memory_space<hbm>> -> memref<245x128xi32, #tpu.memory_space<hbm>>
      %dma_wait3A_148 = arith.constant 0 : i32
      %dma_wait3A_149 = arith.constant 0 : i32
      %dma_wait3A_150 = tpu.memref_slice %arg3[%arg1, %dma_wait3A_148, %dma_wait3A_149] : memref<16x245x128xi32, #tpu.memory_space<hbm>> -> memref<1x245x128xi32, #tpu.memory_space<hbm>>
      %dma_wait3A_151 = tpu.memref_squeeze %dma_wait3A_150 : memref<1x245x128xi32, #tpu.memory_space<hbm>> -> memref<245x128xi32, #tpu.memory_space<hbm>>
      tpu.wait_dma2 semaphore(%run_scoped3A_135 : memref<!tpu.dma_semaphore, #tpu.memory_space<semaphore_mem>>) src(%dma_wait3A_151 : memref<245x128xi32, #tpu.memory_space<hbm>>) dst(%arg7 : memref<245x128xi32, #tpu.memory_space<vmem>>)
      tpu.yield
    }) : () -> ()
    %dma_start3A = arith.constant 0 : i32
    %dma_start3A_27 = arith.constant 0 : i32
    %dma_start3A_28 = arith.constant 0 : i32
    %dma_start3A_29 = arith.constant 0 : i32
    %dma_start3A_30 = tpu.memref_slice %arg8[%dma_start3A_27, %dma_start3A_28, %dma_start3A_29] : memref<3x128x64xf32, #tpu.memory_space<vmem>> -> memref<1x128x64xf32, #tpu.memory_space<vmem>>
    %dma_start3A_31 = tpu.memref_squeeze %dma_start3A_30 : memref<1x128x64xf32, #tpu.memory_space<vmem>> -> memref<128x64xf32, #tpu.memory_space<vmem>>
    %dma_start3A_32 = arith.constant 0 : i32
    %dma_start3A_33 = tpu.memref_slice %arg6[%dma_start3A, %dma_start3A_32] : memref<245x128xi32, #tpu.memory_space<vmem>> -> memref<1x128xi32, #tpu.memory_space<vmem>>
    %dma_start3A_34 = tpu.memref_squeeze %dma_start3A_33 : memref<1x128xi32, #tpu.memory_space<vmem>> -> memref<128xi32, #tpu.memory_space<vmem>>
    %dma_start3A_35 = arith.constant 0 : i32
    %dma_start3A_36 = arith.constant 0 : i32
    %dma_start3A_37 = tpu.memref_slice %arg4[%arg0, %dma_start3A_35, %dma_start3A_36] : memref<2x10000x64xf32, #tpu.memory_space<hbm>> -> memref<1x10000x64xf32, #tpu.memory_space<hbm>>
    %dma_start3A_38 = tpu.memref_squeeze %dma_start3A_37 : memref<1x10000x64xf32, #tpu.memory_space<hbm>> -> memref<10000x64xf32, #tpu.memory_space<hbm>>
    %dma_start3A_39 = arith.constant 0 : i32
    %dma_start3A_40 = arith.constant 0 : i32
    %dma_start3A_41 = tpu.memref_slice %dma_start3A_38[%dma_start3A_39, %dma_start3A_40] : memref<10000x64xf32, #tpu.memory_space<hbm>> -> memref<10000x64xf32, #tpu.memory_space<hbm>>
    tpu.enqueue_indirect_dma source(%dma_start3A_41 : memref<10000x64xf32, #tpu.memory_space<hbm>>) target(%dma_start3A_31 : memref<128x64xf32, #tpu.memory_space<vmem>>) offsets(%dma_start3A_34 : memref<128xi32, #tpu.memory_space<vmem>>) semaphore(%arg10 : memref<!tpu.dma_semaphore, #tpu.memory_space<semaphore_mem>>)
    %dma_start3A_42 = arith.constant 1 : i32
    %dma_start3A_43 = arith.constant 1 : i32
    %dma_start3A_44 = arith.constant 0 : i32
    %dma_start3A_45 = arith.constant 0 : i32
    %dma_start3A_46 = tpu.memref_slice %arg8[%dma_start3A_43, %dma_start3A_44, %dma_start3A_45] : memref<3x128x64xf32, #tpu.memory_space<vmem>> -> memref<1x128x64xf32, #tpu.memory_space<vmem>>
    %dma_start3A_47 = tpu.memref_squeeze %dma_start3A_46 : memref<1x128x64xf32, #tpu.memory_space<vmem>> -> memref<128x64xf32, #tpu.memory_space<vmem>>
    %dma_start3A_48 = arith.constant 0 : i32
    %dma_start3A_49 = tpu.memref_slice %arg6[%dma_start3A_42, %dma_start3A_48] : memref<245x128xi32, #tpu.memory_space<vmem>> -> memref<1x128xi32, #tpu.memory_space<vmem>>
    %dma_start3A_50 = tpu.memref_squeeze %dma_start3A_49 : memref<1x128xi32, #tpu.memory_space<vmem>> -> memref<128xi32, #tpu.memory_space<vmem>>
    %dma_start3A_51 = arith.constant 0 : i32
    %dma_start3A_52 = arith.constant 0 : i32
    %dma_start3A_53 = tpu.memref_slice %arg4[%arg0, %dma_start3A_51, %dma_start3A_52] : memref<2x10000x64xf32, #tpu.memory_space<hbm>> -> memref<1x10000x64xf32, #tpu.memory_space<hbm>>
    %dma_start3A_54 = tpu.memref_squeeze %dma_start3A_53 : memref<1x10000x64xf32, #tpu.memory_space<hbm>> -> memref<10000x64xf32, #tpu.memory_space<hbm>>
    %dma_start3A_55 = arith.constant 0 : i32
    %dma_start3A_56 = arith.constant 0 : i32
    %dma_start3A_57 = tpu.memref_slice %dma_start3A_54[%dma_start3A_55, %dma_start3A_56] : memref<10000x64xf32, #tpu.memory_space<hbm>> -> memref<10000x64xf32, #tpu.memory_space<hbm>>
    tpu.enqueue_indirect_dma source(%dma_start3A_57 : memref<10000x64xf32, #tpu.memory_space<hbm>>) target(%dma_start3A_47 : memref<128x64xf32, #tpu.memory_space<vmem>>) offsets(%dma_start3A_50 : memref<128xi32, #tpu.memory_space<vmem>>) semaphore(%arg11 : memref<!tpu.dma_semaphore, #tpu.memory_space<semaphore_mem>>)
    %dma_start3A_58 = arith.constant 2 : i32
    %dma_start3A_59 = arith.constant 2 : i32
    %dma_start3A_60 = arith.constant 0 : i32
    %dma_start3A_61 = arith.constant 0 : i32
    %dma_start3A_62 = tpu.memref_slice %arg8[%dma_start3A_59, %dma_start3A_60, %dma_start3A_61] : memref<3x128x64xf32, #tpu.memory_space<vmem>> -> memref<1x128x64xf32, #tpu.memory_space<vmem>>
    %dma_start3A_63 = tpu.memref_squeeze %dma_start3A_62 : memref<1x128x64xf32, #tpu.memory_space<vmem>> -> memref<128x64xf32, #tpu.memory_space<vmem>>
    %dma_start3A_64 = arith.constant 0 : i32
    %dma_start3A_65 = tpu.memref_slice %arg6[%dma_start3A_58, %dma_start3A_64] : memref<245x128xi32, #tpu.memory_space<vmem>> -> memref<1x128xi32, #tpu.memory_space<vmem>>
    %dma_start3A_66 = tpu.memref_squeeze %dma_start3A_65 : memref<1x128xi32, #tpu.memory_space<vmem>> -> memref<128xi32, #tpu.memory_space<vmem>>
    %dma_start3A_67 = arith.constant 0 : i32
    %dma_start3A_68 = arith.constant 0 : i32
    %dma_start3A_69 = tpu.memref_slice %arg4[%arg0, %dma_start3A_67, %dma_start3A_68] : memref<2x10000x64xf32, #tpu.memory_space<hbm>> -> memref<1x10000x64xf32, #tpu.memory_space<hbm>>
    %dma_start3A_70 = tpu.memref_squeeze %dma_start3A_69 : memref<1x10000x64xf32, #tpu.memory_space<hbm>> -> memref<10000x64xf32, #tpu.memory_space<hbm>>
    %dma_start3A_71 = arith.constant 0 : i32
    %dma_start3A_72 = arith.constant 0 : i32
    %dma_start3A_73 = tpu.memref_slice %dma_start3A_70[%dma_start3A_71, %dma_start3A_72] : memref<10000x64xf32, #tpu.memory_space<hbm>> -> memref<10000x64xf32, #tpu.memory_space<hbm>>
    tpu.enqueue_indirect_dma source(%dma_start3A_73 : memref<10000x64xf32, #tpu.memory_space<hbm>>) target(%dma_start3A_63 : memref<128x64xf32, #tpu.memory_space<vmem>>) offsets(%dma_start3A_66 : memref<128xi32, #tpu.memory_space<vmem>>) semaphore(%arg12 : memref<!tpu.dma_semaphore, #tpu.memory_space<semaphore_mem>>)
    %scan3A_74 = arith.constant 0 : i32
    %scan3A_75 = arith.constant 81 : i32
    %scan3A_76 = arith.addi %scan3A_74, %scan3A_75 : i32
    %scan3A_77 = arith.constant 1 : i32
    scf.for %scan3A_135 = %scan3A_74 to %scan3A_76 step %scan3A_77  : i32 {
      %mul3A_136 = arith.constant 1 : i32
      %mul3A_137 = arith.muli %scan3A_135, %mul3A_136 : i32
      %add3A_138 = arith.constant 0 : i32
      %add3A_139 = arith.addi %add3A_138, %mul3A_137 : i32
      %mul3A_140 = arith.constant 3 : i32
      %mul3A_141 = arith.muli %add3A_139, %mul3A_140 : i32
      %add3A_142 = arith.constant 0 : i32
      %add3A_143 = arith.addi %mul3A_141, %add3A_142 : i32
      %dma_wait3A_144 = arith.constant 0 : i32
      %dma_wait3A_145 = arith.constant 0 : i32
      %dma_wait3A_146 = arith.constant 0 : i32
      %dma_wait3A_147 = tpu.memref_slice %arg8[%dma_wait3A_144, %dma_wait3A_145, %dma_wait3A_146] : memref<3x128x64xf32, #tpu.memory_space<vmem>> -> memref<1x128x64xf32, #tpu.memory_space<vmem>>
      %dma_wait3A_148 = tpu.memref_squeeze %dma_wait3A_147 : memref<1x128x64xf32, #tpu.memory_space<vmem>> -> memref<128x64xf32, #tpu.memory_space<vmem>>
      %dma_wait3A_149 = arith.constant 0 : i32
      %dma_wait3A_150 = tpu.memref_slice %arg6[%add3A_143, %dma_wait3A_149] : memref<245x128xi32, #tpu.memory_space<vmem>> -> memref<1x128xi32, #tpu.memory_space<vmem>>
      %dma_wait3A_151 = tpu.memref_squeeze %dma_wait3A_150 : memref<1x128xi32, #tpu.memory_space<vmem>> -> memref<128xi32, #tpu.memory_space<vmem>>
      %dma_wait3A_152 = arith.constant 0 : i32
      %dma_wait3A_153 = arith.constant 0 : i32
      %dma_wait3A_154 = tpu.memref_slice %arg4[%arg0, %dma_wait3A_152, %dma_wait3A_153] : memref<2x10000x64xf32, #tpu.memory_space<hbm>> -> memref<1x10000x64xf32, #tpu.memory_space<hbm>>
      %dma_wait3A_155 = tpu.memref_squeeze %dma_wait3A_154 : memref<1x10000x64xf32, #tpu.memory_space<hbm>> -> memref<10000x64xf32, #tpu.memory_space<hbm>>
      %dma_wait3A_156 = arith.constant 0 : i32
      %dma_wait3A_157 = arith.constant 0 : i32
      %dma_wait3A_158 = tpu.memref_slice %dma_wait3A_155[%dma_wait3A_156, %dma_wait3A_157] : memref<10000x64xf32, #tpu.memory_space<hbm>> -> memref<10000x64xf32, #tpu.memory_space<hbm>>
      tpu.wait_indirect_dma semaphore(%arg10 : memref<!tpu.dma_semaphore, #tpu.memory_space<semaphore_mem>>) src(%dma_wait3A_158 : memref<10000x64xf32, #tpu.memory_space<hbm>>) dst(%dma_wait3A_148 : memref<128x64xf32, #tpu.memory_space<vmem>>)
      %dma_start3A_159 = arith.constant 0 : i32
      %dma_start3A_160 = arith.constant 0 : i32
      %dma_start3A_161 = arith.constant 0 : i32
      %dma_start3A_162 = tpu.memref_slice %arg8[%dma_start3A_159, %dma_start3A_160, %dma_start3A_161] : memref<3x128x64xf32, #tpu.memory_space<vmem>> -> memref<1x128x64xf32, #tpu.memory_space<vmem>>
      %dma_start3A_163 = tpu.memref_squeeze %dma_start3A_162 : memref<1x128x64xf32, #tpu.memory_space<vmem>> -> memref<128x64xf32, #tpu.memory_space<vmem>>
      %dma_start3A_164 = arith.constant 0 : i32
      %dma_start3A_165 = tpu.memref_slice %arg7[%add3A_143, %dma_start3A_164] : memref<245x128xi32, #tpu.memory_space<vmem>> -> memref<1x128xi32, #tpu.memory_space<vmem>>
      %dma_start3A_166 = tpu.memref_squeeze %dma_start3A_165 : memref<1x128xi32, #tpu.memory_space<vmem>> -> memref<128xi32, #tpu.memory_space<vmem>>
      %dma_start3A_167 = arith.constant 0 : i32
      %dma_start3A_168 = arith.constant 0 : i32
      %dma_start3A_169 = tpu.memref_slice %arg9[%dma_start3A_167, %dma_start3A_168] : memref<10000x64xf32, #tpu.memory_space<vmem_shared>> -> memref<10000x64xf32, #tpu.memory_space<vmem_shared>>
      tpu.enqueue_indirect_dma source(%dma_start3A_163 : memref<128x64xf32, #tpu.memory_space<vmem>>) target(%dma_start3A_169 : memref<10000x64xf32, #tpu.memory_space<vmem_shared>>) offsets(%dma_start3A_166 : memref<128xi32, #tpu.memory_space<vmem>>) semaphore(%arg13 : memref<!tpu.dma_semaphore, #tpu.memory_space<semaphore_mem>>) {add = true}
      %dma_wait3A_170 = arith.constant 0 : i32
      %dma_wait3A_171 = arith.constant 0 : i32
      %dma_wait3A_172 = arith.constant 0 : i32
      %dma_wait3A_173 = tpu.memref_slice %arg8[%dma_wait3A_170, %dma_wait3A_171, %dma_wait3A_172] : memref<3x128x64xf32, #tpu.memory_space<vmem>> -> memref<1x128x64xf32, #tpu.memory_space<vmem>>
      %dma_wait3A_174 = tpu.memref_squeeze %dma_wait3A_173 : memref<1x128x64xf32, #tpu.memory_space<vmem>> -> memref<128x64xf32, #tpu.memory_space<vmem>>
      %dma_wait3A_175 = arith.constant 0 : i32
      %dma_wait3A_176 = tpu.memref_slice %arg7[%add3A_143, %dma_wait3A_175] : memref<245x128xi32, #tpu.memory_space<vmem>> -> memref<1x128xi32, #tpu.memory_space<vmem>>
      %dma_wait3A_177 = tpu.memref_squeeze %dma_wait3A_176 : memref<1x128xi32, #tpu.memory_space<vmem>> -> memref<128xi32, #tpu.memory_space<vmem>>
      %dma_wait3A_178 = arith.constant 0 : i32
      %dma_wait3A_179 = arith.constant 0 : i32
      %dma_wait3A_180 = tpu.memref_slice %arg9[%dma_wait3A_178, %dma_wait3A_179] : memref<10000x64xf32, #tpu.memory_space<vmem_shared>> -> memref<10000x64xf32, #tpu.memory_space<vmem_shared>>
      tpu.wait_indirect_dma semaphore(%arg13 : memref<!tpu.dma_semaphore, #tpu.memory_space<semaphore_mem>>) src(%dma_wait3A_174 : memref<128x64xf32, #tpu.memory_space<vmem>>) dst(%dma_wait3A_180 : memref<10000x64xf32, #tpu.memory_space<vmem_shared>>)
      %add3A_181 = arith.constant 3 : i32
      %add3A_182 = arith.addi %add3A_143, %add3A_181 : i32
      %lt3A = arith.constant 245 : i32
      %lt3A_183 = arith.cmpi slt, %add3A_182, %lt3A : i32
      %convert_element_type3A = arith.extui %lt3A_183 : i1 to i32
      %cond3A = arith.constant 0 : i32
      %cond3A_184 = arith.cmpi ne, %convert_element_type3A, %cond3A : i32
      scf.if %cond3A_184 {
        %add3A_281 = arith.constant 3 : i32
        %add3A_282 = arith.addi %add3A_143, %add3A_281 : i32
        %dma_start3A_283 = arith.constant 0 : i32
        %dma_start3A_284 = arith.constant 0 : i32
        %dma_start3A_285 = arith.constant 0 : i32
        %dma_start3A_286 = tpu.memref_slice %arg8[%dma_start3A_283, %dma_start3A_284, %dma_start3A_285] : memref<3x128x64xf32, #tpu.memory_space<vmem>> -> memref<1x128x64xf32, #tpu.memory_space<vmem>>
        %dma_start3A_287 = tpu.memref_squeeze %dma_start3A_286 : memref<1x128x64xf32, #tpu.memory_space<vmem>> -> memref<128x64xf32, #tpu.memory_space<vmem>>
        %dma_start3A_288 = arith.constant 0 : i32
        %dma_start3A_289 = tpu.memref_slice %arg6[%add3A_282, %dma_start3A_288] : memref<245x128xi32, #tpu.memory_space<vmem>> -> memref<1x128xi32, #tpu.memory_space<vmem>>
        %dma_start3A_290 = tpu.memref_squeeze %dma_start3A_289 : memref<1x128xi32, #tpu.memory_space<vmem>> -> memref<128xi32, #tpu.memory_space<vmem>>
        %dma_start3A_291 = arith.constant 0 : i32
        %dma_start3A_292 = arith.constant 0 : i32
        %dma_start3A_293 = tpu.memref_slice %arg4[%arg0, %dma_start3A_291, %dma_start3A_292] : memref<2x10000x64xf32, #tpu.memory_space<hbm>> -> memref<1x10000x64xf32, #tpu.memory_space<hbm>>
        %dma_start3A_294 = tpu.memref_squeeze %dma_start3A_293 : memref<1x10000x64xf32, #tpu.memory_space<hbm>> -> memref<10000x64xf32, #tpu.memory_space<hbm>>
        %dma_start3A_295 = arith.constant 0 : i32
        %dma_start3A_296 = arith.constant 0 : i32
        %dma_start3A_297 = tpu.memref_slice %dma_start3A_294[%dma_start3A_295, %dma_start3A_296] : memref<10000x64xf32, #tpu.memory_space<hbm>> -> memref<10000x64xf32, #tpu.memory_space<hbm>>
        tpu.enqueue_indirect_dma source(%dma_start3A_297 : memref<10000x64xf32, #tpu.memory_space<hbm>>) target(%dma_start3A_287 : memref<128x64xf32, #tpu.memory_space<vmem>>) offsets(%dma_start3A_290 : memref<128xi32, #tpu.memory_space<vmem>>) semaphore(%arg10 : memref<!tpu.dma_semaphore, #tpu.memory_space<semaphore_mem>>)
      } else {
      }
      %mul3A_185 = arith.constant 3 : i32
      %mul3A_186 = arith.muli %add3A_139, %mul3A_185 : i32
      %add3A_187 = arith.constant 1 : i32
      %add3A_188 = arith.addi %mul3A_186, %add3A_187 : i32
      %dma_wait3A_189 = arith.constant 1 : i32
      %dma_wait3A_190 = arith.constant 0 : i32
      %dma_wait3A_191 = arith.constant 0 : i32
      %dma_wait3A_192 = tpu.memref_slice %arg8[%dma_wait3A_189, %dma_wait3A_190, %dma_wait3A_191] : memref<3x128x64xf32, #tpu.memory_space<vmem>> -> memref<1x128x64xf32, #tpu.memory_space<vmem>>
      %dma_wait3A_193 = tpu.memref_squeeze %dma_wait3A_192 : memref<1x128x64xf32, #tpu.memory_space<vmem>> -> memref<128x64xf32, #tpu.memory_space<vmem>>
      %dma_wait3A_194 = arith.constant 0 : i32
      %dma_wait3A_195 = tpu.memref_slice %arg6[%add3A_188, %dma_wait3A_194] : memref<245x128xi32, #tpu.memory_space<vmem>> -> memref<1x128xi32, #tpu.memory_space<vmem>>
      %dma_wait3A_196 = tpu.memref_squeeze %dma_wait3A_195 : memref<1x128xi32, #tpu.memory_space<vmem>> -> memref<128xi32, #tpu.memory_space<vmem>>
      %dma_wait3A_197 = arith.constant 0 : i32
      %dma_wait3A_198 = arith.constant 0 : i32
      %dma_wait3A_199 = tpu.memref_slice %arg4[%arg0, %dma_wait3A_197, %dma_wait3A_198] : memref<2x10000x64xf32, #tpu.memory_space<hbm>> -> memref<1x10000x64xf32, #tpu.memory_space<hbm>>
      %dma_wait3A_200 = tpu.memref_squeeze %dma_wait3A_199 : memref<1x10000x64xf32, #tpu.memory_space<hbm>> -> memref<10000x64xf32, #tpu.memory_space<hbm>>
      %dma_wait3A_201 = arith.constant 0 : i32
      %dma_wait3A_202 = arith.constant 0 : i32
      %dma_wait3A_203 = tpu.memref_slice %dma_wait3A_200[%dma_wait3A_201, %dma_wait3A_202] : memref<10000x64xf32, #tpu.memory_space<hbm>> -> memref<10000x64xf32, #tpu.memory_space<hbm>>
      tpu.wait_indirect_dma semaphore(%arg11 : memref<!tpu.dma_semaphore, #tpu.memory_space<semaphore_mem>>) src(%dma_wait3A_203 : memref<10000x64xf32, #tpu.memory_space<hbm>>) dst(%dma_wait3A_193 : memref<128x64xf32, #tpu.memory_space<vmem>>)
      %dma_start3A_204 = arith.constant 1 : i32
      %dma_start3A_205 = arith.constant 0 : i32
      %dma_start3A_206 = arith.constant 0 : i32
      %dma_start3A_207 = tpu.memref_slice %arg8[%dma_start3A_204, %dma_start3A_205, %dma_start3A_206] : memref<3x128x64xf32, #tpu.memory_space<vmem>> -> memref<1x128x64xf32, #tpu.memory_space<vmem>>
      %dma_start3A_208 = tpu.memref_squeeze %dma_start3A_207 : memref<1x128x64xf32, #tpu.memory_space<vmem>> -> memref<128x64xf32, #tpu.memory_space<vmem>>
      %dma_start3A_209 = arith.constant 0 : i32
      %dma_start3A_210 = tpu.memref_slice %arg7[%add3A_188, %dma_start3A_209] : memref<245x128xi32, #tpu.memory_space<vmem>> -> memref<1x128xi32, #tpu.memory_space<vmem>>
      %dma_start3A_211 = tpu.memref_squeeze %dma_start3A_210 : memref<1x128xi32, #tpu.memory_space<vmem>> -> memref<128xi32, #tpu.memory_space<vmem>>
      %dma_start3A_212 = arith.constant 0 : i32
      %dma_start3A_213 = arith.constant 0 : i32
      %dma_start3A_214 = tpu.memref_slice %arg9[%dma_start3A_212, %dma_start3A_213] : memref<10000x64xf32, #tpu.memory_space<vmem_shared>> -> memref<10000x64xf32, #tpu.memory_space<vmem_shared>>
      tpu.enqueue_indirect_dma source(%dma_start3A_208 : memref<128x64xf32, #tpu.memory_space<vmem>>) target(%dma_start3A_214 : memref<10000x64xf32, #tpu.memory_space<vmem_shared>>) offsets(%dma_start3A_211 : memref<128xi32, #tpu.memory_space<vmem>>) semaphore(%arg14 : memref<!tpu.dma_semaphore, #tpu.memory_space<semaphore_mem>>) {add = true}
      %dma_wait3A_215 = arith.constant 1 : i32
      %dma_wait3A_216 = arith.constant 0 : i32
      %dma_wait3A_217 = arith.constant 0 : i32
      %dma_wait3A_218 = tpu.memref_slice %arg8[%dma_wait3A_215, %dma_wait3A_216, %dma_wait3A_217] : memref<3x128x64xf32, #tpu.memory_space<vmem>> -> memref<1x128x64xf32, #tpu.memory_space<vmem>>
      %dma_wait3A_219 = tpu.memref_squeeze %dma_wait3A_218 : memref<1x128x64xf32, #tpu.memory_space<vmem>> -> memref<128x64xf32, #tpu.memory_space<vmem>>
      %dma_wait3A_220 = arith.constant 0 : i32
      %dma_wait3A_221 = tpu.memref_slice %arg7[%add3A_188, %dma_wait3A_220] : memref<245x128xi32, #tpu.memory_space<vmem>> -> memref<1x128xi32, #tpu.memory_space<vmem>>
      %dma_wait3A_222 = tpu.memref_squeeze %dma_wait3A_221 : memref<1x128xi32, #tpu.memory_space<vmem>> -> memref<128xi32, #tpu.memory_space<vmem>>
      %dma_wait3A_223 = arith.constant 0 : i32
      %dma_wait3A_224 = arith.constant 0 : i32
      %dma_wait3A_225 = tpu.memref_slice %arg9[%dma_wait3A_223, %dma_wait3A_224] : memref<10000x64xf32, #tpu.memory_space<vmem_shared>> -> memref<10000x64xf32, #tpu.memory_space<vmem_shared>>
      tpu.wait_indirect_dma semaphore(%arg14 : memref<!tpu.dma_semaphore, #tpu.memory_space<semaphore_mem>>) src(%dma_wait3A_219 : memref<128x64xf32, #tpu.memory_space<vmem>>) dst(%dma_wait3A_225 : memref<10000x64xf32, #tpu.memory_space<vmem_shared>>)
      %add3A_226 = arith.constant 3 : i32
      %add3A_227 = arith.addi %add3A_188, %add3A_226 : i32
      %lt3A_228 = arith.constant 245 : i32
      %lt3A_229 = arith.cmpi slt, %add3A_227, %lt3A_228 : i32
      %convert_element_type3A_230 = arith.extui %lt3A_229 : i1 to i32
      %cond3A_231 = arith.constant 0 : i32
      %cond3A_232 = arith.cmpi ne, %convert_element_type3A_230, %cond3A_231 : i32
      scf.if %cond3A_232 {
        %add3A_281 = arith.constant 3 : i32
        %add3A_282 = arith.addi %add3A_188, %add3A_281 : i32
        %dma_start3A_283 = arith.constant 1 : i32
        %dma_start3A_284 = arith.constant 0 : i32
        %dma_start3A_285 = arith.constant 0 : i32
        %dma_start3A_286 = tpu.memref_slice %arg8[%dma_start3A_283, %dma_start3A_284, %dma_start3A_285] : memref<3x128x64xf32, #tpu.memory_space<vmem>> -> memref<1x128x64xf32, #tpu.memory_space<vmem>>
        %dma_start3A_287 = tpu.memref_squeeze %dma_start3A_286 : memref<1x128x64xf32, #tpu.memory_space<vmem>> -> memref<128x64xf32, #tpu.memory_space<vmem>>
        %dma_start3A_288 = arith.constant 0 : i32
        %dma_start3A_289 = tpu.memref_slice %arg6[%add3A_282, %dma_start3A_288] : memref<245x128xi32, #tpu.memory_space<vmem>> -> memref<1x128xi32, #tpu.memory_space<vmem>>
        %dma_start3A_290 = tpu.memref_squeeze %dma_start3A_289 : memref<1x128xi32, #tpu.memory_space<vmem>> -> memref<128xi32, #tpu.memory_space<vmem>>
        %dma_start3A_291 = arith.constant 0 : i32
        %dma_start3A_292 = arith.constant 0 : i32
        %dma_start3A_293 = tpu.memref_slice %arg4[%arg0, %dma_start3A_291, %dma_start3A_292] : memref<2x10000x64xf32, #tpu.memory_space<hbm>> -> memref<1x10000x64xf32, #tpu.memory_space<hbm>>
        %dma_start3A_294 = tpu.memref_squeeze %dma_start3A_293 : memref<1x10000x64xf32, #tpu.memory_space<hbm>> -> memref<10000x64xf32, #tpu.memory_space<hbm>>
        %dma_start3A_295 = arith.constant 0 : i32
        %dma_start3A_296 = arith.constant 0 : i32
        %dma_start3A_297 = tpu.memref_slice %dma_start3A_294[%dma_start3A_295, %dma_start3A_296] : memref<10000x64xf32, #tpu.memory_space<hbm>> -> memref<10000x64xf32, #tpu.memory_space<hbm>>
        tpu.enqueue_indirect_dma source(%dma_start3A_297 : memref<10000x64xf32, #tpu.memory_space<hbm>>) target(%dma_start3A_287 : memref<128x64xf32, #tpu.memory_space<vmem>>) offsets(%dma_start3A_290 : memref<128xi32, #tpu.memory_space<vmem>>) semaphore(%arg11 : memref<!tpu.dma_semaphore, #tpu.memory_space<semaphore_mem>>)
      } else {
      }
      %mul3A_233 = arith.constant 3 : i32
      %mul3A_234 = arith.muli %add3A_139, %mul3A_233 : i32
      %add3A_235 = arith.constant 2 : i32
      %add3A_236 = arith.addi %mul3A_234, %add3A_235 : i32
      %dma_wait3A_237 = arith.constant 2 : i32
      %dma_wait3A_238 = arith.constant 0 : i32
      %dma_wait3A_239 = arith.constant 0 : i32
      %dma_wait3A_240 = tpu.memref_slice %arg8[%dma_wait3A_237, %dma_wait3A_238, %dma_wait3A_239] : memref<3x128x64xf32, #tpu.memory_space<vmem>> -> memref<1x128x64xf32, #tpu.memory_space<vmem>>
      %dma_wait3A_241 = tpu.memref_squeeze %dma_wait3A_240 : memref<1x128x64xf32, #tpu.memory_space<vmem>> -> memref<128x64xf32, #tpu.memory_space<vmem>>
      %dma_wait3A_242 = arith.constant 0 : i32
      %dma_wait3A_243 = tpu.memref_slice %arg6[%add3A_236, %dma_wait3A_242] : memref<245x128xi32, #tpu.memory_space<vmem>> -> memref<1x128xi32, #tpu.memory_space<vmem>>
      %dma_wait3A_244 = tpu.memref_squeeze %dma_wait3A_243 : memref<1x128xi32, #tpu.memory_space<vmem>> -> memref<128xi32, #tpu.memory_space<vmem>>
      %dma_wait3A_245 = arith.constant 0 : i32
      %dma_wait3A_246 = arith.constant 0 : i32
      %dma_wait3A_247 = tpu.memref_slice %arg4[%arg0, %dma_wait3A_245, %dma_wait3A_246] : memref<2x10000x64xf32, #tpu.memory_space<hbm>> -> memref<1x10000x64xf32, #tpu.memory_space<hbm>>
      %dma_wait3A_248 = tpu.memref_squeeze %dma_wait3A_247 : memref<1x10000x64xf32, #tpu.memory_space<hbm>> -> memref<10000x64xf32, #tpu.memory_space<hbm>>
      %dma_wait3A_249 = arith.constant 0 : i32
      %dma_wait3A_250 = arith.constant 0 : i32
      %dma_wait3A_251 = tpu.memref_slice %dma_wait3A_248[%dma_wait3A_249, %dma_wait3A_250] : memref<10000x64xf32, #tpu.memory_space<hbm>> -> memref<10000x64xf32, #tpu.memory_space<hbm>>
      tpu.wait_indirect_dma semaphore(%arg12 : memref<!tpu.dma_semaphore, #tpu.memory_space<semaphore_mem>>) src(%dma_wait3A_251 : memref<10000x64xf32, #tpu.memory_space<hbm>>) dst(%dma_wait3A_241 : memref<128x64xf32, #tpu.memory_space<vmem>>)
      %dma_start3A_252 = arith.constant 2 : i32
      %dma_start3A_253 = arith.constant 0 : i32
      %dma_start3A_254 = arith.constant 0 : i32
      %dma_start3A_255 = tpu.memref_slice %arg8[%dma_start3A_252, %dma_start3A_253, %dma_start3A_254] : memref<3x128x64xf32, #tpu.memory_space<vmem>> -> memref<1x128x64xf32, #tpu.memory_space<vmem>>
      %dma_start3A_256 = tpu.memref_squeeze %dma_start3A_255 : memref<1x128x64xf32, #tpu.memory_space<vmem>> -> memref<128x64xf32, #tpu.memory_space<vmem>>
      %dma_start3A_257 = arith.constant 0 : i32
      %dma_start3A_258 = tpu.memref_slice %arg7[%add3A_236, %dma_start3A_257] : memref<245x128xi32, #tpu.memory_space<vmem>> -> memref<1x128xi32, #tpu.memory_space<vmem>>
      %dma_start3A_259 = tpu.memref_squeeze %dma_start3A_258 : memref<1x128xi32, #tpu.memory_space<vmem>> -> memref<128xi32, #tpu.memory_space<vmem>>
      %dma_start3A_260 = arith.constant 0 : i32
      %dma_start3A_261 = arith.constant 0 : i32
      %dma_start3A_262 = tpu.memref_slice %arg9[%dma_start3A_260, %dma_start3A_261] : memref<10000x64xf32, #tpu.memory_space<vmem_shared>> -> memref<10000x64xf32, #tpu.memory_space<vmem_shared>>
      tpu.enqueue_indirect_dma source(%dma_start3A_256 : memref<128x64xf32, #tpu.memory_space<vmem>>) target(%dma_start3A_262 : memref<10000x64xf32, #tpu.memory_space<vmem_shared>>) offsets(%dma_start3A_259 : memref<128xi32, #tpu.memory_space<vmem>>) semaphore(%arg15 : memref<!tpu.dma_semaphore, #tpu.memory_space<semaphore_mem>>) {add = true}
      %dma_wait3A_263 = arith.constant 2 : i32
      %dma_wait3A_264 = arith.constant 0 : i32
      %dma_wait3A_265 = arith.constant 0 : i32
      %dma_wait3A_266 = tpu.memref_slice %arg8[%dma_wait3A_263, %dma_wait3A_264, %dma_wait3A_265] : memref<3x128x64xf32, #tpu.memory_space<vmem>> -> memref<1x128x64xf32, #tpu.memory_space<vmem>>
      %dma_wait3A_267 = tpu.memref_squeeze %dma_wait3A_266 : memref<1x128x64xf32, #tpu.memory_space<vmem>> -> memref<128x64xf32, #tpu.memory_space<vmem>>
      %dma_wait3A_268 = arith.constant 0 : i32
      %dma_wait3A_269 = tpu.memref_slice %arg7[%add3A_236, %dma_wait3A_268] : memref<245x128xi32, #tpu.memory_space<vmem>> -> memref<1x128xi32, #tpu.memory_space<vmem>>
      %dma_wait3A_270 = tpu.memref_squeeze %dma_wait3A_269 : memref<1x128xi32, #tpu.memory_space<vmem>> -> memref<128xi32, #tpu.memory_space<vmem>>
      %dma_wait3A_271 = arith.constant 0 : i32
      %dma_wait3A_272 = arith.constant 0 : i32
      %dma_wait3A_273 = tpu.memref_slice %arg9[%dma_wait3A_271, %dma_wait3A_272] : memref<10000x64xf32, #tpu.memory_space<vmem_shared>> -> memref<10000x64xf32, #tpu.memory_space<vmem_shared>>
      tpu.wait_indirect_dma semaphore(%arg15 : memref<!tpu.dma_semaphore, #tpu.memory_space<semaphore_mem>>) src(%dma_wait3A_267 : memref<128x64xf32, #tpu.memory_space<vmem>>) dst(%dma_wait3A_273 : memref<10000x64xf32, #tpu.memory_space<vmem_shared>>)
      %add3A_274 = arith.constant 3 : i32
      %add3A_275 = arith.addi %add3A_236, %add3A_274 : i32
      %lt3A_276 = arith.constant 245 : i32
      %lt3A_277 = arith.cmpi slt, %add3A_275, %lt3A_276 : i32
      %convert_element_type3A_278 = arith.extui %lt3A_277 : i1 to i32
      %cond3A_279 = arith.constant 0 : i32
      %cond3A_280 = arith.cmpi ne, %convert_element_type3A_278, %cond3A_279 : i32
      scf.if %cond3A_280 {
        %add3A_281 = arith.constant 3 : i32
        %add3A_282 = arith.addi %add3A_236, %add3A_281 : i32
        %dma_start3A_283 = arith.constant 2 : i32
        %dma_start3A_284 = arith.constant 0 : i32
        %dma_start3A_285 = arith.constant 0 : i32
        %dma_start3A_286 = tpu.memref_slice %arg8[%dma_start3A_283, %dma_start3A_284, %dma_start3A_285] : memref<3x128x64xf32, #tpu.memory_space<vmem>> -> memref<1x128x64xf32, #tpu.memory_space<vmem>>
        %dma_start3A_287 = tpu.memref_squeeze %dma_start3A_286 : memref<1x128x64xf32, #tpu.memory_space<vmem>> -> memref<128x64xf32, #tpu.memory_space<vmem>>
        %dma_start3A_288 = arith.constant 0 : i32
        %dma_start3A_289 = tpu.memref_slice %arg6[%add3A_282, %dma_start3A_288] : memref<245x128xi32, #tpu.memory_space<vmem>> -> memref<1x128xi32, #tpu.memory_space<vmem>>
        %dma_start3A_290 = tpu.memref_squeeze %dma_start3A_289 : memref<1x128xi32, #tpu.memory_space<vmem>> -> memref<128xi32, #tpu.memory_space<vmem>>
        %dma_start3A_291 = arith.constant 0 : i32
        %dma_start3A_292 = arith.constant 0 : i32
        %dma_start3A_293 = tpu.memref_slice %arg4[%arg0, %dma_start3A_291, %dma_start3A_292] : memref<2x10000x64xf32, #tpu.memory_space<hbm>> -> memref<1x10000x64xf32, #tpu.memory_space<hbm>>
        %dma_start3A_294 = tpu.memref_squeeze %dma_start3A_293 : memref<1x10000x64xf32, #tpu.memory_space<hbm>> -> memref<10000x64xf32, #tpu.memory_space<hbm>>
        %dma_start3A_295 = arith.constant 0 : i32
        %dma_start3A_296 = arith.constant 0 : i32
        %dma_start3A_297 = tpu.memref_slice %dma_start3A_294[%dma_start3A_295, %dma_start3A_296] : memref<10000x64xf32, #tpu.memory_space<hbm>> -> memref<10000x64xf32, #tpu.memory_space<hbm>>
        tpu.enqueue_indirect_dma source(%dma_start3A_297 : memref<10000x64xf32, #tpu.memory_space<hbm>>) target(%dma_start3A_287 : memref<128x64xf32, #tpu.memory_space<vmem>>) offsets(%dma_start3A_290 : memref<128xi32, #tpu.memory_space<vmem>>) semaphore(%arg12 : memref<!tpu.dma_semaphore, #tpu.memory_space<semaphore_mem>>)
      } else {
      }
    }
    %scan3A_78 = arith.constant 81 : i32
    %dma_wait3A = arith.constant 243 : i32
    %dma_wait3A_79 = arith.constant 0 : i32
    %dma_wait3A_80 = arith.constant 0 : i32
    %dma_wait3A_81 = arith.constant 0 : i32
    %dma_wait3A_82 = tpu.memref_slice %arg8[%dma_wait3A_79, %dma_wait3A_80, %dma_wait3A_81] : memref<3x128x64xf32, #tpu.memory_space<vmem>> -> memref<1x128x64xf32, #tpu.memory_space<vmem>>
    %dma_wait3A_83 = tpu.memref_squeeze %dma_wait3A_82 : memref<1x128x64xf32, #tpu.memory_space<vmem>> -> memref<128x64xf32, #tpu.memory_space<vmem>>
    %dma_wait3A_84 = arith.constant 0 : i32
    %dma_wait3A_85 = tpu.memref_slice %arg6[%dma_wait3A, %dma_wait3A_84] : memref<245x128xi32, #tpu.memory_space<vmem>> -> memref<1x128xi32, #tpu.memory_space<vmem>>
    %dma_wait3A_86 = tpu.memref_squeeze %dma_wait3A_85 : memref<1x128xi32, #tpu.memory_space<vmem>> -> memref<128xi32, #tpu.memory_space<vmem>>
    %dma_wait3A_87 = arith.constant 0 : i32
    %dma_wait3A_88 = arith.constant 0 : i32
    %dma_wait3A_89 = tpu.memref_slice %arg4[%arg0, %dma_wait3A_87, %dma_wait3A_88] : memref<2x10000x64xf32, #tpu.memory_space<hbm>> -> memref<1x10000x64xf32, #tpu.memory_space<hbm>>
    %dma_wait3A_90 = tpu.memref_squeeze %dma_wait3A_89 : memref<1x10000x64xf32, #tpu.memory_space<hbm>> -> memref<10000x64xf32, #tpu.memory_space<hbm>>
    %dma_wait3A_91 = arith.constant 0 : i32
    %dma_wait3A_92 = arith.constant 0 : i32
    %dma_wait3A_93 = tpu.memref_slice %dma_wait3A_90[%dma_wait3A_91, %dma_wait3A_92] : memref<10000x64xf32, #tpu.memory_space<hbm>> -> memref<10000x64xf32, #tpu.memory_space<hbm>>
    tpu.wait_indirect_dma semaphore(%arg10 : memref<!tpu.dma_semaphore, #tpu.memory_space<semaphore_mem>>) src(%dma_wait3A_93 : memref<10000x64xf32, #tpu.memory_space<hbm>>) dst(%dma_wait3A_83 : memref<128x64xf32, #tpu.memory_space<vmem>>)
    %run_scoped3A_94 = arith.constant 0 : i32
    %run_scoped3A_95 = arith.constant 243 : i32
    "tpu.region"() ({
      %run_scoped3A_135 = tpu.sem_alloc : memref<!tpu.dma_semaphore, #tpu.memory_space<semaphore_mem>>
      %dma_start3A_136 = arith.constant 0 : i32
      %dma_start3A_137 = arith.constant 0 : i32
      %dma_start3A_138 = tpu.memref_slice %arg8[%run_scoped3A_94, %dma_start3A_136, %dma_start3A_137] : memref<3x128x64xf32, #tpu.memory_space<vmem>> -> memref<1x128x64xf32, #tpu.memory_space<vmem>>
      %dma_start3A_139 = tpu.memref_squeeze %dma_start3A_138 : memref<1x128x64xf32, #tpu.memory_space<vmem>> -> memref<128x64xf32, #tpu.memory_space<vmem>>
      %dma_start3A_140 = arith.constant 0 : i32
      %dma_start3A_141 = tpu.memref_slice %arg7[%run_scoped3A_95, %dma_start3A_140] : memref<245x128xi32, #tpu.memory_space<vmem>> -> memref<1x128xi32, #tpu.memory_space<vmem>>
      %dma_start3A_142 = tpu.memref_squeeze %dma_start3A_141 : memref<1x128xi32, #tpu.memory_space<vmem>> -> memref<128xi32, #tpu.memory_space<vmem>>
      %dma_start3A_143 = arith.constant 0 : i32
      %dma_start3A_144 = arith.constant 0 : i32
      %dma_start3A_145 = tpu.memref_slice %arg9[%dma_start3A_143, %dma_start3A_144] : memref<10000x64xf32, #tpu.memory_space<vmem_shared>> -> memref<10000x64xf32, #tpu.memory_space<vmem_shared>>
      tpu.enqueue_indirect_dma source(%dma_start3A_139 : memref<128x64xf32, #tpu.memory_space<vmem>>) target(%dma_start3A_145 : memref<10000x64xf32, #tpu.memory_space<vmem_shared>>) offsets(%dma_start3A_142 : memref<128xi32, #tpu.memory_space<vmem>>) semaphore(%run_scoped3A_135 : memref<!tpu.dma_semaphore, #tpu.memory_space<semaphore_mem>>) {add = true}
      %dma_wait3A_146 = arith.constant 0 : i32
      %dma_wait3A_147 = arith.constant 0 : i32
      %dma_wait3A_148 = tpu.memref_slice %arg8[%run_scoped3A_94, %dma_wait3A_146, %dma_wait3A_147] : memref<3x128x64xf32, #tpu.memory_space<vmem>> -> memref<1x128x64xf32, #tpu.memory_space<vmem>>
      %dma_wait3A_149 = tpu.memref_squeeze %dma_wait3A_148 : memref<1x128x64xf32, #tpu.memory_space<vmem>> -> memref<128x64xf32, #tpu.memory_space<vmem>>
      %dma_wait3A_150 = arith.constant 0 : i32
      %dma_wait3A_151 = tpu.memref_slice %arg7[%run_scoped3A_95, %dma_wait3A_150] : memref<245x128xi32, #tpu.memory_space<vmem>> -> memref<1x128xi32, #tpu.memory_space<vmem>>
      %dma_wait3A_152 = tpu.memref_squeeze %dma_wait3A_151 : memref<1x128xi32, #tpu.memory_space<vmem>> -> memref<128xi32, #tpu.memory_space<vmem>>
      %dma_wait3A_153 = arith.constant 0 : i32
      %dma_wait3A_154 = arith.constant 0 : i32
      %dma_wait3A_155 = tpu.memref_slice %arg9[%dma_wait3A_153, %dma_wait3A_154] : memref<10000x64xf32, #tpu.memory_space<vmem_shared>> -> memref<10000x64xf32, #tpu.memory_space<vmem_shared>>
      tpu.wait_indirect_dma semaphore(%run_scoped3A_135 : memref<!tpu.dma_semaphore, #tpu.memory_space<semaphore_mem>>) src(%dma_wait3A_149 : memref<128x64xf32, #tpu.memory_space<vmem>>) dst(%dma_wait3A_155 : memref<10000x64xf32, #tpu.memory_space<vmem_shared>>)
      tpu.yield
    }) : () -> ()
    %dma_wait3A_96 = arith.constant 244 : i32
    %dma_wait3A_97 = arith.constant 1 : i32
    %dma_wait3A_98 = arith.constant 0 : i32
    %dma_wait3A_99 = arith.constant 0 : i32
    %dma_wait3A_100 = tpu.memref_slice %arg8[%dma_wait3A_97, %dma_wait3A_98, %dma_wait3A_99] : memref<3x128x64xf32, #tpu.memory_space<vmem>> -> memref<1x128x64xf32, #tpu.memory_space<vmem>>
    %dma_wait3A_101 = tpu.memref_squeeze %dma_wait3A_100 : memref<1x128x64xf32, #tpu.memory_space<vmem>> -> memref<128x64xf32, #tpu.memory_space<vmem>>
    %dma_wait3A_102 = arith.constant 0 : i32
    %dma_wait3A_103 = tpu.memref_slice %arg6[%dma_wait3A_96, %dma_wait3A_102] : memref<245x128xi32, #tpu.memory_space<vmem>> -> memref<1x128xi32, #tpu.memory_space<vmem>>
    %dma_wait3A_104 = tpu.memref_squeeze %dma_wait3A_103 : memref<1x128xi32, #tpu.memory_space<vmem>> -> memref<128xi32, #tpu.memory_space<vmem>>
    %dma_wait3A_105 = arith.constant 0 : i32
    %dma_wait3A_106 = arith.constant 0 : i32
    %dma_wait3A_107 = tpu.memref_slice %arg4[%arg0, %dma_wait3A_105, %dma_wait3A_106] : memref<2x10000x64xf32, #tpu.memory_space<hbm>> -> memref<1x10000x64xf32, #tpu.memory_space<hbm>>
    %dma_wait3A_108 = tpu.memref_squeeze %dma_wait3A_107 : memref<1x10000x64xf32, #tpu.memory_space<hbm>> -> memref<10000x64xf32, #tpu.memory_space<hbm>>
    %dma_wait3A_109 = arith.constant 0 : i32
    %dma_wait3A_110 = arith.constant 0 : i32
    %dma_wait3A_111 = tpu.memref_slice %dma_wait3A_108[%dma_wait3A_109, %dma_wait3A_110] : memref<10000x64xf32, #tpu.memory_space<hbm>> -> memref<10000x64xf32, #tpu.memory_space<hbm>>
    tpu.wait_indirect_dma semaphore(%arg11 : memref<!tpu.dma_semaphore, #tpu.memory_space<semaphore_mem>>) src(%dma_wait3A_111 : memref<10000x64xf32, #tpu.memory_space<hbm>>) dst(%dma_wait3A_101 : memref<128x64xf32, #tpu.memory_space<vmem>>)
    %run_scoped3A_112 = arith.constant 1 : i32
    %run_scoped3A_113 = arith.constant 244 : i32
    "tpu.region"() ({
      %run_scoped3A_135 = tpu.sem_alloc : memref<!tpu.dma_semaphore, #tpu.memory_space<semaphore_mem>>
      %dma_start3A_136 = arith.constant 0 : i32
      %dma_start3A_137 = arith.constant 0 : i32
      %dma_start3A_138 = tpu.memref_slice %arg8[%run_scoped3A_112, %dma_start3A_136, %dma_start3A_137] : memref<3x128x64xf32, #tpu.memory_space<vmem>> -> memref<1x128x64xf32, #tpu.memory_space<vmem>>
      %dma_start3A_139 = tpu.memref_squeeze %dma_start3A_138 : memref<1x128x64xf32, #tpu.memory_space<vmem>> -> memref<128x64xf32, #tpu.memory_space<vmem>>
      %dma_start3A_140 = arith.constant 0 : i32
      %dma_start3A_141 = tpu.memref_slice %arg7[%run_scoped3A_113, %dma_start3A_140] : memref<245x128xi32, #tpu.memory_space<vmem>> -> memref<1x128xi32, #tpu.memory_space<vmem>>
      %dma_start3A_142 = tpu.memref_squeeze %dma_start3A_141 : memref<1x128xi32, #tpu.memory_space<vmem>> -> memref<128xi32, #tpu.memory_space<vmem>>
      %dma_start3A_143 = arith.constant 0 : i32
      %dma_start3A_144 = arith.constant 0 : i32
      %dma_start3A_145 = tpu.memref_slice %arg9[%dma_start3A_143, %dma_start3A_144] : memref<10000x64xf32, #tpu.memory_space<vmem_shared>> -> memref<10000x64xf32, #tpu.memory_space<vmem_shared>>
      tpu.enqueue_indirect_dma source(%dma_start3A_139 : memref<128x64xf32, #tpu.memory_space<vmem>>) target(%dma_start3A_145 : memref<10000x64xf32, #tpu.memory_space<vmem_shared>>) offsets(%dma_start3A_142 : memref<128xi32, #tpu.memory_space<vmem>>) semaphore(%run_scoped3A_135 : memref<!tpu.dma_semaphore, #tpu.memory_space<semaphore_mem>>) {add = true}
      %dma_wait3A_146 = arith.constant 0 : i32
      %dma_wait3A_147 = arith.constant 0 : i32
      %dma_wait3A_148 = tpu.memref_slice %arg8[%run_scoped3A_112, %dma_wait3A_146, %dma_wait3A_147] : memref<3x128x64xf32, #tpu.memory_space<vmem>> -> memref<1x128x64xf32, #tpu.memory_space<vmem>>
      %dma_wait3A_149 = tpu.memref_squeeze %dma_wait3A_148 : memref<1x128x64xf32, #tpu.memory_space<vmem>> -> memref<128x64xf32, #tpu.memory_space<vmem>>
      %dma_wait3A_150 = arith.constant 0 : i32
      %dma_wait3A_151 = tpu.memref_slice %arg7[%run_scoped3A_113, %dma_wait3A_150] : memref<245x128xi32, #tpu.memory_space<vmem>> -> memref<1x128xi32, #tpu.memory_space<vmem>>
      %dma_wait3A_152 = tpu.memref_squeeze %dma_wait3A_151 : memref<1x128xi32, #tpu.memory_space<vmem>> -> memref<128xi32, #tpu.memory_space<vmem>>
      %dma_wait3A_153 = arith.constant 0 : i32
      %dma_wait3A_154 = arith.constant 0 : i32
      %dma_wait3A_155 = tpu.memref_slice %arg9[%dma_wait3A_153, %dma_wait3A_154] : memref<10000x64xf32, #tpu.memory_space<vmem_shared>> -> memref<10000x64xf32, #tpu.memory_space<vmem_shared>>
      tpu.wait_indirect_dma semaphore(%run_scoped3A_135 : memref<!tpu.dma_semaphore, #tpu.memory_space<semaphore_mem>>) src(%dma_wait3A_149 : memref<128x64xf32, #tpu.memory_space<vmem>>) dst(%dma_wait3A_155 : memref<10000x64xf32, #tpu.memory_space<vmem_shared>>)
      tpu.yield
    }) : () -> ()
    %barrier3A_114 = arith.constant 0 : index
    tpu.barrier barrier_id(%barrier3A_114)
    %mul3A_115 = arith.constant 625 : i32
    %mul3A_116 = arith.muli %arg1, %mul3A_115 : i32
    %add3A_117 = arith.constant 0 : i32
    %add3A_118 = arith.addi %mul3A_116, %add3A_117 : i32
    "tpu.region"() ({
      %run_scoped3A_135 = tpu.sem_alloc : memref<!tpu.dma_semaphore, #tpu.memory_space<semaphore_mem>>
      %dma_start3A_136 = arith.constant 0 : i32
      %dma_start3A_137 = tpu.memref_slice %arg5[%arg0, %add3A_118, %dma_start3A_136] : memref<2x10000x64xf32, #tpu.memory_space<hbm>> -> memref<1x128x64xf32, #tpu.memory_space<hbm>>
      %dma_start3A_138 = tpu.memref_squeeze %dma_start3A_137 : memref<1x128x64xf32, #tpu.memory_space<hbm>> -> memref<128x64xf32, #tpu.memory_space<hbm>>
      %dma_start3A_139 = arith.constant 0 : i32
      %dma_start3A_140 = tpu.memref_slice %arg9[%add3A_118, %dma_start3A_139] : memref<10000x64xf32, #tpu.memory_space<vmem_shared>> -> memref<128x64xf32, #tpu.memory_space<vmem_shared>>
      tpu.enqueue_dma source(%dma_start3A_140 : memref<128x64xf32, #tpu.memory_space<vmem_shared>>) target(%dma_start3A_138 : memref<128x64xf32, #tpu.memory_space<hbm>>) target_semaphore(%run_scoped3A_135 : memref<!tpu.dma_semaphore, #tpu.memory_space<semaphore_mem>>)
      %dma_wait3A_141 = arith.constant 0 : i32
      %dma_wait3A_142 = tpu.memref_slice %arg5[%arg0, %add3A_118, %dma_wait3A_141] : memref<2x10000x64xf32, #tpu.memory_space<hbm>> -> memref<1x128x64xf32, #tpu.memory_space<hbm>>
      %dma_wait3A_143 = tpu.memref_squeeze %dma_wait3A_142 : memref<1x128x64xf32, #tpu.memory_space<hbm>> -> memref<128x64xf32, #tpu.memory_space<hbm>>
      %dma_wait3A_144 = arith.constant 0 : i32
      %dma_wait3A_145 = tpu.memref_slice %arg9[%add3A_118, %dma_wait3A_144] : memref<10000x64xf32, #tpu.memory_space<vmem_shared>> -> memref<128x64xf32, #tpu.memory_space<vmem_shared>>
      tpu.wait_dma2 semaphore(%run_scoped3A_135 : memref<!tpu.dma_semaphore, #tpu.memory_space<semaphore_mem>>) src(%dma_wait3A_145 : memref<128x64xf32, #tpu.memory_space<vmem_shared>>) dst(%dma_wait3A_143 : memref<128x64xf32, #tpu.memory_space<hbm>>)
      tpu.yield
    }) : () -> ()
    %mul3A_119 = arith.constant 625 : i32
    %mul3A_120 = arith.muli %arg1, %mul3A_119 : i32
    %add3A_121 = arith.constant 128 : i32
    %add3A_122 = arith.addi %mul3A_120, %add3A_121 : i32
    "tpu.region"() ({
      %run_scoped3A_135 = tpu.sem_alloc : memref<!tpu.dma_semaphore, #tpu.memory_space<semaphore_mem>>
      %dma_start3A_136 = arith.constant 0 : i32
      %dma_start3A_137 = tpu.memref_slice %arg5[%arg0, %add3A_122, %dma_start3A_136] : memref<2x10000x64xf32, #tpu.memory_space<hbm>> -> memref<1x128x64xf32, #tpu.memory_space<hbm>>
      %dma_start3A_138 = tpu.memref_squeeze %dma_start3A_137 : memref<1x128x64xf32, #tpu.memory_space<hbm>> -> memref<128x64xf32, #tpu.memory_space<hbm>>
      %dma_start3A_139 = arith.constant 0 : i32
      %dma_start3A_140 = tpu.memref_slice %arg9[%add3A_122, %dma_start3A_139] : memref<10000x64xf32, #tpu.memory_space<vmem_shared>> -> memref<128x64xf32, #tpu.memory_space<vmem_shared>>
      tpu.enqueue_dma source(%dma_start3A_140 : memref<128x64xf32, #tpu.memory_space<vmem_shared>>) target(%dma_start3A_138 : memref<128x64xf32, #tpu.memory_space<hbm>>) target_semaphore(%run_scoped3A_135 : memref<!tpu.dma_semaphore, #tpu.memory_space<semaphore_mem>>)
      %dma_wait3A_141 = arith.constant 0 : i32
      %dma_wait3A_142 = tpu.memref_slice %arg5[%arg0, %add3A_122, %dma_wait3A_141] : memref<2x10000x64xf32, #tpu.memory_space<hbm>> -> memref<1x128x64xf32, #tpu.memory_space<hbm>>
      %dma_wait3A_143 = tpu.memref_squeeze %dma_wait3A_142 : memref<1x128x64xf32, #tpu.memory_space<hbm>> -> memref<128x64xf32, #tpu.memory_space<hbm>>
      %dma_wait3A_144 = arith.constant 0 : i32
      %dma_wait3A_145 = tpu.memref_slice %arg9[%add3A_122, %dma_wait3A_144] : memref<10000x64xf32, #tpu.memory_space<vmem_shared>> -> memref<128x64xf32, #tpu.memory_space<vmem_shared>>
      tpu.wait_dma2 semaphore(%run_scoped3A_135 : memref<!tpu.dma_semaphore, #tpu.memory_space<semaphore_mem>>) src(%dma_wait3A_145 : memref<128x64xf32, #tpu.memory_space<vmem_shared>>) dst(%dma_wait3A_143 : memref<128x64xf32, #tpu.memory_space<hbm>>)
      tpu.yield
    }) : () -> ()
    %mul3A_123 = arith.constant 625 : i32
    %mul3A_124 = arith.muli %arg1, %mul3A_123 : i32
    %add3A_125 = arith.constant 256 : i32
    %add3A_126 = arith.addi %mul3A_124, %add3A_125 : i32
    "tpu.region"() ({
      %run_scoped3A_135 = tpu.sem_alloc : memref<!tpu.dma_semaphore, #tpu.memory_space<semaphore_mem>>
      %dma_start3A_136 = arith.constant 0 : i32
      %dma_start3A_137 = tpu.memref_slice %arg5[%arg0, %add3A_126, %dma_start3A_136] : memref<2x10000x64xf32, #tpu.memory_space<hbm>> -> memref<1x128x64xf32, #tpu.memory_space<hbm>>
      %dma_start3A_138 = tpu.memref_squeeze %dma_start3A_137 : memref<1x128x64xf32, #tpu.memory_space<hbm>> -> memref<128x64xf32, #tpu.memory_space<hbm>>
      %dma_start3A_139 = arith.constant 0 : i32
      %dma_start3A_140 = tpu.memref_slice %arg9[%add3A_126, %dma_start3A_139] : memref<10000x64xf32, #tpu.memory_space<vmem_shared>> -> memref<128x64xf32, #tpu.memory_space<vmem_shared>>
      tpu.enqueue_dma source(%dma_start3A_140 : memref<128x64xf32, #tpu.memory_space<vmem_shared>>) target(%dma_start3A_138 : memref<128x64xf32, #tpu.memory_space<hbm>>) target_semaphore(%run_scoped3A_135 : memref<!tpu.dma_semaphore, #tpu.memory_space<semaphore_mem>>)
      %dma_wait3A_141 = arith.constant 0 : i32
      %dma_wait3A_142 = tpu.memref_slice %arg5[%arg0, %add3A_126, %dma_wait3A_141] : memref<2x10000x64xf32, #tpu.memory_space<hbm>> -> memref<1x128x64xf32, #tpu.memory_space<hbm>>
      %dma_wait3A_143 = tpu.memref_squeeze %dma_wait3A_142 : memref<1x128x64xf32, #tpu.memory_space<hbm>> -> memref<128x64xf32, #tpu.memory_space<hbm>>
      %dma_wait3A_144 = arith.constant 0 : i32
      %dma_wait3A_145 = tpu.memref_slice %arg9[%add3A_126, %dma_wait3A_144] : memref<10000x64xf32, #tpu.memory_space<vmem_shared>> -> memref<128x64xf32, #tpu.memory_space<vmem_shared>>
      tpu.wait_dma2 semaphore(%run_scoped3A_135 : memref<!tpu.dma_semaphore, #tpu.memory_space<semaphore_mem>>) src(%dma_wait3A_145 : memref<128x64xf32, #tpu.memory_space<vmem_shared>>) dst(%dma_wait3A_143 : memref<128x64xf32, #tpu.memory_space<hbm>>)
      tpu.yield
    }) : () -> ()
    %mul3A_127 = arith.constant 625 : i32
    %mul3A_128 = arith.muli %arg1, %mul3A_127 : i32
    %add3A_129 = arith.constant 384 : i32
    %add3A_130 = arith.addi %mul3A_128, %add3A_129 : i32
    "tpu.region"() ({
      %run_scoped3A_135 = tpu.sem_alloc : memref<!tpu.dma_semaphore, #tpu.memory_space<semaphore_mem>>
      %dma_start3A_136 = arith.constant 0 : i32
      %dma_start3A_137 = tpu.memref_slice %arg5[%arg0, %add3A_130, %dma_start3A_136] : memref<2x10000x64xf32, #tpu.memory_space<hbm>> -> memref<1x128x64xf32, #tpu.memory_space<hbm>>
      %dma_start3A_138 = tpu.memref_squeeze %dma_start3A_137 : memref<1x128x64xf32, #tpu.memory_space<hbm>> -> memref<128x64xf32, #tpu.memory_space<hbm>>
      %dma_start3A_139 = arith.constant 0 : i32
      %dma_start3A_140 = tpu.memref_slice %arg9[%add3A_130, %dma_start3A_139] : memref<10000x64xf32, #tpu.memory_space<vmem_shared>> -> memref<128x64xf32, #tpu.memory_space<vmem_shared>>
      tpu.enqueue_dma source(%dma_start3A_140 : memref<128x64xf32, #tpu.memory_space<vmem_shared>>) target(%dma_start3A_138 : memref<128x64xf32, #tpu.memory_space<hbm>>) target_semaphore(%run_scoped3A_135 : memref<!tpu.dma_semaphore, #tpu.memory_space<semaphore_mem>>)
      %dma_wait3A_141 = arith.constant 0 : i32
      %dma_wait3A_142 = tpu.memref_slice %arg5[%arg0, %add3A_130, %dma_wait3A_141] : memref<2x10000x64xf32, #tpu.memory_space<hbm>> -> memref<1x128x64xf32, #tpu.memory_space<hbm>>
      %dma_wait3A_143 = tpu.memref_squeeze %dma_wait3A_142 : memref<1x128x64xf32, #tpu.memory_space<hbm>> -> memref<128x64xf32, #tpu.memory_space<hbm>>
      %dma_wait3A_144 = arith.constant 0 : i32
      %dma_wait3A_145 = tpu.memref_slice %arg9[%add3A_130, %dma_wait3A_144] : memref<10000x64xf32, #tpu.memory_space<vmem_shared>> -> memref<128x64xf32, #tpu.memory_space<vmem_shared>>
      tpu.wait_dma2 semaphore(%run_scoped3A_135 : memref<!tpu.dma_semaphore, #tpu.memory_space<semaphore_mem>>) src(%dma_wait3A_145 : memref<128x64xf32, #tpu.memory_space<vmem_shared>>) dst(%dma_wait3A_143 : memref<128x64xf32, #tpu.memory_space<hbm>>)
      tpu.yield
    }) : () -> ()
    %mul3A_131 = arith.constant 625 : i32
    %mul3A_132 = arith.muli %arg1, %mul3A_131 : i32
    %add3A_133 = arith.constant 512 : i32
    %add3A_134 = arith.addi %mul3A_132, %add3A_133 : i32
    "tpu.region"() ({
      %run_scoped3A_135 = tpu.sem_alloc : memref<!tpu.dma_semaphore, #tpu.memory_space<semaphore_mem>>
      %dma_start3A_136 = arith.constant 0 : i32
      %dma_start3A_137 = tpu.memref_slice %arg5[%arg0, %add3A_134, %dma_start3A_136] : memref<2x10000x64xf32, #tpu.memory_space<hbm>> -> memref<1x113x64xf32, #tpu.memory_space<hbm>>
      %dma_start3A_138 = tpu.memref_squeeze %dma_start3A_137 : memref<1x113x64xf32, #tpu.memory_space<hbm>> -> memref<113x64xf32, #tpu.memory_space<hbm>>
      %dma_start3A_139 = arith.constant 0 : i32
      %dma_start3A_140 = tpu.memref_slice %arg9[%add3A_134, %dma_start3A_139] : memref<10000x64xf32, #tpu.memory_space<vmem_shared>> -> memref<113x64xf32, #tpu.memory_space<vmem_shared>>
      tpu.enqueue_dma source(%dma_start3A_140 : memref<113x64xf32, #tpu.memory_space<vmem_shared>>) target(%dma_start3A_138 : memref<113x64xf32, #tpu.memory_space<hbm>>) target_semaphore(%run_scoped3A_135 : memref<!tpu.dma_semaphore, #tpu.memory_space<semaphore_mem>>)
      %dma_wait3A_141 = arith.constant 0 : i32
      %dma_wait3A_142 = tpu.memref_slice %arg5[%arg0, %add3A_134, %dma_wait3A_141] : memref<2x10000x64xf32, #tpu.memory_space<hbm>> -> memref<1x113x64xf32, #tpu.memory_space<hbm>>
      %dma_wait3A_143 = tpu.memref_squeeze %dma_wait3A_142 : memref<1x113x64xf32, #tpu.memory_space<hbm>> -> memref<113x64xf32, #tpu.memory_space<hbm>>
      %dma_wait3A_144 = arith.constant 0 : i32
      %dma_wait3A_145 = tpu.memref_slice %arg9[%add3A_134, %dma_wait3A_144] : memref<10000x64xf32, #tpu.memory_space<vmem_shared>> -> memref<113x64xf32, #tpu.memory_space<vmem_shared>>
      tpu.wait_dma2 semaphore(%run_scoped3A_135 : memref<!tpu.dma_semaphore, #tpu.memory_space<semaphore_mem>>) src(%dma_wait3A_145 : memref<113x64xf32, #tpu.memory_space<vmem_shared>>) dst(%dma_wait3A_143 : memref<113x64xf32, #tpu.memory_space<hbm>>)
      tpu.yield
    }) : () -> ()
    return
  }
}

#map = affine_map<(d0, d1) -> (0, 0, 0)>
#map1 = affine_map<(d0, d1) -> (0, 0, 0, 0)>
module attributes {stable_mosaic.version = 14 : i64} {
  func.func @_counts_body(%arg0: i32, %arg1: i32, %arg2: memref<32x123x128xi32, #tpu.memory_space<hbm>>, %arg3: memref<32x123x128x16xf32, #tpu.memory_space<hbm>>, %arg4: memref<2x2048x16xf32, #tpu.memory_space<hbm>>, %arg5: memref<123x128xi32, #tpu.memory_space<vmem>>, %arg6: memref<3x128x16xf32, #tpu.memory_space<vmem>>, %arg7: memref<128x16xf32, #tpu.memory_space<vmem>>, %arg8: memref<2048x16xf32, #tpu.memory_space<vmem_shared>>, %arg9: memref<!tpu.dma_semaphore, #tpu.memory_space<semaphore_mem>>, %arg10: memref<!tpu.dma_semaphore, #tpu.memory_space<semaphore_mem>>, %arg11: memref<!tpu.dma_semaphore, #tpu.memory_space<semaphore_mem>>, %arg12: memref<!tpu.dma_semaphore, #tpu.memory_space<semaphore_mem>>, %arg13: memref<!tpu.dma_semaphore, #tpu.memory_space<semaphore_mem>>, %arg14: memref<!tpu.dma_semaphore, #tpu.memory_space<semaphore_mem>>) attributes {dimension_semantics = [#tpu.dimension_semantics<core_parallel>, #tpu.dimension_semantics<subcore_parallel>], iteration_bounds = array<i64: 2, 16>, scalar_prefetch = 0 : i64, scratch_operands = 10 : i64, tpu.core_type = #tpu.core_type<sc_vector_subcore>, window_params = [{transform_indices = #map}, {transform_indices = #map1}, {transform_indices = #map}]} {
    %mul3A = arith.constant 16 : i32
    %mul3A_0 = arith.muli %arg0, %mul3A : i32
    %add3A = arith.addi %mul3A_0, %arg1 : i32
    %broadcast_in_dim3A = arith.constant 0.000000e+00 : f32
    %broadcast_in_dim3A_1 = vector.broadcast %broadcast_in_dim3A : f32 to vector<16xf32>
    %scan3A = arith.constant 0 : i32
    %scan3A_2 = arith.constant 128 : i32
    %scan3A_3 = arith.addi %scan3A, %scan3A_2 : i32
    %scan3A_4 = arith.constant 1 : i32
    scf.for %scan3A_71 = %scan3A to %scan3A_3 step %scan3A_4  : i32 {
      %mul3A_72 = arith.constant 1 : i32
      %mul3A_73 = arith.muli %scan3A_71, %mul3A_72 : i32
      %add3A_74 = arith.constant 0 : i32
      %add3A_75 = arith.addi %add3A_74, %mul3A_73 : i32
      %swap3A = arith.index_cast %add3A_75 : i32 to index
      %swap3A_76 = arith.constant 0 : index
      %swap3A_77 = tpu.vector_load %arg7[%swap3A, %swap3A_76] {strides = array<i32>} : memref<128x16xf32, #tpu.memory_space<vmem>>, vector<1x16xf32>,
      %swap3A_78 = vector.shape_cast %swap3A_77 : vector<1x16xf32> to vector<16xf32>
      %swap3A_79 = vector.shape_cast %broadcast_in_dim3A_1 : vector<16xf32> to vector<1x16xf32>
      tpu.vector_store %arg7[%swap3A, %swap3A_76], %swap3A_79 {strides = array<i32>} : memref<128x16xf32, #tpu.memory_space<vmem>>, vector<1x16xf32>,
    }
    %scan3A_5 = arith.constant 128 : i32
    %mul3A_6 = arith.constant 128 : i32
    %mul3A_7 = arith.muli %arg1, %mul3A_6 : i32
    "tpu.region"() ({
      %run_scoped3A = tpu.sem_alloc : memref<!tpu.dma_semaphore, #tpu.memory_space<semaphore_mem>>
      %dma_start3A_71 = arith.constant 0 : i32
      %dma_start3A_72 = tpu.memref_slice %arg8[%mul3A_7, %dma_start3A_71] : memref<2048x16xf32, #tpu.memory_space<vmem_shared>> -> memref<128x16xf32, #tpu.memory_space<vmem_shared>>
      %dma_start3A_73 = arith.constant 0 : i32
      %dma_start3A_74 = tpu.memref_slice %arg8[%mul3A_7, %dma_start3A_73] : memref<2048x16xf32, #tpu.memory_space<vmem_shared>> -> memref<128x16xf32, #tpu.memory_space<vmem_shared>>
      tpu.enqueue_dma source(%arg7 : memref<128x16xf32, #tpu.memory_space<vmem>>) target(%dma_start3A_74 : memref<128x16xf32, #tpu.memory_space<vmem_shared>>) target_semaphore(%run_scoped3A : memref<!tpu.dma_semaphore, #tpu.memory_space<semaphore_mem>>)
      %dma_wait3A = arith.constant 0 : i32
      %dma_wait3A_75 = tpu.memref_slice %arg8[%mul3A_7, %dma_wait3A] : memref<2048x16xf32, #tpu.memory_space<vmem_shared>> -> memref<128x16xf32, #tpu.memory_space<vmem_shared>>
      %dma_wait3A_76 = arith.constant 0 : i32
      %dma_wait3A_77 = tpu.memref_slice %arg8[%mul3A_7, %dma_wait3A_76] : memref<2048x16xf32, #tpu.memory_space<vmem_shared>> -> memref<128x16xf32, #tpu.memory_space<vmem_shared>>
      tpu.wait_dma2 semaphore(%run_scoped3A : memref<!tpu.dma_semaphore, #tpu.memory_space<semaphore_mem>>) src(%arg7 : memref<128x16xf32, #tpu.memory_space<vmem>>) dst(%dma_wait3A_77 : memref<128x16xf32, #tpu.memory_space<vmem_shared>>)
      tpu.yield
    }) : () -> ()
    %barrier3A = arith.constant 0 : index
    tpu.barrier barrier_id(%barrier3A)
    "tpu.region"() ({
      %run_scoped3A = tpu.sem_alloc : memref<!tpu.dma_semaphore, #tpu.memory_space<semaphore_mem>>
      %dma_start3A_71 = arith.constant 0 : i32
      %dma_start3A_72 = arith.constant 0 : i32
      %dma_start3A_73 = tpu.memref_slice %arg2[%add3A, %dma_start3A_71, %dma_start3A_72] : memref<32x123x128xi32, #tpu.memory_space<hbm>> -> memref<1x123x128xi32, #tpu.memory_space<hbm>>
      %dma_start3A_74 = tpu.memref_squeeze %dma_start3A_73 : memref<1x123x128xi32, #tpu.memory_space<hbm>> -> memref<123x128xi32, #tpu.memory_space<hbm>>
      %dma_start3A_75 = arith.constant 0 : i32
      %dma_start3A_76 = arith.constant 0 : i32
      %dma_start3A_77 = tpu.memref_slice %arg2[%add3A, %dma_start3A_75, %dma_start3A_76] : memref<32x123x128xi32, #tpu.memory_space<hbm>> -> memref<1x123x128xi32, #tpu.memory_space<hbm>>
      %dma_start3A_78 = tpu.memref_squeeze %dma_start3A_77 : memref<1x123x128xi32, #tpu.memory_space<hbm>> -> memref<123x128xi32, #tpu.memory_space<hbm>>
      tpu.enqueue_dma source(%dma_start3A_78 : memref<123x128xi32, #tpu.memory_space<hbm>>) target(%arg5 : memref<123x128xi32, #tpu.memory_space<vmem>>) target_semaphore(%run_scoped3A : memref<!tpu.dma_semaphore, #tpu.memory_space<semaphore_mem>>)
      %dma_wait3A = arith.constant 0 : i32
      %dma_wait3A_79 = arith.constant 0 : i32
      %dma_wait3A_80 = tpu.memref_slice %arg2[%add3A, %dma_wait3A, %dma_wait3A_79] : memref<32x123x128xi32, #tpu.memory_space<hbm>> -> memref<1x123x128xi32, #tpu.memory_space<hbm>>
      %dma_wait3A_81 = tpu.memref_squeeze %dma_wait3A_80 : memref<1x123x128xi32, #tpu.memory_space<hbm>> -> memref<123x128xi32, #tpu.memory_space<hbm>>
      %dma_wait3A_82 = arith.constant 0 : i32
      %dma_wait3A_83 = arith.constant 0 : i32
      %dma_wait3A_84 = tpu.memref_slice %arg2[%add3A, %dma_wait3A_82, %dma_wait3A_83] : memref<32x123x128xi32, #tpu.memory_space<hbm>> -> memref<1x123x128xi32, #tpu.memory_space<hbm>>
      %dma_wait3A_85 = tpu.memref_squeeze %dma_wait3A_84 : memref<1x123x128xi32, #tpu.memory_space<hbm>> -> memref<123x128xi32, #tpu.memory_space<hbm>>
      tpu.wait_dma2 semaphore(%run_scoped3A : memref<!tpu.dma_semaphore, #tpu.memory_space<semaphore_mem>>) src(%dma_wait3A_85 : memref<123x128xi32, #tpu.memory_space<hbm>>) dst(%arg5 : memref<123x128xi32, #tpu.memory_space<vmem>>)
      tpu.yield
    }) : () -> ()
    %dma_start3A = arith.constant 0 : i32
    %dma_start3A_8 = arith.constant 0 : i32
    %dma_start3A_9 = arith.constant 0 : i32
    %dma_start3A_10 = arith.constant 0 : i32
    %dma_start3A_11 = tpu.memref_slice %arg6[%dma_start3A_8, %dma_start3A_9, %dma_start3A_10] : memref<3x128x16xf32, #tpu.memory_space<vmem>> -> memref<1x128x16xf32, #tpu.memory_space<vmem>>
    %dma_start3A_12 = tpu.memref_squeeze %dma_start3A_11 : memref<1x128x16xf32, #tpu.memory_space<vmem>> -> memref<128x16xf32, #tpu.memory_space<vmem>>
    %dma_start3A_13 = arith.constant 0 : i32
    %dma_start3A_14 = arith.constant 0 : i32
    %dma_start3A_15 = tpu.memref_slice %arg3[%add3A, %dma_start3A, %dma_start3A_13, %dma_start3A_14] : memref<32x123x128x16xf32, #tpu.memory_space<hbm>> -> memref<1x1x128x16xf32, #tpu.memory_space<hbm>>
    %dma_start3A_16 = tpu.memref_squeeze %dma_start3A_15 : memref<1x1x128x16xf32, #tpu.memory_space<hbm>> -> memref<128x16xf32, #tpu.memory_space<hbm>>
    %dma_start3A_17 = arith.constant 0 : i32
    %dma_start3A_18 = arith.constant 0 : i32
    %dma_start3A_19 = tpu.memref_slice %arg6[%dma_start3A_8, %dma_start3A_17, %dma_start3A_18] : memref<3x128x16xf32, #tpu.memory_space<vmem>> -> memref<1x128x16xf32, #tpu.memory_space<vmem>>
    %dma_start3A_20 = tpu.memref_squeeze %dma_start3A_19 : memref<1x128x16xf32, #tpu.memory_space<vmem>> -> memref<128x16xf32, #tpu.memory_space<vmem>>
    %dma_start3A_21 = arith.constant 0 : i32
    %dma_start3A_22 = arith.constant 0 : i32
    %dma_start3A_23 = tpu.memref_slice %arg3[%add3A, %dma_start3A, %dma_start3A_21, %dma_start3A_22] : memref<32x123x128x16xf32, #tpu.memory_space<hbm>> -> memref<1x1x128x16xf32, #tpu.memory_space<hbm>>
    %dma_start3A_24 = tpu.memref_squeeze %dma_start3A_23 : memref<1x1x128x16xf32, #tpu.memory_space<hbm>> -> memref<128x16xf32, #tpu.memory_space<hbm>>
    tpu.enqueue_dma source(%dma_start3A_24 : memref<128x16xf32, #tpu.memory_space<hbm>>) target(%dma_start3A_20 : memref<128x16xf32, #tpu.memory_space<vmem>>) target_semaphore(%arg9 : memref<!tpu.dma_semaphore, #tpu.memory_space<semaphore_mem>>)
    %dma_start3A_25 = arith.constant 1 : i32
    %dma_start3A_26 = arith.constant 1 : i32
    %dma_start3A_27 = arith.constant 0 : i32
    %dma_start3A_28 = arith.constant 0 : i32
    %dma_start3A_29 = tpu.memref_slice %arg6[%dma_start3A_26, %dma_start3A_27, %dma_start3A_28] : memref<3x128x16xf32, #tpu.memory_space<vmem>> -> memref<1x128x16xf32, #tpu.memory_space<vmem>>
    %dma_start3A_30 = tpu.memref_squeeze %dma_start3A_29 : memref<1x128x16xf32, #tpu.memory_space<vmem>> -> memref<128x16xf32, #tpu.memory_space<vmem>>
    %dma_start3A_31 = arith.constant 0 : i32
    %dma_start3A_32 = arith.constant 0 : i32
    %dma_start3A_33 = tpu.memref_slice %arg3[%add3A, %dma_start3A_25, %dma_start3A_31, %dma_start3A_32] : memref<32x123x128x16xf32, #tpu.memory_space<hbm>> -> memref<1x1x128x16xf32, #tpu.memory_space<hbm>>
    %dma_start3A_34 = tpu.memref_squeeze %dma_start3A_33 : memref<1x1x128x16xf32, #tpu.memory_space<hbm>> -> memref<128x16xf32, #tpu.memory_space<hbm>>
    %dma_start3A_35 = arith.constant 0 : i32
    %dma_start3A_36 = arith.constant 0 : i32
    %dma_start3A_37 = tpu.memref_slice %arg6[%dma_start3A_26, %dma_start3A_35, %dma_start3A_36] : memref<3x128x16xf32, #tpu.memory_space<vmem>> -> memref<1x128x16xf32, #tpu.memory_space<vmem>>
    %dma_start3A_38 = tpu.memref_squeeze %dma_start3A_37 : memref<1x128x16xf32, #tpu.memory_space<vmem>> -> memref<128x16xf32, #tpu.memory_space<vmem>>
    %dma_start3A_39 = arith.constant 0 : i32
    %dma_start3A_40 = arith.constant 0 : i32
    %dma_start3A_41 = tpu.memref_slice %arg3[%add3A, %dma_start3A_25, %dma_start3A_39, %dma_start3A_40] : memref<32x123x128x16xf32, #tpu.memory_space<hbm>> -> memref<1x1x128x16xf32, #tpu.memory_space<hbm>>
    %dma_start3A_42 = tpu.memref_squeeze %dma_start3A_41 : memref<1x1x128x16xf32, #tpu.memory_space<hbm>> -> memref<128x16xf32, #tpu.memory_space<hbm>>
    tpu.enqueue_dma source(%dma_start3A_42 : memref<128x16xf32, #tpu.memory_space<hbm>>) target(%dma_start3A_38 : memref<128x16xf32, #tpu.memory_space<vmem>>) target_semaphore(%arg10 : memref<!tpu.dma_semaphore, #tpu.memory_space<semaphore_mem>>)
    %dma_start3A_43 = arith.constant 2 : i32
    %dma_start3A_44 = arith.constant 2 : i32
    %dma_start3A_45 = arith.constant 0 : i32
    %dma_start3A_46 = arith.constant 0 : i32
    %dma_start3A_47 = tpu.memref_slice %arg6[%dma_start3A_44, %dma_start3A_45, %dma_start3A_46] : memref<3x128x16xf32, #tpu.memory_space<vmem>> -> memref<1x128x16xf32, #tpu.memory_space<vmem>>
    %dma_start3A_48 = tpu.memref_squeeze %dma_start3A_47 : memref<1x128x16xf32, #tpu.memory_space<vmem>> -> memref<128x16xf32, #tpu.memory_space<vmem>>
    %dma_start3A_49 = arith.constant 0 : i32
    %dma_start3A_50 = arith.constant 0 : i32
    %dma_start3A_51 = tpu.memref_slice %arg3[%add3A, %dma_start3A_43, %dma_start3A_49, %dma_start3A_50] : memref<32x123x128x16xf32, #tpu.memory_space<hbm>> -> memref<1x1x128x16xf32, #tpu.memory_space<hbm>>
    %dma_start3A_52 = tpu.memref_squeeze %dma_start3A_51 : memref<1x1x128x16xf32, #tpu.memory_space<hbm>> -> memref<128x16xf32, #tpu.memory_space<hbm>>
    %dma_start3A_53 = arith.constant 0 : i32
    %dma_start3A_54 = arith.constant 0 : i32
    %dma_start3A_55 = tpu.memref_slice %arg6[%dma_start3A_44, %dma_start3A_53, %dma_start3A_54] : memref<3x128x16xf32, #tpu.memory_space<vmem>> -> memref<1x128x16xf32, #tpu.memory_space<vmem>>
    %dma_start3A_56 = tpu.memref_squeeze %dma_start3A_55 : memref<1x128x16xf32, #tpu.memory_space<vmem>> -> memref<128x16xf32, #tpu.memory_space<vmem>>
    %dma_start3A_57 = arith.constant 0 : i32
    %dma_start3A_58 = arith.constant 0 : i32
    %dma_start3A_59 = tpu.memref_slice %arg3[%add3A, %dma_start3A_43, %dma_start3A_57, %dma_start3A_58] : memref<32x123x128x16xf32, #tpu.memory_space<hbm>> -> memref<1x1x128x16xf32, #tpu.memory_space<hbm>>
    %dma_start3A_60 = tpu.memref_squeeze %dma_start3A_59 : memref<1x1x128x16xf32, #tpu.memory_space<hbm>> -> memref<128x16xf32, #tpu.memory_space<hbm>>
    tpu.enqueue_dma source(%dma_start3A_60 : memref<128x16xf32, #tpu.memory_space<hbm>>) target(%dma_start3A_56 : memref<128x16xf32, #tpu.memory_space<vmem>>) target_semaphore(%arg11 : memref<!tpu.dma_semaphore, #tpu.memory_space<semaphore_mem>>)
    %scan3A_61 = arith.constant 0 : i32
    %scan3A_62 = arith.constant 41 : i32
    %scan3A_63 = arith.addi %scan3A_61, %scan3A_62 : i32
    %scan3A_64 = arith.constant 1 : i32
    scf.for %scan3A_71 = %scan3A_61 to %scan3A_63 step %scan3A_64  : i32 {
      %mul3A_72 = arith.constant 1 : i32
      %mul3A_73 = arith.muli %scan3A_71, %mul3A_72 : i32
      %add3A_74 = arith.constant 0 : i32
      %add3A_75 = arith.addi %add3A_74, %mul3A_73 : i32
      %mul3A_76 = arith.constant 3 : i32
      %mul3A_77 = arith.muli %add3A_75, %mul3A_76 : i32
      %add3A_78 = arith.constant 0 : i32
      %add3A_79 = arith.addi %mul3A_77, %add3A_78 : i32
      %dma_wait3A = arith.constant 0 : i32
      %dma_wait3A_80 = arith.constant 0 : i32
      %dma_wait3A_81 = arith.constant 0 : i32
      %dma_wait3A_82 = tpu.memref_slice %arg6[%dma_wait3A, %dma_wait3A_80, %dma_wait3A_81] : memref<3x128x16xf32, #tpu.memory_space<vmem>> -> memref<1x128x16xf32, #tpu.memory_space<vmem>>
      %dma_wait3A_83 = tpu.memref_squeeze %dma_wait3A_82 : memref<1x128x16xf32, #tpu.memory_space<vmem>> -> memref<128x16xf32, #tpu.memory_space<vmem>>
      %dma_wait3A_84 = arith.constant 0 : i32
      %dma_wait3A_85 = arith.constant 0 : i32
      %dma_wait3A_86 = tpu.memref_slice %arg3[%add3A, %add3A_79, %dma_wait3A_84, %dma_wait3A_85] : memref<32x123x128x16xf32, #tpu.memory_space<hbm>> -> memref<1x1x128x16xf32, #tpu.memory_space<hbm>>
      %dma_wait3A_87 = tpu.memref_squeeze %dma_wait3A_86 : memref<1x1x128x16xf32, #tpu.memory_space<hbm>> -> memref<128x16xf32, #tpu.memory_space<hbm>>
      %dma_wait3A_88 = arith.constant 0 : i32
      %dma_wait3A_89 = arith.constant 0 : i32
      %dma_wait3A_90 = tpu.memref_slice %arg6[%dma_wait3A, %dma_wait3A_88, %dma_wait3A_89] : memref<3x128x16xf32, #tpu.memory_space<vmem>> -> memref<1x128x16xf32, #tpu.memory_space<vmem>>
      %dma_wait3A_91 = tpu.memref_squeeze %dma_wait3A_90 : memref<1x128x16xf32, #tpu.memory_space<vmem>> -> memref<128x16xf32, #tpu.memory_space<vmem>>
      %dma_wait3A_92 = arith.constant 0 : i32
      %dma_wait3A_93 = arith.constant 0 : i32
      %dma_wait3A_94 = tpu.memref_slice %arg3[%add3A, %add3A_79, %dma_wait3A_92, %dma_wait3A_93] : memref<32x123x128x16xf32, #tpu.memory_space<hbm>> -> memref<1x1x128x16xf32, #tpu.memory_space<hbm>>
      %dma_wait3A_95 = tpu.memref_squeeze %dma_wait3A_94 : memref<1x1x128x16xf32, #tpu.memory_space<hbm>> -> memref<128x16xf32, #tpu.memory_space<hbm>>
      tpu.wait_dma2 semaphore(%arg9 : memref<!tpu.dma_semaphore, #tpu.memory_space<semaphore_mem>>) src(%dma_wait3A_95 : memref<128x16xf32, #tpu.memory_space<hbm>>) dst(%dma_wait3A_91 : memref<128x16xf32, #tpu.memory_space<vmem>>)
      %dma_start3A_96 = arith.constant 0 : i32
      %dma_start3A_97 = arith.constant 0 : i32
      %dma_start3A_98 = arith.constant 0 : i32
      %dma_start3A_99 = tpu.memref_slice %arg6[%dma_start3A_96, %dma_start3A_97, %dma_start3A_98] : memref<3x128x16xf32, #tpu.memory_space<vmem>> -> memref<1x128x16xf32, #tpu.memory_space<vmem>>
      %dma_start3A_100 = tpu.memref_squeeze %dma_start3A_99 : memref<1x128x16xf32, #tpu.memory_space<vmem>> -> memref<128x16xf32, #tpu.memory_space<vmem>>
      %dma_start3A_101 = arith.constant 0 : i32
      %dma_start3A_102 = tpu.memref_slice %arg5[%add3A_79, %dma_start3A_101] : memref<123x128xi32, #tpu.memory_space<vmem>> -> memref<1x128xi32, #tpu.memory_space<vmem>>
      %dma_start3A_103 = tpu.memref_squeeze %dma_start3A_102 : memref<1x128xi32, #tpu.memory_space<vmem>> -> memref<128xi32, #tpu.memory_space<vmem>>
      %dma_start3A_104 = arith.constant 0 : i32
      %dma_start3A_105 = arith.constant 0 : i32
      %dma_start3A_106 = tpu.memref_slice %arg8[%dma_start3A_104, %dma_start3A_105] : memref<2048x16xf32, #tpu.memory_space<vmem_shared>> -> memref<2048x16xf32, #tpu.memory_space<vmem_shared>>
      tpu.enqueue_indirect_dma source(%dma_start3A_100 : memref<128x16xf32, #tpu.memory_space<vmem>>) target(%dma_start3A_106 : memref<2048x16xf32, #tpu.memory_space<vmem_shared>>) offsets(%dma_start3A_103 : memref<128xi32, #tpu.memory_space<vmem>>) semaphore(%arg12 : memref<!tpu.dma_semaphore, #tpu.memory_space<semaphore_mem>>) {add = true}
      %dma_wait3A_107 = arith.constant 0 : i32
      %dma_wait3A_108 = arith.constant 0 : i32
      %dma_wait3A_109 = arith.constant 0 : i32
      %dma_wait3A_110 = tpu.memref_slice %arg6[%dma_wait3A_107, %dma_wait3A_108, %dma_wait3A_109] : memref<3x128x16xf32, #tpu.memory_space<vmem>> -> memref<1x128x16xf32, #tpu.memory_space<vmem>>
      %dma_wait3A_111 = tpu.memref_squeeze %dma_wait3A_110 : memref<1x128x16xf32, #tpu.memory_space<vmem>> -> memref<128x16xf32, #tpu.memory_space<vmem>>
      %dma_wait3A_112 = arith.constant 0 : i32
      %dma_wait3A_113 = tpu.memref_slice %arg5[%add3A_79, %dma_wait3A_112] : memref<123x128xi32, #tpu.memory_space<vmem>> -> memref<1x128xi32, #tpu.memory_space<vmem>>
      %dma_wait3A_114 = tpu.memref_squeeze %dma_wait3A_113 : memref<1x128xi32, #tpu.memory_space<vmem>> -> memref<128xi32, #tpu.memory_space<vmem>>
      %dma_wait3A_115 = arith.constant 0 : i32
      %dma_wait3A_116 = arith.constant 0 : i32
      %dma_wait3A_117 = tpu.memref_slice %arg8[%dma_wait3A_115, %dma_wait3A_116] : memref<2048x16xf32, #tpu.memory_space<vmem_shared>> -> memref<2048x16xf32, #tpu.memory_space<vmem_shared>>
      tpu.wait_indirect_dma semaphore(%arg12 : memref<!tpu.dma_semaphore, #tpu.memory_space<semaphore_mem>>) src(%dma_wait3A_111 : memref<128x16xf32, #tpu.memory_space<vmem>>) dst(%dma_wait3A_117 : memref<2048x16xf32, #tpu.memory_space<vmem_shared>>)
      %add3A_118 = arith.constant 3 : i32
      %add3A_119 = arith.addi %add3A_79, %add3A_118 : i32
      %lt3A = arith.constant 123 : i32
      %lt3A_120 = arith.cmpi slt, %add3A_119, %lt3A : i32
      %convert_element_type3A = arith.extui %lt3A_120 : i1 to i32
      %cond3A = arith.constant 0 : i32
      %cond3A_121 = arith.cmpi ne, %convert_element_type3A, %cond3A : i32
      scf.if %cond3A_121 {
        %add3A_222 = arith.constant 3 : i32
        %add3A_223 = arith.addi %add3A_79, %add3A_222 : i32
        %dma_start3A_224 = arith.constant 0 : i32
        %dma_start3A_225 = arith.constant 0 : i32
        %dma_start3A_226 = arith.constant 0 : i32
        %dma_start3A_227 = tpu.memref_slice %arg6[%dma_start3A_224, %dma_start3A_225, %dma_start3A_226] : memref<3x128x16xf32, #tpu.memory_space<vmem>> -> memref<1x128x16xf32, #tpu.memory_space<vmem>>
        %dma_start3A_228 = tpu.memref_squeeze %dma_start3A_227 : memref<1x128x16xf32, #tpu.memory_space<vmem>> -> memref<128x16xf32, #tpu.memory_space<vmem>>
        %dma_start3A_229 = arith.constant 0 : i32
        %dma_start3A_230 = arith.constant 0 : i32
        %dma_start3A_231 = tpu.memref_slice %arg3[%add3A, %add3A_223, %dma_start3A_229, %dma_start3A_230] : memref<32x123x128x16xf32, #tpu.memory_space<hbm>> -> memref<1x1x128x16xf32, #tpu.memory_space<hbm>>
        %dma_start3A_232 = tpu.memref_squeeze %dma_start3A_231 : memref<1x1x128x16xf32, #tpu.memory_space<hbm>> -> memref<128x16xf32, #tpu.memory_space<hbm>>
        %dma_start3A_233 = arith.constant 0 : i32
        %dma_start3A_234 = arith.constant 0 : i32
        %dma_start3A_235 = tpu.memref_slice %arg6[%dma_start3A_224, %dma_start3A_233, %dma_start3A_234] : memref<3x128x16xf32, #tpu.memory_space<vmem>> -> memref<1x128x16xf32, #tpu.memory_space<vmem>>
        %dma_start3A_236 = tpu.memref_squeeze %dma_start3A_235 : memref<1x128x16xf32, #tpu.memory_space<vmem>> -> memref<128x16xf32, #tpu.memory_space<vmem>>
        %dma_start3A_237 = arith.constant 0 : i32
        %dma_start3A_238 = arith.constant 0 : i32
        %dma_start3A_239 = tpu.memref_slice %arg3[%add3A, %add3A_223, %dma_start3A_237, %dma_start3A_238] : memref<32x123x128x16xf32, #tpu.memory_space<hbm>> -> memref<1x1x128x16xf32, #tpu.memory_space<hbm>>
        %dma_start3A_240 = tpu.memref_squeeze %dma_start3A_239 : memref<1x1x128x16xf32, #tpu.memory_space<hbm>> -> memref<128x16xf32, #tpu.memory_space<hbm>>
        tpu.enqueue_dma source(%dma_start3A_240 : memref<128x16xf32, #tpu.memory_space<hbm>>) target(%dma_start3A_236 : memref<128x16xf32, #tpu.memory_space<vmem>>) target_semaphore(%arg9 : memref<!tpu.dma_semaphore, #tpu.memory_space<semaphore_mem>>)
      } else {
      }
      %mul3A_122 = arith.constant 3 : i32
      %mul3A_123 = arith.muli %add3A_75, %mul3A_122 : i32
      %add3A_124 = arith.constant 1 : i32
      %add3A_125 = arith.addi %mul3A_123, %add3A_124 : i32
      %dma_wait3A_126 = arith.constant 1 : i32
      %dma_wait3A_127 = arith.constant 0 : i32
      %dma_wait3A_128 = arith.constant 0 : i32
      %dma_wait3A_129 = tpu.memref_slice %arg6[%dma_wait3A_126, %dma_wait3A_127, %dma_wait3A_128] : memref<3x128x16xf32, #tpu.memory_space<vmem>> -> memref<1x128x16xf32, #tpu.memory_space<vmem>>
      %dma_wait3A_130 = tpu.memref_squeeze %dma_wait3A_129 : memref<1x128x16xf32, #tpu.memory_space<vmem>> -> memref<128x16xf32, #tpu.memory_space<vmem>>
      %dma_wait3A_131 = arith.constant 0 : i32
      %dma_wait3A_132 = arith.constant 0 : i32
      %dma_wait3A_133 = tpu.memref_slice %arg3[%add3A, %add3A_125, %dma_wait3A_131, %dma_wait3A_132] : memref<32x123x128x16xf32, #tpu.memory_space<hbm>> -> memref<1x1x128x16xf32, #tpu.memory_space<hbm>>
      %dma_wait3A_134 = tpu.memref_squeeze %dma_wait3A_133 : memref<1x1x128x16xf32, #tpu.memory_space<hbm>> -> memref<128x16xf32, #tpu.memory_space<hbm>>
      %dma_wait3A_135 = arith.constant 0 : i32
      %dma_wait3A_136 = arith.constant 0 : i32
      %dma_wait3A_137 = tpu.memref_slice %arg6[%dma_wait3A_126, %dma_wait3A_135, %dma_wait3A_136] : memref<3x128x16xf32, #tpu.memory_space<vmem>> -> memref<1x128x16xf32, #tpu.memory_space<vmem>>
      %dma_wait3A_138 = tpu.memref_squeeze %dma_wait3A_137 : memref<1x128x16xf32, #tpu.memory_space<vmem>> -> memref<128x16xf32, #tpu.memory_space<vmem>>
      %dma_wait3A_139 = arith.constant 0 : i32
      %dma_wait3A_140 = arith.constant 0 : i32
      %dma_wait3A_141 = tpu.memref_slice %arg3[%add3A, %add3A_125, %dma_wait3A_139, %dma_wait3A_140] : memref<32x123x128x16xf32, #tpu.memory_space<hbm>> -> memref<1x1x128x16xf32, #tpu.memory_space<hbm>>
      %dma_wait3A_142 = tpu.memref_squeeze %dma_wait3A_141 : memref<1x1x128x16xf32, #tpu.memory_space<hbm>> -> memref<128x16xf32, #tpu.memory_space<hbm>>
      tpu.wait_dma2 semaphore(%arg10 : memref<!tpu.dma_semaphore, #tpu.memory_space<semaphore_mem>>) src(%dma_wait3A_142 : memref<128x16xf32, #tpu.memory_space<hbm>>) dst(%dma_wait3A_138 : memref<128x16xf32, #tpu.memory_space<vmem>>)
      %dma_start3A_143 = arith.constant 1 : i32
      %dma_start3A_144 = arith.constant 0 : i32
      %dma_start3A_145 = arith.constant 0 : i32
      %dma_start3A_146 = tpu.memref_slice %arg6[%dma_start3A_143, %dma_start3A_144, %dma_start3A_145] : memref<3x128x16xf32, #tpu.memory_space<vmem>> -> memref<1x128x16xf32, #tpu.memory_space<vmem>>
      %dma_start3A_147 = tpu.memref_squeeze %dma_start3A_146 : memref<1x128x16xf32, #tpu.memory_space<vmem>> -> memref<128x16xf32, #tpu.memory_space<vmem>>
      %dma_start3A_148 = arith.constant 0 : i32
      %dma_start3A_149 = tpu.memref_slice %arg5[%add3A_125, %dma_start3A_148] : memref<123x128xi32, #tpu.memory_space<vmem>> -> memref<1x128xi32, #tpu.memory_space<vmem>>
      %dma_start3A_150 = tpu.memref_squeeze %dma_start3A_149 : memref<1x128xi32, #tpu.memory_space<vmem>> -> memref<128xi32, #tpu.memory_space<vmem>>
      %dma_start3A_151 = arith.constant 0 : i32
      %dma_start3A_152 = arith.constant 0 : i32
      %dma_start3A_153 = tpu.memref_slice %arg8[%dma_start3A_151, %dma_start3A_152] : memref<2048x16xf32, #tpu.memory_space<vmem_shared>> -> memref<2048x16xf32, #tpu.memory_space<vmem_shared>>
      tpu.enqueue_indirect_dma source(%dma_start3A_147 : memref<128x16xf32, #tpu.memory_space<vmem>>) target(%dma_start3A_153 : memref<2048x16xf32, #tpu.memory_space<vmem_shared>>) offsets(%dma_start3A_150 : memref<128xi32, #tpu.memory_space<vmem>>) semaphore(%arg13 : memref<!tpu.dma_semaphore, #tpu.memory_space<semaphore_mem>>) {add = true}
      %dma_wait3A_154 = arith.constant 1 : i32
      %dma_wait3A_155 = arith.constant 0 : i32
      %dma_wait3A_156 = arith.constant 0 : i32
      %dma_wait3A_157 = tpu.memref_slice %arg6[%dma_wait3A_154, %dma_wait3A_155, %dma_wait3A_156] : memref<3x128x16xf32, #tpu.memory_space<vmem>> -> memref<1x128x16xf32, #tpu.memory_space<vmem>>
      %dma_wait3A_158 = tpu.memref_squeeze %dma_wait3A_157 : memref<1x128x16xf32, #tpu.memory_space<vmem>> -> memref<128x16xf32, #tpu.memory_space<vmem>>
      %dma_wait3A_159 = arith.constant 0 : i32
      %dma_wait3A_160 = tpu.memref_slice %arg5[%add3A_125, %dma_wait3A_159] : memref<123x128xi32, #tpu.memory_space<vmem>> -> memref<1x128xi32, #tpu.memory_space<vmem>>
      %dma_wait3A_161 = tpu.memref_squeeze %dma_wait3A_160 : memref<1x128xi32, #tpu.memory_space<vmem>> -> memref<128xi32, #tpu.memory_space<vmem>>
      %dma_wait3A_162 = arith.constant 0 : i32
      %dma_wait3A_163 = arith.constant 0 : i32
      %dma_wait3A_164 = tpu.memref_slice %arg8[%dma_wait3A_162, %dma_wait3A_163] : memref<2048x16xf32, #tpu.memory_space<vmem_shared>> -> memref<2048x16xf32, #tpu.memory_space<vmem_shared>>
      tpu.wait_indirect_dma semaphore(%arg13 : memref<!tpu.dma_semaphore, #tpu.memory_space<semaphore_mem>>) src(%dma_wait3A_158 : memref<128x16xf32, #tpu.memory_space<vmem>>) dst(%dma_wait3A_164 : memref<2048x16xf32, #tpu.memory_space<vmem_shared>>)
      %add3A_165 = arith.constant 3 : i32
      %add3A_166 = arith.addi %add3A_125, %add3A_165 : i32
      %lt3A_167 = arith.constant 123 : i32
      %lt3A_168 = arith.cmpi slt, %add3A_166, %lt3A_167 : i32
      %convert_element_type3A_169 = arith.extui %lt3A_168 : i1 to i32
      %cond3A_170 = arith.constant 0 : i32
      %cond3A_171 = arith.cmpi ne, %convert_element_type3A_169, %cond3A_170 : i32
      scf.if %cond3A_171 {
        %add3A_222 = arith.constant 3 : i32
        %add3A_223 = arith.addi %add3A_125, %add3A_222 : i32
        %dma_start3A_224 = arith.constant 1 : i32
        %dma_start3A_225 = arith.constant 0 : i32
        %dma_start3A_226 = arith.constant 0 : i32
        %dma_start3A_227 = tpu.memref_slice %arg6[%dma_start3A_224, %dma_start3A_225, %dma_start3A_226] : memref<3x128x16xf32, #tpu.memory_space<vmem>> -> memref<1x128x16xf32, #tpu.memory_space<vmem>>
        %dma_start3A_228 = tpu.memref_squeeze %dma_start3A_227 : memref<1x128x16xf32, #tpu.memory_space<vmem>> -> memref<128x16xf32, #tpu.memory_space<vmem>>
        %dma_start3A_229 = arith.constant 0 : i32
        %dma_start3A_230 = arith.constant 0 : i32
        %dma_start3A_231 = tpu.memref_slice %arg3[%add3A, %add3A_223, %dma_start3A_229, %dma_start3A_230] : memref<32x123x128x16xf32, #tpu.memory_space<hbm>> -> memref<1x1x128x16xf32, #tpu.memory_space<hbm>>
        %dma_start3A_232 = tpu.memref_squeeze %dma_start3A_231 : memref<1x1x128x16xf32, #tpu.memory_space<hbm>> -> memref<128x16xf32, #tpu.memory_space<hbm>>
        %dma_start3A_233 = arith.constant 0 : i32
        %dma_start3A_234 = arith.constant 0 : i32
        %dma_start3A_235 = tpu.memref_slice %arg6[%dma_start3A_224, %dma_start3A_233, %dma_start3A_234] : memref<3x128x16xf32, #tpu.memory_space<vmem>> -> memref<1x128x16xf32, #tpu.memory_space<vmem>>
        %dma_start3A_236 = tpu.memref_squeeze %dma_start3A_235 : memref<1x128x16xf32, #tpu.memory_space<vmem>> -> memref<128x16xf32, #tpu.memory_space<vmem>>
        %dma_start3A_237 = arith.constant 0 : i32
        %dma_start3A_238 = arith.constant 0 : i32
        %dma_start3A_239 = tpu.memref_slice %arg3[%add3A, %add3A_223, %dma_start3A_237, %dma_start3A_238] : memref<32x123x128x16xf32, #tpu.memory_space<hbm>> -> memref<1x1x128x16xf32, #tpu.memory_space<hbm>>
        %dma_start3A_240 = tpu.memref_squeeze %dma_start3A_239 : memref<1x1x128x16xf32, #tpu.memory_space<hbm>> -> memref<128x16xf32, #tpu.memory_space<hbm>>
        tpu.enqueue_dma source(%dma_start3A_240 : memref<128x16xf32, #tpu.memory_space<hbm>>) target(%dma_start3A_236 : memref<128x16xf32, #tpu.memory_space<vmem>>) target_semaphore(%arg10 : memref<!tpu.dma_semaphore, #tpu.memory_space<semaphore_mem>>)
      } else {
      }
      %mul3A_172 = arith.constant 3 : i32
      %mul3A_173 = arith.muli %add3A_75, %mul3A_172 : i32
      %add3A_174 = arith.constant 2 : i32
      %add3A_175 = arith.addi %mul3A_173, %add3A_174 : i32
      %dma_wait3A_176 = arith.constant 2 : i32
      %dma_wait3A_177 = arith.constant 0 : i32
      %dma_wait3A_178 = arith.constant 0 : i32
      %dma_wait3A_179 = tpu.memref_slice %arg6[%dma_wait3A_176, %dma_wait3A_177, %dma_wait3A_178] : memref<3x128x16xf32, #tpu.memory_space<vmem>> -> memref<1x128x16xf32, #tpu.memory_space<vmem>>
      %dma_wait3A_180 = tpu.memref_squeeze %dma_wait3A_179 : memref<1x128x16xf32, #tpu.memory_space<vmem>> -> memref<128x16xf32, #tpu.memory_space<vmem>>
      %dma_wait3A_181 = arith.constant 0 : i32
      %dma_wait3A_182 = arith.constant 0 : i32
      %dma_wait3A_183 = tpu.memref_slice %arg3[%add3A, %add3A_175, %dma_wait3A_181, %dma_wait3A_182] : memref<32x123x128x16xf32, #tpu.memory_space<hbm>> -> memref<1x1x128x16xf32, #tpu.memory_space<hbm>>
      %dma_wait3A_184 = tpu.memref_squeeze %dma_wait3A_183 : memref<1x1x128x16xf32, #tpu.memory_space<hbm>> -> memref<128x16xf32, #tpu.memory_space<hbm>>
      %dma_wait3A_185 = arith.constant 0 : i32
      %dma_wait3A_186 = arith.constant 0 : i32
      %dma_wait3A_187 = tpu.memref_slice %arg6[%dma_wait3A_176, %dma_wait3A_185, %dma_wait3A_186] : memref<3x128x16xf32, #tpu.memory_space<vmem>> -> memref<1x128x16xf32, #tpu.memory_space<vmem>>
      %dma_wait3A_188 = tpu.memref_squeeze %dma_wait3A_187 : memref<1x128x16xf32, #tpu.memory_space<vmem>> -> memref<128x16xf32, #tpu.memory_space<vmem>>
      %dma_wait3A_189 = arith.constant 0 : i32
      %dma_wait3A_190 = arith.constant 0 : i32
      %dma_wait3A_191 = tpu.memref_slice %arg3[%add3A, %add3A_175, %dma_wait3A_189, %dma_wait3A_190] : memref<32x123x128x16xf32, #tpu.memory_space<hbm>> -> memref<1x1x128x16xf32, #tpu.memory_space<hbm>>
      %dma_wait3A_192 = tpu.memref_squeeze %dma_wait3A_191 : memref<1x1x128x16xf32, #tpu.memory_space<hbm>> -> memref<128x16xf32, #tpu.memory_space<hbm>>
      tpu.wait_dma2 semaphore(%arg11 : memref<!tpu.dma_semaphore, #tpu.memory_space<semaphore_mem>>) src(%dma_wait3A_192 : memref<128x16xf32, #tpu.memory_space<hbm>>) dst(%dma_wait3A_188 : memref<128x16xf32, #tpu.memory_space<vmem>>)
      %dma_start3A_193 = arith.constant 2 : i32
      %dma_start3A_194 = arith.constant 0 : i32
      %dma_start3A_195 = arith.constant 0 : i32
      %dma_start3A_196 = tpu.memref_slice %arg6[%dma_start3A_193, %dma_start3A_194, %dma_start3A_195] : memref<3x128x16xf32, #tpu.memory_space<vmem>> -> memref<1x128x16xf32, #tpu.memory_space<vmem>>
      %dma_start3A_197 = tpu.memref_squeeze %dma_start3A_196 : memref<1x128x16xf32, #tpu.memory_space<vmem>> -> memref<128x16xf32, #tpu.memory_space<vmem>>
      %dma_start3A_198 = arith.constant 0 : i32
      %dma_start3A_199 = tpu.memref_slice %arg5[%add3A_175, %dma_start3A_198] : memref<123x128xi32, #tpu.memory_space<vmem>> -> memref<1x128xi32, #tpu.memory_space<vmem>>
      %dma_start3A_200 = tpu.memref_squeeze %dma_start3A_199 : memref<1x128xi32, #tpu.memory_space<vmem>> -> memref<128xi32, #tpu.memory_space<vmem>>
      %dma_start3A_201 = arith.constant 0 : i32
      %dma_start3A_202 = arith.constant 0 : i32
      %dma_start3A_203 = tpu.memref_slice %arg8[%dma_start3A_201, %dma_start3A_202] : memref<2048x16xf32, #tpu.memory_space<vmem_shared>> -> memref<2048x16xf32, #tpu.memory_space<vmem_shared>>
      tpu.enqueue_indirect_dma source(%dma_start3A_197 : memref<128x16xf32, #tpu.memory_space<vmem>>) target(%dma_start3A_203 : memref<2048x16xf32, #tpu.memory_space<vmem_shared>>) offsets(%dma_start3A_200 : memref<128xi32, #tpu.memory_space<vmem>>) semaphore(%arg14 : memref<!tpu.dma_semaphore, #tpu.memory_space<semaphore_mem>>) {add = true}
      %dma_wait3A_204 = arith.constant 2 : i32
      %dma_wait3A_205 = arith.constant 0 : i32
      %dma_wait3A_206 = arith.constant 0 : i32
      %dma_wait3A_207 = tpu.memref_slice %arg6[%dma_wait3A_204, %dma_wait3A_205, %dma_wait3A_206] : memref<3x128x16xf32, #tpu.memory_space<vmem>> -> memref<1x128x16xf32, #tpu.memory_space<vmem>>
      %dma_wait3A_208 = tpu.memref_squeeze %dma_wait3A_207 : memref<1x128x16xf32, #tpu.memory_space<vmem>> -> memref<128x16xf32, #tpu.memory_space<vmem>>
      %dma_wait3A_209 = arith.constant 0 : i32
      %dma_wait3A_210 = tpu.memref_slice %arg5[%add3A_175, %dma_wait3A_209] : memref<123x128xi32, #tpu.memory_space<vmem>> -> memref<1x128xi32, #tpu.memory_space<vmem>>
      %dma_wait3A_211 = tpu.memref_squeeze %dma_wait3A_210 : memref<1x128xi32, #tpu.memory_space<vmem>> -> memref<128xi32, #tpu.memory_space<vmem>>
      %dma_wait3A_212 = arith.constant 0 : i32
      %dma_wait3A_213 = arith.constant 0 : i32
      %dma_wait3A_214 = tpu.memref_slice %arg8[%dma_wait3A_212, %dma_wait3A_213] : memref<2048x16xf32, #tpu.memory_space<vmem_shared>> -> memref<2048x16xf32, #tpu.memory_space<vmem_shared>>
      tpu.wait_indirect_dma semaphore(%arg14 : memref<!tpu.dma_semaphore, #tpu.memory_space<semaphore_mem>>) src(%dma_wait3A_208 : memref<128x16xf32, #tpu.memory_space<vmem>>) dst(%dma_wait3A_214 : memref<2048x16xf32, #tpu.memory_space<vmem_shared>>)
      %add3A_215 = arith.constant 3 : i32
      %add3A_216 = arith.addi %add3A_175, %add3A_215 : i32
      %lt3A_217 = arith.constant 123 : i32
      %lt3A_218 = arith.cmpi slt, %add3A_216, %lt3A_217 : i32
      %convert_element_type3A_219 = arith.extui %lt3A_218 : i1 to i32
      %cond3A_220 = arith.constant 0 : i32
      %cond3A_221 = arith.cmpi ne, %convert_element_type3A_219, %cond3A_220 : i32
      scf.if %cond3A_221 {
        %add3A_222 = arith.constant 3 : i32
        %add3A_223 = arith.addi %add3A_175, %add3A_222 : i32
        %dma_start3A_224 = arith.constant 2 : i32
        %dma_start3A_225 = arith.constant 0 : i32
        %dma_start3A_226 = arith.constant 0 : i32
        %dma_start3A_227 = tpu.memref_slice %arg6[%dma_start3A_224, %dma_start3A_225, %dma_start3A_226] : memref<3x128x16xf32, #tpu.memory_space<vmem>> -> memref<1x128x16xf32, #tpu.memory_space<vmem>>
        %dma_start3A_228 = tpu.memref_squeeze %dma_start3A_227 : memref<1x128x16xf32, #tpu.memory_space<vmem>> -> memref<128x16xf32, #tpu.memory_space<vmem>>
        %dma_start3A_229 = arith.constant 0 : i32
        %dma_start3A_230 = arith.constant 0 : i32
        %dma_start3A_231 = tpu.memref_slice %arg3[%add3A, %add3A_223, %dma_start3A_229, %dma_start3A_230] : memref<32x123x128x16xf32, #tpu.memory_space<hbm>> -> memref<1x1x128x16xf32, #tpu.memory_space<hbm>>
        %dma_start3A_232 = tpu.memref_squeeze %dma_start3A_231 : memref<1x1x128x16xf32, #tpu.memory_space<hbm>> -> memref<128x16xf32, #tpu.memory_space<hbm>>
        %dma_start3A_233 = arith.constant 0 : i32
        %dma_start3A_234 = arith.constant 0 : i32
        %dma_start3A_235 = tpu.memref_slice %arg6[%dma_start3A_224, %dma_start3A_233, %dma_start3A_234] : memref<3x128x16xf32, #tpu.memory_space<vmem>> -> memref<1x128x16xf32, #tpu.memory_space<vmem>>
        %dma_start3A_236 = tpu.memref_squeeze %dma_start3A_235 : memref<1x128x16xf32, #tpu.memory_space<vmem>> -> memref<128x16xf32, #tpu.memory_space<vmem>>
        %dma_start3A_237 = arith.constant 0 : i32
        %dma_start3A_238 = arith.constant 0 : i32
        %dma_start3A_239 = tpu.memref_slice %arg3[%add3A, %add3A_223, %dma_start3A_237, %dma_start3A_238] : memref<32x123x128x16xf32, #tpu.memory_space<hbm>> -> memref<1x1x128x16xf32, #tpu.memory_space<hbm>>
        %dma_start3A_240 = tpu.memref_squeeze %dma_start3A_239 : memref<1x1x128x16xf32, #tpu.memory_space<hbm>> -> memref<128x16xf32, #tpu.memory_space<hbm>>
        tpu.enqueue_dma source(%dma_start3A_240 : memref<128x16xf32, #tpu.memory_space<hbm>>) target(%dma_start3A_236 : memref<128x16xf32, #tpu.memory_space<vmem>>) target_semaphore(%arg11 : memref<!tpu.dma_semaphore, #tpu.memory_space<semaphore_mem>>)
      } else {
      }
    }
    %scan3A_65 = arith.constant 41 : i32
    %barrier3A_66 = arith.constant 0 : index
    tpu.barrier barrier_id(%barrier3A_66)
    %mul3A_67 = arith.constant 128 : i32
    %mul3A_68 = arith.muli %arg1, %mul3A_67 : i32
    %mul3A_69 = arith.constant 128 : i32
    %mul3A_70 = arith.muli %arg1, %mul3A_69 : i32
    "tpu.region"() ({
      %run_scoped3A = tpu.sem_alloc : memref<!tpu.dma_semaphore, #tpu.memory_space<semaphore_mem>>
      %dma_start3A_71 = arith.constant 0 : i32
      %dma_start3A_72 = tpu.memref_slice %arg4[%arg0, %mul3A_70, %dma_start3A_71] : memref<2x2048x16xf32, #tpu.memory_space<hbm>> -> memref<1x128x16xf32, #tpu.memory_space<hbm>>
      %dma_start3A_73 = tpu.memref_squeeze %dma_start3A_72 : memref<1x128x16xf32, #tpu.memory_space<hbm>> -> memref<128x16xf32, #tpu.memory_space<hbm>>
      %dma_start3A_74 = arith.constant 0 : i32
      %dma_start3A_75 = tpu.memref_slice %arg8[%mul3A_68, %dma_start3A_74] : memref<2048x16xf32, #tpu.memory_space<vmem_shared>> -> memref<128x16xf32, #tpu.memory_space<vmem_shared>>
      tpu.enqueue_dma source(%dma_start3A_75 : memref<128x16xf32, #tpu.memory_space<vmem_shared>>) target(%dma_start3A_73 : memref<128x16xf32, #tpu.memory_space<hbm>>) target_semaphore(%run_scoped3A : memref<!tpu.dma_semaphore, #tpu.memory_space<semaphore_mem>>)
      %dma_wait3A = arith.constant 0 : i32
      %dma_wait3A_76 = tpu.memref_slice %arg4[%arg0, %mul3A_70, %dma_wait3A] : memref<2x2048x16xf32, #tpu.memory_space<hbm>> -> memref<1x128x16xf32, #tpu.memory_space<hbm>>
      %dma_wait3A_77 = tpu.memref_squeeze %dma_wait3A_76 : memref<1x128x16xf32, #tpu.memory_space<hbm>> -> memref<128x16xf32, #tpu.memory_space<hbm>>
      %dma_wait3A_78 = arith.constant 0 : i32
      %dma_wait3A_79 = tpu.memref_slice %arg8[%mul3A_68, %dma_wait3A_78] : memref<2048x16xf32, #tpu.memory_space<vmem_shared>> -> memref<128x16xf32, #tpu.memory_space<vmem_shared>>
      tpu.wait_dma2 semaphore(%run_scoped3A : memref<!tpu.dma_semaphore, #tpu.memory_space<semaphore_mem>>) src(%dma_wait3A_79 : memref<128x16xf32, #tpu.memory_space<vmem_shared>>) dst(%dma_wait3A_77 : memref<128x16xf32, #tpu.memory_space<hbm>>)
      tpu.yield
    }) : () -> ()
    return
  }
}

#map = affine_map<(d0, d1) -> (0, 0, 0)>
#map1 = affine_map<(d0, d1) -> (0, 0, 0, 0)>
module attributes {stable_mosaic.version = 14 : i64} {
  func.func @_counts_body(%arg0: i32, %arg1: i32, %arg2: memref<32x123x128xi32, #tpu.memory_space<hbm>>, %arg3: memref<32x123x128x16xf32, #tpu.memory_space<hbm>>, %arg4: memref<2x2048x16xf32, #tpu.memory_space<hbm>>, %arg5: memref<123x128xi32, #tpu.memory_space<vmem>>, %arg6: memref<3x128x16xf32, #tpu.memory_space<vmem>>, %arg7: memref<128x16xf32, #tpu.memory_space<vmem>>, %arg8: memref<2048x16xf32, #tpu.memory_space<vmem_shared>>, %arg9: memref<!tpu.dma_semaphore, #tpu.memory_space<semaphore_mem>>, %arg10: memref<!tpu.dma_semaphore, #tpu.memory_space<semaphore_mem>>, %arg11: memref<!tpu.dma_semaphore, #tpu.memory_space<semaphore_mem>>, %arg12: memref<!tpu.dma_semaphore, #tpu.memory_space<semaphore_mem>>, %arg13: memref<!tpu.dma_semaphore, #tpu.memory_space<semaphore_mem>>, %arg14: memref<!tpu.dma_semaphore, #tpu.memory_space<semaphore_mem>>) attributes {dimension_semantics = [#tpu.dimension_semantics<core_parallel>, #tpu.dimension_semantics<subcore_parallel>], iteration_bounds = array<i64: 2, 16>, scalar_prefetch = 0 : i64, scratch_operands = 10 : i64, tpu.core_type = #tpu.core_type<sc_vector_subcore>, window_params = [{transform_indices = #map}, {transform_indices = #map1}, {transform_indices = #map}]} {
    %mul3A = arith.constant 16 : i32
    %mul3A_0 = arith.muli %arg0, %mul3A : i32
    %add3A = arith.addi %mul3A_0, %arg1 : i32
    %broadcast_in_dim3A = arith.constant 0.000000e+00 : f32
    %broadcast_in_dim3A_1 = vector.broadcast %broadcast_in_dim3A : f32 to vector<16xf32>
    %scan3A = arith.constant 0 : i32
    %scan3A_2 = arith.constant 128 : i32
    %scan3A_3 = arith.addi %scan3A, %scan3A_2 : i32
    %scan3A_4 = arith.constant 1 : i32
    scf.for %scan3A_71 = %scan3A to %scan3A_3 step %scan3A_4  : i32 {
      %mul3A_72 = arith.constant 1 : i32
      %mul3A_73 = arith.muli %scan3A_71, %mul3A_72 : i32
      %add3A_74 = arith.constant 0 : i32
      %add3A_75 = arith.addi %add3A_74, %mul3A_73 : i32
      %swap3A = arith.index_cast %add3A_75 : i32 to index
      %swap3A_76 = arith.constant 0 : index
      %swap3A_77 = tpu.vector_load %arg7[%swap3A, %swap3A_76] {strides = array<i32>} : memref<128x16xf32, #tpu.memory_space<vmem>>, vector<1x16xf32>,
      %swap3A_78 = vector.shape_cast %swap3A_77 : vector<1x16xf32> to vector<16xf32>
      %swap3A_79 = vector.shape_cast %broadcast_in_dim3A_1 : vector<16xf32> to vector<1x16xf32>
      tpu.vector_store %arg7[%swap3A, %swap3A_76], %swap3A_79 {strides = array<i32>} : memref<128x16xf32, #tpu.memory_space<vmem>>, vector<1x16xf32>,
    }
    %scan3A_5 = arith.constant 128 : i32
    %mul3A_6 = arith.constant 128 : i32
    %mul3A_7 = arith.muli %arg1, %mul3A_6 : i32
    "tpu.region"() ({
      %run_scoped3A = tpu.sem_alloc : memref<!tpu.dma_semaphore, #tpu.memory_space<semaphore_mem>>
      %dma_start3A_71 = arith.constant 0 : i32
      %dma_start3A_72 = tpu.memref_slice %arg8[%mul3A_7, %dma_start3A_71] : memref<2048x16xf32, #tpu.memory_space<vmem_shared>> -> memref<128x16xf32, #tpu.memory_space<vmem_shared>>
      %dma_start3A_73 = arith.constant 0 : i32
      %dma_start3A_74 = tpu.memref_slice %arg8[%mul3A_7, %dma_start3A_73] : memref<2048x16xf32, #tpu.memory_space<vmem_shared>> -> memref<128x16xf32, #tpu.memory_space<vmem_shared>>
      tpu.enqueue_dma source(%arg7 : memref<128x16xf32, #tpu.memory_space<vmem>>) target(%dma_start3A_74 : memref<128x16xf32, #tpu.memory_space<vmem_shared>>) target_semaphore(%run_scoped3A : memref<!tpu.dma_semaphore, #tpu.memory_space<semaphore_mem>>)
      %dma_wait3A = arith.constant 0 : i32
      %dma_wait3A_75 = tpu.memref_slice %arg8[%mul3A_7, %dma_wait3A] : memref<2048x16xf32, #tpu.memory_space<vmem_shared>> -> memref<128x16xf32, #tpu.memory_space<vmem_shared>>
      %dma_wait3A_76 = arith.constant 0 : i32
      %dma_wait3A_77 = tpu.memref_slice %arg8[%mul3A_7, %dma_wait3A_76] : memref<2048x16xf32, #tpu.memory_space<vmem_shared>> -> memref<128x16xf32, #tpu.memory_space<vmem_shared>>
      tpu.wait_dma2 semaphore(%run_scoped3A : memref<!tpu.dma_semaphore, #tpu.memory_space<semaphore_mem>>) src(%arg7 : memref<128x16xf32, #tpu.memory_space<vmem>>) dst(%dma_wait3A_77 : memref<128x16xf32, #tpu.memory_space<vmem_shared>>)
      tpu.yield
    }) : () -> ()
    %barrier3A = arith.constant 0 : index
    tpu.barrier barrier_id(%barrier3A)
    "tpu.region"() ({
      %run_scoped3A = tpu.sem_alloc : memref<!tpu.dma_semaphore, #tpu.memory_space<semaphore_mem>>
      %dma_start3A_71 = arith.constant 0 : i32
      %dma_start3A_72 = arith.constant 0 : i32
      %dma_start3A_73 = tpu.memref_slice %arg2[%add3A, %dma_start3A_71, %dma_start3A_72] : memref<32x123x128xi32, #tpu.memory_space<hbm>> -> memref<1x123x128xi32, #tpu.memory_space<hbm>>
      %dma_start3A_74 = tpu.memref_squeeze %dma_start3A_73 : memref<1x123x128xi32, #tpu.memory_space<hbm>> -> memref<123x128xi32, #tpu.memory_space<hbm>>
      %dma_start3A_75 = arith.constant 0 : i32
      %dma_start3A_76 = arith.constant 0 : i32
      %dma_start3A_77 = tpu.memref_slice %arg2[%add3A, %dma_start3A_75, %dma_start3A_76] : memref<32x123x128xi32, #tpu.memory_space<hbm>> -> memref<1x123x128xi32, #tpu.memory_space<hbm>>
      %dma_start3A_78 = tpu.memref_squeeze %dma_start3A_77 : memref<1x123x128xi32, #tpu.memory_space<hbm>> -> memref<123x128xi32, #tpu.memory_space<hbm>>
      tpu.enqueue_dma source(%dma_start3A_78 : memref<123x128xi32, #tpu.memory_space<hbm>>) target(%arg5 : memref<123x128xi32, #tpu.memory_space<vmem>>) target_semaphore(%run_scoped3A : memref<!tpu.dma_semaphore, #tpu.memory_space<semaphore_mem>>)
      %dma_wait3A = arith.constant 0 : i32
      %dma_wait3A_79 = arith.constant 0 : i32
      %dma_wait3A_80 = tpu.memref_slice %arg2[%add3A, %dma_wait3A, %dma_wait3A_79] : memref<32x123x128xi32, #tpu.memory_space<hbm>> -> memref<1x123x128xi32, #tpu.memory_space<hbm>>
      %dma_wait3A_81 = tpu.memref_squeeze %dma_wait3A_80 : memref<1x123x128xi32, #tpu.memory_space<hbm>> -> memref<123x128xi32, #tpu.memory_space<hbm>>
      %dma_wait3A_82 = arith.constant 0 : i32
      %dma_wait3A_83 = arith.constant 0 : i32
      %dma_wait3A_84 = tpu.memref_slice %arg2[%add3A, %dma_wait3A_82, %dma_wait3A_83] : memref<32x123x128xi32, #tpu.memory_space<hbm>> -> memref<1x123x128xi32, #tpu.memory_space<hbm>>
      %dma_wait3A_85 = tpu.memref_squeeze %dma_wait3A_84 : memref<1x123x128xi32, #tpu.memory_space<hbm>> -> memref<123x128xi32, #tpu.memory_space<hbm>>
      tpu.wait_dma2 semaphore(%run_scoped3A : memref<!tpu.dma_semaphore, #tpu.memory_space<semaphore_mem>>) src(%dma_wait3A_85 : memref<123x128xi32, #tpu.memory_space<hbm>>) dst(%arg5 : memref<123x128xi32, #tpu.memory_space<vmem>>)
      tpu.yield
    }) : () -> ()
    %dma_start3A = arith.constant 0 : i32
    %dma_start3A_8 = arith.constant 0 : i32
    %dma_start3A_9 = arith.constant 0 : i32
    %dma_start3A_10 = arith.constant 0 : i32
    %dma_start3A_11 = tpu.memref_slice %arg6[%dma_start3A_8, %dma_start3A_9, %dma_start3A_10] : memref<3x128x16xf32, #tpu.memory_space<vmem>> -> memref<1x128x16xf32, #tpu.memory_space<vmem>>
    %dma_start3A_12 = tpu.memref_squeeze %dma_start3A_11 : memref<1x128x16xf32, #tpu.memory_space<vmem>> -> memref<128x16xf32, #tpu.memory_space<vmem>>
    %dma_start3A_13 = arith.constant 0 : i32
    %dma_start3A_14 = arith.constant 0 : i32
    %dma_start3A_15 = tpu.memref_slice %arg3[%add3A, %dma_start3A, %dma_start3A_13, %dma_start3A_14] : memref<32x123x128x16xf32, #tpu.memory_space<hbm>> -> memref<1x1x128x16xf32, #tpu.memory_space<hbm>>
    %dma_start3A_16 = tpu.memref_squeeze %dma_start3A_15 : memref<1x1x128x16xf32, #tpu.memory_space<hbm>> -> memref<128x16xf32, #tpu.memory_space<hbm>>
    %dma_start3A_17 = arith.constant 0 : i32
    %dma_start3A_18 = arith.constant 0 : i32
    %dma_start3A_19 = tpu.memref_slice %arg6[%dma_start3A_8, %dma_start3A_17, %dma_start3A_18] : memref<3x128x16xf32, #tpu.memory_space<vmem>> -> memref<1x128x16xf32, #tpu.memory_space<vmem>>
    %dma_start3A_20 = tpu.memref_squeeze %dma_start3A_19 : memref<1x128x16xf32, #tpu.memory_space<vmem>> -> memref<128x16xf32, #tpu.memory_space<vmem>>
    %dma_start3A_21 = arith.constant 0 : i32
    %dma_start3A_22 = arith.constant 0 : i32
    %dma_start3A_23 = tpu.memref_slice %arg3[%add3A, %dma_start3A, %dma_start3A_21, %dma_start3A_22] : memref<32x123x128x16xf32, #tpu.memory_space<hbm>> -> memref<1x1x128x16xf32, #tpu.memory_space<hbm>>
    %dma_start3A_24 = tpu.memref_squeeze %dma_start3A_23 : memref<1x1x128x16xf32, #tpu.memory_space<hbm>> -> memref<128x16xf32, #tpu.memory_space<hbm>>
    tpu.enqueue_dma source(%dma_start3A_24 : memref<128x16xf32, #tpu.memory_space<hbm>>) target(%dma_start3A_20 : memref<128x16xf32, #tpu.memory_space<vmem>>) target_semaphore(%arg9 : memref<!tpu.dma_semaphore, #tpu.memory_space<semaphore_mem>>)
    %dma_start3A_25 = arith.constant 1 : i32
    %dma_start3A_26 = arith.constant 1 : i32
    %dma_start3A_27 = arith.constant 0 : i32
    %dma_start3A_28 = arith.constant 0 : i32
    %dma_start3A_29 = tpu.memref_slice %arg6[%dma_start3A_26, %dma_start3A_27, %dma_start3A_28] : memref<3x128x16xf32, #tpu.memory_space<vmem>> -> memref<1x128x16xf32, #tpu.memory_space<vmem>>
    %dma_start3A_30 = tpu.memref_squeeze %dma_start3A_29 : memref<1x128x16xf32, #tpu.memory_space<vmem>> -> memref<128x16xf32, #tpu.memory_space<vmem>>
    %dma_start3A_31 = arith.constant 0 : i32
    %dma_start3A_32 = arith.constant 0 : i32
    %dma_start3A_33 = tpu.memref_slice %arg3[%add3A, %dma_start3A_25, %dma_start3A_31, %dma_start3A_32] : memref<32x123x128x16xf32, #tpu.memory_space<hbm>> -> memref<1x1x128x16xf32, #tpu.memory_space<hbm>>
    %dma_start3A_34 = tpu.memref_squeeze %dma_start3A_33 : memref<1x1x128x16xf32, #tpu.memory_space<hbm>> -> memref<128x16xf32, #tpu.memory_space<hbm>>
    %dma_start3A_35 = arith.constant 0 : i32
    %dma_start3A_36 = arith.constant 0 : i32
    %dma_start3A_37 = tpu.memref_slice %arg6[%dma_start3A_26, %dma_start3A_35, %dma_start3A_36] : memref<3x128x16xf32, #tpu.memory_space<vmem>> -> memref<1x128x16xf32, #tpu.memory_space<vmem>>
    %dma_start3A_38 = tpu.memref_squeeze %dma_start3A_37 : memref<1x128x16xf32, #tpu.memory_space<vmem>> -> memref<128x16xf32, #tpu.memory_space<vmem>>
    %dma_start3A_39 = arith.constant 0 : i32
    %dma_start3A_40 = arith.constant 0 : i32
    %dma_start3A_41 = tpu.memref_slice %arg3[%add3A, %dma_start3A_25, %dma_start3A_39, %dma_start3A_40] : memref<32x123x128x16xf32, #tpu.memory_space<hbm>> -> memref<1x1x128x16xf32, #tpu.memory_space<hbm>>
    %dma_start3A_42 = tpu.memref_squeeze %dma_start3A_41 : memref<1x1x128x16xf32, #tpu.memory_space<hbm>> -> memref<128x16xf32, #tpu.memory_space<hbm>>
    tpu.enqueue_dma source(%dma_start3A_42 : memref<128x16xf32, #tpu.memory_space<hbm>>) target(%dma_start3A_38 : memref<128x16xf32, #tpu.memory_space<vmem>>) target_semaphore(%arg10 : memref<!tpu.dma_semaphore, #tpu.memory_space<semaphore_mem>>)
    %dma_start3A_43 = arith.constant 2 : i32
    %dma_start3A_44 = arith.constant 2 : i32
    %dma_start3A_45 = arith.constant 0 : i32
    %dma_start3A_46 = arith.constant 0 : i32
    %dma_start3A_47 = tpu.memref_slice %arg6[%dma_start3A_44, %dma_start3A_45, %dma_start3A_46] : memref<3x128x16xf32, #tpu.memory_space<vmem>> -> memref<1x128x16xf32, #tpu.memory_space<vmem>>
    %dma_start3A_48 = tpu.memref_squeeze %dma_start3A_47 : memref<1x128x16xf32, #tpu.memory_space<vmem>> -> memref<128x16xf32, #tpu.memory_space<vmem>>
    %dma_start3A_49 = arith.constant 0 : i32
    %dma_start3A_50 = arith.constant 0 : i32
    %dma_start3A_51 = tpu.memref_slice %arg3[%add3A, %dma_start3A_43, %dma_start3A_49, %dma_start3A_50] : memref<32x123x128x16xf32, #tpu.memory_space<hbm>> -> memref<1x1x128x16xf32, #tpu.memory_space<hbm>>
    %dma_start3A_52 = tpu.memref_squeeze %dma_start3A_51 : memref<1x1x128x16xf32, #tpu.memory_space<hbm>> -> memref<128x16xf32, #tpu.memory_space<hbm>>
    %dma_start3A_53 = arith.constant 0 : i32
    %dma_start3A_54 = arith.constant 0 : i32
    %dma_start3A_55 = tpu.memref_slice %arg6[%dma_start3A_44, %dma_start3A_53, %dma_start3A_54] : memref<3x128x16xf32, #tpu.memory_space<vmem>> -> memref<1x128x16xf32, #tpu.memory_space<vmem>>
    %dma_start3A_56 = tpu.memref_squeeze %dma_start3A_55 : memref<1x128x16xf32, #tpu.memory_space<vmem>> -> memref<128x16xf32, #tpu.memory_space<vmem>>
    %dma_start3A_57 = arith.constant 0 : i32
    %dma_start3A_58 = arith.constant 0 : i32
    %dma_start3A_59 = tpu.memref_slice %arg3[%add3A, %dma_start3A_43, %dma_start3A_57, %dma_start3A_58] : memref<32x123x128x16xf32, #tpu.memory_space<hbm>> -> memref<1x1x128x16xf32, #tpu.memory_space<hbm>>
    %dma_start3A_60 = tpu.memref_squeeze %dma_start3A_59 : memref<1x1x128x16xf32, #tpu.memory_space<hbm>> -> memref<128x16xf32, #tpu.memory_space<hbm>>
    tpu.enqueue_dma source(%dma_start3A_60 : memref<128x16xf32, #tpu.memory_space<hbm>>) target(%dma_start3A_56 : memref<128x16xf32, #tpu.memory_space<vmem>>) target_semaphore(%arg11 : memref<!tpu.dma_semaphore, #tpu.memory_space<semaphore_mem>>)
    %scan3A_61 = arith.constant 0 : i32
    %scan3A_62 = arith.constant 41 : i32
    %scan3A_63 = arith.addi %scan3A_61, %scan3A_62 : i32
    %scan3A_64 = arith.constant 1 : i32
    scf.for %scan3A_71 = %scan3A_61 to %scan3A_63 step %scan3A_64  : i32 {
      %mul3A_72 = arith.constant 1 : i32
      %mul3A_73 = arith.muli %scan3A_71, %mul3A_72 : i32
      %add3A_74 = arith.constant 0 : i32
      %add3A_75 = arith.addi %add3A_74, %mul3A_73 : i32
      %mul3A_76 = arith.constant 3 : i32
      %mul3A_77 = arith.muli %add3A_75, %mul3A_76 : i32
      %add3A_78 = arith.constant 0 : i32
      %add3A_79 = arith.addi %mul3A_77, %add3A_78 : i32
      %dma_wait3A = arith.constant 0 : i32
      %dma_wait3A_80 = arith.constant 0 : i32
      %dma_wait3A_81 = arith.constant 0 : i32
      %dma_wait3A_82 = tpu.memref_slice %arg6[%dma_wait3A, %dma_wait3A_80, %dma_wait3A_81] : memref<3x128x16xf32, #tpu.memory_space<vmem>> -> memref<1x128x16xf32, #tpu.memory_space<vmem>>
      %dma_wait3A_83 = tpu.memref_squeeze %dma_wait3A_82 : memref<1x128x16xf32, #tpu.memory_space<vmem>> -> memref<128x16xf32, #tpu.memory_space<vmem>>
      %dma_wait3A_84 = arith.constant 0 : i32
      %dma_wait3A_85 = arith.constant 0 : i32
      %dma_wait3A_86 = tpu.memref_slice %arg3[%add3A, %add3A_79, %dma_wait3A_84, %dma_wait3A_85] : memref<32x123x128x16xf32, #tpu.memory_space<hbm>> -> memref<1x1x128x16xf32, #tpu.memory_space<hbm>>
      %dma_wait3A_87 = tpu.memref_squeeze %dma_wait3A_86 : memref<1x1x128x16xf32, #tpu.memory_space<hbm>> -> memref<128x16xf32, #tpu.memory_space<hbm>>
      %dma_wait3A_88 = arith.constant 0 : i32
      %dma_wait3A_89 = arith.constant 0 : i32
      %dma_wait3A_90 = tpu.memref_slice %arg6[%dma_wait3A, %dma_wait3A_88, %dma_wait3A_89] : memref<3x128x16xf32, #tpu.memory_space<vmem>> -> memref<1x128x16xf32, #tpu.memory_space<vmem>>
      %dma_wait3A_91 = tpu.memref_squeeze %dma_wait3A_90 : memref<1x128x16xf32, #tpu.memory_space<vmem>> -> memref<128x16xf32, #tpu.memory_space<vmem>>
      %dma_wait3A_92 = arith.constant 0 : i32
      %dma_wait3A_93 = arith.constant 0 : i32
      %dma_wait3A_94 = tpu.memref_slice %arg3[%add3A, %add3A_79, %dma_wait3A_92, %dma_wait3A_93] : memref<32x123x128x16xf32, #tpu.memory_space<hbm>> -> memref<1x1x128x16xf32, #tpu.memory_space<hbm>>
      %dma_wait3A_95 = tpu.memref_squeeze %dma_wait3A_94 : memref<1x1x128x16xf32, #tpu.memory_space<hbm>> -> memref<128x16xf32, #tpu.memory_space<hbm>>
      tpu.wait_dma2 semaphore(%arg9 : memref<!tpu.dma_semaphore, #tpu.memory_space<semaphore_mem>>) src(%dma_wait3A_95 : memref<128x16xf32, #tpu.memory_space<hbm>>) dst(%dma_wait3A_91 : memref<128x16xf32, #tpu.memory_space<vmem>>)
      %dma_start3A_96 = arith.constant 0 : i32
      %dma_start3A_97 = arith.constant 0 : i32
      %dma_start3A_98 = arith.constant 0 : i32
      %dma_start3A_99 = tpu.memref_slice %arg6[%dma_start3A_96, %dma_start3A_97, %dma_start3A_98] : memref<3x128x16xf32, #tpu.memory_space<vmem>> -> memref<1x128x16xf32, #tpu.memory_space<vmem>>
      %dma_start3A_100 = tpu.memref_squeeze %dma_start3A_99 : memref<1x128x16xf32, #tpu.memory_space<vmem>> -> memref<128x16xf32, #tpu.memory_space<vmem>>
      %dma_start3A_101 = arith.constant 0 : i32
      %dma_start3A_102 = tpu.memref_slice %arg5[%add3A_79, %dma_start3A_101] : memref<123x128xi32, #tpu.memory_space<vmem>> -> memref<1x128xi32, #tpu.memory_space<vmem>>
      %dma_start3A_103 = tpu.memref_squeeze %dma_start3A_102 : memref<1x128xi32, #tpu.memory_space<vmem>> -> memref<128xi32, #tpu.memory_space<vmem>>
      %dma_start3A_104 = arith.constant 0 : i32
      %dma_start3A_105 = arith.constant 0 : i32
      %dma_start3A_106 = tpu.memref_slice %arg8[%dma_start3A_104, %dma_start3A_105] : memref<2048x16xf32, #tpu.memory_space<vmem_shared>> -> memref<2048x16xf32, #tpu.memory_space<vmem_shared>>
      tpu.enqueue_indirect_dma source(%dma_start3A_100 : memref<128x16xf32, #tpu.memory_space<vmem>>) target(%dma_start3A_106 : memref<2048x16xf32, #tpu.memory_space<vmem_shared>>) offsets(%dma_start3A_103 : memref<128xi32, #tpu.memory_space<vmem>>) semaphore(%arg12 : memref<!tpu.dma_semaphore, #tpu.memory_space<semaphore_mem>>) {add = true}
      %dma_wait3A_107 = arith.constant 0 : i32
      %dma_wait3A_108 = arith.constant 0 : i32
      %dma_wait3A_109 = arith.constant 0 : i32
      %dma_wait3A_110 = tpu.memref_slice %arg6[%dma_wait3A_107, %dma_wait3A_108, %dma_wait3A_109] : memref<3x128x16xf32, #tpu.memory_space<vmem>> -> memref<1x128x16xf32, #tpu.memory_space<vmem>>
      %dma_wait3A_111 = tpu.memref_squeeze %dma_wait3A_110 : memref<1x128x16xf32, #tpu.memory_space<vmem>> -> memref<128x16xf32, #tpu.memory_space<vmem>>
      %dma_wait3A_112 = arith.constant 0 : i32
      %dma_wait3A_113 = tpu.memref_slice %arg5[%add3A_79, %dma_wait3A_112] : memref<123x128xi32, #tpu.memory_space<vmem>> -> memref<1x128xi32, #tpu.memory_space<vmem>>
      %dma_wait3A_114 = tpu.memref_squeeze %dma_wait3A_113 : memref<1x128xi32, #tpu.memory_space<vmem>> -> memref<128xi32, #tpu.memory_space<vmem>>
      %dma_wait3A_115 = arith.constant 0 : i32
      %dma_wait3A_116 = arith.constant 0 : i32
      %dma_wait3A_117 = tpu.memref_slice %arg8[%dma_wait3A_115, %dma_wait3A_116] : memref<2048x16xf32, #tpu.memory_space<vmem_shared>> -> memref<2048x16xf32, #tpu.memory_space<vmem_shared>>
      tpu.wait_indirect_dma semaphore(%arg12 : memref<!tpu.dma_semaphore, #tpu.memory_space<semaphore_mem>>) src(%dma_wait3A_111 : memref<128x16xf32, #tpu.memory_space<vmem>>) dst(%dma_wait3A_117 : memref<2048x16xf32, #tpu.memory_space<vmem_shared>>)
      %add3A_118 = arith.constant 3 : i32
      %add3A_119 = arith.addi %add3A_79, %add3A_118 : i32
      %lt3A = arith.constant 123 : i32
      %lt3A_120 = arith.cmpi slt, %add3A_119, %lt3A : i32
      %convert_element_type3A = arith.extui %lt3A_120 : i1 to i32
      %cond3A = arith.constant 0 : i32
      %cond3A_121 = arith.cmpi ne, %convert_element_type3A, %cond3A : i32
      scf.if %cond3A_121 {
        %add3A_222 = arith.constant 3 : i32
        %add3A_223 = arith.addi %add3A_79, %add3A_222 : i32
        %dma_start3A_224 = arith.constant 0 : i32
        %dma_start3A_225 = arith.constant 0 : i32
        %dma_start3A_226 = arith.constant 0 : i32
        %dma_start3A_227 = tpu.memref_slice %arg6[%dma_start3A_224, %dma_start3A_225, %dma_start3A_226] : memref<3x128x16xf32, #tpu.memory_space<vmem>> -> memref<1x128x16xf32, #tpu.memory_space<vmem>>
        %dma_start3A_228 = tpu.memref_squeeze %dma_start3A_227 : memref<1x128x16xf32, #tpu.memory_space<vmem>> -> memref<128x16xf32, #tpu.memory_space<vmem>>
        %dma_start3A_229 = arith.constant 0 : i32
        %dma_start3A_230 = arith.constant 0 : i32
        %dma_start3A_231 = tpu.memref_slice %arg3[%add3A, %add3A_223, %dma_start3A_229, %dma_start3A_230] : memref<32x123x128x16xf32, #tpu.memory_space<hbm>> -> memref<1x1x128x16xf32, #tpu.memory_space<hbm>>
        %dma_start3A_232 = tpu.memref_squeeze %dma_start3A_231 : memref<1x1x128x16xf32, #tpu.memory_space<hbm>> -> memref<128x16xf32, #tpu.memory_space<hbm>>
        %dma_start3A_233 = arith.constant 0 : i32
        %dma_start3A_234 = arith.constant 0 : i32
        %dma_start3A_235 = tpu.memref_slice %arg6[%dma_start3A_224, %dma_start3A_233, %dma_start3A_234] : memref<3x128x16xf32, #tpu.memory_space<vmem>> -> memref<1x128x16xf32, #tpu.memory_space<vmem>>
        %dma_start3A_236 = tpu.memref_squeeze %dma_start3A_235 : memref<1x128x16xf32, #tpu.memory_space<vmem>> -> memref<128x16xf32, #tpu.memory_space<vmem>>
        %dma_start3A_237 = arith.constant 0 : i32
        %dma_start3A_238 = arith.constant 0 : i32
        %dma_start3A_239 = tpu.memref_slice %arg3[%add3A, %add3A_223, %dma_start3A_237, %dma_start3A_238] : memref<32x123x128x16xf32, #tpu.memory_space<hbm>> -> memref<1x1x128x16xf32, #tpu.memory_space<hbm>>
        %dma_start3A_240 = tpu.memref_squeeze %dma_start3A_239 : memref<1x1x128x16xf32, #tpu.memory_space<hbm>> -> memref<128x16xf32, #tpu.memory_space<hbm>>
        tpu.enqueue_dma source(%dma_start3A_240 : memref<128x16xf32, #tpu.memory_space<hbm>>) target(%dma_start3A_236 : memref<128x16xf32, #tpu.memory_space<vmem>>) target_semaphore(%arg9 : memref<!tpu.dma_semaphore, #tpu.memory_space<semaphore_mem>>)
      } else {
      }
      %mul3A_122 = arith.constant 3 : i32
      %mul3A_123 = arith.muli %add3A_75, %mul3A_122 : i32
      %add3A_124 = arith.constant 1 : i32
      %add3A_125 = arith.addi %mul3A_123, %add3A_124 : i32
      %dma_wait3A_126 = arith.constant 1 : i32
      %dma_wait3A_127 = arith.constant 0 : i32
      %dma_wait3A_128 = arith.constant 0 : i32
      %dma_wait3A_129 = tpu.memref_slice %arg6[%dma_wait3A_126, %dma_wait3A_127, %dma_wait3A_128] : memref<3x128x16xf32, #tpu.memory_space<vmem>> -> memref<1x128x16xf32, #tpu.memory_space<vmem>>
      %dma_wait3A_130 = tpu.memref_squeeze %dma_wait3A_129 : memref<1x128x16xf32, #tpu.memory_space<vmem>> -> memref<128x16xf32, #tpu.memory_space<vmem>>
      %dma_wait3A_131 = arith.constant 0 : i32
      %dma_wait3A_132 = arith.constant 0 : i32
      %dma_wait3A_133 = tpu.memref_slice %arg3[%add3A, %add3A_125, %dma_wait3A_131, %dma_wait3A_132] : memref<32x123x128x16xf32, #tpu.memory_space<hbm>> -> memref<1x1x128x16xf32, #tpu.memory_space<hbm>>
      %dma_wait3A_134 = tpu.memref_squeeze %dma_wait3A_133 : memref<1x1x128x16xf32, #tpu.memory_space<hbm>> -> memref<128x16xf32, #tpu.memory_space<hbm>>
      %dma_wait3A_135 = arith.constant 0 : i32
      %dma_wait3A_136 = arith.constant 0 : i32
      %dma_wait3A_137 = tpu.memref_slice %arg6[%dma_wait3A_126, %dma_wait3A_135, %dma_wait3A_136] : memref<3x128x16xf32, #tpu.memory_space<vmem>> -> memref<1x128x16xf32, #tpu.memory_space<vmem>>
      %dma_wait3A_138 = tpu.memref_squeeze %dma_wait3A_137 : memref<1x128x16xf32, #tpu.memory_space<vmem>> -> memref<128x16xf32, #tpu.memory_space<vmem>>
      %dma_wait3A_139 = arith.constant 0 : i32
      %dma_wait3A_140 = arith.constant 0 : i32
      %dma_wait3A_141 = tpu.memref_slice %arg3[%add3A, %add3A_125, %dma_wait3A_139, %dma_wait3A_140] : memref<32x123x128x16xf32, #tpu.memory_space<hbm>> -> memref<1x1x128x16xf32, #tpu.memory_space<hbm>>
      %dma_wait3A_142 = tpu.memref_squeeze %dma_wait3A_141 : memref<1x1x128x16xf32, #tpu.memory_space<hbm>> -> memref<128x16xf32, #tpu.memory_space<hbm>>
      tpu.wait_dma2 semaphore(%arg10 : memref<!tpu.dma_semaphore, #tpu.memory_space<semaphore_mem>>) src(%dma_wait3A_142 : memref<128x16xf32, #tpu.memory_space<hbm>>) dst(%dma_wait3A_138 : memref<128x16xf32, #tpu.memory_space<vmem>>)
      %dma_start3A_143 = arith.constant 1 : i32
      %dma_start3A_144 = arith.constant 0 : i32
      %dma_start3A_145 = arith.constant 0 : i32
      %dma_start3A_146 = tpu.memref_slice %arg6[%dma_start3A_143, %dma_start3A_144, %dma_start3A_145] : memref<3x128x16xf32, #tpu.memory_space<vmem>> -> memref<1x128x16xf32, #tpu.memory_space<vmem>>
      %dma_start3A_147 = tpu.memref_squeeze %dma_start3A_146 : memref<1x128x16xf32, #tpu.memory_space<vmem>> -> memref<128x16xf32, #tpu.memory_space<vmem>>
      %dma_start3A_148 = arith.constant 0 : i32
      %dma_start3A_149 = tpu.memref_slice %arg5[%add3A_125, %dma_start3A_148] : memref<123x128xi32, #tpu.memory_space<vmem>> -> memref<1x128xi32, #tpu.memory_space<vmem>>
      %dma_start3A_150 = tpu.memref_squeeze %dma_start3A_149 : memref<1x128xi32, #tpu.memory_space<vmem>> -> memref<128xi32, #tpu.memory_space<vmem>>
      %dma_start3A_151 = arith.constant 0 : i32
      %dma_start3A_152 = arith.constant 0 : i32
      %dma_start3A_153 = tpu.memref_slice %arg8[%dma_start3A_151, %dma_start3A_152] : memref<2048x16xf32, #tpu.memory_space<vmem_shared>> -> memref<2048x16xf32, #tpu.memory_space<vmem_shared>>
      tpu.enqueue_indirect_dma source(%dma_start3A_147 : memref<128x16xf32, #tpu.memory_space<vmem>>) target(%dma_start3A_153 : memref<2048x16xf32, #tpu.memory_space<vmem_shared>>) offsets(%dma_start3A_150 : memref<128xi32, #tpu.memory_space<vmem>>) semaphore(%arg13 : memref<!tpu.dma_semaphore, #tpu.memory_space<semaphore_mem>>) {add = true}
      %dma_wait3A_154 = arith.constant 1 : i32
      %dma_wait3A_155 = arith.constant 0 : i32
      %dma_wait3A_156 = arith.constant 0 : i32
      %dma_wait3A_157 = tpu.memref_slice %arg6[%dma_wait3A_154, %dma_wait3A_155, %dma_wait3A_156] : memref<3x128x16xf32, #tpu.memory_space<vmem>> -> memref<1x128x16xf32, #tpu.memory_space<vmem>>
      %dma_wait3A_158 = tpu.memref_squeeze %dma_wait3A_157 : memref<1x128x16xf32, #tpu.memory_space<vmem>> -> memref<128x16xf32, #tpu.memory_space<vmem>>
      %dma_wait3A_159 = arith.constant 0 : i32
      %dma_wait3A_160 = tpu.memref_slice %arg5[%add3A_125, %dma_wait3A_159] : memref<123x128xi32, #tpu.memory_space<vmem>> -> memref<1x128xi32, #tpu.memory_space<vmem>>
      %dma_wait3A_161 = tpu.memref_squeeze %dma_wait3A_160 : memref<1x128xi32, #tpu.memory_space<vmem>> -> memref<128xi32, #tpu.memory_space<vmem>>
      %dma_wait3A_162 = arith.constant 0 : i32
      %dma_wait3A_163 = arith.constant 0 : i32
      %dma_wait3A_164 = tpu.memref_slice %arg8[%dma_wait3A_162, %dma_wait3A_163] : memref<2048x16xf32, #tpu.memory_space<vmem_shared>> -> memref<2048x16xf32, #tpu.memory_space<vmem_shared>>
      tpu.wait_indirect_dma semaphore(%arg13 : memref<!tpu.dma_semaphore, #tpu.memory_space<semaphore_mem>>) src(%dma_wait3A_158 : memref<128x16xf32, #tpu.memory_space<vmem>>) dst(%dma_wait3A_164 : memref<2048x16xf32, #tpu.memory_space<vmem_shared>>)
      %add3A_165 = arith.constant 3 : i32
      %add3A_166 = arith.addi %add3A_125, %add3A_165 : i32
      %lt3A_167 = arith.constant 123 : i32
      %lt3A_168 = arith.cmpi slt, %add3A_166, %lt3A_167 : i32
      %convert_element_type3A_169 = arith.extui %lt3A_168 : i1 to i32
      %cond3A_170 = arith.constant 0 : i32
      %cond3A_171 = arith.cmpi ne, %convert_element_type3A_169, %cond3A_170 : i32
      scf.if %cond3A_171 {
        %add3A_222 = arith.constant 3 : i32
        %add3A_223 = arith.addi %add3A_125, %add3A_222 : i32
        %dma_start3A_224 = arith.constant 1 : i32
        %dma_start3A_225 = arith.constant 0 : i32
        %dma_start3A_226 = arith.constant 0 : i32
        %dma_start3A_227 = tpu.memref_slice %arg6[%dma_start3A_224, %dma_start3A_225, %dma_start3A_226] : memref<3x128x16xf32, #tpu.memory_space<vmem>> -> memref<1x128x16xf32, #tpu.memory_space<vmem>>
        %dma_start3A_228 = tpu.memref_squeeze %dma_start3A_227 : memref<1x128x16xf32, #tpu.memory_space<vmem>> -> memref<128x16xf32, #tpu.memory_space<vmem>>
        %dma_start3A_229 = arith.constant 0 : i32
        %dma_start3A_230 = arith.constant 0 : i32
        %dma_start3A_231 = tpu.memref_slice %arg3[%add3A, %add3A_223, %dma_start3A_229, %dma_start3A_230] : memref<32x123x128x16xf32, #tpu.memory_space<hbm>> -> memref<1x1x128x16xf32, #tpu.memory_space<hbm>>
        %dma_start3A_232 = tpu.memref_squeeze %dma_start3A_231 : memref<1x1x128x16xf32, #tpu.memory_space<hbm>> -> memref<128x16xf32, #tpu.memory_space<hbm>>
        %dma_start3A_233 = arith.constant 0 : i32
        %dma_start3A_234 = arith.constant 0 : i32
        %dma_start3A_235 = tpu.memref_slice %arg6[%dma_start3A_224, %dma_start3A_233, %dma_start3A_234] : memref<3x128x16xf32, #tpu.memory_space<vmem>> -> memref<1x128x16xf32, #tpu.memory_space<vmem>>
        %dma_start3A_236 = tpu.memref_squeeze %dma_start3A_235 : memref<1x128x16xf32, #tpu.memory_space<vmem>> -> memref<128x16xf32, #tpu.memory_space<vmem>>
        %dma_start3A_237 = arith.constant 0 : i32
        %dma_start3A_238 = arith.constant 0 : i32
        %dma_start3A_239 = tpu.memref_slice %arg3[%add3A, %add3A_223, %dma_start3A_237, %dma_start3A_238] : memref<32x123x128x16xf32, #tpu.memory_space<hbm>> -> memref<1x1x128x16xf32, #tpu.memory_space<hbm>>
        %dma_start3A_240 = tpu.memref_squeeze %dma_start3A_239 : memref<1x1x128x16xf32, #tpu.memory_space<hbm>> -> memref<128x16xf32, #tpu.memory_space<hbm>>
        tpu.enqueue_dma source(%dma_start3A_240 : memref<128x16xf32, #tpu.memory_space<hbm>>) target(%dma_start3A_236 : memref<128x16xf32, #tpu.memory_space<vmem>>) target_semaphore(%arg10 : memref<!tpu.dma_semaphore, #tpu.memory_space<semaphore_mem>>)
      } else {
      }
      %mul3A_172 = arith.constant 3 : i32
      %mul3A_173 = arith.muli %add3A_75, %mul3A_172 : i32
      %add3A_174 = arith.constant 2 : i32
      %add3A_175 = arith.addi %mul3A_173, %add3A_174 : i32
      %dma_wait3A_176 = arith.constant 2 : i32
      %dma_wait3A_177 = arith.constant 0 : i32
      %dma_wait3A_178 = arith.constant 0 : i32
      %dma_wait3A_179 = tpu.memref_slice %arg6[%dma_wait3A_176, %dma_wait3A_177, %dma_wait3A_178] : memref<3x128x16xf32, #tpu.memory_space<vmem>> -> memref<1x128x16xf32, #tpu.memory_space<vmem>>
      %dma_wait3A_180 = tpu.memref_squeeze %dma_wait3A_179 : memref<1x128x16xf32, #tpu.memory_space<vmem>> -> memref<128x16xf32, #tpu.memory_space<vmem>>
      %dma_wait3A_181 = arith.constant 0 : i32
      %dma_wait3A_182 = arith.constant 0 : i32
      %dma_wait3A_183 = tpu.memref_slice %arg3[%add3A, %add3A_175, %dma_wait3A_181, %dma_wait3A_182] : memref<32x123x128x16xf32, #tpu.memory_space<hbm>> -> memref<1x1x128x16xf32, #tpu.memory_space<hbm>>
      %dma_wait3A_184 = tpu.memref_squeeze %dma_wait3A_183 : memref<1x1x128x16xf32, #tpu.memory_space<hbm>> -> memref<128x16xf32, #tpu.memory_space<hbm>>
      %dma_wait3A_185 = arith.constant 0 : i32
      %dma_wait3A_186 = arith.constant 0 : i32
      %dma_wait3A_187 = tpu.memref_slice %arg6[%dma_wait3A_176, %dma_wait3A_185, %dma_wait3A_186] : memref<3x128x16xf32, #tpu.memory_space<vmem>> -> memref<1x128x16xf32, #tpu.memory_space<vmem>>
      %dma_wait3A_188 = tpu.memref_squeeze %dma_wait3A_187 : memref<1x128x16xf32, #tpu.memory_space<vmem>> -> memref<128x16xf32, #tpu.memory_space<vmem>>
      %dma_wait3A_189 = arith.constant 0 : i32
      %dma_wait3A_190 = arith.constant 0 : i32
      %dma_wait3A_191 = tpu.memref_slice %arg3[%add3A, %add3A_175, %dma_wait3A_189, %dma_wait3A_190] : memref<32x123x128x16xf32, #tpu.memory_space<hbm>> -> memref<1x1x128x16xf32, #tpu.memory_space<hbm>>
      %dma_wait3A_192 = tpu.memref_squeeze %dma_wait3A_191 : memref<1x1x128x16xf32, #tpu.memory_space<hbm>> -> memref<128x16xf32, #tpu.memory_space<hbm>>
      tpu.wait_dma2 semaphore(%arg11 : memref<!tpu.dma_semaphore, #tpu.memory_space<semaphore_mem>>) src(%dma_wait3A_192 : memref<128x16xf32, #tpu.memory_space<hbm>>) dst(%dma_wait3A_188 : memref<128x16xf32, #tpu.memory_space<vmem>>)
      %dma_start3A_193 = arith.constant 2 : i32
      %dma_start3A_194 = arith.constant 0 : i32
      %dma_start3A_195 = arith.constant 0 : i32
      %dma_start3A_196 = tpu.memref_slice %arg6[%dma_start3A_193, %dma_start3A_194, %dma_start3A_195] : memref<3x128x16xf32, #tpu.memory_space<vmem>> -> memref<1x128x16xf32, #tpu.memory_space<vmem>>
      %dma_start3A_197 = tpu.memref_squeeze %dma_start3A_196 : memref<1x128x16xf32, #tpu.memory_space<vmem>> -> memref<128x16xf32, #tpu.memory_space<vmem>>
      %dma_start3A_198 = arith.constant 0 : i32
      %dma_start3A_199 = tpu.memref_slice %arg5[%add3A_175, %dma_start3A_198] : memref<123x128xi32, #tpu.memory_space<vmem>> -> memref<1x128xi32, #tpu.memory_space<vmem>>
      %dma_start3A_200 = tpu.memref_squeeze %dma_start3A_199 : memref<1x128xi32, #tpu.memory_space<vmem>> -> memref<128xi32, #tpu.memory_space<vmem>>
      %dma_start3A_201 = arith.constant 0 : i32
      %dma_start3A_202 = arith.constant 0 : i32
      %dma_start3A_203 = tpu.memref_slice %arg8[%dma_start3A_201, %dma_start3A_202] : memref<2048x16xf32, #tpu.memory_space<vmem_shared>> -> memref<2048x16xf32, #tpu.memory_space<vmem_shared>>
      tpu.enqueue_indirect_dma source(%dma_start3A_197 : memref<128x16xf32, #tpu.memory_space<vmem>>) target(%dma_start3A_203 : memref<2048x16xf32, #tpu.memory_space<vmem_shared>>) offsets(%dma_start3A_200 : memref<128xi32, #tpu.memory_space<vmem>>) semaphore(%arg14 : memref<!tpu.dma_semaphore, #tpu.memory_space<semaphore_mem>>) {add = true}
      %dma_wait3A_204 = arith.constant 2 : i32
      %dma_wait3A_205 = arith.constant 0 : i32
      %dma_wait3A_206 = arith.constant 0 : i32
      %dma_wait3A_207 = tpu.memref_slice %arg6[%dma_wait3A_204, %dma_wait3A_205, %dma_wait3A_206] : memref<3x128x16xf32, #tpu.memory_space<vmem>> -> memref<1x128x16xf32, #tpu.memory_space<vmem>>
      %dma_wait3A_208 = tpu.memref_squeeze %dma_wait3A_207 : memref<1x128x16xf32, #tpu.memory_space<vmem>> -> memref<128x16xf32, #tpu.memory_space<vmem>>
      %dma_wait3A_209 = arith.constant 0 : i32
      %dma_wait3A_210 = tpu.memref_slice %arg5[%add3A_175, %dma_wait3A_209] : memref<123x128xi32, #tpu.memory_space<vmem>> -> memref<1x128xi32, #tpu.memory_space<vmem>>
      %dma_wait3A_211 = tpu.memref_squeeze %dma_wait3A_210 : memref<1x128xi32, #tpu.memory_space<vmem>> -> memref<128xi32, #tpu.memory_space<vmem>>
      %dma_wait3A_212 = arith.constant 0 : i32
      %dma_wait3A_213 = arith.constant 0 : i32
      %dma_wait3A_214 = tpu.memref_slice %arg8[%dma_wait3A_212, %dma_wait3A_213] : memref<2048x16xf32, #tpu.memory_space<vmem_shared>> -> memref<2048x16xf32, #tpu.memory_space<vmem_shared>>
      tpu.wait_indirect_dma semaphore(%arg14 : memref<!tpu.dma_semaphore, #tpu.memory_space<semaphore_mem>>) src(%dma_wait3A_208 : memref<128x16xf32, #tpu.memory_space<vmem>>) dst(%dma_wait3A_214 : memref<2048x16xf32, #tpu.memory_space<vmem_shared>>)
      %add3A_215 = arith.constant 3 : i32
      %add3A_216 = arith.addi %add3A_175, %add3A_215 : i32
      %lt3A_217 = arith.constant 123 : i32
      %lt3A_218 = arith.cmpi slt, %add3A_216, %lt3A_217 : i32
      %convert_element_type3A_219 = arith.extui %lt3A_218 : i1 to i32
      %cond3A_220 = arith.constant 0 : i32
      %cond3A_221 = arith.cmpi ne, %convert_element_type3A_219, %cond3A_220 : i32
      scf.if %cond3A_221 {
        %add3A_222 = arith.constant 3 : i32
        %add3A_223 = arith.addi %add3A_175, %add3A_222 : i32
        %dma_start3A_224 = arith.constant 2 : i32
        %dma_start3A_225 = arith.constant 0 : i32
        %dma_start3A_226 = arith.constant 0 : i32
        %dma_start3A_227 = tpu.memref_slice %arg6[%dma_start3A_224, %dma_start3A_225, %dma_start3A_226] : memref<3x128x16xf32, #tpu.memory_space<vmem>> -> memref<1x128x16xf32, #tpu.memory_space<vmem>>
        %dma_start3A_228 = tpu.memref_squeeze %dma_start3A_227 : memref<1x128x16xf32, #tpu.memory_space<vmem>> -> memref<128x16xf32, #tpu.memory_space<vmem>>
        %dma_start3A_229 = arith.constant 0 : i32
        %dma_start3A_230 = arith.constant 0 : i32
        %dma_start3A_231 = tpu.memref_slice %arg3[%add3A, %add3A_223, %dma_start3A_229, %dma_start3A_230] : memref<32x123x128x16xf32, #tpu.memory_space<hbm>> -> memref<1x1x128x16xf32, #tpu.memory_space<hbm>>
        %dma_start3A_232 = tpu.memref_squeeze %dma_start3A_231 : memref<1x1x128x16xf32, #tpu.memory_space<hbm>> -> memref<128x16xf32, #tpu.memory_space<hbm>>
        %dma_start3A_233 = arith.constant 0 : i32
        %dma_start3A_234 = arith.constant 0 : i32
        %dma_start3A_235 = tpu.memref_slice %arg6[%dma_start3A_224, %dma_start3A_233, %dma_start3A_234] : memref<3x128x16xf32, #tpu.memory_space<vmem>> -> memref<1x128x16xf32, #tpu.memory_space<vmem>>
        %dma_start3A_236 = tpu.memref_squeeze %dma_start3A_235 : memref<1x128x16xf32, #tpu.memory_space<vmem>> -> memref<128x16xf32, #tpu.memory_space<vmem>>
        %dma_start3A_237 = arith.constant 0 : i32
        %dma_start3A_238 = arith.constant 0 : i32
        %dma_start3A_239 = tpu.memref_slice %arg3[%add3A, %add3A_223, %dma_start3A_237, %dma_start3A_238] : memref<32x123x128x16xf32, #tpu.memory_space<hbm>> -> memref<1x1x128x16xf32, #tpu.memory_space<hbm>>
        %dma_start3A_240 = tpu.memref_squeeze %dma_start3A_239 : memref<1x1x128x16xf32, #tpu.memory_space<hbm>> -> memref<128x16xf32, #tpu.memory_space<hbm>>
        tpu.enqueue_dma source(%dma_start3A_240 : memref<128x16xf32, #tpu.memory_space<hbm>>) target(%dma_start3A_236 : memref<128x16xf32, #tpu.memory_space<vmem>>) target_semaphore(%arg11 : memref<!tpu.dma_semaphore, #tpu.memory_space<semaphore_mem>>)
      } else {
      }
    }
    %scan3A_65 = arith.constant 41 : i32
    %barrier3A_66 = arith.constant 0 : index
    tpu.barrier barrier_id(%barrier3A_66)
    %mul3A_67 = arith.constant 128 : i32
    %mul3A_68 = arith.muli %arg1, %mul3A_67 : i32
    %mul3A_69 = arith.constant 128 : i32
    %mul3A_70 = arith.muli %arg1, %mul3A_69 : i32
    "tpu.region"() ({
      %run_scoped3A = tpu.sem_alloc : memref<!tpu.dma_semaphore, #tpu.memory_space<semaphore_mem>>
      %dma_start3A_71 = arith.constant 0 : i32
      %dma_start3A_72 = tpu.memref_slice %arg4[%arg0, %mul3A_70, %dma_start3A_71] : memref<2x2048x16xf32, #tpu.memory_space<hbm>> -> memref<1x128x16xf32, #tpu.memory_space<hbm>>
      %dma_start3A_73 = tpu.memref_squeeze %dma_start3A_72 : memref<1x128x16xf32, #tpu.memory_space<hbm>> -> memref<128x16xf32, #tpu.memory_space<hbm>>
      %dma_start3A_74 = arith.constant 0 : i32
      %dma_start3A_75 = tpu.memref_slice %arg8[%mul3A_68, %dma_start3A_74] : memref<2048x16xf32, #tpu.memory_space<vmem_shared>> -> memref<128x16xf32, #tpu.memory_space<vmem_shared>>
      tpu.enqueue_dma source(%dma_start3A_75 : memref<128x16xf32, #tpu.memory_space<vmem_shared>>) target(%dma_start3A_73 : memref<128x16xf32, #tpu.memory_space<hbm>>) target_semaphore(%run_scoped3A : memref<!tpu.dma_semaphore, #tpu.memory_space<semaphore_mem>>)
      %dma_wait3A = arith.constant 0 : i32
      %dma_wait3A_76 = tpu.memref_slice %arg4[%arg0, %mul3A_70, %dma_wait3A] : memref<2x2048x16xf32, #tpu.memory_space<hbm>> -> memref<1x128x16xf32, #tpu.memory_space<hbm>>
      %dma_wait3A_77 = tpu.memref_squeeze %dma_wait3A_76 : memref<1x128x16xf32, #tpu.memory_space<hbm>> -> memref<128x16xf32, #tpu.memory_space<hbm>>
      %dma_wait3A_78 = arith.constant 0 : i32
      %dma_wait3A_79 = tpu.memref_slice %arg8[%mul3A_68, %dma_wait3A_78] : memref<2048x16xf32, #tpu.memory_space<vmem_shared>> -> memref<128x16xf32, #tpu.memory_space<vmem_shared>>
      tpu.wait_dma2 semaphore(%run_scoped3A : memref<!tpu.dma_semaphore, #tpu.memory_space<semaphore_mem>>) src(%dma_wait3A_79 : memref<128x16xf32, #tpu.memory_space<vmem_shared>>) dst(%dma_wait3A_77 : memref<128x16xf32, #tpu.memory_space<hbm>>)
      tpu.yield
    }) : () -> ()
    return
  }
}

#map = affine_map<(d0, d1) -> (0, 0, 0)>
module attributes {stable_mosaic.version = 14 : i64} {
  func.func @_segsum_body(%arg0: i32, %arg1: i32, %arg2: memref<16x245x128xi32, #tpu.memory_space<hbm>>, %arg3: memref<16x245x128xi32, #tpu.memory_space<hbm>>, %arg4: memref<2x10000x64xf32, #tpu.memory_space<hbm>>, %arg5: memref<2x10000x64xf32, #tpu.memory_space<hbm>>, %arg6: memref<245x128xi32, #tpu.memory_space<vmem>>, %arg7: memref<245x128xi32, #tpu.memory_space<vmem>>, %arg8: memref<3x128x64xf32, #tpu.memory_space<vmem>>, %arg9: memref<10000x64xf32, #tpu.memory_space<vmem_shared>>, %arg10: memref<!tpu.dma_semaphore, #tpu.memory_space<semaphore_mem>>, %arg11: memref<!tpu.dma_semaphore, #tpu.memory_space<semaphore_mem>>, %arg12: memref<!tpu.dma_semaphore, #tpu.memory_space<semaphore_mem>>, %arg13: memref<!tpu.dma_semaphore, #tpu.memory_space<semaphore_mem>>, %arg14: memref<!tpu.dma_semaphore, #tpu.memory_space<semaphore_mem>>, %arg15: memref<!tpu.dma_semaphore, #tpu.memory_space<semaphore_mem>>) attributes {dimension_semantics = [#tpu.dimension_semantics<core_parallel>, #tpu.dimension_semantics<subcore_parallel>], iteration_bounds = array<i64: 2, 16>, scalar_prefetch = 0 : i64, scratch_operands = 10 : i64, tpu.core_type = #tpu.core_type<sc_vector_subcore>, window_params = [{transform_indices = #map}, {transform_indices = #map}, {transform_indices = #map}, {transform_indices = #map}]} {
    %broadcast_in_dim3A = arith.constant 0.000000e+00 : f32
    %broadcast_in_dim3A_0 = vector.broadcast %broadcast_in_dim3A : f32 to vector<16xf32>
    %scan3A = arith.constant 0 : i32
    %scan3A_1 = arith.constant 128 : i32
    %scan3A_2 = arith.addi %scan3A, %scan3A_1 : i32
    %scan3A_3 = arith.constant 1 : i32
    scf.for %scan3A_135 = %scan3A to %scan3A_2 step %scan3A_3  : i32 {
      %mul3A_136 = arith.constant 1 : i32
      %mul3A_137 = arith.muli %scan3A_135, %mul3A_136 : i32
      %add3A_138 = arith.constant 0 : i32
      %add3A_139 = arith.addi %add3A_138, %mul3A_137 : i32
      %swap3A = arith.constant 0 : i32
      %swap3A_140 = arith.index_cast %swap3A : i32 to index
      %swap3A_141 = arith.index_cast %add3A_139 : i32 to index
      %swap3A_142 = arith.constant 0 : index
      %swap3A_143 = tpu.vector_load %arg8[%swap3A_140, %swap3A_141, %swap3A_142] {strides = array<i32>} : memref<3x128x64xf32, #tpu.memory_space<vmem>>, vector<1x1x16xf32>,
      %swap3A_144 = vector.shape_cast %swap3A_143 : vector<1x1x16xf32> to vector<16xf32>
      %swap3A_145 = vector.shape_cast %broadcast_in_dim3A_0 : vector<16xf32> to vector<1x1x16xf32>
      tpu.vector_store %arg8[%swap3A_140, %swap3A_141, %swap3A_142], %swap3A_145 {strides = array<i32>} : memref<3x128x64xf32, #tpu.memory_space<vmem>>, vector<1x1x16xf32>,
      %swap3A_146 = arith.constant 0 : i32
      %swap3A_147 = arith.index_cast %swap3A_146 : i32 to index
      %swap3A_148 = arith.index_cast %add3A_139 : i32 to index
      %swap3A_149 = arith.constant 16 : index
      %swap3A_150 = tpu.vector_load %arg8[%swap3A_147, %swap3A_148, %swap3A_149] {strides = array<i32>} : memref<3x128x64xf32, #tpu.memory_space<vmem>>, vector<1x1x16xf32>,
      %swap3A_151 = vector.shape_cast %swap3A_150 : vector<1x1x16xf32> to vector<16xf32>
      %swap3A_152 = vector.shape_cast %broadcast_in_dim3A_0 : vector<16xf32> to vector<1x1x16xf32>
      tpu.vector_store %arg8[%swap3A_147, %swap3A_148, %swap3A_149], %swap3A_152 {strides = array<i32>} : memref<3x128x64xf32, #tpu.memory_space<vmem>>, vector<1x1x16xf32>,
      %swap3A_153 = arith.constant 0 : i32
      %swap3A_154 = arith.index_cast %swap3A_153 : i32 to index
      %swap3A_155 = arith.index_cast %add3A_139 : i32 to index
      %swap3A_156 = arith.constant 32 : index
      %swap3A_157 = tpu.vector_load %arg8[%swap3A_154, %swap3A_155, %swap3A_156] {strides = array<i32>} : memref<3x128x64xf32, #tpu.memory_space<vmem>>, vector<1x1x16xf32>,
      %swap3A_158 = vector.shape_cast %swap3A_157 : vector<1x1x16xf32> to vector<16xf32>
      %swap3A_159 = vector.shape_cast %broadcast_in_dim3A_0 : vector<16xf32> to vector<1x1x16xf32>
      tpu.vector_store %arg8[%swap3A_154, %swap3A_155, %swap3A_156], %swap3A_159 {strides = array<i32>} : memref<3x128x64xf32, #tpu.memory_space<vmem>>, vector<1x1x16xf32>,
      %swap3A_160 = arith.constant 0 : i32
      %swap3A_161 = arith.index_cast %swap3A_160 : i32 to index
      %swap3A_162 = arith.index_cast %add3A_139 : i32 to index
      %swap3A_163 = arith.constant 48 : index
      %swap3A_164 = tpu.vector_load %arg8[%swap3A_161, %swap3A_162, %swap3A_163] {strides = array<i32>} : memref<3x128x64xf32, #tpu.memory_space<vmem>>, vector<1x1x16xf32>,
      %swap3A_165 = vector.shape_cast %swap3A_164 : vector<1x1x16xf32> to vector<16xf32>
      %swap3A_166 = vector.shape_cast %broadcast_in_dim3A_0 : vector<16xf32> to vector<1x1x16xf32>
      tpu.vector_store %arg8[%swap3A_161, %swap3A_162, %swap3A_163], %swap3A_166 {strides = array<i32>} : memref<3x128x64xf32, #tpu.memory_space<vmem>>, vector<1x1x16xf32>,
    }
    %scan3A_4 = arith.constant 128 : i32
    %mul3A = arith.constant 625 : i32
    %mul3A_5 = arith.muli %arg1, %mul3A : i32
    %add3A = arith.constant 0 : i32
    %add3A_6 = arith.addi %mul3A_5, %add3A : i32
    %run_scoped3A = arith.constant 0 : i32
    "tpu.region"() ({
      %run_scoped3A_135 = tpu.sem_alloc : memref<!tpu.dma_semaphore, #tpu.memory_space<semaphore_mem>>
      %dma_start3A_136 = arith.constant 0 : i32
      %dma_start3A_137 = arith.constant 0 : i32
      %dma_start3A_138 = tpu.memref_slice %arg8[%run_scoped3A, %dma_start3A_136, %dma_start3A_137] : memref<3x128x64xf32, #tpu.memory_space<vmem>> -> memref<1x128x64xf32, #tpu.memory_space<vmem>>
      %dma_start3A_139 = tpu.memref_squeeze %dma_start3A_138 : memref<1x128x64xf32, #tpu.memory_space<vmem>> -> memref<128x64xf32, #tpu.memory_space<vmem>>
      %dma_start3A_140 = arith.constant 0 : i32
      %dma_start3A_141 = tpu.memref_slice %arg9[%add3A_6, %dma_start3A_140] : memref<10000x64xf32, #tpu.memory_space<vmem_shared>> -> memref<128x64xf32, #tpu.memory_space<vmem_shared>>
      %dma_start3A_142 = arith.constant 0 : i32
      %dma_start3A_143 = tpu.memref_slice %arg9[%add3A_6, %dma_start3A_142] : memref<10000x64xf32, #tpu.memory_space<vmem_shared>> -> memref<128x64xf32, #tpu.memory_space<vmem_shared>>
      %dma_start3A_144 = arith.constant 0 : i32
      %dma_start3A_145 = arith.constant 0 : i32
      %dma_start3A_146 = tpu.memref_slice %arg8[%run_scoped3A, %dma_start3A_144, %dma_start3A_145] : memref<3x128x64xf32, #tpu.memory_space<vmem>> -> memref<1x128x64xf32, #tpu.memory_space<vmem>>
      %dma_start3A_147 = tpu.memref_squeeze %dma_start3A_146 : memref<1x128x64xf32, #tpu.memory_space<vmem>> -> memref<128x64xf32, #tpu.memory_space<vmem>>
      tpu.enqueue_dma source(%dma_start3A_147 : memref<128x64xf32, #tpu.memory_space<vmem>>) target(%dma_start3A_143 : memref<128x64xf32, #tpu.memory_space<vmem_shared>>) target_semaphore(%run_scoped3A_135 : memref<!tpu.dma_semaphore, #tpu.memory_space<semaphore_mem>>)
      %dma_wait3A_148 = arith.constant 0 : i32
      %dma_wait3A_149 = arith.constant 0 : i32
      %dma_wait3A_150 = tpu.memref_slice %arg8[%run_scoped3A, %dma_wait3A_148, %dma_wait3A_149] : memref<3x128x64xf32, #tpu.memory_space<vmem>> -> memref<1x128x64xf32, #tpu.memory_space<vmem>>
      %dma_wait3A_151 = tpu.memref_squeeze %dma_wait3A_150 : memref<1x128x64xf32, #tpu.memory_space<vmem>> -> memref<128x64xf32, #tpu.memory_space<vmem>>
      %dma_wait3A_152 = arith.constant 0 : i32
      %dma_wait3A_153 = tpu.memref_slice %arg9[%add3A_6, %dma_wait3A_152] : memref<10000x64xf32, #tpu.memory_space<vmem_shared>> -> memref<128x64xf32, #tpu.memory_space<vmem_shared>>
      %dma_wait3A_154 = arith.constant 0 : i32
      %dma_wait3A_155 = tpu.memref_slice %arg9[%add3A_6, %dma_wait3A_154] : memref<10000x64xf32, #tpu.memory_space<vmem_shared>> -> memref<128x64xf32, #tpu.memory_space<vmem_shared>>
      %dma_wait3A_156 = arith.constant 0 : i32
      %dma_wait3A_157 = arith.constant 0 : i32
      %dma_wait3A_158 = tpu.memref_slice %arg8[%run_scoped3A, %dma_wait3A_156, %dma_wait3A_157] : memref<3x128x64xf32, #tpu.memory_space<vmem>> -> memref<1x128x64xf32, #tpu.memory_space<vmem>>
      %dma_wait3A_159 = tpu.memref_squeeze %dma_wait3A_158 : memref<1x128x64xf32, #tpu.memory_space<vmem>> -> memref<128x64xf32, #tpu.memory_space<vmem>>
      tpu.wait_dma2 semaphore(%run_scoped3A_135 : memref<!tpu.dma_semaphore, #tpu.memory_space<semaphore_mem>>) src(%dma_wait3A_159 : memref<128x64xf32, #tpu.memory_space<vmem>>) dst(%dma_wait3A_155 : memref<128x64xf32, #tpu.memory_space<vmem_shared>>)
      tpu.yield
    }) : () -> ()
    %mul3A_7 = arith.constant 625 : i32
    %mul3A_8 = arith.muli %arg1, %mul3A_7 : i32
    %add3A_9 = arith.constant 128 : i32
    %add3A_10 = arith.addi %mul3A_8, %add3A_9 : i32
    %run_scoped3A_11 = arith.constant 0 : i32
    "tpu.region"() ({
      %run_scoped3A_135 = tpu.sem_alloc : memref<!tpu.dma_semaphore, #tpu.memory_space<semaphore_mem>>
      %dma_start3A_136 = arith.constant 0 : i32
      %dma_start3A_137 = arith.constant 0 : i32
      %dma_start3A_138 = tpu.memref_slice %arg8[%run_scoped3A_11, %dma_start3A_136, %dma_start3A_137] : memref<3x128x64xf32, #tpu.memory_space<vmem>> -> memref<1x128x64xf32, #tpu.memory_space<vmem>>
      %dma_start3A_139 = tpu.memref_squeeze %dma_start3A_138 : memref<1x128x64xf32, #tpu.memory_space<vmem>> -> memref<128x64xf32, #tpu.memory_space<vmem>>
      %dma_start3A_140 = arith.constant 0 : i32
      %dma_start3A_141 = tpu.memref_slice %arg9[%add3A_10, %dma_start3A_140] : memref<10000x64xf32, #tpu.memory_space<vmem_shared>> -> memref<128x64xf32, #tpu.memory_space<vmem_shared>>
      %dma_start3A_142 = arith.constant 0 : i32
      %dma_start3A_143 = tpu.memref_slice %arg9[%add3A_10, %dma_start3A_142] : memref<10000x64xf32, #tpu.memory_space<vmem_shared>> -> memref<128x64xf32, #tpu.memory_space<vmem_shared>>
      %dma_start3A_144 = arith.constant 0 : i32
      %dma_start3A_145 = arith.constant 0 : i32
      %dma_start3A_146 = tpu.memref_slice %arg8[%run_scoped3A_11, %dma_start3A_144, %dma_start3A_145] : memref<3x128x64xf32, #tpu.memory_space<vmem>> -> memref<1x128x64xf32, #tpu.memory_space<vmem>>
      %dma_start3A_147 = tpu.memref_squeeze %dma_start3A_146 : memref<1x128x64xf32, #tpu.memory_space<vmem>> -> memref<128x64xf32, #tpu.memory_space<vmem>>
      tpu.enqueue_dma source(%dma_start3A_147 : memref<128x64xf32, #tpu.memory_space<vmem>>) target(%dma_start3A_143 : memref<128x64xf32, #tpu.memory_space<vmem_shared>>) target_semaphore(%run_scoped3A_135 : memref<!tpu.dma_semaphore, #tpu.memory_space<semaphore_mem>>)
      %dma_wait3A_148 = arith.constant 0 : i32
      %dma_wait3A_149 = arith.constant 0 : i32
      %dma_wait3A_150 = tpu.memref_slice %arg8[%run_scoped3A_11, %dma_wait3A_148, %dma_wait3A_149] : memref<3x128x64xf32, #tpu.memory_space<vmem>> -> memref<1x128x64xf32, #tpu.memory_space<vmem>>
      %dma_wait3A_151 = tpu.memref_squeeze %dma_wait3A_150 : memref<1x128x64xf32, #tpu.memory_space<vmem>> -> memref<128x64xf32, #tpu.memory_space<vmem>>
      %dma_wait3A_152 = arith.constant 0 : i32
      %dma_wait3A_153 = tpu.memref_slice %arg9[%add3A_10, %dma_wait3A_152] : memref<10000x64xf32, #tpu.memory_space<vmem_shared>> -> memref<128x64xf32, #tpu.memory_space<vmem_shared>>
      %dma_wait3A_154 = arith.constant 0 : i32
      %dma_wait3A_155 = tpu.memref_slice %arg9[%add3A_10, %dma_wait3A_154] : memref<10000x64xf32, #tpu.memory_space<vmem_shared>> -> memref<128x64xf32, #tpu.memory_space<vmem_shared>>
      %dma_wait3A_156 = arith.constant 0 : i32
      %dma_wait3A_157 = arith.constant 0 : i32
      %dma_wait3A_158 = tpu.memref_slice %arg8[%run_scoped3A_11, %dma_wait3A_156, %dma_wait3A_157] : memref<3x128x64xf32, #tpu.memory_space<vmem>> -> memref<1x128x64xf32, #tpu.memory_space<vmem>>
      %dma_wait3A_159 = tpu.memref_squeeze %dma_wait3A_158 : memref<1x128x64xf32, #tpu.memory_space<vmem>> -> memref<128x64xf32, #tpu.memory_space<vmem>>
      tpu.wait_dma2 semaphore(%run_scoped3A_135 : memref<!tpu.dma_semaphore, #tpu.memory_space<semaphore_mem>>) src(%dma_wait3A_159 : memref<128x64xf32, #tpu.memory_space<vmem>>) dst(%dma_wait3A_155 : memref<128x64xf32, #tpu.memory_space<vmem_shared>>)
      tpu.yield
    }) : () -> ()
    %mul3A_12 = arith.constant 625 : i32
    %mul3A_13 = arith.muli %arg1, %mul3A_12 : i32
    %add3A_14 = arith.constant 256 : i32
    %add3A_15 = arith.addi %mul3A_13, %add3A_14 : i32
    %run_scoped3A_16 = arith.constant 0 : i32
    "tpu.region"() ({
      %run_scoped3A_135 = tpu.sem_alloc : memref<!tpu.dma_semaphore, #tpu.memory_space<semaphore_mem>>
      %dma_start3A_136 = arith.constant 0 : i32
      %dma_start3A_137 = arith.constant 0 : i32
      %dma_start3A_138 = tpu.memref_slice %arg8[%run_scoped3A_16, %dma_start3A_136, %dma_start3A_137] : memref<3x128x64xf32, #tpu.memory_space<vmem>> -> memref<1x128x64xf32, #tpu.memory_space<vmem>>
      %dma_start3A_139 = tpu.memref_squeeze %dma_start3A_138 : memref<1x128x64xf32, #tpu.memory_space<vmem>> -> memref<128x64xf32, #tpu.memory_space<vmem>>
      %dma_start3A_140 = arith.constant 0 : i32
      %dma_start3A_141 = tpu.memref_slice %arg9[%add3A_15, %dma_start3A_140] : memref<10000x64xf32, #tpu.memory_space<vmem_shared>> -> memref<128x64xf32, #tpu.memory_space<vmem_shared>>
      %dma_start3A_142 = arith.constant 0 : i32
      %dma_start3A_143 = tpu.memref_slice %arg9[%add3A_15, %dma_start3A_142] : memref<10000x64xf32, #tpu.memory_space<vmem_shared>> -> memref<128x64xf32, #tpu.memory_space<vmem_shared>>
      %dma_start3A_144 = arith.constant 0 : i32
      %dma_start3A_145 = arith.constant 0 : i32
      %dma_start3A_146 = tpu.memref_slice %arg8[%run_scoped3A_16, %dma_start3A_144, %dma_start3A_145] : memref<3x128x64xf32, #tpu.memory_space<vmem>> -> memref<1x128x64xf32, #tpu.memory_space<vmem>>
      %dma_start3A_147 = tpu.memref_squeeze %dma_start3A_146 : memref<1x128x64xf32, #tpu.memory_space<vmem>> -> memref<128x64xf32, #tpu.memory_space<vmem>>
      tpu.enqueue_dma source(%dma_start3A_147 : memref<128x64xf32, #tpu.memory_space<vmem>>) target(%dma_start3A_143 : memref<128x64xf32, #tpu.memory_space<vmem_shared>>) target_semaphore(%run_scoped3A_135 : memref<!tpu.dma_semaphore, #tpu.memory_space<semaphore_mem>>)
      %dma_wait3A_148 = arith.constant 0 : i32
      %dma_wait3A_149 = arith.constant 0 : i32
      %dma_wait3A_150 = tpu.memref_slice %arg8[%run_scoped3A_16, %dma_wait3A_148, %dma_wait3A_149] : memref<3x128x64xf32, #tpu.memory_space<vmem>> -> memref<1x128x64xf32, #tpu.memory_space<vmem>>
      %dma_wait3A_151 = tpu.memref_squeeze %dma_wait3A_150 : memref<1x128x64xf32, #tpu.memory_space<vmem>> -> memref<128x64xf32, #tpu.memory_space<vmem>>
      %dma_wait3A_152 = arith.constant 0 : i32
      %dma_wait3A_153 = tpu.memref_slice %arg9[%add3A_15, %dma_wait3A_152] : memref<10000x64xf32, #tpu.memory_space<vmem_shared>> -> memref<128x64xf32, #tpu.memory_space<vmem_shared>>
      %dma_wait3A_154 = arith.constant 0 : i32
      %dma_wait3A_155 = tpu.memref_slice %arg9[%add3A_15, %dma_wait3A_154] : memref<10000x64xf32, #tpu.memory_space<vmem_shared>> -> memref<128x64xf32, #tpu.memory_space<vmem_shared>>
      %dma_wait3A_156 = arith.constant 0 : i32
      %dma_wait3A_157 = arith.constant 0 : i32
      %dma_wait3A_158 = tpu.memref_slice %arg8[%run_scoped3A_16, %dma_wait3A_156, %dma_wait3A_157] : memref<3x128x64xf32, #tpu.memory_space<vmem>> -> memref<1x128x64xf32, #tpu.memory_space<vmem>>
      %dma_wait3A_159 = tpu.memref_squeeze %dma_wait3A_158 : memref<1x128x64xf32, #tpu.memory_space<vmem>> -> memref<128x64xf32, #tpu.memory_space<vmem>>
      tpu.wait_dma2 semaphore(%run_scoped3A_135 : memref<!tpu.dma_semaphore, #tpu.memory_space<semaphore_mem>>) src(%dma_wait3A_159 : memref<128x64xf32, #tpu.memory_space<vmem>>) dst(%dma_wait3A_155 : memref<128x64xf32, #tpu.memory_space<vmem_shared>>)
      tpu.yield
    }) : () -> ()
    %mul3A_17 = arith.constant 625 : i32
    %mul3A_18 = arith.muli %arg1, %mul3A_17 : i32
    %add3A_19 = arith.constant 384 : i32
    %add3A_20 = arith.addi %mul3A_18, %add3A_19 : i32
    %run_scoped3A_21 = arith.constant 0 : i32
    "tpu.region"() ({
      %run_scoped3A_135 = tpu.sem_alloc : memref<!tpu.dma_semaphore, #tpu.memory_space<semaphore_mem>>
      %dma_start3A_136 = arith.constant 0 : i32
      %dma_start3A_137 = arith.constant 0 : i32
      %dma_start3A_138 = tpu.memref_slice %arg8[%run_scoped3A_21, %dma_start3A_136, %dma_start3A_137] : memref<3x128x64xf32, #tpu.memory_space<vmem>> -> memref<1x128x64xf32, #tpu.memory_space<vmem>>
      %dma_start3A_139 = tpu.memref_squeeze %dma_start3A_138 : memref<1x128x64xf32, #tpu.memory_space<vmem>> -> memref<128x64xf32, #tpu.memory_space<vmem>>
      %dma_start3A_140 = arith.constant 0 : i32
      %dma_start3A_141 = tpu.memref_slice %arg9[%add3A_20, %dma_start3A_140] : memref<10000x64xf32, #tpu.memory_space<vmem_shared>> -> memref<128x64xf32, #tpu.memory_space<vmem_shared>>
      %dma_start3A_142 = arith.constant 0 : i32
      %dma_start3A_143 = tpu.memref_slice %arg9[%add3A_20, %dma_start3A_142] : memref<10000x64xf32, #tpu.memory_space<vmem_shared>> -> memref<128x64xf32, #tpu.memory_space<vmem_shared>>
      %dma_start3A_144 = arith.constant 0 : i32
      %dma_start3A_145 = arith.constant 0 : i32
      %dma_start3A_146 = tpu.memref_slice %arg8[%run_scoped3A_21, %dma_start3A_144, %dma_start3A_145] : memref<3x128x64xf32, #tpu.memory_space<vmem>> -> memref<1x128x64xf32, #tpu.memory_space<vmem>>
      %dma_start3A_147 = tpu.memref_squeeze %dma_start3A_146 : memref<1x128x64xf32, #tpu.memory_space<vmem>> -> memref<128x64xf32, #tpu.memory_space<vmem>>
      tpu.enqueue_dma source(%dma_start3A_147 : memref<128x64xf32, #tpu.memory_space<vmem>>) target(%dma_start3A_143 : memref<128x64xf32, #tpu.memory_space<vmem_shared>>) target_semaphore(%run_scoped3A_135 : memref<!tpu.dma_semaphore, #tpu.memory_space<semaphore_mem>>)
      %dma_wait3A_148 = arith.constant 0 : i32
      %dma_wait3A_149 = arith.constant 0 : i32
      %dma_wait3A_150 = tpu.memref_slice %arg8[%run_scoped3A_21, %dma_wait3A_148, %dma_wait3A_149] : memref<3x128x64xf32, #tpu.memory_space<vmem>> -> memref<1x128x64xf32, #tpu.memory_space<vmem>>
      %dma_wait3A_151 = tpu.memref_squeeze %dma_wait3A_150 : memref<1x128x64xf32, #tpu.memory_space<vmem>> -> memref<128x64xf32, #tpu.memory_space<vmem>>
      %dma_wait3A_152 = arith.constant 0 : i32
      %dma_wait3A_153 = tpu.memref_slice %arg9[%add3A_20, %dma_wait3A_152] : memref<10000x64xf32, #tpu.memory_space<vmem_shared>> -> memref<128x64xf32, #tpu.memory_space<vmem_shared>>
      %dma_wait3A_154 = arith.constant 0 : i32
      %dma_wait3A_155 = tpu.memref_slice %arg9[%add3A_20, %dma_wait3A_154] : memref<10000x64xf32, #tpu.memory_space<vmem_shared>> -> memref<128x64xf32, #tpu.memory_space<vmem_shared>>
      %dma_wait3A_156 = arith.constant 0 : i32
      %dma_wait3A_157 = arith.constant 0 : i32
      %dma_wait3A_158 = tpu.memref_slice %arg8[%run_scoped3A_21, %dma_wait3A_156, %dma_wait3A_157] : memref<3x128x64xf32, #tpu.memory_space<vmem>> -> memref<1x128x64xf32, #tpu.memory_space<vmem>>
      %dma_wait3A_159 = tpu.memref_squeeze %dma_wait3A_158 : memref<1x128x64xf32, #tpu.memory_space<vmem>> -> memref<128x64xf32, #tpu.memory_space<vmem>>
      tpu.wait_dma2 semaphore(%run_scoped3A_135 : memref<!tpu.dma_semaphore, #tpu.memory_space<semaphore_mem>>) src(%dma_wait3A_159 : memref<128x64xf32, #tpu.memory_space<vmem>>) dst(%dma_wait3A_155 : memref<128x64xf32, #tpu.memory_space<vmem_shared>>)
      tpu.yield
    }) : () -> ()
    %mul3A_22 = arith.constant 625 : i32
    %mul3A_23 = arith.muli %arg1, %mul3A_22 : i32
    %add3A_24 = arith.constant 512 : i32
    %add3A_25 = arith.addi %mul3A_23, %add3A_24 : i32
    %run_scoped3A_26 = arith.constant 0 : i32
    "tpu.region"() ({
      %run_scoped3A_135 = tpu.sem_alloc : memref<!tpu.dma_semaphore, #tpu.memory_space<semaphore_mem>>
      %dma_start3A_136 = arith.constant 0 : i32
      %dma_start3A_137 = arith.constant 0 : i32
      %dma_start3A_138 = tpu.memref_slice %arg8[%run_scoped3A_26, %dma_start3A_136, %dma_start3A_137] : memref<3x128x64xf32, #tpu.memory_space<vmem>> -> memref<1x113x64xf32, #tpu.memory_space<vmem>>
      %dma_start3A_139 = tpu.memref_squeeze %dma_start3A_138 : memref<1x113x64xf32, #tpu.memory_space<vmem>> -> memref<113x64xf32, #tpu.memory_space<vmem>>
      %dma_start3A_140 = arith.constant 0 : i32
      %dma_start3A_141 = tpu.memref_slice %arg9[%add3A_25, %dma_start3A_140] : memref<10000x64xf32, #tpu.memory_space<vmem_shared>> -> memref<113x64xf32, #tpu.memory_space<vmem_shared>>
      %dma_start3A_142 = arith.constant 0 : i32
      %dma_start3A_143 = tpu.memref_slice %arg9[%add3A_25, %dma_start3A_142] : memref<10000x64xf32, #tpu.memory_space<vmem_shared>> -> memref<113x64xf32, #tpu.memory_space<vmem_shared>>
      %dma_start3A_144 = arith.constant 0 : i32
      %dma_start3A_145 = arith.constant 0 : i32
      %dma_start3A_146 = tpu.memref_slice %arg8[%run_scoped3A_26, %dma_start3A_144, %dma_start3A_145] : memref<3x128x64xf32, #tpu.memory_space<vmem>> -> memref<1x113x64xf32, #tpu.memory_space<vmem>>
      %dma_start3A_147 = tpu.memref_squeeze %dma_start3A_146 : memref<1x113x64xf32, #tpu.memory_space<vmem>> -> memref<113x64xf32, #tpu.memory_space<vmem>>
      tpu.enqueue_dma source(%dma_start3A_147 : memref<113x64xf32, #tpu.memory_space<vmem>>) target(%dma_start3A_143 : memref<113x64xf32, #tpu.memory_space<vmem_shared>>) target_semaphore(%run_scoped3A_135 : memref<!tpu.dma_semaphore, #tpu.memory_space<semaphore_mem>>)
      %dma_wait3A_148 = arith.constant 0 : i32
      %dma_wait3A_149 = arith.constant 0 : i32
      %dma_wait3A_150 = tpu.memref_slice %arg8[%run_scoped3A_26, %dma_wait3A_148, %dma_wait3A_149] : memref<3x128x64xf32, #tpu.memory_space<vmem>> -> memref<1x113x64xf32, #tpu.memory_space<vmem>>
      %dma_wait3A_151 = tpu.memref_squeeze %dma_wait3A_150 : memref<1x113x64xf32, #tpu.memory_space<vmem>> -> memref<113x64xf32, #tpu.memory_space<vmem>>
      %dma_wait3A_152 = arith.constant 0 : i32
      %dma_wait3A_153 = tpu.memref_slice %arg9[%add3A_25, %dma_wait3A_152] : memref<10000x64xf32, #tpu.memory_space<vmem_shared>> -> memref<113x64xf32, #tpu.memory_space<vmem_shared>>
      %dma_wait3A_154 = arith.constant 0 : i32
      %dma_wait3A_155 = tpu.memref_slice %arg9[%add3A_25, %dma_wait3A_154] : memref<10000x64xf32, #tpu.memory_space<vmem_shared>> -> memref<113x64xf32, #tpu.memory_space<vmem_shared>>
      %dma_wait3A_156 = arith.constant 0 : i32
      %dma_wait3A_157 = arith.constant 0 : i32
      %dma_wait3A_158 = tpu.memref_slice %arg8[%run_scoped3A_26, %dma_wait3A_156, %dma_wait3A_157] : memref<3x128x64xf32, #tpu.memory_space<vmem>> -> memref<1x113x64xf32, #tpu.memory_space<vmem>>
      %dma_wait3A_159 = tpu.memref_squeeze %dma_wait3A_158 : memref<1x113x64xf32, #tpu.memory_space<vmem>> -> memref<113x64xf32, #tpu.memory_space<vmem>>
      tpu.wait_dma2 semaphore(%run_scoped3A_135 : memref<!tpu.dma_semaphore, #tpu.memory_space<semaphore_mem>>) src(%dma_wait3A_159 : memref<113x64xf32, #tpu.memory_space<vmem>>) dst(%dma_wait3A_155 : memref<113x64xf32, #tpu.memory_space<vmem_shared>>)
      tpu.yield
    }) : () -> ()
    %barrier3A = arith.constant 0 : index
    tpu.barrier barrier_id(%barrier3A)
    "tpu.region"() ({
      %run_scoped3A_135 = tpu.sem_alloc : memref<!tpu.dma_semaphore, #tpu.memory_space<semaphore_mem>>
      %dma_start3A_136 = arith.constant 0 : i32
      %dma_start3A_137 = arith.constant 0 : i32
      %dma_start3A_138 = tpu.memref_slice %arg2[%arg1, %dma_start3A_136, %dma_start3A_137] : memref<16x245x128xi32, #tpu.memory_space<hbm>> -> memref<1x245x128xi32, #tpu.memory_space<hbm>>
      %dma_start3A_139 = tpu.memref_squeeze %dma_start3A_138 : memref<1x245x128xi32, #tpu.memory_space<hbm>> -> memref<245x128xi32, #tpu.memory_space<hbm>>
      %dma_start3A_140 = arith.constant 0 : i32
      %dma_start3A_141 = arith.constant 0 : i32
      %dma_start3A_142 = tpu.memref_slice %arg2[%arg1, %dma_start3A_140, %dma_start3A_141] : memref<16x245x128xi32, #tpu.memory_space<hbm>> -> memref<1x245x128xi32, #tpu.memory_space<hbm>>
      %dma_start3A_143 = tpu.memref_squeeze %dma_start3A_142 : memref<1x245x128xi32, #tpu.memory_space<hbm>> -> memref<245x128xi32, #tpu.memory_space<hbm>>
      tpu.enqueue_dma source(%dma_start3A_143 : memref<245x128xi32, #tpu.memory_space<hbm>>) target(%arg6 : memref<245x128xi32, #tpu.memory_space<vmem>>) target_semaphore(%run_scoped3A_135 : memref<!tpu.dma_semaphore, #tpu.memory_space<semaphore_mem>>)
      %dma_wait3A_144 = arith.constant 0 : i32
      %dma_wait3A_145 = arith.constant 0 : i32
      %dma_wait3A_146 = tpu.memref_slice %arg2[%arg1, %dma_wait3A_144, %dma_wait3A_145] : memref<16x245x128xi32, #tpu.memory_space<hbm>> -> memref<1x245x128xi32, #tpu.memory_space<hbm>>
      %dma_wait3A_147 = tpu.memref_squeeze %dma_wait3A_146 : memref<1x245x128xi32, #tpu.memory_space<hbm>> -> memref<245x128xi32, #tpu.memory_space<hbm>>
      %dma_wait3A_148 = arith.constant 0 : i32
      %dma_wait3A_149 = arith.constant 0 : i32
      %dma_wait3A_150 = tpu.memref_slice %arg2[%arg1, %dma_wait3A_148, %dma_wait3A_149] : memref<16x245x128xi32, #tpu.memory_space<hbm>> -> memref<1x245x128xi32, #tpu.memory_space<hbm>>
      %dma_wait3A_151 = tpu.memref_squeeze %dma_wait3A_150 : memref<1x245x128xi32, #tpu.memory_space<hbm>> -> memref<245x128xi32, #tpu.memory_space<hbm>>
      tpu.wait_dma2 semaphore(%run_scoped3A_135 : memref<!tpu.dma_semaphore, #tpu.memory_space<semaphore_mem>>) src(%dma_wait3A_151 : memref<245x128xi32, #tpu.memory_space<hbm>>) dst(%arg6 : memref<245x128xi32, #tpu.memory_space<vmem>>)
      tpu.yield
    }) : () -> ()
    "tpu.region"() ({
      %run_scoped3A_135 = tpu.sem_alloc : memref<!tpu.dma_semaphore, #tpu.memory_space<semaphore_mem>>
      %dma_start3A_136 = arith.constant 0 : i32
      %dma_start3A_137 = arith.constant 0 : i32
      %dma_start3A_138 = tpu.memref_slice %arg3[%arg1, %dma_start3A_136, %dma_start3A_137] : memref<16x245x128xi32, #tpu.memory_space<hbm>> -> memref<1x245x128xi32, #tpu.memory_space<hbm>>
      %dma_start3A_139 = tpu.memref_squeeze %dma_start3A_138 : memref<1x245x128xi32, #tpu.memory_space<hbm>> -> memref<245x128xi32, #tpu.memory_space<hbm>>
      %dma_start3A_140 = arith.constant 0 : i32
      %dma_start3A_141 = arith.constant 0 : i32
      %dma_start3A_142 = tpu.memref_slice %arg3[%arg1, %dma_start3A_140, %dma_start3A_141] : memref<16x245x128xi32, #tpu.memory_space<hbm>> -> memref<1x245x128xi32, #tpu.memory_space<hbm>>
      %dma_start3A_143 = tpu.memref_squeeze %dma_start3A_142 : memref<1x245x128xi32, #tpu.memory_space<hbm>> -> memref<245x128xi32, #tpu.memory_space<hbm>>
      tpu.enqueue_dma source(%dma_start3A_143 : memref<245x128xi32, #tpu.memory_space<hbm>>) target(%arg7 : memref<245x128xi32, #tpu.memory_space<vmem>>) target_semaphore(%run_scoped3A_135 : memref<!tpu.dma_semaphore, #tpu.memory_space<semaphore_mem>>)
      %dma_wait3A_144 = arith.constant 0 : i32
      %dma_wait3A_145 = arith.constant 0 : i32
      %dma_wait3A_146 = tpu.memref_slice %arg3[%arg1, %dma_wait3A_144, %dma_wait3A_145] : memref<16x245x128xi32, #tpu.memory_space<hbm>> -> memref<1x245x128xi32, #tpu.memory_space<hbm>>
      %dma_wait3A_147 = tpu.memref_squeeze %dma_wait3A_146 : memref<1x245x128xi32, #tpu.memory_space<hbm>> -> memref<245x128xi32, #tpu.memory_space<hbm>>
      %dma_wait3A_148 = arith.constant 0 : i32
      %dma_wait3A_149 = arith.constant 0 : i32
      %dma_wait3A_150 = tpu.memref_slice %arg3[%arg1, %dma_wait3A_148, %dma_wait3A_149] : memref<16x245x128xi32, #tpu.memory_space<hbm>> -> memref<1x245x128xi32, #tpu.memory_space<hbm>>
      %dma_wait3A_151 = tpu.memref_squeeze %dma_wait3A_150 : memref<1x245x128xi32, #tpu.memory_space<hbm>> -> memref<245x128xi32, #tpu.memory_space<hbm>>
      tpu.wait_dma2 semaphore(%run_scoped3A_135 : memref<!tpu.dma_semaphore, #tpu.memory_space<semaphore_mem>>) src(%dma_wait3A_151 : memref<245x128xi32, #tpu.memory_space<hbm>>) dst(%arg7 : memref<245x128xi32, #tpu.memory_space<vmem>>)
      tpu.yield
    }) : () -> ()
    %dma_start3A = arith.constant 0 : i32
    %dma_start3A_27 = arith.constant 0 : i32
    %dma_start3A_28 = arith.constant 0 : i32
    %dma_start3A_29 = arith.constant 0 : i32
    %dma_start3A_30 = tpu.memref_slice %arg8[%dma_start3A_27, %dma_start3A_28, %dma_start3A_29] : memref<3x128x64xf32, #tpu.memory_space<vmem>> -> memref<1x128x64xf32, #tpu.memory_space<vmem>>
    %dma_start3A_31 = tpu.memref_squeeze %dma_start3A_30 : memref<1x128x64xf32, #tpu.memory_space<vmem>> -> memref<128x64xf32, #tpu.memory_space<vmem>>
    %dma_start3A_32 = arith.constant 0 : i32
    %dma_start3A_33 = tpu.memref_slice %arg6[%dma_start3A, %dma_start3A_32] : memref<245x128xi32, #tpu.memory_space<vmem>> -> memref<1x128xi32, #tpu.memory_space<vmem>>
    %dma_start3A_34 = tpu.memref_squeeze %dma_start3A_33 : memref<1x128xi32, #tpu.memory_space<vmem>> -> memref<128xi32, #tpu.memory_space<vmem>>
    %dma_start3A_35 = arith.constant 0 : i32
    %dma_start3A_36 = arith.constant 0 : i32
    %dma_start3A_37 = tpu.memref_slice %arg4[%arg0, %dma_start3A_35, %dma_start3A_36] : memref<2x10000x64xf32, #tpu.memory_space<hbm>> -> memref<1x10000x64xf32, #tpu.memory_space<hbm>>
    %dma_start3A_38 = tpu.memref_squeeze %dma_start3A_37 : memref<1x10000x64xf32, #tpu.memory_space<hbm>> -> memref<10000x64xf32, #tpu.memory_space<hbm>>
    %dma_start3A_39 = arith.constant 0 : i32
    %dma_start3A_40 = arith.constant 0 : i32
    %dma_start3A_41 = tpu.memref_slice %dma_start3A_38[%dma_start3A_39, %dma_start3A_40] : memref<10000x64xf32, #tpu.memory_space<hbm>> -> memref<10000x64xf32, #tpu.memory_space<hbm>>
    tpu.enqueue_indirect_dma source(%dma_start3A_41 : memref<10000x64xf32, #tpu.memory_space<hbm>>) target(%dma_start3A_31 : memref<128x64xf32, #tpu.memory_space<vmem>>) offsets(%dma_start3A_34 : memref<128xi32, #tpu.memory_space<vmem>>) semaphore(%arg10 : memref<!tpu.dma_semaphore, #tpu.memory_space<semaphore_mem>>)
    %dma_start3A_42 = arith.constant 1 : i32
    %dma_start3A_43 = arith.constant 1 : i32
    %dma_start3A_44 = arith.constant 0 : i32
    %dma_start3A_45 = arith.constant 0 : i32
    %dma_start3A_46 = tpu.memref_slice %arg8[%dma_start3A_43, %dma_start3A_44, %dma_start3A_45] : memref<3x128x64xf32, #tpu.memory_space<vmem>> -> memref<1x128x64xf32, #tpu.memory_space<vmem>>
    %dma_start3A_47 = tpu.memref_squeeze %dma_start3A_46 : memref<1x128x64xf32, #tpu.memory_space<vmem>> -> memref<128x64xf32, #tpu.memory_space<vmem>>
    %dma_start3A_48 = arith.constant 0 : i32
    %dma_start3A_49 = tpu.memref_slice %arg6[%dma_start3A_42, %dma_start3A_48] : memref<245x128xi32, #tpu.memory_space<vmem>> -> memref<1x128xi32, #tpu.memory_space<vmem>>
    %dma_start3A_50 = tpu.memref_squeeze %dma_start3A_49 : memref<1x128xi32, #tpu.memory_space<vmem>> -> memref<128xi32, #tpu.memory_space<vmem>>
    %dma_start3A_51 = arith.constant 0 : i32
    %dma_start3A_52 = arith.constant 0 : i32
    %dma_start3A_53 = tpu.memref_slice %arg4[%arg0, %dma_start3A_51, %dma_start3A_52] : memref<2x10000x64xf32, #tpu.memory_space<hbm>> -> memref<1x10000x64xf32, #tpu.memory_space<hbm>>
    %dma_start3A_54 = tpu.memref_squeeze %dma_start3A_53 : memref<1x10000x64xf32, #tpu.memory_space<hbm>> -> memref<10000x64xf32, #tpu.memory_space<hbm>>
    %dma_start3A_55 = arith.constant 0 : i32
    %dma_start3A_56 = arith.constant 0 : i32
    %dma_start3A_57 = tpu.memref_slice %dma_start3A_54[%dma_start3A_55, %dma_start3A_56] : memref<10000x64xf32, #tpu.memory_space<hbm>> -> memref<10000x64xf32, #tpu.memory_space<hbm>>
    tpu.enqueue_indirect_dma source(%dma_start3A_57 : memref<10000x64xf32, #tpu.memory_space<hbm>>) target(%dma_start3A_47 : memref<128x64xf32, #tpu.memory_space<vmem>>) offsets(%dma_start3A_50 : memref<128xi32, #tpu.memory_space<vmem>>) semaphore(%arg11 : memref<!tpu.dma_semaphore, #tpu.memory_space<semaphore_mem>>)
    %dma_start3A_58 = arith.constant 2 : i32
    %dma_start3A_59 = arith.constant 2 : i32
    %dma_start3A_60 = arith.constant 0 : i32
    %dma_start3A_61 = arith.constant 0 : i32
    %dma_start3A_62 = tpu.memref_slice %arg8[%dma_start3A_59, %dma_start3A_60, %dma_start3A_61] : memref<3x128x64xf32, #tpu.memory_space<vmem>> -> memref<1x128x64xf32, #tpu.memory_space<vmem>>
    %dma_start3A_63 = tpu.memref_squeeze %dma_start3A_62 : memref<1x128x64xf32, #tpu.memory_space<vmem>> -> memref<128x64xf32, #tpu.memory_space<vmem>>
    %dma_start3A_64 = arith.constant 0 : i32
    %dma_start3A_65 = tpu.memref_slice %arg6[%dma_start3A_58, %dma_start3A_64] : memref<245x128xi32, #tpu.memory_space<vmem>> -> memref<1x128xi32, #tpu.memory_space<vmem>>
    %dma_start3A_66 = tpu.memref_squeeze %dma_start3A_65 : memref<1x128xi32, #tpu.memory_space<vmem>> -> memref<128xi32, #tpu.memory_space<vmem>>
    %dma_start3A_67 = arith.constant 0 : i32
    %dma_start3A_68 = arith.constant 0 : i32
    %dma_start3A_69 = tpu.memref_slice %arg4[%arg0, %dma_start3A_67, %dma_start3A_68] : memref<2x10000x64xf32, #tpu.memory_space<hbm>> -> memref<1x10000x64xf32, #tpu.memory_space<hbm>>
    %dma_start3A_70 = tpu.memref_squeeze %dma_start3A_69 : memref<1x10000x64xf32, #tpu.memory_space<hbm>> -> memref<10000x64xf32, #tpu.memory_space<hbm>>
    %dma_start3A_71 = arith.constant 0 : i32
    %dma_start3A_72 = arith.constant 0 : i32
    %dma_start3A_73 = tpu.memref_slice %dma_start3A_70[%dma_start3A_71, %dma_start3A_72] : memref<10000x64xf32, #tpu.memory_space<hbm>> -> memref<10000x64xf32, #tpu.memory_space<hbm>>
    tpu.enqueue_indirect_dma source(%dma_start3A_73 : memref<10000x64xf32, #tpu.memory_space<hbm>>) target(%dma_start3A_63 : memref<128x64xf32, #tpu.memory_space<vmem>>) offsets(%dma_start3A_66 : memref<128xi32, #tpu.memory_space<vmem>>) semaphore(%arg12 : memref<!tpu.dma_semaphore, #tpu.memory_space<semaphore_mem>>)
    %scan3A_74 = arith.constant 0 : i32
    %scan3A_75 = arith.constant 81 : i32
    %scan3A_76 = arith.addi %scan3A_74, %scan3A_75 : i32
    %scan3A_77 = arith.constant 1 : i32
    scf.for %scan3A_135 = %scan3A_74 to %scan3A_76 step %scan3A_77  : i32 {
      %mul3A_136 = arith.constant 1 : i32
      %mul3A_137 = arith.muli %scan3A_135, %mul3A_136 : i32
      %add3A_138 = arith.constant 0 : i32
      %add3A_139 = arith.addi %add3A_138, %mul3A_137 : i32
      %mul3A_140 = arith.constant 3 : i32
      %mul3A_141 = arith.muli %add3A_139, %mul3A_140 : i32
      %add3A_142 = arith.constant 0 : i32
      %add3A_143 = arith.addi %mul3A_141, %add3A_142 : i32
      %dma_wait3A_144 = arith.constant 0 : i32
      %dma_wait3A_145 = arith.constant 0 : i32
      %dma_wait3A_146 = arith.constant 0 : i32
      %dma_wait3A_147 = tpu.memref_slice %arg8[%dma_wait3A_144, %dma_wait3A_145, %dma_wait3A_146] : memref<3x128x64xf32, #tpu.memory_space<vmem>> -> memref<1x128x64xf32, #tpu.memory_space<vmem>>
      %dma_wait3A_148 = tpu.memref_squeeze %dma_wait3A_147 : memref<1x128x64xf32, #tpu.memory_space<vmem>> -> memref<128x64xf32, #tpu.memory_space<vmem>>
      %dma_wait3A_149 = arith.constant 0 : i32
      %dma_wait3A_150 = tpu.memref_slice %arg6[%add3A_143, %dma_wait3A_149] : memref<245x128xi32, #tpu.memory_space<vmem>> -> memref<1x128xi32, #tpu.memory_space<vmem>>
      %dma_wait3A_151 = tpu.memref_squeeze %dma_wait3A_150 : memref<1x128xi32, #tpu.memory_space<vmem>> -> memref<128xi32, #tpu.memory_space<vmem>>
      %dma_wait3A_152 = arith.constant 0 : i32
      %dma_wait3A_153 = arith.constant 0 : i32
      %dma_wait3A_154 = tpu.memref_slice %arg4[%arg0, %dma_wait3A_152, %dma_wait3A_153] : memref<2x10000x64xf32, #tpu.memory_space<hbm>> -> memref<1x10000x64xf32, #tpu.memory_space<hbm>>
      %dma_wait3A_155 = tpu.memref_squeeze %dma_wait3A_154 : memref<1x10000x64xf32, #tpu.memory_space<hbm>> -> memref<10000x64xf32, #tpu.memory_space<hbm>>
      %dma_wait3A_156 = arith.constant 0 : i32
      %dma_wait3A_157 = arith.constant 0 : i32
      %dma_wait3A_158 = tpu.memref_slice %dma_wait3A_155[%dma_wait3A_156, %dma_wait3A_157] : memref<10000x64xf32, #tpu.memory_space<hbm>> -> memref<10000x64xf32, #tpu.memory_space<hbm>>
      tpu.wait_indirect_dma semaphore(%arg10 : memref<!tpu.dma_semaphore, #tpu.memory_space<semaphore_mem>>) src(%dma_wait3A_158 : memref<10000x64xf32, #tpu.memory_space<hbm>>) dst(%dma_wait3A_148 : memref<128x64xf32, #tpu.memory_space<vmem>>)
      %dma_start3A_159 = arith.constant 0 : i32
      %dma_start3A_160 = arith.constant 0 : i32
      %dma_start3A_161 = arith.constant 0 : i32
      %dma_start3A_162 = tpu.memref_slice %arg8[%dma_start3A_159, %dma_start3A_160, %dma_start3A_161] : memref<3x128x64xf32, #tpu.memory_space<vmem>> -> memref<1x128x64xf32, #tpu.memory_space<vmem>>
      %dma_start3A_163 = tpu.memref_squeeze %dma_start3A_162 : memref<1x128x64xf32, #tpu.memory_space<vmem>> -> memref<128x64xf32, #tpu.memory_space<vmem>>
      %dma_start3A_164 = arith.constant 0 : i32
      %dma_start3A_165 = tpu.memref_slice %arg7[%add3A_143, %dma_start3A_164] : memref<245x128xi32, #tpu.memory_space<vmem>> -> memref<1x128xi32, #tpu.memory_space<vmem>>
      %dma_start3A_166 = tpu.memref_squeeze %dma_start3A_165 : memref<1x128xi32, #tpu.memory_space<vmem>> -> memref<128xi32, #tpu.memory_space<vmem>>
      %dma_start3A_167 = arith.constant 0 : i32
      %dma_start3A_168 = arith.constant 0 : i32
      %dma_start3A_169 = tpu.memref_slice %arg9[%dma_start3A_167, %dma_start3A_168] : memref<10000x64xf32, #tpu.memory_space<vmem_shared>> -> memref<10000x64xf32, #tpu.memory_space<vmem_shared>>
      tpu.enqueue_indirect_dma source(%dma_start3A_163 : memref<128x64xf32, #tpu.memory_space<vmem>>) target(%dma_start3A_169 : memref<10000x64xf32, #tpu.memory_space<vmem_shared>>) offsets(%dma_start3A_166 : memref<128xi32, #tpu.memory_space<vmem>>) semaphore(%arg13 : memref<!tpu.dma_semaphore, #tpu.memory_space<semaphore_mem>>) {add = true}
      %dma_wait3A_170 = arith.constant 0 : i32
      %dma_wait3A_171 = arith.constant 0 : i32
      %dma_wait3A_172 = arith.constant 0 : i32
      %dma_wait3A_173 = tpu.memref_slice %arg8[%dma_wait3A_170, %dma_wait3A_171, %dma_wait3A_172] : memref<3x128x64xf32, #tpu.memory_space<vmem>> -> memref<1x128x64xf32, #tpu.memory_space<vmem>>
      %dma_wait3A_174 = tpu.memref_squeeze %dma_wait3A_173 : memref<1x128x64xf32, #tpu.memory_space<vmem>> -> memref<128x64xf32, #tpu.memory_space<vmem>>
      %dma_wait3A_175 = arith.constant 0 : i32
      %dma_wait3A_176 = tpu.memref_slice %arg7[%add3A_143, %dma_wait3A_175] : memref<245x128xi32, #tpu.memory_space<vmem>> -> memref<1x128xi32, #tpu.memory_space<vmem>>
      %dma_wait3A_177 = tpu.memref_squeeze %dma_wait3A_176 : memref<1x128xi32, #tpu.memory_space<vmem>> -> memref<128xi32, #tpu.memory_space<vmem>>
      %dma_wait3A_178 = arith.constant 0 : i32
      %dma_wait3A_179 = arith.constant 0 : i32
      %dma_wait3A_180 = tpu.memref_slice %arg9[%dma_wait3A_178, %dma_wait3A_179] : memref<10000x64xf32, #tpu.memory_space<vmem_shared>> -> memref<10000x64xf32, #tpu.memory_space<vmem_shared>>
      tpu.wait_indirect_dma semaphore(%arg13 : memref<!tpu.dma_semaphore, #tpu.memory_space<semaphore_mem>>) src(%dma_wait3A_174 : memref<128x64xf32, #tpu.memory_space<vmem>>) dst(%dma_wait3A_180 : memref<10000x64xf32, #tpu.memory_space<vmem_shared>>)
      %add3A_181 = arith.constant 3 : i32
      %add3A_182 = arith.addi %add3A_143, %add3A_181 : i32
      %lt3A = arith.constant 245 : i32
      %lt3A_183 = arith.cmpi slt, %add3A_182, %lt3A : i32
      %convert_element_type3A = arith.extui %lt3A_183 : i1 to i32
      %cond3A = arith.constant 0 : i32
      %cond3A_184 = arith.cmpi ne, %convert_element_type3A, %cond3A : i32
      scf.if %cond3A_184 {
        %add3A_281 = arith.constant 3 : i32
        %add3A_282 = arith.addi %add3A_143, %add3A_281 : i32
        %dma_start3A_283 = arith.constant 0 : i32
        %dma_start3A_284 = arith.constant 0 : i32
        %dma_start3A_285 = arith.constant 0 : i32
        %dma_start3A_286 = tpu.memref_slice %arg8[%dma_start3A_283, %dma_start3A_284, %dma_start3A_285] : memref<3x128x64xf32, #tpu.memory_space<vmem>> -> memref<1x128x64xf32, #tpu.memory_space<vmem>>
        %dma_start3A_287 = tpu.memref_squeeze %dma_start3A_286 : memref<1x128x64xf32, #tpu.memory_space<vmem>> -> memref<128x64xf32, #tpu.memory_space<vmem>>
        %dma_start3A_288 = arith.constant 0 : i32
        %dma_start3A_289 = tpu.memref_slice %arg6[%add3A_282, %dma_start3A_288] : memref<245x128xi32, #tpu.memory_space<vmem>> -> memref<1x128xi32, #tpu.memory_space<vmem>>
        %dma_start3A_290 = tpu.memref_squeeze %dma_start3A_289 : memref<1x128xi32, #tpu.memory_space<vmem>> -> memref<128xi32, #tpu.memory_space<vmem>>
        %dma_start3A_291 = arith.constant 0 : i32
        %dma_start3A_292 = arith.constant 0 : i32
        %dma_start3A_293 = tpu.memref_slice %arg4[%arg0, %dma_start3A_291, %dma_start3A_292] : memref<2x10000x64xf32, #tpu.memory_space<hbm>> -> memref<1x10000x64xf32, #tpu.memory_space<hbm>>
        %dma_start3A_294 = tpu.memref_squeeze %dma_start3A_293 : memref<1x10000x64xf32, #tpu.memory_space<hbm>> -> memref<10000x64xf32, #tpu.memory_space<hbm>>
        %dma_start3A_295 = arith.constant 0 : i32
        %dma_start3A_296 = arith.constant 0 : i32
        %dma_start3A_297 = tpu.memref_slice %dma_start3A_294[%dma_start3A_295, %dma_start3A_296] : memref<10000x64xf32, #tpu.memory_space<hbm>> -> memref<10000x64xf32, #tpu.memory_space<hbm>>
        tpu.enqueue_indirect_dma source(%dma_start3A_297 : memref<10000x64xf32, #tpu.memory_space<hbm>>) target(%dma_start3A_287 : memref<128x64xf32, #tpu.memory_space<vmem>>) offsets(%dma_start3A_290 : memref<128xi32, #tpu.memory_space<vmem>>) semaphore(%arg10 : memref<!tpu.dma_semaphore, #tpu.memory_space<semaphore_mem>>)
      } else {
      }
      %mul3A_185 = arith.constant 3 : i32
      %mul3A_186 = arith.muli %add3A_139, %mul3A_185 : i32
      %add3A_187 = arith.constant 1 : i32
      %add3A_188 = arith.addi %mul3A_186, %add3A_187 : i32
      %dma_wait3A_189 = arith.constant 1 : i32
      %dma_wait3A_190 = arith.constant 0 : i32
      %dma_wait3A_191 = arith.constant 0 : i32
      %dma_wait3A_192 = tpu.memref_slice %arg8[%dma_wait3A_189, %dma_wait3A_190, %dma_wait3A_191] : memref<3x128x64xf32, #tpu.memory_space<vmem>> -> memref<1x128x64xf32, #tpu.memory_space<vmem>>
      %dma_wait3A_193 = tpu.memref_squeeze %dma_wait3A_192 : memref<1x128x64xf32, #tpu.memory_space<vmem>> -> memref<128x64xf32, #tpu.memory_space<vmem>>
      %dma_wait3A_194 = arith.constant 0 : i32
      %dma_wait3A_195 = tpu.memref_slice %arg6[%add3A_188, %dma_wait3A_194] : memref<245x128xi32, #tpu.memory_space<vmem>> -> memref<1x128xi32, #tpu.memory_space<vmem>>
      %dma_wait3A_196 = tpu.memref_squeeze %dma_wait3A_195 : memref<1x128xi32, #tpu.memory_space<vmem>> -> memref<128xi32, #tpu.memory_space<vmem>>
      %dma_wait3A_197 = arith.constant 0 : i32
      %dma_wait3A_198 = arith.constant 0 : i32
      %dma_wait3A_199 = tpu.memref_slice %arg4[%arg0, %dma_wait3A_197, %dma_wait3A_198] : memref<2x10000x64xf32, #tpu.memory_space<hbm>> -> memref<1x10000x64xf32, #tpu.memory_space<hbm>>
      %dma_wait3A_200 = tpu.memref_squeeze %dma_wait3A_199 : memref<1x10000x64xf32, #tpu.memory_space<hbm>> -> memref<10000x64xf32, #tpu.memory_space<hbm>>
      %dma_wait3A_201 = arith.constant 0 : i32
      %dma_wait3A_202 = arith.constant 0 : i32
      %dma_wait3A_203 = tpu.memref_slice %dma_wait3A_200[%dma_wait3A_201, %dma_wait3A_202] : memref<10000x64xf32, #tpu.memory_space<hbm>> -> memref<10000x64xf32, #tpu.memory_space<hbm>>
      tpu.wait_indirect_dma semaphore(%arg11 : memref<!tpu.dma_semaphore, #tpu.memory_space<semaphore_mem>>) src(%dma_wait3A_203 : memref<10000x64xf32, #tpu.memory_space<hbm>>) dst(%dma_wait3A_193 : memref<128x64xf32, #tpu.memory_space<vmem>>)
      %dma_start3A_204 = arith.constant 1 : i32
      %dma_start3A_205 = arith.constant 0 : i32
      %dma_start3A_206 = arith.constant 0 : i32
      %dma_start3A_207 = tpu.memref_slice %arg8[%dma_start3A_204, %dma_start3A_205, %dma_start3A_206] : memref<3x128x64xf32, #tpu.memory_space<vmem>> -> memref<1x128x64xf32, #tpu.memory_space<vmem>>
      %dma_start3A_208 = tpu.memref_squeeze %dma_start3A_207 : memref<1x128x64xf32, #tpu.memory_space<vmem>> -> memref<128x64xf32, #tpu.memory_space<vmem>>
      %dma_start3A_209 = arith.constant 0 : i32
      %dma_start3A_210 = tpu.memref_slice %arg7[%add3A_188, %dma_start3A_209] : memref<245x128xi32, #tpu.memory_space<vmem>> -> memref<1x128xi32, #tpu.memory_space<vmem>>
      %dma_start3A_211 = tpu.memref_squeeze %dma_start3A_210 : memref<1x128xi32, #tpu.memory_space<vmem>> -> memref<128xi32, #tpu.memory_space<vmem>>
      %dma_start3A_212 = arith.constant 0 : i32
      %dma_start3A_213 = arith.constant 0 : i32
      %dma_start3A_214 = tpu.memref_slice %arg9[%dma_start3A_212, %dma_start3A_213] : memref<10000x64xf32, #tpu.memory_space<vmem_shared>> -> memref<10000x64xf32, #tpu.memory_space<vmem_shared>>
      tpu.enqueue_indirect_dma source(%dma_start3A_208 : memref<128x64xf32, #tpu.memory_space<vmem>>) target(%dma_start3A_214 : memref<10000x64xf32, #tpu.memory_space<vmem_shared>>) offsets(%dma_start3A_211 : memref<128xi32, #tpu.memory_space<vmem>>) semaphore(%arg14 : memref<!tpu.dma_semaphore, #tpu.memory_space<semaphore_mem>>) {add = true}
      %dma_wait3A_215 = arith.constant 1 : i32
      %dma_wait3A_216 = arith.constant 0 : i32
      %dma_wait3A_217 = arith.constant 0 : i32
      %dma_wait3A_218 = tpu.memref_slice %arg8[%dma_wait3A_215, %dma_wait3A_216, %dma_wait3A_217] : memref<3x128x64xf32, #tpu.memory_space<vmem>> -> memref<1x128x64xf32, #tpu.memory_space<vmem>>
      %dma_wait3A_219 = tpu.memref_squeeze %dma_wait3A_218 : memref<1x128x64xf32, #tpu.memory_space<vmem>> -> memref<128x64xf32, #tpu.memory_space<vmem>>
      %dma_wait3A_220 = arith.constant 0 : i32
      %dma_wait3A_221 = tpu.memref_slice %arg7[%add3A_188, %dma_wait3A_220] : memref<245x128xi32, #tpu.memory_space<vmem>> -> memref<1x128xi32, #tpu.memory_space<vmem>>
      %dma_wait3A_222 = tpu.memref_squeeze %dma_wait3A_221 : memref<1x128xi32, #tpu.memory_space<vmem>> -> memref<128xi32, #tpu.memory_space<vmem>>
      %dma_wait3A_223 = arith.constant 0 : i32
      %dma_wait3A_224 = arith.constant 0 : i32
      %dma_wait3A_225 = tpu.memref_slice %arg9[%dma_wait3A_223, %dma_wait3A_224] : memref<10000x64xf32, #tpu.memory_space<vmem_shared>> -> memref<10000x64xf32, #tpu.memory_space<vmem_shared>>
      tpu.wait_indirect_dma semaphore(%arg14 : memref<!tpu.dma_semaphore, #tpu.memory_space<semaphore_mem>>) src(%dma_wait3A_219 : memref<128x64xf32, #tpu.memory_space<vmem>>) dst(%dma_wait3A_225 : memref<10000x64xf32, #tpu.memory_space<vmem_shared>>)
      %add3A_226 = arith.constant 3 : i32
      %add3A_227 = arith.addi %add3A_188, %add3A_226 : i32
      %lt3A_228 = arith.constant 245 : i32
      %lt3A_229 = arith.cmpi slt, %add3A_227, %lt3A_228 : i32
      %convert_element_type3A_230 = arith.extui %lt3A_229 : i1 to i32
      %cond3A_231 = arith.constant 0 : i32
      %cond3A_232 = arith.cmpi ne, %convert_element_type3A_230, %cond3A_231 : i32
      scf.if %cond3A_232 {
        %add3A_281 = arith.constant 3 : i32
        %add3A_282 = arith.addi %add3A_188, %add3A_281 : i32
        %dma_start3A_283 = arith.constant 1 : i32
        %dma_start3A_284 = arith.constant 0 : i32
        %dma_start3A_285 = arith.constant 0 : i32
        %dma_start3A_286 = tpu.memref_slice %arg8[%dma_start3A_283, %dma_start3A_284, %dma_start3A_285] : memref<3x128x64xf32, #tpu.memory_space<vmem>> -> memref<1x128x64xf32, #tpu.memory_space<vmem>>
        %dma_start3A_287 = tpu.memref_squeeze %dma_start3A_286 : memref<1x128x64xf32, #tpu.memory_space<vmem>> -> memref<128x64xf32, #tpu.memory_space<vmem>>
        %dma_start3A_288 = arith.constant 0 : i32
        %dma_start3A_289 = tpu.memref_slice %arg6[%add3A_282, %dma_start3A_288] : memref<245x128xi32, #tpu.memory_space<vmem>> -> memref<1x128xi32, #tpu.memory_space<vmem>>
        %dma_start3A_290 = tpu.memref_squeeze %dma_start3A_289 : memref<1x128xi32, #tpu.memory_space<vmem>> -> memref<128xi32, #tpu.memory_space<vmem>>
        %dma_start3A_291 = arith.constant 0 : i32
        %dma_start3A_292 = arith.constant 0 : i32
        %dma_start3A_293 = tpu.memref_slice %arg4[%arg0, %dma_start3A_291, %dma_start3A_292] : memref<2x10000x64xf32, #tpu.memory_space<hbm>> -> memref<1x10000x64xf32, #tpu.memory_space<hbm>>
        %dma_start3A_294 = tpu.memref_squeeze %dma_start3A_293 : memref<1x10000x64xf32, #tpu.memory_space<hbm>> -> memref<10000x64xf32, #tpu.memory_space<hbm>>
        %dma_start3A_295 = arith.constant 0 : i32
        %dma_start3A_296 = arith.constant 0 : i32
        %dma_start3A_297 = tpu.memref_slice %dma_start3A_294[%dma_start3A_295, %dma_start3A_296] : memref<10000x64xf32, #tpu.memory_space<hbm>> -> memref<10000x64xf32, #tpu.memory_space<hbm>>
        tpu.enqueue_indirect_dma source(%dma_start3A_297 : memref<10000x64xf32, #tpu.memory_space<hbm>>) target(%dma_start3A_287 : memref<128x64xf32, #tpu.memory_space<vmem>>) offsets(%dma_start3A_290 : memref<128xi32, #tpu.memory_space<vmem>>) semaphore(%arg11 : memref<!tpu.dma_semaphore, #tpu.memory_space<semaphore_mem>>)
      } else {
      }
      %mul3A_233 = arith.constant 3 : i32
      %mul3A_234 = arith.muli %add3A_139, %mul3A_233 : i32
      %add3A_235 = arith.constant 2 : i32
      %add3A_236 = arith.addi %mul3A_234, %add3A_235 : i32
      %dma_wait3A_237 = arith.constant 2 : i32
      %dma_wait3A_238 = arith.constant 0 : i32
      %dma_wait3A_239 = arith.constant 0 : i32
      %dma_wait3A_240 = tpu.memref_slice %arg8[%dma_wait3A_237, %dma_wait3A_238, %dma_wait3A_239] : memref<3x128x64xf32, #tpu.memory_space<vmem>> -> memref<1x128x64xf32, #tpu.memory_space<vmem>>
      %dma_wait3A_241 = tpu.memref_squeeze %dma_wait3A_240 : memref<1x128x64xf32, #tpu.memory_space<vmem>> -> memref<128x64xf32, #tpu.memory_space<vmem>>
      %dma_wait3A_242 = arith.constant 0 : i32
      %dma_wait3A_243 = tpu.memref_slice %arg6[%add3A_236, %dma_wait3A_242] : memref<245x128xi32, #tpu.memory_space<vmem>> -> memref<1x128xi32, #tpu.memory_space<vmem>>
      %dma_wait3A_244 = tpu.memref_squeeze %dma_wait3A_243 : memref<1x128xi32, #tpu.memory_space<vmem>> -> memref<128xi32, #tpu.memory_space<vmem>>
      %dma_wait3A_245 = arith.constant 0 : i32
      %dma_wait3A_246 = arith.constant 0 : i32
      %dma_wait3A_247 = tpu.memref_slice %arg4[%arg0, %dma_wait3A_245, %dma_wait3A_246] : memref<2x10000x64xf32, #tpu.memory_space<hbm>> -> memref<1x10000x64xf32, #tpu.memory_space<hbm>>
      %dma_wait3A_248 = tpu.memref_squeeze %dma_wait3A_247 : memref<1x10000x64xf32, #tpu.memory_space<hbm>> -> memref<10000x64xf32, #tpu.memory_space<hbm>>
      %dma_wait3A_249 = arith.constant 0 : i32
      %dma_wait3A_250 = arith.constant 0 : i32
      %dma_wait3A_251 = tpu.memref_slice %dma_wait3A_248[%dma_wait3A_249, %dma_wait3A_250] : memref<10000x64xf32, #tpu.memory_space<hbm>> -> memref<10000x64xf32, #tpu.memory_space<hbm>>
      tpu.wait_indirect_dma semaphore(%arg12 : memref<!tpu.dma_semaphore, #tpu.memory_space<semaphore_mem>>) src(%dma_wait3A_251 : memref<10000x64xf32, #tpu.memory_space<hbm>>) dst(%dma_wait3A_241 : memref<128x64xf32, #tpu.memory_space<vmem>>)
      %dma_start3A_252 = arith.constant 2 : i32
      %dma_start3A_253 = arith.constant 0 : i32
      %dma_start3A_254 = arith.constant 0 : i32
      %dma_start3A_255 = tpu.memref_slice %arg8[%dma_start3A_252, %dma_start3A_253, %dma_start3A_254] : memref<3x128x64xf32, #tpu.memory_space<vmem>> -> memref<1x128x64xf32, #tpu.memory_space<vmem>>
      %dma_start3A_256 = tpu.memref_squeeze %dma_start3A_255 : memref<1x128x64xf32, #tpu.memory_space<vmem>> -> memref<128x64xf32, #tpu.memory_space<vmem>>
      %dma_start3A_257 = arith.constant 0 : i32
      %dma_start3A_258 = tpu.memref_slice %arg7[%add3A_236, %dma_start3A_257] : memref<245x128xi32, #tpu.memory_space<vmem>> -> memref<1x128xi32, #tpu.memory_space<vmem>>
      %dma_start3A_259 = tpu.memref_squeeze %dma_start3A_258 : memref<1x128xi32, #tpu.memory_space<vmem>> -> memref<128xi32, #tpu.memory_space<vmem>>
      %dma_start3A_260 = arith.constant 0 : i32
      %dma_start3A_261 = arith.constant 0 : i32
      %dma_start3A_262 = tpu.memref_slice %arg9[%dma_start3A_260, %dma_start3A_261] : memref<10000x64xf32, #tpu.memory_space<vmem_shared>> -> memref<10000x64xf32, #tpu.memory_space<vmem_shared>>
      tpu.enqueue_indirect_dma source(%dma_start3A_256 : memref<128x64xf32, #tpu.memory_space<vmem>>) target(%dma_start3A_262 : memref<10000x64xf32, #tpu.memory_space<vmem_shared>>) offsets(%dma_start3A_259 : memref<128xi32, #tpu.memory_space<vmem>>) semaphore(%arg15 : memref<!tpu.dma_semaphore, #tpu.memory_space<semaphore_mem>>) {add = true}
      %dma_wait3A_263 = arith.constant 2 : i32
      %dma_wait3A_264 = arith.constant 0 : i32
      %dma_wait3A_265 = arith.constant 0 : i32
      %dma_wait3A_266 = tpu.memref_slice %arg8[%dma_wait3A_263, %dma_wait3A_264, %dma_wait3A_265] : memref<3x128x64xf32, #tpu.memory_space<vmem>> -> memref<1x128x64xf32, #tpu.memory_space<vmem>>
      %dma_wait3A_267 = tpu.memref_squeeze %dma_wait3A_266 : memref<1x128x64xf32, #tpu.memory_space<vmem>> -> memref<128x64xf32, #tpu.memory_space<vmem>>
      %dma_wait3A_268 = arith.constant 0 : i32
      %dma_wait3A_269 = tpu.memref_slice %arg7[%add3A_236, %dma_wait3A_268] : memref<245x128xi32, #tpu.memory_space<vmem>> -> memref<1x128xi32, #tpu.memory_space<vmem>>
      %dma_wait3A_270 = tpu.memref_squeeze %dma_wait3A_269 : memref<1x128xi32, #tpu.memory_space<vmem>> -> memref<128xi32, #tpu.memory_space<vmem>>
      %dma_wait3A_271 = arith.constant 0 : i32
      %dma_wait3A_272 = arith.constant 0 : i32
      %dma_wait3A_273 = tpu.memref_slice %arg9[%dma_wait3A_271, %dma_wait3A_272] : memref<10000x64xf32, #tpu.memory_space<vmem_shared>> -> memref<10000x64xf32, #tpu.memory_space<vmem_shared>>
      tpu.wait_indirect_dma semaphore(%arg15 : memref<!tpu.dma_semaphore, #tpu.memory_space<semaphore_mem>>) src(%dma_wait3A_267 : memref<128x64xf32, #tpu.memory_space<vmem>>) dst(%dma_wait3A_273 : memref<10000x64xf32, #tpu.memory_space<vmem_shared>>)
      %add3A_274 = arith.constant 3 : i32
      %add3A_275 = arith.addi %add3A_236, %add3A_274 : i32
      %lt3A_276 = arith.constant 245 : i32
      %lt3A_277 = arith.cmpi slt, %add3A_275, %lt3A_276 : i32
      %convert_element_type3A_278 = arith.extui %lt3A_277 : i1 to i32
      %cond3A_279 = arith.constant 0 : i32
      %cond3A_280 = arith.cmpi ne, %convert_element_type3A_278, %cond3A_279 : i32
      scf.if %cond3A_280 {
        %add3A_281 = arith.constant 3 : i32
        %add3A_282 = arith.addi %add3A_236, %add3A_281 : i32
        %dma_start3A_283 = arith.constant 2 : i32
        %dma_start3A_284 = arith.constant 0 : i32
        %dma_start3A_285 = arith.constant 0 : i32
        %dma_start3A_286 = tpu.memref_slice %arg8[%dma_start3A_283, %dma_start3A_284, %dma_start3A_285] : memref<3x128x64xf32, #tpu.memory_space<vmem>> -> memref<1x128x64xf32, #tpu.memory_space<vmem>>
        %dma_start3A_287 = tpu.memref_squeeze %dma_start3A_286 : memref<1x128x64xf32, #tpu.memory_space<vmem>> -> memref<128x64xf32, #tpu.memory_space<vmem>>
        %dma_start3A_288 = arith.constant 0 : i32
        %dma_start3A_289 = tpu.memref_slice %arg6[%add3A_282, %dma_start3A_288] : memref<245x128xi32, #tpu.memory_space<vmem>> -> memref<1x128xi32, #tpu.memory_space<vmem>>
        %dma_start3A_290 = tpu.memref_squeeze %dma_start3A_289 : memref<1x128xi32, #tpu.memory_space<vmem>> -> memref<128xi32, #tpu.memory_space<vmem>>
        %dma_start3A_291 = arith.constant 0 : i32
        %dma_start3A_292 = arith.constant 0 : i32
        %dma_start3A_293 = tpu.memref_slice %arg4[%arg0, %dma_start3A_291, %dma_start3A_292] : memref<2x10000x64xf32, #tpu.memory_space<hbm>> -> memref<1x10000x64xf32, #tpu.memory_space<hbm>>
        %dma_start3A_294 = tpu.memref_squeeze %dma_start3A_293 : memref<1x10000x64xf32, #tpu.memory_space<hbm>> -> memref<10000x64xf32, #tpu.memory_space<hbm>>
        %dma_start3A_295 = arith.constant 0 : i32
        %dma_start3A_296 = arith.constant 0 : i32
        %dma_start3A_297 = tpu.memref_slice %dma_start3A_294[%dma_start3A_295, %dma_start3A_296] : memref<10000x64xf32, #tpu.memory_space<hbm>> -> memref<10000x64xf32, #tpu.memory_space<hbm>>
        tpu.enqueue_indirect_dma source(%dma_start3A_297 : memref<10000x64xf32, #tpu.memory_space<hbm>>) target(%dma_start3A_287 : memref<128x64xf32, #tpu.memory_space<vmem>>) offsets(%dma_start3A_290 : memref<128xi32, #tpu.memory_space<vmem>>) semaphore(%arg12 : memref<!tpu.dma_semaphore, #tpu.memory_space<semaphore_mem>>)
      } else {
      }
    }
    %scan3A_78 = arith.constant 81 : i32
    %dma_wait3A = arith.constant 243 : i32
    %dma_wait3A_79 = arith.constant 0 : i32
    %dma_wait3A_80 = arith.constant 0 : i32
    %dma_wait3A_81 = arith.constant 0 : i32
    %dma_wait3A_82 = tpu.memref_slice %arg8[%dma_wait3A_79, %dma_wait3A_80, %dma_wait3A_81] : memref<3x128x64xf32, #tpu.memory_space<vmem>> -> memref<1x128x64xf32, #tpu.memory_space<vmem>>
    %dma_wait3A_83 = tpu.memref_squeeze %dma_wait3A_82 : memref<1x128x64xf32, #tpu.memory_space<vmem>> -> memref<128x64xf32, #tpu.memory_space<vmem>>
    %dma_wait3A_84 = arith.constant 0 : i32
    %dma_wait3A_85 = tpu.memref_slice %arg6[%dma_wait3A, %dma_wait3A_84] : memref<245x128xi32, #tpu.memory_space<vmem>> -> memref<1x128xi32, #tpu.memory_space<vmem>>
    %dma_wait3A_86 = tpu.memref_squeeze %dma_wait3A_85 : memref<1x128xi32, #tpu.memory_space<vmem>> -> memref<128xi32, #tpu.memory_space<vmem>>
    %dma_wait3A_87 = arith.constant 0 : i32
    %dma_wait3A_88 = arith.constant 0 : i32
    %dma_wait3A_89 = tpu.memref_slice %arg4[%arg0, %dma_wait3A_87, %dma_wait3A_88] : memref<2x10000x64xf32, #tpu.memory_space<hbm>> -> memref<1x10000x64xf32, #tpu.memory_space<hbm>>
    %dma_wait3A_90 = tpu.memref_squeeze %dma_wait3A_89 : memref<1x10000x64xf32, #tpu.memory_space<hbm>> -> memref<10000x64xf32, #tpu.memory_space<hbm>>
    %dma_wait3A_91 = arith.constant 0 : i32
    %dma_wait3A_92 = arith.constant 0 : i32
    %dma_wait3A_93 = tpu.memref_slice %dma_wait3A_90[%dma_wait3A_91, %dma_wait3A_92] : memref<10000x64xf32, #tpu.memory_space<hbm>> -> memref<10000x64xf32, #tpu.memory_space<hbm>>
    tpu.wait_indirect_dma semaphore(%arg10 : memref<!tpu.dma_semaphore, #tpu.memory_space<semaphore_mem>>) src(%dma_wait3A_93 : memref<10000x64xf32, #tpu.memory_space<hbm>>) dst(%dma_wait3A_83 : memref<128x64xf32, #tpu.memory_space<vmem>>)
    %run_scoped3A_94 = arith.constant 0 : i32
    %run_scoped3A_95 = arith.constant 243 : i32
    "tpu.region"() ({
      %run_scoped3A_135 = tpu.sem_alloc : memref<!tpu.dma_semaphore, #tpu.memory_space<semaphore_mem>>
      %dma_start3A_136 = arith.constant 0 : i32
      %dma_start3A_137 = arith.constant 0 : i32
      %dma_start3A_138 = tpu.memref_slice %arg8[%run_scoped3A_94, %dma_start3A_136, %dma_start3A_137] : memref<3x128x64xf32, #tpu.memory_space<vmem>> -> memref<1x128x64xf32, #tpu.memory_space<vmem>>
      %dma_start3A_139 = tpu.memref_squeeze %dma_start3A_138 : memref<1x128x64xf32, #tpu.memory_space<vmem>> -> memref<128x64xf32, #tpu.memory_space<vmem>>
      %dma_start3A_140 = arith.constant 0 : i32
      %dma_start3A_141 = tpu.memref_slice %arg7[%run_scoped3A_95, %dma_start3A_140] : memref<245x128xi32, #tpu.memory_space<vmem>> -> memref<1x128xi32, #tpu.memory_space<vmem>>
      %dma_start3A_142 = tpu.memref_squeeze %dma_start3A_141 : memref<1x128xi32, #tpu.memory_space<vmem>> -> memref<128xi32, #tpu.memory_space<vmem>>
      %dma_start3A_143 = arith.constant 0 : i32
      %dma_start3A_144 = arith.constant 0 : i32
      %dma_start3A_145 = tpu.memref_slice %arg9[%dma_start3A_143, %dma_start3A_144] : memref<10000x64xf32, #tpu.memory_space<vmem_shared>> -> memref<10000x64xf32, #tpu.memory_space<vmem_shared>>
      tpu.enqueue_indirect_dma source(%dma_start3A_139 : memref<128x64xf32, #tpu.memory_space<vmem>>) target(%dma_start3A_145 : memref<10000x64xf32, #tpu.memory_space<vmem_shared>>) offsets(%dma_start3A_142 : memref<128xi32, #tpu.memory_space<vmem>>) semaphore(%run_scoped3A_135 : memref<!tpu.dma_semaphore, #tpu.memory_space<semaphore_mem>>) {add = true}
      %dma_wait3A_146 = arith.constant 0 : i32
      %dma_wait3A_147 = arith.constant 0 : i32
      %dma_wait3A_148 = tpu.memref_slice %arg8[%run_scoped3A_94, %dma_wait3A_146, %dma_wait3A_147] : memref<3x128x64xf32, #tpu.memory_space<vmem>> -> memref<1x128x64xf32, #tpu.memory_space<vmem>>
      %dma_wait3A_149 = tpu.memref_squeeze %dma_wait3A_148 : memref<1x128x64xf32, #tpu.memory_space<vmem>> -> memref<128x64xf32, #tpu.memory_space<vmem>>
      %dma_wait3A_150 = arith.constant 0 : i32
      %dma_wait3A_151 = tpu.memref_slice %arg7[%run_scoped3A_95, %dma_wait3A_150] : memref<245x128xi32, #tpu.memory_space<vmem>> -> memref<1x128xi32, #tpu.memory_space<vmem>>
      %dma_wait3A_152 = tpu.memref_squeeze %dma_wait3A_151 : memref<1x128xi32, #tpu.memory_space<vmem>> -> memref<128xi32, #tpu.memory_space<vmem>>
      %dma_wait3A_153 = arith.constant 0 : i32
      %dma_wait3A_154 = arith.constant 0 : i32
      %dma_wait3A_155 = tpu.memref_slice %arg9[%dma_wait3A_153, %dma_wait3A_154] : memref<10000x64xf32, #tpu.memory_space<vmem_shared>> -> memref<10000x64xf32, #tpu.memory_space<vmem_shared>>
      tpu.wait_indirect_dma semaphore(%run_scoped3A_135 : memref<!tpu.dma_semaphore, #tpu.memory_space<semaphore_mem>>) src(%dma_wait3A_149 : memref<128x64xf32, #tpu.memory_space<vmem>>) dst(%dma_wait3A_155 : memref<10000x64xf32, #tpu.memory_space<vmem_shared>>)
      tpu.yield
    }) : () -> ()
    %dma_wait3A_96 = arith.constant 244 : i32
    %dma_wait3A_97 = arith.constant 1 : i32
    %dma_wait3A_98 = arith.constant 0 : i32
    %dma_wait3A_99 = arith.constant 0 : i32
    %dma_wait3A_100 = tpu.memref_slice %arg8[%dma_wait3A_97, %dma_wait3A_98, %dma_wait3A_99] : memref<3x128x64xf32, #tpu.memory_space<vmem>> -> memref<1x128x64xf32, #tpu.memory_space<vmem>>
    %dma_wait3A_101 = tpu.memref_squeeze %dma_wait3A_100 : memref<1x128x64xf32, #tpu.memory_space<vmem>> -> memref<128x64xf32, #tpu.memory_space<vmem>>
    %dma_wait3A_102 = arith.constant 0 : i32
    %dma_wait3A_103 = tpu.memref_slice %arg6[%dma_wait3A_96, %dma_wait3A_102] : memref<245x128xi32, #tpu.memory_space<vmem>> -> memref<1x128xi32, #tpu.memory_space<vmem>>
    %dma_wait3A_104 = tpu.memref_squeeze %dma_wait3A_103 : memref<1x128xi32, #tpu.memory_space<vmem>> -> memref<128xi32, #tpu.memory_space<vmem>>
    %dma_wait3A_105 = arith.constant 0 : i32
    %dma_wait3A_106 = arith.constant 0 : i32
    %dma_wait3A_107 = tpu.memref_slice %arg4[%arg0, %dma_wait3A_105, %dma_wait3A_106] : memref<2x10000x64xf32, #tpu.memory_space<hbm>> -> memref<1x10000x64xf32, #tpu.memory_space<hbm>>
    %dma_wait3A_108 = tpu.memref_squeeze %dma_wait3A_107 : memref<1x10000x64xf32, #tpu.memory_space<hbm>> -> memref<10000x64xf32, #tpu.memory_space<hbm>>
    %dma_wait3A_109 = arith.constant 0 : i32
    %dma_wait3A_110 = arith.constant 0 : i32
    %dma_wait3A_111 = tpu.memref_slice %dma_wait3A_108[%dma_wait3A_109, %dma_wait3A_110] : memref<10000x64xf32, #tpu.memory_space<hbm>> -> memref<10000x64xf32, #tpu.memory_space<hbm>>
    tpu.wait_indirect_dma semaphore(%arg11 : memref<!tpu.dma_semaphore, #tpu.memory_space<semaphore_mem>>) src(%dma_wait3A_111 : memref<10000x64xf32, #tpu.memory_space<hbm>>) dst(%dma_wait3A_101 : memref<128x64xf32, #tpu.memory_space<vmem>>)
    %run_scoped3A_112 = arith.constant 1 : i32
    %run_scoped3A_113 = arith.constant 244 : i32
    "tpu.region"() ({
      %run_scoped3A_135 = tpu.sem_alloc : memref<!tpu.dma_semaphore, #tpu.memory_space<semaphore_mem>>
      %dma_start3A_136 = arith.constant 0 : i32
      %dma_start3A_137 = arith.constant 0 : i32
      %dma_start3A_138 = tpu.memref_slice %arg8[%run_scoped3A_112, %dma_start3A_136, %dma_start3A_137] : memref<3x128x64xf32, #tpu.memory_space<vmem>> -> memref<1x128x64xf32, #tpu.memory_space<vmem>>
      %dma_start3A_139 = tpu.memref_squeeze %dma_start3A_138 : memref<1x128x64xf32, #tpu.memory_space<vmem>> -> memref<128x64xf32, #tpu.memory_space<vmem>>
      %dma_start3A_140 = arith.constant 0 : i32
      %dma_start3A_141 = tpu.memref_slice %arg7[%run_scoped3A_113, %dma_start3A_140] : memref<245x128xi32, #tpu.memory_space<vmem>> -> memref<1x128xi32, #tpu.memory_space<vmem>>
      %dma_start3A_142 = tpu.memref_squeeze %dma_start3A_141 : memref<1x128xi32, #tpu.memory_space<vmem>> -> memref<128xi32, #tpu.memory_space<vmem>>
      %dma_start3A_143 = arith.constant 0 : i32
      %dma_start3A_144 = arith.constant 0 : i32
      %dma_start3A_145 = tpu.memref_slice %arg9[%dma_start3A_143, %dma_start3A_144] : memref<10000x64xf32, #tpu.memory_space<vmem_shared>> -> memref<10000x64xf32, #tpu.memory_space<vmem_shared>>
      tpu.enqueue_indirect_dma source(%dma_start3A_139 : memref<128x64xf32, #tpu.memory_space<vmem>>) target(%dma_start3A_145 : memref<10000x64xf32, #tpu.memory_space<vmem_shared>>) offsets(%dma_start3A_142 : memref<128xi32, #tpu.memory_space<vmem>>) semaphore(%run_scoped3A_135 : memref<!tpu.dma_semaphore, #tpu.memory_space<semaphore_mem>>) {add = true}
      %dma_wait3A_146 = arith.constant 0 : i32
      %dma_wait3A_147 = arith.constant 0 : i32
      %dma_wait3A_148 = tpu.memref_slice %arg8[%run_scoped3A_112, %dma_wait3A_146, %dma_wait3A_147] : memref<3x128x64xf32, #tpu.memory_space<vmem>> -> memref<1x128x64xf32, #tpu.memory_space<vmem>>
      %dma_wait3A_149 = tpu.memref_squeeze %dma_wait3A_148 : memref<1x128x64xf32, #tpu.memory_space<vmem>> -> memref<128x64xf32, #tpu.memory_space<vmem>>
      %dma_wait3A_150 = arith.constant 0 : i32
      %dma_wait3A_151 = tpu.memref_slice %arg7[%run_scoped3A_113, %dma_wait3A_150] : memref<245x128xi32, #tpu.memory_space<vmem>> -> memref<1x128xi32, #tpu.memory_space<vmem>>
      %dma_wait3A_152 = tpu.memref_squeeze %dma_wait3A_151 : memref<1x128xi32, #tpu.memory_space<vmem>> -> memref<128xi32, #tpu.memory_space<vmem>>
      %dma_wait3A_153 = arith.constant 0 : i32
      %dma_wait3A_154 = arith.constant 0 : i32
      %dma_wait3A_155 = tpu.memref_slice %arg9[%dma_wait3A_153, %dma_wait3A_154] : memref<10000x64xf32, #tpu.memory_space<vmem_shared>> -> memref<10000x64xf32, #tpu.memory_space<vmem_shared>>
      tpu.wait_indirect_dma semaphore(%run_scoped3A_135 : memref<!tpu.dma_semaphore, #tpu.memory_space<semaphore_mem>>) src(%dma_wait3A_149 : memref<128x64xf32, #tpu.memory_space<vmem>>) dst(%dma_wait3A_155 : memref<10000x64xf32, #tpu.memory_space<vmem_shared>>)
      tpu.yield
    }) : () -> ()
    %barrier3A_114 = arith.constant 0 : index
    tpu.barrier barrier_id(%barrier3A_114)
    %mul3A_115 = arith.constant 625 : i32
    %mul3A_116 = arith.muli %arg1, %mul3A_115 : i32
    %add3A_117 = arith.constant 0 : i32
    %add3A_118 = arith.addi %mul3A_116, %add3A_117 : i32
    "tpu.region"() ({
      %run_scoped3A_135 = tpu.sem_alloc : memref<!tpu.dma_semaphore, #tpu.memory_space<semaphore_mem>>
      %dma_start3A_136 = arith.constant 0 : i32
      %dma_start3A_137 = tpu.memref_slice %arg5[%arg0, %add3A_118, %dma_start3A_136] : memref<2x10000x64xf32, #tpu.memory_space<hbm>> -> memref<1x128x64xf32, #tpu.memory_space<hbm>>
      %dma_start3A_138 = tpu.memref_squeeze %dma_start3A_137 : memref<1x128x64xf32, #tpu.memory_space<hbm>> -> memref<128x64xf32, #tpu.memory_space<hbm>>
      %dma_start3A_139 = arith.constant 0 : i32
      %dma_start3A_140 = tpu.memref_slice %arg9[%add3A_118, %dma_start3A_139] : memref<10000x64xf32, #tpu.memory_space<vmem_shared>> -> memref<128x64xf32, #tpu.memory_space<vmem_shared>>
      tpu.enqueue_dma source(%dma_start3A_140 : memref<128x64xf32, #tpu.memory_space<vmem_shared>>) target(%dma_start3A_138 : memref<128x64xf32, #tpu.memory_space<hbm>>) target_semaphore(%run_scoped3A_135 : memref<!tpu.dma_semaphore, #tpu.memory_space<semaphore_mem>>)
      %dma_wait3A_141 = arith.constant 0 : i32
      %dma_wait3A_142 = tpu.memref_slice %arg5[%arg0, %add3A_118, %dma_wait3A_141] : memref<2x10000x64xf32, #tpu.memory_space<hbm>> -> memref<1x128x64xf32, #tpu.memory_space<hbm>>
      %dma_wait3A_143 = tpu.memref_squeeze %dma_wait3A_142 : memref<1x128x64xf32, #tpu.memory_space<hbm>> -> memref<128x64xf32, #tpu.memory_space<hbm>>
      %dma_wait3A_144 = arith.constant 0 : i32
      %dma_wait3A_145 = tpu.memref_slice %arg9[%add3A_118, %dma_wait3A_144] : memref<10000x64xf32, #tpu.memory_space<vmem_shared>> -> memref<128x64xf32, #tpu.memory_space<vmem_shared>>
      tpu.wait_dma2 semaphore(%run_scoped3A_135 : memref<!tpu.dma_semaphore, #tpu.memory_space<semaphore_mem>>) src(%dma_wait3A_145 : memref<128x64xf32, #tpu.memory_space<vmem_shared>>) dst(%dma_wait3A_143 : memref<128x64xf32, #tpu.memory_space<hbm>>)
      tpu.yield
    }) : () -> ()
    %mul3A_119 = arith.constant 625 : i32
    %mul3A_120 = arith.muli %arg1, %mul3A_119 : i32
    %add3A_121 = arith.constant 128 : i32
    %add3A_122 = arith.addi %mul3A_120, %add3A_121 : i32
    "tpu.region"() ({
      %run_scoped3A_135 = tpu.sem_alloc : memref<!tpu.dma_semaphore, #tpu.memory_space<semaphore_mem>>
      %dma_start3A_136 = arith.constant 0 : i32
      %dma_start3A_137 = tpu.memref_slice %arg5[%arg0, %add3A_122, %dma_start3A_136] : memref<2x10000x64xf32, #tpu.memory_space<hbm>> -> memref<1x128x64xf32, #tpu.memory_space<hbm>>
      %dma_start3A_138 = tpu.memref_squeeze %dma_start3A_137 : memref<1x128x64xf32, #tpu.memory_space<hbm>> -> memref<128x64xf32, #tpu.memory_space<hbm>>
      %dma_start3A_139 = arith.constant 0 : i32
      %dma_start3A_140 = tpu.memref_slice %arg9[%add3A_122, %dma_start3A_139] : memref<10000x64xf32, #tpu.memory_space<vmem_shared>> -> memref<128x64xf32, #tpu.memory_space<vmem_shared>>
      tpu.enqueue_dma source(%dma_start3A_140 : memref<128x64xf32, #tpu.memory_space<vmem_shared>>) target(%dma_start3A_138 : memref<128x64xf32, #tpu.memory_space<hbm>>) target_semaphore(%run_scoped3A_135 : memref<!tpu.dma_semaphore, #tpu.memory_space<semaphore_mem>>)
      %dma_wait3A_141 = arith.constant 0 : i32
      %dma_wait3A_142 = tpu.memref_slice %arg5[%arg0, %add3A_122, %dma_wait3A_141] : memref<2x10000x64xf32, #tpu.memory_space<hbm>> -> memref<1x128x64xf32, #tpu.memory_space<hbm>>
      %dma_wait3A_143 = tpu.memref_squeeze %dma_wait3A_142 : memref<1x128x64xf32, #tpu.memory_space<hbm>> -> memref<128x64xf32, #tpu.memory_space<hbm>>
      %dma_wait3A_144 = arith.constant 0 : i32
      %dma_wait3A_145 = tpu.memref_slice %arg9[%add3A_122, %dma_wait3A_144] : memref<10000x64xf32, #tpu.memory_space<vmem_shared>> -> memref<128x64xf32, #tpu.memory_space<vmem_shared>>
      tpu.wait_dma2 semaphore(%run_scoped3A_135 : memref<!tpu.dma_semaphore, #tpu.memory_space<semaphore_mem>>) src(%dma_wait3A_145 : memref<128x64xf32, #tpu.memory_space<vmem_shared>>) dst(%dma_wait3A_143 : memref<128x64xf32, #tpu.memory_space<hbm>>)
      tpu.yield
    }) : () -> ()
    %mul3A_123 = arith.constant 625 : i32
    %mul3A_124 = arith.muli %arg1, %mul3A_123 : i32
    %add3A_125 = arith.constant 256 : i32
    %add3A_126 = arith.addi %mul3A_124, %add3A_125 : i32
    "tpu.region"() ({
      %run_scoped3A_135 = tpu.sem_alloc : memref<!tpu.dma_semaphore, #tpu.memory_space<semaphore_mem>>
      %dma_start3A_136 = arith.constant 0 : i32
      %dma_start3A_137 = tpu.memref_slice %arg5[%arg0, %add3A_126, %dma_start3A_136] : memref<2x10000x64xf32, #tpu.memory_space<hbm>> -> memref<1x128x64xf32, #tpu.memory_space<hbm>>
      %dma_start3A_138 = tpu.memref_squeeze %dma_start3A_137 : memref<1x128x64xf32, #tpu.memory_space<hbm>> -> memref<128x64xf32, #tpu.memory_space<hbm>>
      %dma_start3A_139 = arith.constant 0 : i32
      %dma_start3A_140 = tpu.memref_slice %arg9[%add3A_126, %dma_start3A_139] : memref<10000x64xf32, #tpu.memory_space<vmem_shared>> -> memref<128x64xf32, #tpu.memory_space<vmem_shared>>
      tpu.enqueue_dma source(%dma_start3A_140 : memref<128x64xf32, #tpu.memory_space<vmem_shared>>) target(%dma_start3A_138 : memref<128x64xf32, #tpu.memory_space<hbm>>) target_semaphore(%run_scoped3A_135 : memref<!tpu.dma_semaphore, #tpu.memory_space<semaphore_mem>>)
      %dma_wait3A_141 = arith.constant 0 : i32
      %dma_wait3A_142 = tpu.memref_slice %arg5[%arg0, %add3A_126, %dma_wait3A_141] : memref<2x10000x64xf32, #tpu.memory_space<hbm>> -> memref<1x128x64xf32, #tpu.memory_space<hbm>>
      %dma_wait3A_143 = tpu.memref_squeeze %dma_wait3A_142 : memref<1x128x64xf32, #tpu.memory_space<hbm>> -> memref<128x64xf32, #tpu.memory_space<hbm>>
      %dma_wait3A_144 = arith.constant 0 : i32
      %dma_wait3A_145 = tpu.memref_slice %arg9[%add3A_126, %dma_wait3A_144] : memref<10000x64xf32, #tpu.memory_space<vmem_shared>> -> memref<128x64xf32, #tpu.memory_space<vmem_shared>>
      tpu.wait_dma2 semaphore(%run_scoped3A_135 : memref<!tpu.dma_semaphore, #tpu.memory_space<semaphore_mem>>) src(%dma_wait3A_145 : memref<128x64xf32, #tpu.memory_space<vmem_shared>>) dst(%dma_wait3A_143 : memref<128x64xf32, #tpu.memory_space<hbm>>)
      tpu.yield
    }) : () -> ()
    %mul3A_127 = arith.constant 625 : i32
    %mul3A_128 = arith.muli %arg1, %mul3A_127 : i32
    %add3A_129 = arith.constant 384 : i32
    %add3A_130 = arith.addi %mul3A_128, %add3A_129 : i32
    "tpu.region"() ({
      %run_scoped3A_135 = tpu.sem_alloc : memref<!tpu.dma_semaphore, #tpu.memory_space<semaphore_mem>>
      %dma_start3A_136 = arith.constant 0 : i32
      %dma_start3A_137 = tpu.memref_slice %arg5[%arg0, %add3A_130, %dma_start3A_136] : memref<2x10000x64xf32, #tpu.memory_space<hbm>> -> memref<1x128x64xf32, #tpu.memory_space<hbm>>
      %dma_start3A_138 = tpu.memref_squeeze %dma_start3A_137 : memref<1x128x64xf32, #tpu.memory_space<hbm>> -> memref<128x64xf32, #tpu.memory_space<hbm>>
      %dma_start3A_139 = arith.constant 0 : i32
      %dma_start3A_140 = tpu.memref_slice %arg9[%add3A_130, %dma_start3A_139] : memref<10000x64xf32, #tpu.memory_space<vmem_shared>> -> memref<128x64xf32, #tpu.memory_space<vmem_shared>>
      tpu.enqueue_dma source(%dma_start3A_140 : memref<128x64xf32, #tpu.memory_space<vmem_shared>>) target(%dma_start3A_138 : memref<128x64xf32, #tpu.memory_space<hbm>>) target_semaphore(%run_scoped3A_135 : memref<!tpu.dma_semaphore, #tpu.memory_space<semaphore_mem>>)
      %dma_wait3A_141 = arith.constant 0 : i32
      %dma_wait3A_142 = tpu.memref_slice %arg5[%arg0, %add3A_130, %dma_wait3A_141] : memref<2x10000x64xf32, #tpu.memory_space<hbm>> -> memref<1x128x64xf32, #tpu.memory_space<hbm>>
      %dma_wait3A_143 = tpu.memref_squeeze %dma_wait3A_142 : memref<1x128x64xf32, #tpu.memory_space<hbm>> -> memref<128x64xf32, #tpu.memory_space<hbm>>
      %dma_wait3A_144 = arith.constant 0 : i32
      %dma_wait3A_145 = tpu.memref_slice %arg9[%add3A_130, %dma_wait3A_144] : memref<10000x64xf32, #tpu.memory_space<vmem_shared>> -> memref<128x64xf32, #tpu.memory_space<vmem_shared>>
      tpu.wait_dma2 semaphore(%run_scoped3A_135 : memref<!tpu.dma_semaphore, #tpu.memory_space<semaphore_mem>>) src(%dma_wait3A_145 : memref<128x64xf32, #tpu.memory_space<vmem_shared>>) dst(%dma_wait3A_143 : memref<128x64xf32, #tpu.memory_space<hbm>>)
      tpu.yield
    }) : () -> ()
    %mul3A_131 = arith.constant 625 : i32
    %mul3A_132 = arith.muli %arg1, %mul3A_131 : i32
    %add3A_133 = arith.constant 512 : i32
    %add3A_134 = arith.addi %mul3A_132, %add3A_133 : i32
    "tpu.region"() ({
      %run_scoped3A_135 = tpu.sem_alloc : memref<!tpu.dma_semaphore, #tpu.memory_space<semaphore_mem>>
      %dma_start3A_136 = arith.constant 0 : i32
      %dma_start3A_137 = tpu.memref_slice %arg5[%arg0, %add3A_134, %dma_start3A_136] : memref<2x10000x64xf32, #tpu.memory_space<hbm>> -> memref<1x113x64xf32, #tpu.memory_space<hbm>>
      %dma_start3A_138 = tpu.memref_squeeze %dma_start3A_137 : memref<1x113x64xf32, #tpu.memory_space<hbm>> -> memref<113x64xf32, #tpu.memory_space<hbm>>
      %dma_start3A_139 = arith.constant 0 : i32
      %dma_start3A_140 = tpu.memref_slice %arg9[%add3A_134, %dma_start3A_139] : memref<10000x64xf32, #tpu.memory_space<vmem_shared>> -> memref<113x64xf32, #tpu.memory_space<vmem_shared>>
      tpu.enqueue_dma source(%dma_start3A_140 : memref<113x64xf32, #tpu.memory_space<vmem_shared>>) target(%dma_start3A_138 : memref<113x64xf32, #tpu.memory_space<hbm>>) target_semaphore(%run_scoped3A_135 : memref<!tpu.dma_semaphore, #tpu.memory_space<semaphore_mem>>)
      %dma_wait3A_141 = arith.constant 0 : i32
      %dma_wait3A_142 = tpu.memref_slice %arg5[%arg0, %add3A_134, %dma_wait3A_141] : memref<2x10000x64xf32, #tpu.memory_space<hbm>> -> memref<1x113x64xf32, #tpu.memory_space<hbm>>
      %dma_wait3A_143 = tpu.memref_squeeze %dma_wait3A_142 : memref<1x113x64xf32, #tpu.memory_space<hbm>> -> memref<113x64xf32, #tpu.memory_space<hbm>>
      %dma_wait3A_144 = arith.constant 0 : i32
      %dma_wait3A_145 = tpu.memref_slice %arg9[%add3A_134, %dma_wait3A_144] : memref<10000x64xf32, #tpu.memory_space<vmem_shared>> -> memref<113x64xf32, #tpu.memory_space<vmem_shared>>
      tpu.wait_dma2 semaphore(%run_scoped3A_135 : memref<!tpu.dma_semaphore, #tpu.memory_space<semaphore_mem>>) src(%dma_wait3A_145 : memref<113x64xf32, #tpu.memory_space<vmem_shared>>) dst(%dma_wait3A_143 : memref<113x64xf32, #tpu.memory_space<hbm>>)
      tpu.yield
    }) : () -> ()
    return
  }
}

#map = affine_map<(d0, d1) -> (0, 0, 0)>
module attributes {stable_mosaic.version = 14 : i64} {
  func.func @_segsum_body(%arg0: i32, %arg1: i32, %arg2: memref<16x245x128xi32, #tpu.memory_space<hbm>>, %arg3: memref<16x245x128xi32, #tpu.memory_space<hbm>>, %arg4: memref<2x10000x64xf32, #tpu.memory_space<hbm>>, %arg5: memref<2x10000x64xf32, #tpu.memory_space<hbm>>, %arg6: memref<245x128xi32, #tpu.memory_space<vmem>>, %arg7: memref<245x128xi32, #tpu.memory_space<vmem>>, %arg8: memref<3x128x64xf32, #tpu.memory_space<vmem>>, %arg9: memref<10000x64xf32, #tpu.memory_space<vmem_shared>>, %arg10: memref<!tpu.dma_semaphore, #tpu.memory_space<semaphore_mem>>, %arg11: memref<!tpu.dma_semaphore, #tpu.memory_space<semaphore_mem>>, %arg12: memref<!tpu.dma_semaphore, #tpu.memory_space<semaphore_mem>>, %arg13: memref<!tpu.dma_semaphore, #tpu.memory_space<semaphore_mem>>, %arg14: memref<!tpu.dma_semaphore, #tpu.memory_space<semaphore_mem>>, %arg15: memref<!tpu.dma_semaphore, #tpu.memory_space<semaphore_mem>>) attributes {dimension_semantics = [#tpu.dimension_semantics<core_parallel>, #tpu.dimension_semantics<subcore_parallel>], iteration_bounds = array<i64: 2, 16>, scalar_prefetch = 0 : i64, scratch_operands = 10 : i64, tpu.core_type = #tpu.core_type<sc_vector_subcore>, window_params = [{transform_indices = #map}, {transform_indices = #map}, {transform_indices = #map}, {transform_indices = #map}]} {
    %broadcast_in_dim3A = arith.constant 0.000000e+00 : f32
    %broadcast_in_dim3A_0 = vector.broadcast %broadcast_in_dim3A : f32 to vector<16xf32>
    %scan3A = arith.constant 0 : i32
    %scan3A_1 = arith.constant 128 : i32
    %scan3A_2 = arith.addi %scan3A, %scan3A_1 : i32
    %scan3A_3 = arith.constant 1 : i32
    scf.for %scan3A_135 = %scan3A to %scan3A_2 step %scan3A_3  : i32 {
      %mul3A_136 = arith.constant 1 : i32
      %mul3A_137 = arith.muli %scan3A_135, %mul3A_136 : i32
      %add3A_138 = arith.constant 0 : i32
      %add3A_139 = arith.addi %add3A_138, %mul3A_137 : i32
      %swap3A = arith.constant 0 : i32
      %swap3A_140 = arith.index_cast %swap3A : i32 to index
      %swap3A_141 = arith.index_cast %add3A_139 : i32 to index
      %swap3A_142 = arith.constant 0 : index
      %swap3A_143 = tpu.vector_load %arg8[%swap3A_140, %swap3A_141, %swap3A_142] {strides = array<i32>} : memref<3x128x64xf32, #tpu.memory_space<vmem>>, vector<1x1x16xf32>,
      %swap3A_144 = vector.shape_cast %swap3A_143 : vector<1x1x16xf32> to vector<16xf32>
      %swap3A_145 = vector.shape_cast %broadcast_in_dim3A_0 : vector<16xf32> to vector<1x1x16xf32>
      tpu.vector_store %arg8[%swap3A_140, %swap3A_141, %swap3A_142], %swap3A_145 {strides = array<i32>} : memref<3x128x64xf32, #tpu.memory_space<vmem>>, vector<1x1x16xf32>,
      %swap3A_146 = arith.constant 0 : i32
      %swap3A_147 = arith.index_cast %swap3A_146 : i32 to index
      %swap3A_148 = arith.index_cast %add3A_139 : i32 to index
      %swap3A_149 = arith.constant 16 : index
      %swap3A_150 = tpu.vector_load %arg8[%swap3A_147, %swap3A_148, %swap3A_149] {strides = array<i32>} : memref<3x128x64xf32, #tpu.memory_space<vmem>>, vector<1x1x16xf32>,
      %swap3A_151 = vector.shape_cast %swap3A_150 : vector<1x1x16xf32> to vector<16xf32>
      %swap3A_152 = vector.shape_cast %broadcast_in_dim3A_0 : vector<16xf32> to vector<1x1x16xf32>
      tpu.vector_store %arg8[%swap3A_147, %swap3A_148, %swap3A_149], %swap3A_152 {strides = array<i32>} : memref<3x128x64xf32, #tpu.memory_space<vmem>>, vector<1x1x16xf32>,
      %swap3A_153 = arith.constant 0 : i32
      %swap3A_154 = arith.index_cast %swap3A_153 : i32 to index
      %swap3A_155 = arith.index_cast %add3A_139 : i32 to index
      %swap3A_156 = arith.constant 32 : index
      %swap3A_157 = tpu.vector_load %arg8[%swap3A_154, %swap3A_155, %swap3A_156] {strides = array<i32>} : memref<3x128x64xf32, #tpu.memory_space<vmem>>, vector<1x1x16xf32>,
      %swap3A_158 = vector.shape_cast %swap3A_157 : vector<1x1x16xf32> to vector<16xf32>
      %swap3A_159 = vector.shape_cast %broadcast_in_dim3A_0 : vector<16xf32> to vector<1x1x16xf32>
      tpu.vector_store %arg8[%swap3A_154, %swap3A_155, %swap3A_156], %swap3A_159 {strides = array<i32>} : memref<3x128x64xf32, #tpu.memory_space<vmem>>, vector<1x1x16xf32>,
      %swap3A_160 = arith.constant 0 : i32
      %swap3A_161 = arith.index_cast %swap3A_160 : i32 to index
      %swap3A_162 = arith.index_cast %add3A_139 : i32 to index
      %swap3A_163 = arith.constant 48 : index
      %swap3A_164 = tpu.vector_load %arg8[%swap3A_161, %swap3A_162, %swap3A_163] {strides = array<i32>} : memref<3x128x64xf32, #tpu.memory_space<vmem>>, vector<1x1x16xf32>,
      %swap3A_165 = vector.shape_cast %swap3A_164 : vector<1x1x16xf32> to vector<16xf32>
      %swap3A_166 = vector.shape_cast %broadcast_in_dim3A_0 : vector<16xf32> to vector<1x1x16xf32>
      tpu.vector_store %arg8[%swap3A_161, %swap3A_162, %swap3A_163], %swap3A_166 {strides = array<i32>} : memref<3x128x64xf32, #tpu.memory_space<vmem>>, vector<1x1x16xf32>,
    }
    %scan3A_4 = arith.constant 128 : i32
    %mul3A = arith.constant 625 : i32
    %mul3A_5 = arith.muli %arg1, %mul3A : i32
    %add3A = arith.constant 0 : i32
    %add3A_6 = arith.addi %mul3A_5, %add3A : i32
    %run_scoped3A = arith.constant 0 : i32
    "tpu.region"() ({
      %run_scoped3A_135 = tpu.sem_alloc : memref<!tpu.dma_semaphore, #tpu.memory_space<semaphore_mem>>
      %dma_start3A_136 = arith.constant 0 : i32
      %dma_start3A_137 = arith.constant 0 : i32
      %dma_start3A_138 = tpu.memref_slice %arg8[%run_scoped3A, %dma_start3A_136, %dma_start3A_137] : memref<3x128x64xf32, #tpu.memory_space<vmem>> -> memref<1x128x64xf32, #tpu.memory_space<vmem>>
      %dma_start3A_139 = tpu.memref_squeeze %dma_start3A_138 : memref<1x128x64xf32, #tpu.memory_space<vmem>> -> memref<128x64xf32, #tpu.memory_space<vmem>>
      %dma_start3A_140 = arith.constant 0 : i32
      %dma_start3A_141 = tpu.memref_slice %arg9[%add3A_6, %dma_start3A_140] : memref<10000x64xf32, #tpu.memory_space<vmem_shared>> -> memref<128x64xf32, #tpu.memory_space<vmem_shared>>
      %dma_start3A_142 = arith.constant 0 : i32
      %dma_start3A_143 = tpu.memref_slice %arg9[%add3A_6, %dma_start3A_142] : memref<10000x64xf32, #tpu.memory_space<vmem_shared>> -> memref<128x64xf32, #tpu.memory_space<vmem_shared>>
      %dma_start3A_144 = arith.constant 0 : i32
      %dma_start3A_145 = arith.constant 0 : i32
      %dma_start3A_146 = tpu.memref_slice %arg8[%run_scoped3A, %dma_start3A_144, %dma_start3A_145] : memref<3x128x64xf32, #tpu.memory_space<vmem>> -> memref<1x128x64xf32, #tpu.memory_space<vmem>>
      %dma_start3A_147 = tpu.memref_squeeze %dma_start3A_146 : memref<1x128x64xf32, #tpu.memory_space<vmem>> -> memref<128x64xf32, #tpu.memory_space<vmem>>
      tpu.enqueue_dma source(%dma_start3A_147 : memref<128x64xf32, #tpu.memory_space<vmem>>) target(%dma_start3A_143 : memref<128x64xf32, #tpu.memory_space<vmem_shared>>) target_semaphore(%run_scoped3A_135 : memref<!tpu.dma_semaphore, #tpu.memory_space<semaphore_mem>>)
      %dma_wait3A_148 = arith.constant 0 : i32
      %dma_wait3A_149 = arith.constant 0 : i32
      %dma_wait3A_150 = tpu.memref_slice %arg8[%run_scoped3A, %dma_wait3A_148, %dma_wait3A_149] : memref<3x128x64xf32, #tpu.memory_space<vmem>> -> memref<1x128x64xf32, #tpu.memory_space<vmem>>
      %dma_wait3A_151 = tpu.memref_squeeze %dma_wait3A_150 : memref<1x128x64xf32, #tpu.memory_space<vmem>> -> memref<128x64xf32, #tpu.memory_space<vmem>>
      %dma_wait3A_152 = arith.constant 0 : i32
      %dma_wait3A_153 = tpu.memref_slice %arg9[%add3A_6, %dma_wait3A_152] : memref<10000x64xf32, #tpu.memory_space<vmem_shared>> -> memref<128x64xf32, #tpu.memory_space<vmem_shared>>
      %dma_wait3A_154 = arith.constant 0 : i32
      %dma_wait3A_155 = tpu.memref_slice %arg9[%add3A_6, %dma_wait3A_154] : memref<10000x64xf32, #tpu.memory_space<vmem_shared>> -> memref<128x64xf32, #tpu.memory_space<vmem_shared>>
      %dma_wait3A_156 = arith.constant 0 : i32
      %dma_wait3A_157 = arith.constant 0 : i32
      %dma_wait3A_158 = tpu.memref_slice %arg8[%run_scoped3A, %dma_wait3A_156, %dma_wait3A_157] : memref<3x128x64xf32, #tpu.memory_space<vmem>> -> memref<1x128x64xf32, #tpu.memory_space<vmem>>
      %dma_wait3A_159 = tpu.memref_squeeze %dma_wait3A_158 : memref<1x128x64xf32, #tpu.memory_space<vmem>> -> memref<128x64xf32, #tpu.memory_space<vmem>>
      tpu.wait_dma2 semaphore(%run_scoped3A_135 : memref<!tpu.dma_semaphore, #tpu.memory_space<semaphore_mem>>) src(%dma_wait3A_159 : memref<128x64xf32, #tpu.memory_space<vmem>>) dst(%dma_wait3A_155 : memref<128x64xf32, #tpu.memory_space<vmem_shared>>)
      tpu.yield
    }) : () -> ()
    %mul3A_7 = arith.constant 625 : i32
    %mul3A_8 = arith.muli %arg1, %mul3A_7 : i32
    %add3A_9 = arith.constant 128 : i32
    %add3A_10 = arith.addi %mul3A_8, %add3A_9 : i32
    %run_scoped3A_11 = arith.constant 0 : i32
    "tpu.region"() ({
      %run_scoped3A_135 = tpu.sem_alloc : memref<!tpu.dma_semaphore, #tpu.memory_space<semaphore_mem>>
      %dma_start3A_136 = arith.constant 0 : i32
      %dma_start3A_137 = arith.constant 0 : i32
      %dma_start3A_138 = tpu.memref_slice %arg8[%run_scoped3A_11, %dma_start3A_136, %dma_start3A_137] : memref<3x128x64xf32, #tpu.memory_space<vmem>> -> memref<1x128x64xf32, #tpu.memory_space<vmem>>
      %dma_start3A_139 = tpu.memref_squeeze %dma_start3A_138 : memref<1x128x64xf32, #tpu.memory_space<vmem>> -> memref<128x64xf32, #tpu.memory_space<vmem>>
      %dma_start3A_140 = arith.constant 0 : i32
      %dma_start3A_141 = tpu.memref_slice %arg9[%add3A_10, %dma_start3A_140] : memref<10000x64xf32, #tpu.memory_space<vmem_shared>> -> memref<128x64xf32, #tpu.memory_space<vmem_shared>>
      %dma_start3A_142 = arith.constant 0 : i32
      %dma_start3A_143 = tpu.memref_slice %arg9[%add3A_10, %dma_start3A_142] : memref<10000x64xf32, #tpu.memory_space<vmem_shared>> -> memref<128x64xf32, #tpu.memory_space<vmem_shared>>
      %dma_start3A_144 = arith.constant 0 : i32
      %dma_start3A_145 = arith.constant 0 : i32
      %dma_start3A_146 = tpu.memref_slice %arg8[%run_scoped3A_11, %dma_start3A_144, %dma_start3A_145] : memref<3x128x64xf32, #tpu.memory_space<vmem>> -> memref<1x128x64xf32, #tpu.memory_space<vmem>>
      %dma_start3A_147 = tpu.memref_squeeze %dma_start3A_146 : memref<1x128x64xf32, #tpu.memory_space<vmem>> -> memref<128x64xf32, #tpu.memory_space<vmem>>
      tpu.enqueue_dma source(%dma_start3A_147 : memref<128x64xf32, #tpu.memory_space<vmem>>) target(%dma_start3A_143 : memref<128x64xf32, #tpu.memory_space<vmem_shared>>) target_semaphore(%run_scoped3A_135 : memref<!tpu.dma_semaphore, #tpu.memory_space<semaphore_mem>>)
      %dma_wait3A_148 = arith.constant 0 : i32
      %dma_wait3A_149 = arith.constant 0 : i32
      %dma_wait3A_150 = tpu.memref_slice %arg8[%run_scoped3A_11, %dma_wait3A_148, %dma_wait3A_149] : memref<3x128x64xf32, #tpu.memory_space<vmem>> -> memref<1x128x64xf32, #tpu.memory_space<vmem>>
      %dma_wait3A_151 = tpu.memref_squeeze %dma_wait3A_150 : memref<1x128x64xf32, #tpu.memory_space<vmem>> -> memref<128x64xf32, #tpu.memory_space<vmem>>
      %dma_wait3A_152 = arith.constant 0 : i32
      %dma_wait3A_153 = tpu.memref_slice %arg9[%add3A_10, %dma_wait3A_152] : memref<10000x64xf32, #tpu.memory_space<vmem_shared>> -> memref<128x64xf32, #tpu.memory_space<vmem_shared>>
      %dma_wait3A_154 = arith.constant 0 : i32
      %dma_wait3A_155 = tpu.memref_slice %arg9[%add3A_10, %dma_wait3A_154] : memref<10000x64xf32, #tpu.memory_space<vmem_shared>> -> memref<128x64xf32, #tpu.memory_space<vmem_shared>>
      %dma_wait3A_156 = arith.constant 0 : i32
      %dma_wait3A_157 = arith.constant 0 : i32
      %dma_wait3A_158 = tpu.memref_slice %arg8[%run_scoped3A_11, %dma_wait3A_156, %dma_wait3A_157] : memref<3x128x64xf32, #tpu.memory_space<vmem>> -> memref<1x128x64xf32, #tpu.memory_space<vmem>>
      %dma_wait3A_159 = tpu.memref_squeeze %dma_wait3A_158 : memref<1x128x64xf32, #tpu.memory_space<vmem>> -> memref<128x64xf32, #tpu.memory_space<vmem>>
      tpu.wait_dma2 semaphore(%run_scoped3A_135 : memref<!tpu.dma_semaphore, #tpu.memory_space<semaphore_mem>>) src(%dma_wait3A_159 : memref<128x64xf32, #tpu.memory_space<vmem>>) dst(%dma_wait3A_155 : memref<128x64xf32, #tpu.memory_space<vmem_shared>>)
      tpu.yield
    }) : () -> ()
    %mul3A_12 = arith.constant 625 : i32
    %mul3A_13 = arith.muli %arg1, %mul3A_12 : i32
    %add3A_14 = arith.constant 256 : i32
    %add3A_15 = arith.addi %mul3A_13, %add3A_14 : i32
    %run_scoped3A_16 = arith.constant 0 : i32
    "tpu.region"() ({
      %run_scoped3A_135 = tpu.sem_alloc : memref<!tpu.dma_semaphore, #tpu.memory_space<semaphore_mem>>
      %dma_start3A_136 = arith.constant 0 : i32
      %dma_start3A_137 = arith.constant 0 : i32
      %dma_start3A_138 = tpu.memref_slice %arg8[%run_scoped3A_16, %dma_start3A_136, %dma_start3A_137] : memref<3x128x64xf32, #tpu.memory_space<vmem>> -> memref<1x128x64xf32, #tpu.memory_space<vmem>>
      %dma_start3A_139 = tpu.memref_squeeze %dma_start3A_138 : memref<1x128x64xf32, #tpu.memory_space<vmem>> -> memref<128x64xf32, #tpu.memory_space<vmem>>
      %dma_start3A_140 = arith.constant 0 : i32
      %dma_start3A_141 = tpu.memref_slice %arg9[%add3A_15, %dma_start3A_140] : memref<10000x64xf32, #tpu.memory_space<vmem_shared>> -> memref<128x64xf32, #tpu.memory_space<vmem_shared>>
      %dma_start3A_142 = arith.constant 0 : i32
      %dma_start3A_143 = tpu.memref_slice %arg9[%add3A_15, %dma_start3A_142] : memref<10000x64xf32, #tpu.memory_space<vmem_shared>> -> memref<128x64xf32, #tpu.memory_space<vmem_shared>>
      %dma_start3A_144 = arith.constant 0 : i32
      %dma_start3A_145 = arith.constant 0 : i32
      %dma_start3A_146 = tpu.memref_slice %arg8[%run_scoped3A_16, %dma_start3A_144, %dma_start3A_145] : memref<3x128x64xf32, #tpu.memory_space<vmem>> -> memref<1x128x64xf32, #tpu.memory_space<vmem>>
      %dma_start3A_147 = tpu.memref_squeeze %dma_start3A_146 : memref<1x128x64xf32, #tpu.memory_space<vmem>> -> memref<128x64xf32, #tpu.memory_space<vmem>>
      tpu.enqueue_dma source(%dma_start3A_147 : memref<128x64xf32, #tpu.memory_space<vmem>>) target(%dma_start3A_143 : memref<128x64xf32, #tpu.memory_space<vmem_shared>>) target_semaphore(%run_scoped3A_135 : memref<!tpu.dma_semaphore, #tpu.memory_space<semaphore_mem>>)
      %dma_wait3A_148 = arith.constant 0 : i32
      %dma_wait3A_149 = arith.constant 0 : i32
      %dma_wait3A_150 = tpu.memref_slice %arg8[%run_scoped3A_16, %dma_wait3A_148, %dma_wait3A_149] : memref<3x128x64xf32, #tpu.memory_space<vmem>> -> memref<1x128x64xf32, #tpu.memory_space<vmem>>
      %dma_wait3A_151 = tpu.memref_squeeze %dma_wait3A_150 : memref<1x128x64xf32, #tpu.memory_space<vmem>> -> memref<128x64xf32, #tpu.memory_space<vmem>>
      %dma_wait3A_152 = arith.constant 0 : i32
      %dma_wait3A_153 = tpu.memref_slice %arg9[%add3A_15, %dma_wait3A_152] : memref<10000x64xf32, #tpu.memory_space<vmem_shared>> -> memref<128x64xf32, #tpu.memory_space<vmem_shared>>
      %dma_wait3A_154 = arith.constant 0 : i32
      %dma_wait3A_155 = tpu.memref_slice %arg9[%add3A_15, %dma_wait3A_154] : memref<10000x64xf32, #tpu.memory_space<vmem_shared>> -> memref<128x64xf32, #tpu.memory_space<vmem_shared>>
      %dma_wait3A_156 = arith.constant 0 : i32
      %dma_wait3A_157 = arith.constant 0 : i32
      %dma_wait3A_158 = tpu.memref_slice %arg8[%run_scoped3A_16, %dma_wait3A_156, %dma_wait3A_157] : memref<3x128x64xf32, #tpu.memory_space<vmem>> -> memref<1x128x64xf32, #tpu.memory_space<vmem>>
      %dma_wait3A_159 = tpu.memref_squeeze %dma_wait3A_158 : memref<1x128x64xf32, #tpu.memory_space<vmem>> -> memref<128x64xf32, #tpu.memory_space<vmem>>
      tpu.wait_dma2 semaphore(%run_scoped3A_135 : memref<!tpu.dma_semaphore, #tpu.memory_space<semaphore_mem>>) src(%dma_wait3A_159 : memref<128x64xf32, #tpu.memory_space<vmem>>) dst(%dma_wait3A_155 : memref<128x64xf32, #tpu.memory_space<vmem_shared>>)
      tpu.yield
    }) : () -> ()
    %mul3A_17 = arith.constant 625 : i32
    %mul3A_18 = arith.muli %arg1, %mul3A_17 : i32
    %add3A_19 = arith.constant 384 : i32
    %add3A_20 = arith.addi %mul3A_18, %add3A_19 : i32
    %run_scoped3A_21 = arith.constant 0 : i32
    "tpu.region"() ({
      %run_scoped3A_135 = tpu.sem_alloc : memref<!tpu.dma_semaphore, #tpu.memory_space<semaphore_mem>>
      %dma_start3A_136 = arith.constant 0 : i32
      %dma_start3A_137 = arith.constant 0 : i32
      %dma_start3A_138 = tpu.memref_slice %arg8[%run_scoped3A_21, %dma_start3A_136, %dma_start3A_137] : memref<3x128x64xf32, #tpu.memory_space<vmem>> -> memref<1x128x64xf32, #tpu.memory_space<vmem>>
      %dma_start3A_139 = tpu.memref_squeeze %dma_start3A_138 : memref<1x128x64xf32, #tpu.memory_space<vmem>> -> memref<128x64xf32, #tpu.memory_space<vmem>>
      %dma_start3A_140 = arith.constant 0 : i32
      %dma_start3A_141 = tpu.memref_slice %arg9[%add3A_20, %dma_start3A_140] : memref<10000x64xf32, #tpu.memory_space<vmem_shared>> -> memref<128x64xf32, #tpu.memory_space<vmem_shared>>
      %dma_start3A_142 = arith.constant 0 : i32
      %dma_start3A_143 = tpu.memref_slice %arg9[%add3A_20, %dma_start3A_142] : memref<10000x64xf32, #tpu.memory_space<vmem_shared>> -> memref<128x64xf32, #tpu.memory_space<vmem_shared>>
      %dma_start3A_144 = arith.constant 0 : i32
      %dma_start3A_145 = arith.constant 0 : i32
      %dma_start3A_146 = tpu.memref_slice %arg8[%run_scoped3A_21, %dma_start3A_144, %dma_start3A_145] : memref<3x128x64xf32, #tpu.memory_space<vmem>> -> memref<1x128x64xf32, #tpu.memory_space<vmem>>
      %dma_start3A_147 = tpu.memref_squeeze %dma_start3A_146 : memref<1x128x64xf32, #tpu.memory_space<vmem>> -> memref<128x64xf32, #tpu.memory_space<vmem>>
      tpu.enqueue_dma source(%dma_start3A_147 : memref<128x64xf32, #tpu.memory_space<vmem>>) target(%dma_start3A_143 : memref<128x64xf32, #tpu.memory_space<vmem_shared>>) target_semaphore(%run_scoped3A_135 : memref<!tpu.dma_semaphore, #tpu.memory_space<semaphore_mem>>)
      %dma_wait3A_148 = arith.constant 0 : i32
      %dma_wait3A_149 = arith.constant 0 : i32
      %dma_wait3A_150 = tpu.memref_slice %arg8[%run_scoped3A_21, %dma_wait3A_148, %dma_wait3A_149] : memref<3x128x64xf32, #tpu.memory_space<vmem>> -> memref<1x128x64xf32, #tpu.memory_space<vmem>>
      %dma_wait3A_151 = tpu.memref_squeeze %dma_wait3A_150 : memref<1x128x64xf32, #tpu.memory_space<vmem>> -> memref<128x64xf32, #tpu.memory_space<vmem>>
      %dma_wait3A_152 = arith.constant 0 : i32
      %dma_wait3A_153 = tpu.memref_slice %arg9[%add3A_20, %dma_wait3A_152] : memref<10000x64xf32, #tpu.memory_space<vmem_shared>> -> memref<128x64xf32, #tpu.memory_space<vmem_shared>>
      %dma_wait3A_154 = arith.constant 0 : i32
      %dma_wait3A_155 = tpu.memref_slice %arg9[%add3A_20, %dma_wait3A_154] : memref<10000x64xf32, #tpu.memory_space<vmem_shared>> -> memref<128x64xf32, #tpu.memory_space<vmem_shared>>
      %dma_wait3A_156 = arith.constant 0 : i32
      %dma_wait3A_157 = arith.constant 0 : i32
      %dma_wait3A_158 = tpu.memref_slice %arg8[%run_scoped3A_21, %dma_wait3A_156, %dma_wait3A_157] : memref<3x128x64xf32, #tpu.memory_space<vmem>> -> memref<1x128x64xf32, #tpu.memory_space<vmem>>
      %dma_wait3A_159 = tpu.memref_squeeze %dma_wait3A_158 : memref<1x128x64xf32, #tpu.memory_space<vmem>> -> memref<128x64xf32, #tpu.memory_space<vmem>>
      tpu.wait_dma2 semaphore(%run_scoped3A_135 : memref<!tpu.dma_semaphore, #tpu.memory_space<semaphore_mem>>) src(%dma_wait3A_159 : memref<128x64xf32, #tpu.memory_space<vmem>>) dst(%dma_wait3A_155 : memref<128x64xf32, #tpu.memory_space<vmem_shared>>)
      tpu.yield
    }) : () -> ()
    %mul3A_22 = arith.constant 625 : i32
    %mul3A_23 = arith.muli %arg1, %mul3A_22 : i32
    %add3A_24 = arith.constant 512 : i32
    %add3A_25 = arith.addi %mul3A_23, %add3A_24 : i32
    %run_scoped3A_26 = arith.constant 0 : i32
    "tpu.region"() ({
      %run_scoped3A_135 = tpu.sem_alloc : memref<!tpu.dma_semaphore, #tpu.memory_space<semaphore_mem>>
      %dma_start3A_136 = arith.constant 0 : i32
      %dma_start3A_137 = arith.constant 0 : i32
      %dma_start3A_138 = tpu.memref_slice %arg8[%run_scoped3A_26, %dma_start3A_136, %dma_start3A_137] : memref<3x128x64xf32, #tpu.memory_space<vmem>> -> memref<1x113x64xf32, #tpu.memory_space<vmem>>
      %dma_start3A_139 = tpu.memref_squeeze %dma_start3A_138 : memref<1x113x64xf32, #tpu.memory_space<vmem>> -> memref<113x64xf32, #tpu.memory_space<vmem>>
      %dma_start3A_140 = arith.constant 0 : i32
      %dma_start3A_141 = tpu.memref_slice %arg9[%add3A_25, %dma_start3A_140] : memref<10000x64xf32, #tpu.memory_space<vmem_shared>> -> memref<113x64xf32, #tpu.memory_space<vmem_shared>>
      %dma_start3A_142 = arith.constant 0 : i32
      %dma_start3A_143 = tpu.memref_slice %arg9[%add3A_25, %dma_start3A_142] : memref<10000x64xf32, #tpu.memory_space<vmem_shared>> -> memref<113x64xf32, #tpu.memory_space<vmem_shared>>
      %dma_start3A_144 = arith.constant 0 : i32
      %dma_start3A_145 = arith.constant 0 : i32
      %dma_start3A_146 = tpu.memref_slice %arg8[%run_scoped3A_26, %dma_start3A_144, %dma_start3A_145] : memref<3x128x64xf32, #tpu.memory_space<vmem>> -> memref<1x113x64xf32, #tpu.memory_space<vmem>>
      %dma_start3A_147 = tpu.memref_squeeze %dma_start3A_146 : memref<1x113x64xf32, #tpu.memory_space<vmem>> -> memref<113x64xf32, #tpu.memory_space<vmem>>
      tpu.enqueue_dma source(%dma_start3A_147 : memref<113x64xf32, #tpu.memory_space<vmem>>) target(%dma_start3A_143 : memref<113x64xf32, #tpu.memory_space<vmem_shared>>) target_semaphore(%run_scoped3A_135 : memref<!tpu.dma_semaphore, #tpu.memory_space<semaphore_mem>>)
      %dma_wait3A_148 = arith.constant 0 : i32
      %dma_wait3A_149 = arith.constant 0 : i32
      %dma_wait3A_150 = tpu.memref_slice %arg8[%run_scoped3A_26, %dma_wait3A_148, %dma_wait3A_149] : memref<3x128x64xf32, #tpu.memory_space<vmem>> -> memref<1x113x64xf32, #tpu.memory_space<vmem>>
      %dma_wait3A_151 = tpu.memref_squeeze %dma_wait3A_150 : memref<1x113x64xf32, #tpu.memory_space<vmem>> -> memref<113x64xf32, #tpu.memory_space<vmem>>
      %dma_wait3A_152 = arith.constant 0 : i32
      %dma_wait3A_153 = tpu.memref_slice %arg9[%add3A_25, %dma_wait3A_152] : memref<10000x64xf32, #tpu.memory_space<vmem_shared>> -> memref<113x64xf32, #tpu.memory_space<vmem_shared>>
      %dma_wait3A_154 = arith.constant 0 : i32
      %dma_wait3A_155 = tpu.memref_slice %arg9[%add3A_25, %dma_wait3A_154] : memref<10000x64xf32, #tpu.memory_space<vmem_shared>> -> memref<113x64xf32, #tpu.memory_space<vmem_shared>>
      %dma_wait3A_156 = arith.constant 0 : i32
      %dma_wait3A_157 = arith.constant 0 : i32
      %dma_wait3A_158 = tpu.memref_slice %arg8[%run_scoped3A_26, %dma_wait3A_156, %dma_wait3A_157] : memref<3x128x64xf32, #tpu.memory_space<vmem>> -> memref<1x113x64xf32, #tpu.memory_space<vmem>>
      %dma_wait3A_159 = tpu.memref_squeeze %dma_wait3A_158 : memref<1x113x64xf32, #tpu.memory_space<vmem>> -> memref<113x64xf32, #tpu.memory_space<vmem>>
      tpu.wait_dma2 semaphore(%run_scoped3A_135 : memref<!tpu.dma_semaphore, #tpu.memory_space<semaphore_mem>>) src(%dma_wait3A_159 : memref<113x64xf32, #tpu.memory_space<vmem>>) dst(%dma_wait3A_155 : memref<113x64xf32, #tpu.memory_space<vmem_shared>>)
      tpu.yield
    }) : () -> ()
    %barrier3A = arith.constant 0 : index
    tpu.barrier barrier_id(%barrier3A)
    "tpu.region"() ({
      %run_scoped3A_135 = tpu.sem_alloc : memref<!tpu.dma_semaphore, #tpu.memory_space<semaphore_mem>>
      %dma_start3A_136 = arith.constant 0 : i32
      %dma_start3A_137 = arith.constant 0 : i32
      %dma_start3A_138 = tpu.memref_slice %arg2[%arg1, %dma_start3A_136, %dma_start3A_137] : memref<16x245x128xi32, #tpu.memory_space<hbm>> -> memref<1x245x128xi32, #tpu.memory_space<hbm>>
      %dma_start3A_139 = tpu.memref_squeeze %dma_start3A_138 : memref<1x245x128xi32, #tpu.memory_space<hbm>> -> memref<245x128xi32, #tpu.memory_space<hbm>>
      %dma_start3A_140 = arith.constant 0 : i32
      %dma_start3A_141 = arith.constant 0 : i32
      %dma_start3A_142 = tpu.memref_slice %arg2[%arg1, %dma_start3A_140, %dma_start3A_141] : memref<16x245x128xi32, #tpu.memory_space<hbm>> -> memref<1x245x128xi32, #tpu.memory_space<hbm>>
      %dma_start3A_143 = tpu.memref_squeeze %dma_start3A_142 : memref<1x245x128xi32, #tpu.memory_space<hbm>> -> memref<245x128xi32, #tpu.memory_space<hbm>>
      tpu.enqueue_dma source(%dma_start3A_143 : memref<245x128xi32, #tpu.memory_space<hbm>>) target(%arg6 : memref<245x128xi32, #tpu.memory_space<vmem>>) target_semaphore(%run_scoped3A_135 : memref<!tpu.dma_semaphore, #tpu.memory_space<semaphore_mem>>)
      %dma_wait3A_144 = arith.constant 0 : i32
      %dma_wait3A_145 = arith.constant 0 : i32
      %dma_wait3A_146 = tpu.memref_slice %arg2[%arg1, %dma_wait3A_144, %dma_wait3A_145] : memref<16x245x128xi32, #tpu.memory_space<hbm>> -> memref<1x245x128xi32, #tpu.memory_space<hbm>>
      %dma_wait3A_147 = tpu.memref_squeeze %dma_wait3A_146 : memref<1x245x128xi32, #tpu.memory_space<hbm>> -> memref<245x128xi32, #tpu.memory_space<hbm>>
      %dma_wait3A_148 = arith.constant 0 : i32
      %dma_wait3A_149 = arith.constant 0 : i32
      %dma_wait3A_150 = tpu.memref_slice %arg2[%arg1, %dma_wait3A_148, %dma_wait3A_149] : memref<16x245x128xi32, #tpu.memory_space<hbm>> -> memref<1x245x128xi32, #tpu.memory_space<hbm>>
      %dma_wait3A_151 = tpu.memref_squeeze %dma_wait3A_150 : memref<1x245x128xi32, #tpu.memory_space<hbm>> -> memref<245x128xi32, #tpu.memory_space<hbm>>
      tpu.wait_dma2 semaphore(%run_scoped3A_135 : memref<!tpu.dma_semaphore, #tpu.memory_space<semaphore_mem>>) src(%dma_wait3A_151 : memref<245x128xi32, #tpu.memory_space<hbm>>) dst(%arg6 : memref<245x128xi32, #tpu.memory_space<vmem>>)
      tpu.yield
    }) : () -> ()
    "tpu.region"() ({
      %run_scoped3A_135 = tpu.sem_alloc : memref<!tpu.dma_semaphore, #tpu.memory_space<semaphore_mem>>
      %dma_start3A_136 = arith.constant 0 : i32
      %dma_start3A_137 = arith.constant 0 : i32
      %dma_start3A_138 = tpu.memref_slice %arg3[%arg1, %dma_start3A_136, %dma_start3A_137] : memref<16x245x128xi32, #tpu.memory_space<hbm>> -> memref<1x245x128xi32, #tpu.memory_space<hbm>>
      %dma_start3A_139 = tpu.memref_squeeze %dma_start3A_138 : memref<1x245x128xi32, #tpu.memory_space<hbm>> -> memref<245x128xi32, #tpu.memory_space<hbm>>
      %dma_start3A_140 = arith.constant 0 : i32
      %dma_start3A_141 = arith.constant 0 : i32
      %dma_start3A_142 = tpu.memref_slice %arg3[%arg1, %dma_start3A_140, %dma_start3A_141] : memref<16x245x128xi32, #tpu.memory_space<hbm>> -> memref<1x245x128xi32, #tpu.memory_space<hbm>>
      %dma_start3A_143 = tpu.memref_squeeze %dma_start3A_142 : memref<1x245x128xi32, #tpu.memory_space<hbm>> -> memref<245x128xi32, #tpu.memory_space<hbm>>
      tpu.enqueue_dma source(%dma_start3A_143 : memref<245x128xi32, #tpu.memory_space<hbm>>) target(%arg7 : memref<245x128xi32, #tpu.memory_space<vmem>>) target_semaphore(%run_scoped3A_135 : memref<!tpu.dma_semaphore, #tpu.memory_space<semaphore_mem>>)
      %dma_wait3A_144 = arith.constant 0 : i32
      %dma_wait3A_145 = arith.constant 0 : i32
      %dma_wait3A_146 = tpu.memref_slice %arg3[%arg1, %dma_wait3A_144, %dma_wait3A_145] : memref<16x245x128xi32, #tpu.memory_space<hbm>> -> memref<1x245x128xi32, #tpu.memory_space<hbm>>
      %dma_wait3A_147 = tpu.memref_squeeze %dma_wait3A_146 : memref<1x245x128xi32, #tpu.memory_space<hbm>> -> memref<245x128xi32, #tpu.memory_space<hbm>>
      %dma_wait3A_148 = arith.constant 0 : i32
      %dma_wait3A_149 = arith.constant 0 : i32
      %dma_wait3A_150 = tpu.memref_slice %arg3[%arg1, %dma_wait3A_148, %dma_wait3A_149] : memref<16x245x128xi32, #tpu.memory_space<hbm>> -> memref<1x245x128xi32, #tpu.memory_space<hbm>>
      %dma_wait3A_151 = tpu.memref_squeeze %dma_wait3A_150 : memref<1x245x128xi32, #tpu.memory_space<hbm>> -> memref<245x128xi32, #tpu.memory_space<hbm>>
      tpu.wait_dma2 semaphore(%run_scoped3A_135 : memref<!tpu.dma_semaphore, #tpu.memory_space<semaphore_mem>>) src(%dma_wait3A_151 : memref<245x128xi32, #tpu.memory_space<hbm>>) dst(%arg7 : memref<245x128xi32, #tpu.memory_space<vmem>>)
      tpu.yield
    }) : () -> ()
    %dma_start3A = arith.constant 0 : i32
    %dma_start3A_27 = arith.constant 0 : i32
    %dma_start3A_28 = arith.constant 0 : i32
    %dma_start3A_29 = arith.constant 0 : i32
    %dma_start3A_30 = tpu.memref_slice %arg8[%dma_start3A_27, %dma_start3A_28, %dma_start3A_29] : memref<3x128x64xf32, #tpu.memory_space<vmem>> -> memref<1x128x64xf32, #tpu.memory_space<vmem>>
    %dma_start3A_31 = tpu.memref_squeeze %dma_start3A_30 : memref<1x128x64xf32, #tpu.memory_space<vmem>> -> memref<128x64xf32, #tpu.memory_space<vmem>>
    %dma_start3A_32 = arith.constant 0 : i32
    %dma_start3A_33 = tpu.memref_slice %arg6[%dma_start3A, %dma_start3A_32] : memref<245x128xi32, #tpu.memory_space<vmem>> -> memref<1x128xi32, #tpu.memory_space<vmem>>
    %dma_start3A_34 = tpu.memref_squeeze %dma_start3A_33 : memref<1x128xi32, #tpu.memory_space<vmem>> -> memref<128xi32, #tpu.memory_space<vmem>>
    %dma_start3A_35 = arith.constant 0 : i32
    %dma_start3A_36 = arith.constant 0 : i32
    %dma_start3A_37 = tpu.memref_slice %arg4[%arg0, %dma_start3A_35, %dma_start3A_36] : memref<2x10000x64xf32, #tpu.memory_space<hbm>> -> memref<1x10000x64xf32, #tpu.memory_space<hbm>>
    %dma_start3A_38 = tpu.memref_squeeze %dma_start3A_37 : memref<1x10000x64xf32, #tpu.memory_space<hbm>> -> memref<10000x64xf32, #tpu.memory_space<hbm>>
    %dma_start3A_39 = arith.constant 0 : i32
    %dma_start3A_40 = arith.constant 0 : i32
    %dma_start3A_41 = tpu.memref_slice %dma_start3A_38[%dma_start3A_39, %dma_start3A_40] : memref<10000x64xf32, #tpu.memory_space<hbm>> -> memref<10000x64xf32, #tpu.memory_space<hbm>>
    tpu.enqueue_indirect_dma source(%dma_start3A_41 : memref<10000x64xf32, #tpu.memory_space<hbm>>) target(%dma_start3A_31 : memref<128x64xf32, #tpu.memory_space<vmem>>) offsets(%dma_start3A_34 : memref<128xi32, #tpu.memory_space<vmem>>) semaphore(%arg10 : memref<!tpu.dma_semaphore, #tpu.memory_space<semaphore_mem>>)
    %dma_start3A_42 = arith.constant 1 : i32
    %dma_start3A_43 = arith.constant 1 : i32
    %dma_start3A_44 = arith.constant 0 : i32
    %dma_start3A_45 = arith.constant 0 : i32
    %dma_start3A_46 = tpu.memref_slice %arg8[%dma_start3A_43, %dma_start3A_44, %dma_start3A_45] : memref<3x128x64xf32, #tpu.memory_space<vmem>> -> memref<1x128x64xf32, #tpu.memory_space<vmem>>
    %dma_start3A_47 = tpu.memref_squeeze %dma_start3A_46 : memref<1x128x64xf32, #tpu.memory_space<vmem>> -> memref<128x64xf32, #tpu.memory_space<vmem>>
    %dma_start3A_48 = arith.constant 0 : i32
    %dma_start3A_49 = tpu.memref_slice %arg6[%dma_start3A_42, %dma_start3A_48] : memref<245x128xi32, #tpu.memory_space<vmem>> -> memref<1x128xi32, #tpu.memory_space<vmem>>
    %dma_start3A_50 = tpu.memref_squeeze %dma_start3A_49 : memref<1x128xi32, #tpu.memory_space<vmem>> -> memref<128xi32, #tpu.memory_space<vmem>>
    %dma_start3A_51 = arith.constant 0 : i32
    %dma_start3A_52 = arith.constant 0 : i32
    %dma_start3A_53 = tpu.memref_slice %arg4[%arg0, %dma_start3A_51, %dma_start3A_52] : memref<2x10000x64xf32, #tpu.memory_space<hbm>> -> memref<1x10000x64xf32, #tpu.memory_space<hbm>>
    %dma_start3A_54 = tpu.memref_squeeze %dma_start3A_53 : memref<1x10000x64xf32, #tpu.memory_space<hbm>> -> memref<10000x64xf32, #tpu.memory_space<hbm>>
    %dma_start3A_55 = arith.constant 0 : i32
    %dma_start3A_56 = arith.constant 0 : i32
    %dma_start3A_57 = tpu.memref_slice %dma_start3A_54[%dma_start3A_55, %dma_start3A_56] : memref<10000x64xf32, #tpu.memory_space<hbm>> -> memref<10000x64xf32, #tpu.memory_space<hbm>>
    tpu.enqueue_indirect_dma source(%dma_start3A_57 : memref<10000x64xf32, #tpu.memory_space<hbm>>) target(%dma_start3A_47 : memref<128x64xf32, #tpu.memory_space<vmem>>) offsets(%dma_start3A_50 : memref<128xi32, #tpu.memory_space<vmem>>) semaphore(%arg11 : memref<!tpu.dma_semaphore, #tpu.memory_space<semaphore_mem>>)
    %dma_start3A_58 = arith.constant 2 : i32
    %dma_start3A_59 = arith.constant 2 : i32
    %dma_start3A_60 = arith.constant 0 : i32
    %dma_start3A_61 = arith.constant 0 : i32
    %dma_start3A_62 = tpu.memref_slice %arg8[%dma_start3A_59, %dma_start3A_60, %dma_start3A_61] : memref<3x128x64xf32, #tpu.memory_space<vmem>> -> memref<1x128x64xf32, #tpu.memory_space<vmem>>
    %dma_start3A_63 = tpu.memref_squeeze %dma_start3A_62 : memref<1x128x64xf32, #tpu.memory_space<vmem>> -> memref<128x64xf32, #tpu.memory_space<vmem>>
    %dma_start3A_64 = arith.constant 0 : i32
    %dma_start3A_65 = tpu.memref_slice %arg6[%dma_start3A_58, %dma_start3A_64] : memref<245x128xi32, #tpu.memory_space<vmem>> -> memref<1x128xi32, #tpu.memory_space<vmem>>
    %dma_start3A_66 = tpu.memref_squeeze %dma_start3A_65 : memref<1x128xi32, #tpu.memory_space<vmem>> -> memref<128xi32, #tpu.memory_space<vmem>>
    %dma_start3A_67 = arith.constant 0 : i32
    %dma_start3A_68 = arith.constant 0 : i32
    %dma_start3A_69 = tpu.memref_slice %arg4[%arg0, %dma_start3A_67, %dma_start3A_68] : memref<2x10000x64xf32, #tpu.memory_space<hbm>> -> memref<1x10000x64xf32, #tpu.memory_space<hbm>>
    %dma_start3A_70 = tpu.memref_squeeze %dma_start3A_69 : memref<1x10000x64xf32, #tpu.memory_space<hbm>> -> memref<10000x64xf32, #tpu.memory_space<hbm>>
    %dma_start3A_71 = arith.constant 0 : i32
    %dma_start3A_72 = arith.constant 0 : i32
    %dma_start3A_73 = tpu.memref_slice %dma_start3A_70[%dma_start3A_71, %dma_start3A_72] : memref<10000x64xf32, #tpu.memory_space<hbm>> -> memref<10000x64xf32, #tpu.memory_space<hbm>>
    tpu.enqueue_indirect_dma source(%dma_start3A_73 : memref<10000x64xf32, #tpu.memory_space<hbm>>) target(%dma_start3A_63 : memref<128x64xf32, #tpu.memory_space<vmem>>) offsets(%dma_start3A_66 : memref<128xi32, #tpu.memory_space<vmem>>) semaphore(%arg12 : memref<!tpu.dma_semaphore, #tpu.memory_space<semaphore_mem>>)
    %scan3A_74 = arith.constant 0 : i32
    %scan3A_75 = arith.constant 81 : i32
    %scan3A_76 = arith.addi %scan3A_74, %scan3A_75 : i32
    %scan3A_77 = arith.constant 1 : i32
    scf.for %scan3A_135 = %scan3A_74 to %scan3A_76 step %scan3A_77  : i32 {
      %mul3A_136 = arith.constant 1 : i32
      %mul3A_137 = arith.muli %scan3A_135, %mul3A_136 : i32
      %add3A_138 = arith.constant 0 : i32
      %add3A_139 = arith.addi %add3A_138, %mul3A_137 : i32
      %mul3A_140 = arith.constant 3 : i32
      %mul3A_141 = arith.muli %add3A_139, %mul3A_140 : i32
      %add3A_142 = arith.constant 0 : i32
      %add3A_143 = arith.addi %mul3A_141, %add3A_142 : i32
      %dma_wait3A_144 = arith.constant 0 : i32
      %dma_wait3A_145 = arith.constant 0 : i32
      %dma_wait3A_146 = arith.constant 0 : i32
      %dma_wait3A_147 = tpu.memref_slice %arg8[%dma_wait3A_144, %dma_wait3A_145, %dma_wait3A_146] : memref<3x128x64xf32, #tpu.memory_space<vmem>> -> memref<1x128x64xf32, #tpu.memory_space<vmem>>
      %dma_wait3A_148 = tpu.memref_squeeze %dma_wait3A_147 : memref<1x128x64xf32, #tpu.memory_space<vmem>> -> memref<128x64xf32, #tpu.memory_space<vmem>>
      %dma_wait3A_149 = arith.constant 0 : i32
      %dma_wait3A_150 = tpu.memref_slice %arg6[%add3A_143, %dma_wait3A_149] : memref<245x128xi32, #tpu.memory_space<vmem>> -> memref<1x128xi32, #tpu.memory_space<vmem>>
      %dma_wait3A_151 = tpu.memref_squeeze %dma_wait3A_150 : memref<1x128xi32, #tpu.memory_space<vmem>> -> memref<128xi32, #tpu.memory_space<vmem>>
      %dma_wait3A_152 = arith.constant 0 : i32
      %dma_wait3A_153 = arith.constant 0 : i32
      %dma_wait3A_154 = tpu.memref_slice %arg4[%arg0, %dma_wait3A_152, %dma_wait3A_153] : memref<2x10000x64xf32, #tpu.memory_space<hbm>> -> memref<1x10000x64xf32, #tpu.memory_space<hbm>>
      %dma_wait3A_155 = tpu.memref_squeeze %dma_wait3A_154 : memref<1x10000x64xf32, #tpu.memory_space<hbm>> -> memref<10000x64xf32, #tpu.memory_space<hbm>>
      %dma_wait3A_156 = arith.constant 0 : i32
      %dma_wait3A_157 = arith.constant 0 : i32
      %dma_wait3A_158 = tpu.memref_slice %dma_wait3A_155[%dma_wait3A_156, %dma_wait3A_157] : memref<10000x64xf32, #tpu.memory_space<hbm>> -> memref<10000x64xf32, #tpu.memory_space<hbm>>
      tpu.wait_indirect_dma semaphore(%arg10 : memref<!tpu.dma_semaphore, #tpu.memory_space<semaphore_mem>>) src(%dma_wait3A_158 : memref<10000x64xf32, #tpu.memory_space<hbm>>) dst(%dma_wait3A_148 : memref<128x64xf32, #tpu.memory_space<vmem>>)
      %dma_start3A_159 = arith.constant 0 : i32
      %dma_start3A_160 = arith.constant 0 : i32
      %dma_start3A_161 = arith.constant 0 : i32
      %dma_start3A_162 = tpu.memref_slice %arg8[%dma_start3A_159, %dma_start3A_160, %dma_start3A_161] : memref<3x128x64xf32, #tpu.memory_space<vmem>> -> memref<1x128x64xf32, #tpu.memory_space<vmem>>
      %dma_start3A_163 = tpu.memref_squeeze %dma_start3A_162 : memref<1x128x64xf32, #tpu.memory_space<vmem>> -> memref<128x64xf32, #tpu.memory_space<vmem>>
      %dma_start3A_164 = arith.constant 0 : i32
      %dma_start3A_165 = tpu.memref_slice %arg7[%add3A_143, %dma_start3A_164] : memref<245x128xi32, #tpu.memory_space<vmem>> -> memref<1x128xi32, #tpu.memory_space<vmem>>
      %dma_start3A_166 = tpu.memref_squeeze %dma_start3A_165 : memref<1x128xi32, #tpu.memory_space<vmem>> -> memref<128xi32, #tpu.memory_space<vmem>>
      %dma_start3A_167 = arith.constant 0 : i32
      %dma_start3A_168 = arith.constant 0 : i32
      %dma_start3A_169 = tpu.memref_slice %arg9[%dma_start3A_167, %dma_start3A_168] : memref<10000x64xf32, #tpu.memory_space<vmem_shared>> -> memref<10000x64xf32, #tpu.memory_space<vmem_shared>>
      tpu.enqueue_indirect_dma source(%dma_start3A_163 : memref<128x64xf32, #tpu.memory_space<vmem>>) target(%dma_start3A_169 : memref<10000x64xf32, #tpu.memory_space<vmem_shared>>) offsets(%dma_start3A_166 : memref<128xi32, #tpu.memory_space<vmem>>) semaphore(%arg13 : memref<!tpu.dma_semaphore, #tpu.memory_space<semaphore_mem>>) {add = true}
      %dma_wait3A_170 = arith.constant 0 : i32
      %dma_wait3A_171 = arith.constant 0 : i32
      %dma_wait3A_172 = arith.constant 0 : i32
      %dma_wait3A_173 = tpu.memref_slice %arg8[%dma_wait3A_170, %dma_wait3A_171, %dma_wait3A_172] : memref<3x128x64xf32, #tpu.memory_space<vmem>> -> memref<1x128x64xf32, #tpu.memory_space<vmem>>
      %dma_wait3A_174 = tpu.memref_squeeze %dma_wait3A_173 : memref<1x128x64xf32, #tpu.memory_space<vmem>> -> memref<128x64xf32, #tpu.memory_space<vmem>>
      %dma_wait3A_175 = arith.constant 0 : i32
      %dma_wait3A_176 = tpu.memref_slice %arg7[%add3A_143, %dma_wait3A_175] : memref<245x128xi32, #tpu.memory_space<vmem>> -> memref<1x128xi32, #tpu.memory_space<vmem>>
      %dma_wait3A_177 = tpu.memref_squeeze %dma_wait3A_176 : memref<1x128xi32, #tpu.memory_space<vmem>> -> memref<128xi32, #tpu.memory_space<vmem>>
      %dma_wait3A_178 = arith.constant 0 : i32
      %dma_wait3A_179 = arith.constant 0 : i32
      %dma_wait3A_180 = tpu.memref_slice %arg9[%dma_wait3A_178, %dma_wait3A_179] : memref<10000x64xf32, #tpu.memory_space<vmem_shared>> -> memref<10000x64xf32, #tpu.memory_space<vmem_shared>>
      tpu.wait_indirect_dma semaphore(%arg13 : memref<!tpu.dma_semaphore, #tpu.memory_space<semaphore_mem>>) src(%dma_wait3A_174 : memref<128x64xf32, #tpu.memory_space<vmem>>) dst(%dma_wait3A_180 : memref<10000x64xf32, #tpu.memory_space<vmem_shared>>)
      %add3A_181 = arith.constant 3 : i32
      %add3A_182 = arith.addi %add3A_143, %add3A_181 : i32
      %lt3A = arith.constant 245 : i32
      %lt3A_183 = arith.cmpi slt, %add3A_182, %lt3A : i32
      %convert_element_type3A = arith.extui %lt3A_183 : i1 to i32
      %cond3A = arith.constant 0 : i32
      %cond3A_184 = arith.cmpi ne, %convert_element_type3A, %cond3A : i32
      scf.if %cond3A_184 {
        %add3A_281 = arith.constant 3 : i32
        %add3A_282 = arith.addi %add3A_143, %add3A_281 : i32
        %dma_start3A_283 = arith.constant 0 : i32
        %dma_start3A_284 = arith.constant 0 : i32
        %dma_start3A_285 = arith.constant 0 : i32
        %dma_start3A_286 = tpu.memref_slice %arg8[%dma_start3A_283, %dma_start3A_284, %dma_start3A_285] : memref<3x128x64xf32, #tpu.memory_space<vmem>> -> memref<1x128x64xf32, #tpu.memory_space<vmem>>
        %dma_start3A_287 = tpu.memref_squeeze %dma_start3A_286 : memref<1x128x64xf32, #tpu.memory_space<vmem>> -> memref<128x64xf32, #tpu.memory_space<vmem>>
        %dma_start3A_288 = arith.constant 0 : i32
        %dma_start3A_289 = tpu.memref_slice %arg6[%add3A_282, %dma_start3A_288] : memref<245x128xi32, #tpu.memory_space<vmem>> -> memref<1x128xi32, #tpu.memory_space<vmem>>
        %dma_start3A_290 = tpu.memref_squeeze %dma_start3A_289 : memref<1x128xi32, #tpu.memory_space<vmem>> -> memref<128xi32, #tpu.memory_space<vmem>>
        %dma_start3A_291 = arith.constant 0 : i32
        %dma_start3A_292 = arith.constant 0 : i32
        %dma_start3A_293 = tpu.memref_slice %arg4[%arg0, %dma_start3A_291, %dma_start3A_292] : memref<2x10000x64xf32, #tpu.memory_space<hbm>> -> memref<1x10000x64xf32, #tpu.memory_space<hbm>>
        %dma_start3A_294 = tpu.memref_squeeze %dma_start3A_293 : memref<1x10000x64xf32, #tpu.memory_space<hbm>> -> memref<10000x64xf32, #tpu.memory_space<hbm>>
        %dma_start3A_295 = arith.constant 0 : i32
        %dma_start3A_296 = arith.constant 0 : i32
        %dma_start3A_297 = tpu.memref_slice %dma_start3A_294[%dma_start3A_295, %dma_start3A_296] : memref<10000x64xf32, #tpu.memory_space<hbm>> -> memref<10000x64xf32, #tpu.memory_space<hbm>>
        tpu.enqueue_indirect_dma source(%dma_start3A_297 : memref<10000x64xf32, #tpu.memory_space<hbm>>) target(%dma_start3A_287 : memref<128x64xf32, #tpu.memory_space<vmem>>) offsets(%dma_start3A_290 : memref<128xi32, #tpu.memory_space<vmem>>) semaphore(%arg10 : memref<!tpu.dma_semaphore, #tpu.memory_space<semaphore_mem>>)
      } else {
      }
      %mul3A_185 = arith.constant 3 : i32
      %mul3A_186 = arith.muli %add3A_139, %mul3A_185 : i32
      %add3A_187 = arith.constant 1 : i32
      %add3A_188 = arith.addi %mul3A_186, %add3A_187 : i32
      %dma_wait3A_189 = arith.constant 1 : i32
      %dma_wait3A_190 = arith.constant 0 : i32
      %dma_wait3A_191 = arith.constant 0 : i32
      %dma_wait3A_192 = tpu.memref_slice %arg8[%dma_wait3A_189, %dma_wait3A_190, %dma_wait3A_191] : memref<3x128x64xf32, #tpu.memory_space<vmem>> -> memref<1x128x64xf32, #tpu.memory_space<vmem>>
      %dma_wait3A_193 = tpu.memref_squeeze %dma_wait3A_192 : memref<1x128x64xf32, #tpu.memory_space<vmem>> -> memref<128x64xf32, #tpu.memory_space<vmem>>
      %dma_wait3A_194 = arith.constant 0 : i32
      %dma_wait3A_195 = tpu.memref_slice %arg6[%add3A_188, %dma_wait3A_194] : memref<245x128xi32, #tpu.memory_space<vmem>> -> memref<1x128xi32, #tpu.memory_space<vmem>>
      %dma_wait3A_196 = tpu.memref_squeeze %dma_wait3A_195 : memref<1x128xi32, #tpu.memory_space<vmem>> -> memref<128xi32, #tpu.memory_space<vmem>>
      %dma_wait3A_197 = arith.constant 0 : i32
      %dma_wait3A_198 = arith.constant 0 : i32
      %dma_wait3A_199 = tpu.memref_slice %arg4[%arg0, %dma_wait3A_197, %dma_wait3A_198] : memref<2x10000x64xf32, #tpu.memory_space<hbm>> -> memref<1x10000x64xf32, #tpu.memory_space<hbm>>
      %dma_wait3A_200 = tpu.memref_squeeze %dma_wait3A_199 : memref<1x10000x64xf32, #tpu.memory_space<hbm>> -> memref<10000x64xf32, #tpu.memory_space<hbm>>
      %dma_wait3A_201 = arith.constant 0 : i32
      %dma_wait3A_202 = arith.constant 0 : i32
      %dma_wait3A_203 = tpu.memref_slice %dma_wait3A_200[%dma_wait3A_201, %dma_wait3A_202] : memref<10000x64xf32, #tpu.memory_space<hbm>> -> memref<10000x64xf32, #tpu.memory_space<hbm>>
      tpu.wait_indirect_dma semaphore(%arg11 : memref<!tpu.dma_semaphore, #tpu.memory_space<semaphore_mem>>) src(%dma_wait3A_203 : memref<10000x64xf32, #tpu.memory_space<hbm>>) dst(%dma_wait3A_193 : memref<128x64xf32, #tpu.memory_space<vmem>>)
      %dma_start3A_204 = arith.constant 1 : i32
      %dma_start3A_205 = arith.constant 0 : i32
      %dma_start3A_206 = arith.constant 0 : i32
      %dma_start3A_207 = tpu.memref_slice %arg8[%dma_start3A_204, %dma_start3A_205, %dma_start3A_206] : memref<3x128x64xf32, #tpu.memory_space<vmem>> -> memref<1x128x64xf32, #tpu.memory_space<vmem>>
      %dma_start3A_208 = tpu.memref_squeeze %dma_start3A_207 : memref<1x128x64xf32, #tpu.memory_space<vmem>> -> memref<128x64xf32, #tpu.memory_space<vmem>>
      %dma_start3A_209 = arith.constant 0 : i32
      %dma_start3A_210 = tpu.memref_slice %arg7[%add3A_188, %dma_start3A_209] : memref<245x128xi32, #tpu.memory_space<vmem>> -> memref<1x128xi32, #tpu.memory_space<vmem>>
      %dma_start3A_211 = tpu.memref_squeeze %dma_start3A_210 : memref<1x128xi32, #tpu.memory_space<vmem>> -> memref<128xi32, #tpu.memory_space<vmem>>
      %dma_start3A_212 = arith.constant 0 : i32
      %dma_start3A_213 = arith.constant 0 : i32
      %dma_start3A_214 = tpu.memref_slice %arg9[%dma_start3A_212, %dma_start3A_213] : memref<10000x64xf32, #tpu.memory_space<vmem_shared>> -> memref<10000x64xf32, #tpu.memory_space<vmem_shared>>
      tpu.enqueue_indirect_dma source(%dma_start3A_208 : memref<128x64xf32, #tpu.memory_space<vmem>>) target(%dma_start3A_214 : memref<10000x64xf32, #tpu.memory_space<vmem_shared>>) offsets(%dma_start3A_211 : memref<128xi32, #tpu.memory_space<vmem>>) semaphore(%arg14 : memref<!tpu.dma_semaphore, #tpu.memory_space<semaphore_mem>>) {add = true}
      %dma_wait3A_215 = arith.constant 1 : i32
      %dma_wait3A_216 = arith.constant 0 : i32
      %dma_wait3A_217 = arith.constant 0 : i32
      %dma_wait3A_218 = tpu.memref_slice %arg8[%dma_wait3A_215, %dma_wait3A_216, %dma_wait3A_217] : memref<3x128x64xf32, #tpu.memory_space<vmem>> -> memref<1x128x64xf32, #tpu.memory_space<vmem>>
      %dma_wait3A_219 = tpu.memref_squeeze %dma_wait3A_218 : memref<1x128x64xf32, #tpu.memory_space<vmem>> -> memref<128x64xf32, #tpu.memory_space<vmem>>
      %dma_wait3A_220 = arith.constant 0 : i32
      %dma_wait3A_221 = tpu.memref_slice %arg7[%add3A_188, %dma_wait3A_220] : memref<245x128xi32, #tpu.memory_space<vmem>> -> memref<1x128xi32, #tpu.memory_space<vmem>>
      %dma_wait3A_222 = tpu.memref_squeeze %dma_wait3A_221 : memref<1x128xi32, #tpu.memory_space<vmem>> -> memref<128xi32, #tpu.memory_space<vmem>>
      %dma_wait3A_223 = arith.constant 0 : i32
      %dma_wait3A_224 = arith.constant 0 : i32
      %dma_wait3A_225 = tpu.memref_slice %arg9[%dma_wait3A_223, %dma_wait3A_224] : memref<10000x64xf32, #tpu.memory_space<vmem_shared>> -> memref<10000x64xf32, #tpu.memory_space<vmem_shared>>
      tpu.wait_indirect_dma semaphore(%arg14 : memref<!tpu.dma_semaphore, #tpu.memory_space<semaphore_mem>>) src(%dma_wait3A_219 : memref<128x64xf32, #tpu.memory_space<vmem>>) dst(%dma_wait3A_225 : memref<10000x64xf32, #tpu.memory_space<vmem_shared>>)
      %add3A_226 = arith.constant 3 : i32
      %add3A_227 = arith.addi %add3A_188, %add3A_226 : i32
      %lt3A_228 = arith.constant 245 : i32
      %lt3A_229 = arith.cmpi slt, %add3A_227, %lt3A_228 : i32
      %convert_element_type3A_230 = arith.extui %lt3A_229 : i1 to i32
      %cond3A_231 = arith.constant 0 : i32
      %cond3A_232 = arith.cmpi ne, %convert_element_type3A_230, %cond3A_231 : i32
      scf.if %cond3A_232 {
        %add3A_281 = arith.constant 3 : i32
        %add3A_282 = arith.addi %add3A_188, %add3A_281 : i32
        %dma_start3A_283 = arith.constant 1 : i32
        %dma_start3A_284 = arith.constant 0 : i32
        %dma_start3A_285 = arith.constant 0 : i32
        %dma_start3A_286 = tpu.memref_slice %arg8[%dma_start3A_283, %dma_start3A_284, %dma_start3A_285] : memref<3x128x64xf32, #tpu.memory_space<vmem>> -> memref<1x128x64xf32, #tpu.memory_space<vmem>>
        %dma_start3A_287 = tpu.memref_squeeze %dma_start3A_286 : memref<1x128x64xf32, #tpu.memory_space<vmem>> -> memref<128x64xf32, #tpu.memory_space<vmem>>
        %dma_start3A_288 = arith.constant 0 : i32
        %dma_start3A_289 = tpu.memref_slice %arg6[%add3A_282, %dma_start3A_288] : memref<245x128xi32, #tpu.memory_space<vmem>> -> memref<1x128xi32, #tpu.memory_space<vmem>>
        %dma_start3A_290 = tpu.memref_squeeze %dma_start3A_289 : memref<1x128xi32, #tpu.memory_space<vmem>> -> memref<128xi32, #tpu.memory_space<vmem>>
        %dma_start3A_291 = arith.constant 0 : i32
        %dma_start3A_292 = arith.constant 0 : i32
        %dma_start3A_293 = tpu.memref_slice %arg4[%arg0, %dma_start3A_291, %dma_start3A_292] : memref<2x10000x64xf32, #tpu.memory_space<hbm>> -> memref<1x10000x64xf32, #tpu.memory_space<hbm>>
        %dma_start3A_294 = tpu.memref_squeeze %dma_start3A_293 : memref<1x10000x64xf32, #tpu.memory_space<hbm>> -> memref<10000x64xf32, #tpu.memory_space<hbm>>
        %dma_start3A_295 = arith.constant 0 : i32
        %dma_start3A_296 = arith.constant 0 : i32
        %dma_start3A_297 = tpu.memref_slice %dma_start3A_294[%dma_start3A_295, %dma_start3A_296] : memref<10000x64xf32, #tpu.memory_space<hbm>> -> memref<10000x64xf32, #tpu.memory_space<hbm>>
        tpu.enqueue_indirect_dma source(%dma_start3A_297 : memref<10000x64xf32, #tpu.memory_space<hbm>>) target(%dma_start3A_287 : memref<128x64xf32, #tpu.memory_space<vmem>>) offsets(%dma_start3A_290 : memref<128xi32, #tpu.memory_space<vmem>>) semaphore(%arg11 : memref<!tpu.dma_semaphore, #tpu.memory_space<semaphore_mem>>)
      } else {
      }
      %mul3A_233 = arith.constant 3 : i32
      %mul3A_234 = arith.muli %add3A_139, %mul3A_233 : i32
      %add3A_235 = arith.constant 2 : i32
      %add3A_236 = arith.addi %mul3A_234, %add3A_235 : i32
      %dma_wait3A_237 = arith.constant 2 : i32
      %dma_wait3A_238 = arith.constant 0 : i32
      %dma_wait3A_239 = arith.constant 0 : i32
      %dma_wait3A_240 = tpu.memref_slice %arg8[%dma_wait3A_237, %dma_wait3A_238, %dma_wait3A_239] : memref<3x128x64xf32, #tpu.memory_space<vmem>> -> memref<1x128x64xf32, #tpu.memory_space<vmem>>
      %dma_wait3A_241 = tpu.memref_squeeze %dma_wait3A_240 : memref<1x128x64xf32, #tpu.memory_space<vmem>> -> memref<128x64xf32, #tpu.memory_space<vmem>>
      %dma_wait3A_242 = arith.constant 0 : i32
      %dma_wait3A_243 = tpu.memref_slice %arg6[%add3A_236, %dma_wait3A_242] : memref<245x128xi32, #tpu.memory_space<vmem>> -> memref<1x128xi32, #tpu.memory_space<vmem>>
      %dma_wait3A_244 = tpu.memref_squeeze %dma_wait3A_243 : memref<1x128xi32, #tpu.memory_space<vmem>> -> memref<128xi32, #tpu.memory_space<vmem>>
      %dma_wait3A_245 = arith.constant 0 : i32
      %dma_wait3A_246 = arith.constant 0 : i32
      %dma_wait3A_247 = tpu.memref_slice %arg4[%arg0, %dma_wait3A_245, %dma_wait3A_246] : memref<2x10000x64xf32, #tpu.memory_space<hbm>> -> memref<1x10000x64xf32, #tpu.memory_space<hbm>>
      %dma_wait3A_248 = tpu.memref_squeeze %dma_wait3A_247 : memref<1x10000x64xf32, #tpu.memory_space<hbm>> -> memref<10000x64xf32, #tpu.memory_space<hbm>>
      %dma_wait3A_249 = arith.constant 0 : i32
      %dma_wait3A_250 = arith.constant 0 : i32
      %dma_wait3A_251 = tpu.memref_slice %dma_wait3A_248[%dma_wait3A_249, %dma_wait3A_250] : memref<10000x64xf32, #tpu.memory_space<hbm>> -> memref<10000x64xf32, #tpu.memory_space<hbm>>
      tpu.wait_indirect_dma semaphore(%arg12 : memref<!tpu.dma_semaphore, #tpu.memory_space<semaphore_mem>>) src(%dma_wait3A_251 : memref<10000x64xf32, #tpu.memory_space<hbm>>) dst(%dma_wait3A_241 : memref<128x64xf32, #tpu.memory_space<vmem>>)
      %dma_start3A_252 = arith.constant 2 : i32
      %dma_start3A_253 = arith.constant 0 : i32
      %dma_start3A_254 = arith.constant 0 : i32
      %dma_start3A_255 = tpu.memref_slice %arg8[%dma_start3A_252, %dma_start3A_253, %dma_start3A_254] : memref<3x128x64xf32, #tpu.memory_space<vmem>> -> memref<1x128x64xf32, #tpu.memory_space<vmem>>
      %dma_start3A_256 = tpu.memref_squeeze %dma_start3A_255 : memref<1x128x64xf32, #tpu.memory_space<vmem>> -> memref<128x64xf32, #tpu.memory_space<vmem>>
      %dma_start3A_257 = arith.constant 0 : i32
      %dma_start3A_258 = tpu.memref_slice %arg7[%add3A_236, %dma_start3A_257] : memref<245x128xi32, #tpu.memory_space<vmem>> -> memref<1x128xi32, #tpu.memory_space<vmem>>
      %dma_start3A_259 = tpu.memref_squeeze %dma_start3A_258 : memref<1x128xi32, #tpu.memory_space<vmem>> -> memref<128xi32, #tpu.memory_space<vmem>>
      %dma_start3A_260 = arith.constant 0 : i32
      %dma_start3A_261 = arith.constant 0 : i32
      %dma_start3A_262 = tpu.memref_slice %arg9[%dma_start3A_260, %dma_start3A_261] : memref<10000x64xf32, #tpu.memory_space<vmem_shared>> -> memref<10000x64xf32, #tpu.memory_space<vmem_shared>>
      tpu.enqueue_indirect_dma source(%dma_start3A_256 : memref<128x64xf32, #tpu.memory_space<vmem>>) target(%dma_start3A_262 : memref<10000x64xf32, #tpu.memory_space<vmem_shared>>) offsets(%dma_start3A_259 : memref<128xi32, #tpu.memory_space<vmem>>) semaphore(%arg15 : memref<!tpu.dma_semaphore, #tpu.memory_space<semaphore_mem>>) {add = true}
      %dma_wait3A_263 = arith.constant 2 : i32
      %dma_wait3A_264 = arith.constant 0 : i32
      %dma_wait3A_265 = arith.constant 0 : i32
      %dma_wait3A_266 = tpu.memref_slice %arg8[%dma_wait3A_263, %dma_wait3A_264, %dma_wait3A_265] : memref<3x128x64xf32, #tpu.memory_space<vmem>> -> memref<1x128x64xf32, #tpu.memory_space<vmem>>
      %dma_wait3A_267 = tpu.memref_squeeze %dma_wait3A_266 : memref<1x128x64xf32, #tpu.memory_space<vmem>> -> memref<128x64xf32, #tpu.memory_space<vmem>>
      %dma_wait3A_268 = arith.constant 0 : i32
      %dma_wait3A_269 = tpu.memref_slice %arg7[%add3A_236, %dma_wait3A_268] : memref<245x128xi32, #tpu.memory_space<vmem>> -> memref<1x128xi32, #tpu.memory_space<vmem>>
      %dma_wait3A_270 = tpu.memref_squeeze %dma_wait3A_269 : memref<1x128xi32, #tpu.memory_space<vmem>> -> memref<128xi32, #tpu.memory_space<vmem>>
      %dma_wait3A_271 = arith.constant 0 : i32
      %dma_wait3A_272 = arith.constant 0 : i32
      %dma_wait3A_273 = tpu.memref_slice %arg9[%dma_wait3A_271, %dma_wait3A_272] : memref<10000x64xf32, #tpu.memory_space<vmem_shared>> -> memref<10000x64xf32, #tpu.memory_space<vmem_shared>>
      tpu.wait_indirect_dma semaphore(%arg15 : memref<!tpu.dma_semaphore, #tpu.memory_space<semaphore_mem>>) src(%dma_wait3A_267 : memref<128x64xf32, #tpu.memory_space<vmem>>) dst(%dma_wait3A_273 : memref<10000x64xf32, #tpu.memory_space<vmem_shared>>)
      %add3A_274 = arith.constant 3 : i32
      %add3A_275 = arith.addi %add3A_236, %add3A_274 : i32
      %lt3A_276 = arith.constant 245 : i32
      %lt3A_277 = arith.cmpi slt, %add3A_275, %lt3A_276 : i32
      %convert_element_type3A_278 = arith.extui %lt3A_277 : i1 to i32
      %cond3A_279 = arith.constant 0 : i32
      %cond3A_280 = arith.cmpi ne, %convert_element_type3A_278, %cond3A_279 : i32
      scf.if %cond3A_280 {
        %add3A_281 = arith.constant 3 : i32
        %add3A_282 = arith.addi %add3A_236, %add3A_281 : i32
        %dma_start3A_283 = arith.constant 2 : i32
        %dma_start3A_284 = arith.constant 0 : i32
        %dma_start3A_285 = arith.constant 0 : i32
        %dma_start3A_286 = tpu.memref_slice %arg8[%dma_start3A_283, %dma_start3A_284, %dma_start3A_285] : memref<3x128x64xf32, #tpu.memory_space<vmem>> -> memref<1x128x64xf32, #tpu.memory_space<vmem>>
        %dma_start3A_287 = tpu.memref_squeeze %dma_start3A_286 : memref<1x128x64xf32, #tpu.memory_space<vmem>> -> memref<128x64xf32, #tpu.memory_space<vmem>>
        %dma_start3A_288 = arith.constant 0 : i32
        %dma_start3A_289 = tpu.memref_slice %arg6[%add3A_282, %dma_start3A_288] : memref<245x128xi32, #tpu.memory_space<vmem>> -> memref<1x128xi32, #tpu.memory_space<vmem>>
        %dma_start3A_290 = tpu.memref_squeeze %dma_start3A_289 : memref<1x128xi32, #tpu.memory_space<vmem>> -> memref<128xi32, #tpu.memory_space<vmem>>
        %dma_start3A_291 = arith.constant 0 : i32
        %dma_start3A_292 = arith.constant 0 : i32
        %dma_start3A_293 = tpu.memref_slice %arg4[%arg0, %dma_start3A_291, %dma_start3A_292] : memref<2x10000x64xf32, #tpu.memory_space<hbm>> -> memref<1x10000x64xf32, #tpu.memory_space<hbm>>
        %dma_start3A_294 = tpu.memref_squeeze %dma_start3A_293 : memref<1x10000x64xf32, #tpu.memory_space<hbm>> -> memref<10000x64xf32, #tpu.memory_space<hbm>>
        %dma_start3A_295 = arith.constant 0 : i32
        %dma_start3A_296 = arith.constant 0 : i32
        %dma_start3A_297 = tpu.memref_slice %dma_start3A_294[%dma_start3A_295, %dma_start3A_296] : memref<10000x64xf32, #tpu.memory_space<hbm>> -> memref<10000x64xf32, #tpu.memory_space<hbm>>
        tpu.enqueue_indirect_dma source(%dma_start3A_297 : memref<10000x64xf32, #tpu.memory_space<hbm>>) target(%dma_start3A_287 : memref<128x64xf32, #tpu.memory_space<vmem>>) offsets(%dma_start3A_290 : memref<128xi32, #tpu.memory_space<vmem>>) semaphore(%arg12 : memref<!tpu.dma_semaphore, #tpu.memory_space<semaphore_mem>>)
      } else {
      }
    }
    %scan3A_78 = arith.constant 81 : i32
    %dma_wait3A = arith.constant 243 : i32
    %dma_wait3A_79 = arith.constant 0 : i32
    %dma_wait3A_80 = arith.constant 0 : i32
    %dma_wait3A_81 = arith.constant 0 : i32
    %dma_wait3A_82 = tpu.memref_slice %arg8[%dma_wait3A_79, %dma_wait3A_80, %dma_wait3A_81] : memref<3x128x64xf32, #tpu.memory_space<vmem>> -> memref<1x128x64xf32, #tpu.memory_space<vmem>>
    %dma_wait3A_83 = tpu.memref_squeeze %dma_wait3A_82 : memref<1x128x64xf32, #tpu.memory_space<vmem>> -> memref<128x64xf32, #tpu.memory_space<vmem>>
    %dma_wait3A_84 = arith.constant 0 : i32
    %dma_wait3A_85 = tpu.memref_slice %arg6[%dma_wait3A, %dma_wait3A_84] : memref<245x128xi32, #tpu.memory_space<vmem>> -> memref<1x128xi32, #tpu.memory_space<vmem>>
    %dma_wait3A_86 = tpu.memref_squeeze %dma_wait3A_85 : memref<1x128xi32, #tpu.memory_space<vmem>> -> memref<128xi32, #tpu.memory_space<vmem>>
    %dma_wait3A_87 = arith.constant 0 : i32
    %dma_wait3A_88 = arith.constant 0 : i32
    %dma_wait3A_89 = tpu.memref_slice %arg4[%arg0, %dma_wait3A_87, %dma_wait3A_88] : memref<2x10000x64xf32, #tpu.memory_space<hbm>> -> memref<1x10000x64xf32, #tpu.memory_space<hbm>>
    %dma_wait3A_90 = tpu.memref_squeeze %dma_wait3A_89 : memref<1x10000x64xf32, #tpu.memory_space<hbm>> -> memref<10000x64xf32, #tpu.memory_space<hbm>>
    %dma_wait3A_91 = arith.constant 0 : i32
    %dma_wait3A_92 = arith.constant 0 : i32
    %dma_wait3A_93 = tpu.memref_slice %dma_wait3A_90[%dma_wait3A_91, %dma_wait3A_92] : memref<10000x64xf32, #tpu.memory_space<hbm>> -> memref<10000x64xf32, #tpu.memory_space<hbm>>
    tpu.wait_indirect_dma semaphore(%arg10 : memref<!tpu.dma_semaphore, #tpu.memory_space<semaphore_mem>>) src(%dma_wait3A_93 : memref<10000x64xf32, #tpu.memory_space<hbm>>) dst(%dma_wait3A_83 : memref<128x64xf32, #tpu.memory_space<vmem>>)
    %run_scoped3A_94 = arith.constant 0 : i32
    %run_scoped3A_95 = arith.constant 243 : i32
    "tpu.region"() ({
      %run_scoped3A_135 = tpu.sem_alloc : memref<!tpu.dma_semaphore, #tpu.memory_space<semaphore_mem>>
      %dma_start3A_136 = arith.constant 0 : i32
      %dma_start3A_137 = arith.constant 0 : i32
      %dma_start3A_138 = tpu.memref_slice %arg8[%run_scoped3A_94, %dma_start3A_136, %dma_start3A_137] : memref<3x128x64xf32, #tpu.memory_space<vmem>> -> memref<1x128x64xf32, #tpu.memory_space<vmem>>
      %dma_start3A_139 = tpu.memref_squeeze %dma_start3A_138 : memref<1x128x64xf32, #tpu.memory_space<vmem>> -> memref<128x64xf32, #tpu.memory_space<vmem>>
      %dma_start3A_140 = arith.constant 0 : i32
      %dma_start3A_141 = tpu.memref_slice %arg7[%run_scoped3A_95, %dma_start3A_140] : memref<245x128xi32, #tpu.memory_space<vmem>> -> memref<1x128xi32, #tpu.memory_space<vmem>>
      %dma_start3A_142 = tpu.memref_squeeze %dma_start3A_141 : memref<1x128xi32, #tpu.memory_space<vmem>> -> memref<128xi32, #tpu.memory_space<vmem>>
      %dma_start3A_143 = arith.constant 0 : i32
      %dma_start3A_144 = arith.constant 0 : i32
      %dma_start3A_145 = tpu.memref_slice %arg9[%dma_start3A_143, %dma_start3A_144] : memref<10000x64xf32, #tpu.memory_space<vmem_shared>> -> memref<10000x64xf32, #tpu.memory_space<vmem_shared>>
      tpu.enqueue_indirect_dma source(%dma_start3A_139 : memref<128x64xf32, #tpu.memory_space<vmem>>) target(%dma_start3A_145 : memref<10000x64xf32, #tpu.memory_space<vmem_shared>>) offsets(%dma_start3A_142 : memref<128xi32, #tpu.memory_space<vmem>>) semaphore(%run_scoped3A_135 : memref<!tpu.dma_semaphore, #tpu.memory_space<semaphore_mem>>) {add = true}
      %dma_wait3A_146 = arith.constant 0 : i32
      %dma_wait3A_147 = arith.constant 0 : i32
      %dma_wait3A_148 = tpu.memref_slice %arg8[%run_scoped3A_94, %dma_wait3A_146, %dma_wait3A_147] : memref<3x128x64xf32, #tpu.memory_space<vmem>> -> memref<1x128x64xf32, #tpu.memory_space<vmem>>
      %dma_wait3A_149 = tpu.memref_squeeze %dma_wait3A_148 : memref<1x128x64xf32, #tpu.memory_space<vmem>> -> memref<128x64xf32, #tpu.memory_space<vmem>>
      %dma_wait3A_150 = arith.constant 0 : i32
      %dma_wait3A_151 = tpu.memref_slice %arg7[%run_scoped3A_95, %dma_wait3A_150] : memref<245x128xi32, #tpu.memory_space<vmem>> -> memref<1x128xi32, #tpu.memory_space<vmem>>
      %dma_wait3A_152 = tpu.memref_squeeze %dma_wait3A_151 : memref<1x128xi32, #tpu.memory_space<vmem>> -> memref<128xi32, #tpu.memory_space<vmem>>
      %dma_wait3A_153 = arith.constant 0 : i32
      %dma_wait3A_154 = arith.constant 0 : i32
      %dma_wait3A_155 = tpu.memref_slice %arg9[%dma_wait3A_153, %dma_wait3A_154] : memref<10000x64xf32, #tpu.memory_space<vmem_shared>> -> memref<10000x64xf32, #tpu.memory_space<vmem_shared>>
      tpu.wait_indirect_dma semaphore(%run_scoped3A_135 : memref<!tpu.dma_semaphore, #tpu.memory_space<semaphore_mem>>) src(%dma_wait3A_149 : memref<128x64xf32, #tpu.memory_space<vmem>>) dst(%dma_wait3A_155 : memref<10000x64xf32, #tpu.memory_space<vmem_shared>>)
      tpu.yield
    }) : () -> ()
    %dma_wait3A_96 = arith.constant 244 : i32
    %dma_wait3A_97 = arith.constant 1 : i32
    %dma_wait3A_98 = arith.constant 0 : i32
    %dma_wait3A_99 = arith.constant 0 : i32
    %dma_wait3A_100 = tpu.memref_slice %arg8[%dma_wait3A_97, %dma_wait3A_98, %dma_wait3A_99] : memref<3x128x64xf32, #tpu.memory_space<vmem>> -> memref<1x128x64xf32, #tpu.memory_space<vmem>>
    %dma_wait3A_101 = tpu.memref_squeeze %dma_wait3A_100 : memref<1x128x64xf32, #tpu.memory_space<vmem>> -> memref<128x64xf32, #tpu.memory_space<vmem>>
    %dma_wait3A_102 = arith.constant 0 : i32
    %dma_wait3A_103 = tpu.memref_slice %arg6[%dma_wait3A_96, %dma_wait3A_102] : memref<245x128xi32, #tpu.memory_space<vmem>> -> memref<1x128xi32, #tpu.memory_space<vmem>>
    %dma_wait3A_104 = tpu.memref_squeeze %dma_wait3A_103 : memref<1x128xi32, #tpu.memory_space<vmem>> -> memref<128xi32, #tpu.memory_space<vmem>>
    %dma_wait3A_105 = arith.constant 0 : i32
    %dma_wait3A_106 = arith.constant 0 : i32
    %dma_wait3A_107 = tpu.memref_slice %arg4[%arg0, %dma_wait3A_105, %dma_wait3A_106] : memref<2x10000x64xf32, #tpu.memory_space<hbm>> -> memref<1x10000x64xf32, #tpu.memory_space<hbm>>
    %dma_wait3A_108 = tpu.memref_squeeze %dma_wait3A_107 : memref<1x10000x64xf32, #tpu.memory_space<hbm>> -> memref<10000x64xf32, #tpu.memory_space<hbm>>
    %dma_wait3A_109 = arith.constant 0 : i32
    %dma_wait3A_110 = arith.constant 0 : i32
    %dma_wait3A_111 = tpu.memref_slice %dma_wait3A_108[%dma_wait3A_109, %dma_wait3A_110] : memref<10000x64xf32, #tpu.memory_space<hbm>> -> memref<10000x64xf32, #tpu.memory_space<hbm>>
    tpu.wait_indirect_dma semaphore(%arg11 : memref<!tpu.dma_semaphore, #tpu.memory_space<semaphore_mem>>) src(%dma_wait3A_111 : memref<10000x64xf32, #tpu.memory_space<hbm>>) dst(%dma_wait3A_101 : memref<128x64xf32, #tpu.memory_space<vmem>>)
    %run_scoped3A_112 = arith.constant 1 : i32
    %run_scoped3A_113 = arith.constant 244 : i32
    "tpu.region"() ({
      %run_scoped3A_135 = tpu.sem_alloc : memref<!tpu.dma_semaphore, #tpu.memory_space<semaphore_mem>>
      %dma_start3A_136 = arith.constant 0 : i32
      %dma_start3A_137 = arith.constant 0 : i32
      %dma_start3A_138 = tpu.memref_slice %arg8[%run_scoped3A_112, %dma_start3A_136, %dma_start3A_137] : memref<3x128x64xf32, #tpu.memory_space<vmem>> -> memref<1x128x64xf32, #tpu.memory_space<vmem>>
      %dma_start3A_139 = tpu.memref_squeeze %dma_start3A_138 : memref<1x128x64xf32, #tpu.memory_space<vmem>> -> memref<128x64xf32, #tpu.memory_space<vmem>>
      %dma_start3A_140 = arith.constant 0 : i32
      %dma_start3A_141 = tpu.memref_slice %arg7[%run_scoped3A_113, %dma_start3A_140] : memref<245x128xi32, #tpu.memory_space<vmem>> -> memref<1x128xi32, #tpu.memory_space<vmem>>
      %dma_start3A_142 = tpu.memref_squeeze %dma_start3A_141 : memref<1x128xi32, #tpu.memory_space<vmem>> -> memref<128xi32, #tpu.memory_space<vmem>>
      %dma_start3A_143 = arith.constant 0 : i32
      %dma_start3A_144 = arith.constant 0 : i32
      %dma_start3A_145 = tpu.memref_slice %arg9[%dma_start3A_143, %dma_start3A_144] : memref<10000x64xf32, #tpu.memory_space<vmem_shared>> -> memref<10000x64xf32, #tpu.memory_space<vmem_shared>>
      tpu.enqueue_indirect_dma source(%dma_start3A_139 : memref<128x64xf32, #tpu.memory_space<vmem>>) target(%dma_start3A_145 : memref<10000x64xf32, #tpu.memory_space<vmem_shared>>) offsets(%dma_start3A_142 : memref<128xi32, #tpu.memory_space<vmem>>) semaphore(%run_scoped3A_135 : memref<!tpu.dma_semaphore, #tpu.memory_space<semaphore_mem>>) {add = true}
      %dma_wait3A_146 = arith.constant 0 : i32
      %dma_wait3A_147 = arith.constant 0 : i32
      %dma_wait3A_148 = tpu.memref_slice %arg8[%run_scoped3A_112, %dma_wait3A_146, %dma_wait3A_147] : memref<3x128x64xf32, #tpu.memory_space<vmem>> -> memref<1x128x64xf32, #tpu.memory_space<vmem>>
      %dma_wait3A_149 = tpu.memref_squeeze %dma_wait3A_148 : memref<1x128x64xf32, #tpu.memory_space<vmem>> -> memref<128x64xf32, #tpu.memory_space<vmem>>
      %dma_wait3A_150 = arith.constant 0 : i32
      %dma_wait3A_151 = tpu.memref_slice %arg7[%run_scoped3A_113, %dma_wait3A_150] : memref<245x128xi32, #tpu.memory_space<vmem>> -> memref<1x128xi32, #tpu.memory_space<vmem>>
      %dma_wait3A_152 = tpu.memref_squeeze %dma_wait3A_151 : memref<1x128xi32, #tpu.memory_space<vmem>> -> memref<128xi32, #tpu.memory_space<vmem>>
      %dma_wait3A_153 = arith.constant 0 : i32
      %dma_wait3A_154 = arith.constant 0 : i32
      %dma_wait3A_155 = tpu.memref_slice %arg9[%dma_wait3A_153, %dma_wait3A_154] : memref<10000x64xf32, #tpu.memory_space<vmem_shared>> -> memref<10000x64xf32, #tpu.memory_space<vmem_shared>>
      tpu.wait_indirect_dma semaphore(%run_scoped3A_135 : memref<!tpu.dma_semaphore, #tpu.memory_space<semaphore_mem>>) src(%dma_wait3A_149 : memref<128x64xf32, #tpu.memory_space<vmem>>) dst(%dma_wait3A_155 : memref<10000x64xf32, #tpu.memory_space<vmem_shared>>)
      tpu.yield
    }) : () -> ()
    %barrier3A_114 = arith.constant 0 : index
    tpu.barrier barrier_id(%barrier3A_114)
    %mul3A_115 = arith.constant 625 : i32
    %mul3A_116 = arith.muli %arg1, %mul3A_115 : i32
    %add3A_117 = arith.constant 0 : i32
    %add3A_118 = arith.addi %mul3A_116, %add3A_117 : i32
    "tpu.region"() ({
      %run_scoped3A_135 = tpu.sem_alloc : memref<!tpu.dma_semaphore, #tpu.memory_space<semaphore_mem>>
      %dma_start3A_136 = arith.constant 0 : i32
      %dma_start3A_137 = tpu.memref_slice %arg5[%arg0, %add3A_118, %dma_start3A_136] : memref<2x10000x64xf32, #tpu.memory_space<hbm>> -> memref<1x128x64xf32, #tpu.memory_space<hbm>>
      %dma_start3A_138 = tpu.memref_squeeze %dma_start3A_137 : memref<1x128x64xf32, #tpu.memory_space<hbm>> -> memref<128x64xf32, #tpu.memory_space<hbm>>
      %dma_start3A_139 = arith.constant 0 : i32
      %dma_start3A_140 = tpu.memref_slice %arg9[%add3A_118, %dma_start3A_139] : memref<10000x64xf32, #tpu.memory_space<vmem_shared>> -> memref<128x64xf32, #tpu.memory_space<vmem_shared>>
      tpu.enqueue_dma source(%dma_start3A_140 : memref<128x64xf32, #tpu.memory_space<vmem_shared>>) target(%dma_start3A_138 : memref<128x64xf32, #tpu.memory_space<hbm>>) target_semaphore(%run_scoped3A_135 : memref<!tpu.dma_semaphore, #tpu.memory_space<semaphore_mem>>)
      %dma_wait3A_141 = arith.constant 0 : i32
      %dma_wait3A_142 = tpu.memref_slice %arg5[%arg0, %add3A_118, %dma_wait3A_141] : memref<2x10000x64xf32, #tpu.memory_space<hbm>> -> memref<1x128x64xf32, #tpu.memory_space<hbm>>
      %dma_wait3A_143 = tpu.memref_squeeze %dma_wait3A_142 : memref<1x128x64xf32, #tpu.memory_space<hbm>> -> memref<128x64xf32, #tpu.memory_space<hbm>>
      %dma_wait3A_144 = arith.constant 0 : i32
      %dma_wait3A_145 = tpu.memref_slice %arg9[%add3A_118, %dma_wait3A_144] : memref<10000x64xf32, #tpu.memory_space<vmem_shared>> -> memref<128x64xf32, #tpu.memory_space<vmem_shared>>
      tpu.wait_dma2 semaphore(%run_scoped3A_135 : memref<!tpu.dma_semaphore, #tpu.memory_space<semaphore_mem>>) src(%dma_wait3A_145 : memref<128x64xf32, #tpu.memory_space<vmem_shared>>) dst(%dma_wait3A_143 : memref<128x64xf32, #tpu.memory_space<hbm>>)
      tpu.yield
    }) : () -> ()
    %mul3A_119 = arith.constant 625 : i32
    %mul3A_120 = arith.muli %arg1, %mul3A_119 : i32
    %add3A_121 = arith.constant 128 : i32
    %add3A_122 = arith.addi %mul3A_120, %add3A_121 : i32
    "tpu.region"() ({
      %run_scoped3A_135 = tpu.sem_alloc : memref<!tpu.dma_semaphore, #tpu.memory_space<semaphore_mem>>
      %dma_start3A_136 = arith.constant 0 : i32
      %dma_start3A_137 = tpu.memref_slice %arg5[%arg0, %add3A_122, %dma_start3A_136] : memref<2x10000x64xf32, #tpu.memory_space<hbm>> -> memref<1x128x64xf32, #tpu.memory_space<hbm>>
      %dma_start3A_138 = tpu.memref_squeeze %dma_start3A_137 : memref<1x128x64xf32, #tpu.memory_space<hbm>> -> memref<128x64xf32, #tpu.memory_space<hbm>>
      %dma_start3A_139 = arith.constant 0 : i32
      %dma_start3A_140 = tpu.memref_slice %arg9[%add3A_122, %dma_start3A_139] : memref<10000x64xf32, #tpu.memory_space<vmem_shared>> -> memref<128x64xf32, #tpu.memory_space<vmem_shared>>
      tpu.enqueue_dma source(%dma_start3A_140 : memref<128x64xf32, #tpu.memory_space<vmem_shared>>) target(%dma_start3A_138 : memref<128x64xf32, #tpu.memory_space<hbm>>) target_semaphore(%run_scoped3A_135 : memref<!tpu.dma_semaphore, #tpu.memory_space<semaphore_mem>>)
      %dma_wait3A_141 = arith.constant 0 : i32
      %dma_wait3A_142 = tpu.memref_slice %arg5[%arg0, %add3A_122, %dma_wait3A_141] : memref<2x10000x64xf32, #tpu.memory_space<hbm>> -> memref<1x128x64xf32, #tpu.memory_space<hbm>>
      %dma_wait3A_143 = tpu.memref_squeeze %dma_wait3A_142 : memref<1x128x64xf32, #tpu.memory_space<hbm>> -> memref<128x64xf32, #tpu.memory_space<hbm>>
      %dma_wait3A_144 = arith.constant 0 : i32
      %dma_wait3A_145 = tpu.memref_slice %arg9[%add3A_122, %dma_wait3A_144] : memref<10000x64xf32, #tpu.memory_space<vmem_shared>> -> memref<128x64xf32, #tpu.memory_space<vmem_shared>>
      tpu.wait_dma2 semaphore(%run_scoped3A_135 : memref<!tpu.dma_semaphore, #tpu.memory_space<semaphore_mem>>) src(%dma_wait3A_145 : memref<128x64xf32, #tpu.memory_space<vmem_shared>>) dst(%dma_wait3A_143 : memref<128x64xf32, #tpu.memory_space<hbm>>)
      tpu.yield
    }) : () -> ()
    %mul3A_123 = arith.constant 625 : i32
    %mul3A_124 = arith.muli %arg1, %mul3A_123 : i32
    %add3A_125 = arith.constant 256 : i32
    %add3A_126 = arith.addi %mul3A_124, %add3A_125 : i32
    "tpu.region"() ({
      %run_scoped3A_135 = tpu.sem_alloc : memref<!tpu.dma_semaphore, #tpu.memory_space<semaphore_mem>>
      %dma_start3A_136 = arith.constant 0 : i32
      %dma_start3A_137 = tpu.memref_slice %arg5[%arg0, %add3A_126, %dma_start3A_136] : memref<2x10000x64xf32, #tpu.memory_space<hbm>> -> memref<1x128x64xf32, #tpu.memory_space<hbm>>
      %dma_start3A_138 = tpu.memref_squeeze %dma_start3A_137 : memref<1x128x64xf32, #tpu.memory_space<hbm>> -> memref<128x64xf32, #tpu.memory_space<hbm>>
      %dma_start3A_139 = arith.constant 0 : i32
      %dma_start3A_140 = tpu.memref_slice %arg9[%add3A_126, %dma_start3A_139] : memref<10000x64xf32, #tpu.memory_space<vmem_shared>> -> memref<128x64xf32, #tpu.memory_space<vmem_shared>>
      tpu.enqueue_dma source(%dma_start3A_140 : memref<128x64xf32, #tpu.memory_space<vmem_shared>>) target(%dma_start3A_138 : memref<128x64xf32, #tpu.memory_space<hbm>>) target_semaphore(%run_scoped3A_135 : memref<!tpu.dma_semaphore, #tpu.memory_space<semaphore_mem>>)
      %dma_wait3A_141 = arith.constant 0 : i32
      %dma_wait3A_142 = tpu.memref_slice %arg5[%arg0, %add3A_126, %dma_wait3A_141] : memref<2x10000x64xf32, #tpu.memory_space<hbm>> -> memref<1x128x64xf32, #tpu.memory_space<hbm>>
      %dma_wait3A_143 = tpu.memref_squeeze %dma_wait3A_142 : memref<1x128x64xf32, #tpu.memory_space<hbm>> -> memref<128x64xf32, #tpu.memory_space<hbm>>
      %dma_wait3A_144 = arith.constant 0 : i32
      %dma_wait3A_145 = tpu.memref_slice %arg9[%add3A_126, %dma_wait3A_144] : memref<10000x64xf32, #tpu.memory_space<vmem_shared>> -> memref<128x64xf32, #tpu.memory_space<vmem_shared>>
      tpu.wait_dma2 semaphore(%run_scoped3A_135 : memref<!tpu.dma_semaphore, #tpu.memory_space<semaphore_mem>>) src(%dma_wait3A_145 : memref<128x64xf32, #tpu.memory_space<vmem_shared>>) dst(%dma_wait3A_143 : memref<128x64xf32, #tpu.memory_space<hbm>>)
      tpu.yield
    }) : () -> ()
    %mul3A_127 = arith.constant 625 : i32
    %mul3A_128 = arith.muli %arg1, %mul3A_127 : i32
    %add3A_129 = arith.constant 384 : i32
    %add3A_130 = arith.addi %mul3A_128, %add3A_129 : i32
    "tpu.region"() ({
      %run_scoped3A_135 = tpu.sem_alloc : memref<!tpu.dma_semaphore, #tpu.memory_space<semaphore_mem>>
      %dma_start3A_136 = arith.constant 0 : i32
      %dma_start3A_137 = tpu.memref_slice %arg5[%arg0, %add3A_130, %dma_start3A_136] : memref<2x10000x64xf32, #tpu.memory_space<hbm>> -> memref<1x128x64xf32, #tpu.memory_space<hbm>>
      %dma_start3A_138 = tpu.memref_squeeze %dma_start3A_137 : memref<1x128x64xf32, #tpu.memory_space<hbm>> -> memref<128x64xf32, #tpu.memory_space<hbm>>
      %dma_start3A_139 = arith.constant 0 : i32
      %dma_start3A_140 = tpu.memref_slice %arg9[%add3A_130, %dma_start3A_139] : memref<10000x64xf32, #tpu.memory_space<vmem_shared>> -> memref<128x64xf32, #tpu.memory_space<vmem_shared>>
      tpu.enqueue_dma source(%dma_start3A_140 : memref<128x64xf32, #tpu.memory_space<vmem_shared>>) target(%dma_start3A_138 : memref<128x64xf32, #tpu.memory_space<hbm>>) target_semaphore(%run_scoped3A_135 : memref<!tpu.dma_semaphore, #tpu.memory_space<semaphore_mem>>)
      %dma_wait3A_141 = arith.constant 0 : i32
      %dma_wait3A_142 = tpu.memref_slice %arg5[%arg0, %add3A_130, %dma_wait3A_141] : memref<2x10000x64xf32, #tpu.memory_space<hbm>> -> memref<1x128x64xf32, #tpu.memory_space<hbm>>
      %dma_wait3A_143 = tpu.memref_squeeze %dma_wait3A_142 : memref<1x128x64xf32, #tpu.memory_space<hbm>> -> memref<128x64xf32, #tpu.memory_space<hbm>>
      %dma_wait3A_144 = arith.constant 0 : i32
      %dma_wait3A_145 = tpu.memref_slice %arg9[%add3A_130, %dma_wait3A_144] : memref<10000x64xf32, #tpu.memory_space<vmem_shared>> -> memref<128x64xf32, #tpu.memory_space<vmem_shared>>
      tpu.wait_dma2 semaphore(%run_scoped3A_135 : memref<!tpu.dma_semaphore, #tpu.memory_space<semaphore_mem>>) src(%dma_wait3A_145 : memref<128x64xf32, #tpu.memory_space<vmem_shared>>) dst(%dma_wait3A_143 : memref<128x64xf32, #tpu.memory_space<hbm>>)
      tpu.yield
    }) : () -> ()
    %mul3A_131 = arith.constant 625 : i32
    %mul3A_132 = arith.muli %arg1, %mul3A_131 : i32
    %add3A_133 = arith.constant 512 : i32
    %add3A_134 = arith.addi %mul3A_132, %add3A_133 : i32
    "tpu.region"() ({
      %run_scoped3A_135 = tpu.sem_alloc : memref<!tpu.dma_semaphore, #tpu.memory_space<semaphore_mem>>
      %dma_start3A_136 = arith.constant 0 : i32
      %dma_start3A_137 = tpu.memref_slice %arg5[%arg0, %add3A_134, %dma_start3A_136] : memref<2x10000x64xf32, #tpu.memory_space<hbm>> -> memref<1x113x64xf32, #tpu.memory_space<hbm>>
      %dma_start3A_138 = tpu.memref_squeeze %dma_start3A_137 : memref<1x113x64xf32, #tpu.memory_space<hbm>> -> memref<113x64xf32, #tpu.memory_space<hbm>>
      %dma_start3A_139 = arith.constant 0 : i32
      %dma_start3A_140 = tpu.memref_slice %arg9[%add3A_134, %dma_start3A_139] : memref<10000x64xf32, #tpu.memory_space<vmem_shared>> -> memref<113x64xf32, #tpu.memory_space<vmem_shared>>
      tpu.enqueue_dma source(%dma_start3A_140 : memref<113x64xf32, #tpu.memory_space<vmem_shared>>) target(%dma_start3A_138 : memref<113x64xf32, #tpu.memory_space<hbm>>) target_semaphore(%run_scoped3A_135 : memref<!tpu.dma_semaphore, #tpu.memory_space<semaphore_mem>>)
      %dma_wait3A_141 = arith.constant 0 : i32
      %dma_wait3A_142 = tpu.memref_slice %arg5[%arg0, %add3A_134, %dma_wait3A_141] : memref<2x10000x64xf32, #tpu.memory_space<hbm>> -> memref<1x113x64xf32, #tpu.memory_space<hbm>>
      %dma_wait3A_143 = tpu.memref_squeeze %dma_wait3A_142 : memref<1x113x64xf32, #tpu.memory_space<hbm>> -> memref<113x64xf32, #tpu.memory_space<hbm>>
      %dma_wait3A_144 = arith.constant 0 : i32
      %dma_wait3A_145 = tpu.memref_slice %arg9[%add3A_134, %dma_wait3A_144] : memref<10000x64xf32, #tpu.memory_space<vmem_shared>> -> memref<113x64xf32, #tpu.memory_space<vmem_shared>>
      tpu.wait_dma2 semaphore(%run_scoped3A_135 : memref<!tpu.dma_semaphore, #tpu.memory_space<semaphore_mem>>) src(%dma_wait3A_145 : memref<113x64xf32, #tpu.memory_space<vmem_shared>>) dst(%dma_wait3A_143 : memref<113x64xf32, #tpu.memory_space<hbm>>)
      tpu.yield
    }) : () -> ()
    return
  }
}

module attributes {stable_mosaic.version = 14 : i64} {
  func.func @_mm0_body(%arg0: i32, %arg1: memref<1000x128xf32, #tpu.memory_space<vmem>>, %arg2: memref<128x128xf32, #tpu.memory_space<vmem>>, %arg3: memref<2x1000x64xf32, #tpu.memory_space<vmem>>) attributes {dimension_semantics = [#tpu.dimension_semantics<arbitrary>], iteration_bounds = array<i64: 10>, scalar_prefetch = 0 : i64, scratch_operands = 0 : i64, tpu.core_type = #tpu.core_type<tc>, window_params = [{transform_indices = @transform_0, window_bounds = array<i64: 1000, 128>}, {pipeline_mode = #tpu.pipeline_mode<synchronous>, transform_indices = @transform_1, window_bounds = array<i64: 128, 128>}, {transform_indices = @transform_2, window_bounds = array<i64: 2, 1000, 64>}]} {
    %get3A = arith.constant 0 : index
    %get3A_0 = arith.constant 0 : index
    %get3A_1 = vector.load %arg1[%get3A, %get3A_0] : memref<1000x128xf32, #tpu.memory_space<vmem>>, vector<1000x128xf32>
    %get3A_2 = arith.constant 0 : index
    %get3A_3 = arith.constant 0 : index
    %get3A_4 = vector.load %arg2[%get3A_2, %get3A_3] : memref<128x128xf32, #tpu.memory_space<vmem>>, vector<128x128xf32>
    %dot_general3A = arith.constant dense<0.000000e+00> : vector<1000x128xf32>
    %dot_general3A_5 = tpu.matmul %get3A_1, %get3A_4, %dot_general3A {dimension_numbers = #tpu.dot_dimension_numbers<[1], [1], [0], [0], [0, 0, 1, 0], [], []>, transpose_lhs_hint = false} : vector<1000x128xf32>, vector<128x128xf32>, vector<1000x128xf32> -> vector<1000x128xf32>
    %slice3A = vector.extract_strided_slice %dot_general3A_5 {offsets = [0, 0], sizes = [1000, 64], strides = [1, 1]} : vector<1000x128xf32> to vector<1000x64xf32>
    %swap3A = arith.constant 0 : index
    %swap3A_6 = arith.constant 0 : index
    %swap3A_7 = arith.constant 0 : index
    %swap3A_8 = vector.load %arg3[%swap3A, %swap3A_6, %swap3A_7] : memref<2x1000x64xf32, #tpu.memory_space<vmem>>, vector<1x1000x64xf32>
    %swap3A_9 = vector.shape_cast %swap3A_8 : vector<1x1000x64xf32> to vector<1000x64xf32>
    %swap3A_10 = vector.shape_cast %slice3A : vector<1000x64xf32> to vector<1x1000x64xf32>
    tpu.vector_store %arg3[%swap3A, %swap3A_6, %swap3A_7], %swap3A_10 {strides = array<i32>} : memref<2x1000x64xf32, #tpu.memory_space<vmem>>, vector<1x1000x64xf32>,
    %slice3A_11 = vector.extract_strided_slice %dot_general3A_5 {offsets = [0, 64], sizes = [1000, 64], strides = [1, 1]} : vector<1000x128xf32> to vector<1000x64xf32>
    %swap3A_12 = arith.constant 1 : index
    %swap3A_13 = arith.constant 0 : index
    %swap3A_14 = arith.constant 0 : index
    %swap3A_15 = vector.load %arg3[%swap3A_12, %swap3A_13, %swap3A_14] : memref<2x1000x64xf32, #tpu.memory_space<vmem>>, vector<1x1000x64xf32>
    %swap3A_16 = vector.shape_cast %swap3A_15 : vector<1x1000x64xf32> to vector<1000x64xf32>
    %swap3A_17 = vector.shape_cast %slice3A_11 : vector<1000x64xf32> to vector<1x1000x64xf32>
    tpu.vector_store %arg3[%swap3A_12, %swap3A_13, %swap3A_14], %swap3A_17 {strides = array<i32>} : memref<2x1000x64xf32, #tpu.memory_space<vmem>>, vector<1x1000x64xf32>,
    return
  }
  func.func @transform_0(%arg0: i32) -> (i32, i32) {
    %c0_i32 = arith.constant 0 : i32
    %c0_i32_0 = arith.constant 0 : i32
    return %arg0, %c0_i32 : i32, i32
  }
  func.func @transform_1(%arg0: i32) -> (i32, i32) {
    %c0_i32 = arith.constant 0 : i32
    %c0_i32_0 = arith.constant 0 : i32
    %c0_i32_1 = arith.constant 0 : i32
    return %c0_i32, %c0_i32_0 : i32, i32
  }
  func.func @transform_2(%arg0: i32) -> (i32, i32, i32) {
    %c0_i32 = arith.constant 0 : i32
    %c0_i32_0 = arith.constant 0 : i32
    %c0_i32_1 = arith.constant 0 : i32
    return %c0_i32, %arg0, %c0_i32_0 : i32, i32, i32
  }
}

module attributes {stable_mosaic.version = 14 : i64} {
  func.func @_st1_body(%arg0: i32, %arg1: memref<2x1000x64xf32, #tpu.memory_space<vmem>>, %arg2: memref<2x1000x64xf32, #tpu.memory_space<vmem>>, %arg3: memref<2x1000x1xf32, #tpu.memory_space<vmem>>, %arg4: memref<1x128xf32, #tpu.memory_space<vmem>>, %arg5: memref<128x128xf32, #tpu.memory_space<vmem>>, %arg6: memref<1x128xf32, #tpu.memory_space<vmem>>, %arg7: memref<128x128xf32, #tpu.memory_space<vmem>>, %arg8: memref<1000x128xf32, #tpu.memory_space<vmem>>, %arg9: memref<2x1000x64xf32, #tpu.memory_space<vmem>>) attributes {dimension_semantics = [#tpu.dimension_semantics<arbitrary>], iteration_bounds = array<i64: 10>, scalar_prefetch = 0 : i64, scratch_operands = 0 : i64, tpu.core_type = #tpu.core_type<tc>, window_params = [{transform_indices = @transform_0, window_bounds = array<i64: 2, 1000, 64>}, {transform_indices = @transform_1, window_bounds = array<i64: 2, 1000, 64>}, {transform_indices = @transform_2, window_bounds = array<i64: 2, 1000, 1>}, {pipeline_mode = #tpu.pipeline_mode<synchronous>, transform_indices = @transform_3, window_bounds = array<i64: 1, 128>}, {pipeline_mode = #tpu.pipeline_mode<synchronous>, transform_indices = @transform_4, window_bounds = array<i64: 128, 128>}, {pipeline_mode = #tpu.pipeline_mode<synchronous>, transform_indices = @transform_5, window_bounds = array<i64: 1, 128>}, {pipeline_mode = #tpu.pipeline_mode<synchronous>, transform_indices = @transform_6, window_bounds = array<i64: 128, 128>}, {transform_indices = @transform_7, window_bounds = array<i64: 1000, 128>}, {transform_indices = @transform_8, window_bounds = array<i64: 2, 1000, 64>}]} {
    %get3A = arith.constant 0 : index
    %get3A_0 = arith.constant 0 : index
    %get3A_1 = arith.constant 0 : index
    %get3A_2 = vector.load %arg1[%get3A, %get3A_0, %get3A_1] : memref<2x1000x64xf32, #tpu.memory_space<vmem>>, vector<1x1000x64xf32>
    %get3A_3 = vector.shape_cast %get3A_2 : vector<1x1000x64xf32> to vector<1000x64xf32>
    %get3A_4 = arith.constant 1 : index
    %get3A_5 = arith.constant 0 : index
    %get3A_6 = arith.constant 0 : index
    %get3A_7 = vector.load %arg1[%get3A_4, %get3A_5, %get3A_6] : memref<2x1000x64xf32, #tpu.memory_space<vmem>>, vector<1x1000x64xf32>
    %get3A_8 = vector.shape_cast %get3A_7 : vector<1x1000x64xf32> to vector<1000x64xf32>
    %concatenate3A = tpu.concatenate %get3A_3, %get3A_8 in 1 : vector<1000x64xf32>, vector<1000x64xf32> -> vector<1000x128xf32>
    %get3A_9 = arith.constant 0 : index
    %get3A_10 = arith.constant 0 : index
    %get3A_11 = arith.constant 0 : index
    %get3A_12 = vector.load %arg2[%get3A_9, %get3A_10, %get3A_11] : memref<2x1000x64xf32, #tpu.memory_space<vmem>>, vector<1x1000x64xf32>
    %get3A_13 = vector.shape_cast %get3A_12 : vector<1x1000x64xf32> to vector<1000x64xf32>
    %get3A_14 = arith.constant 1 : index
    %get3A_15 = arith.constant 0 : index
    %get3A_16 = arith.constant 0 : index
    %get3A_17 = vector.load %arg2[%get3A_14, %get3A_15, %get3A_16] : memref<2x1000x64xf32, #tpu.memory_space<vmem>>, vector<1x1000x64xf32>
    %get3A_18 = vector.shape_cast %get3A_17 : vector<1x1000x64xf32> to vector<1000x64xf32>
    %concatenate3A_19 = tpu.concatenate %get3A_13, %get3A_18 in 1 : vector<1000x64xf32>, vector<1000x64xf32> -> vector<1000x128xf32>
    %mul3A = arith.constant 1000 : i32
    %mul3A_20 = arith.muli %arg0, %mul3A : i32
    %iota3A = tpu.iota {dimensions = array<i32: 0>} : vector<1000x1xi32>
    %add3A = vector.broadcast %mul3A_20 : i32 to vector<1000x1xi32>
    %add3A_21 = arith.addi %add3A, %iota3A : vector<1000x1xi32>
    %lt3A = arith.constant 1760 : i32
    %lt3A_22 = vector.broadcast %lt3A : i32 to vector<1000x1xi32>
    %lt3A_23 = arith.cmpi slt, %add3A_21, %lt3A_22 : vector<1000x1xi32>
    %jit3A = arith.constant 1.000000e+00 : f32
    %jit3A_24 = arith.constant 0.000000e+00 : f32
    %broadcast_in_dim3A = vector.broadcast %jit3A : f32 to vector<1000x1xf32>
    %broadcast_in_dim3A_25 = vector.broadcast %jit3A_24 : f32 to vector<1000x1xf32>
    %select_n3A = arith.select %lt3A_23, %broadcast_in_dim3A, %broadcast_in_dim3A_25 : vector<1000x1xi1>, vector<1000x1xf32>
    %mul3A_26 = vector.broadcast %select_n3A : vector<1000x1xf32> to vector<1000x128xf32>
    %mul3A_27 = arith.mulf %mul3A_26, %concatenate3A_19 : vector<1000x128xf32>
    %sub3A = arith.subf %concatenate3A, %mul3A_27 : vector<1000x128xf32>
    %get3A_28 = arith.constant 0 : index
    %get3A_29 = arith.constant 0 : index
    %get3A_30 = vector.load %arg4[%get3A_28, %get3A_29] : memref<1x128xf32, #tpu.memory_space<vmem>>, vector<1x128xf32>
    %get3A_31 = arith.constant 0 : index
    %get3A_32 = arith.constant 0 : index
    %get3A_33 = vector.load %arg5[%get3A_31, %get3A_32] : memref<128x128xf32, #tpu.memory_space<vmem>>, vector<128x128xf32>
    %dot_general3A = arith.constant dense<0.000000e+00> : vector<1x128xf32>
    %dot_general3A_34 = tpu.matmul %get3A_30, %get3A_33, %dot_general3A {dimension_numbers = #tpu.dot_dimension_numbers<[1], [1], [0], [0], [0, 0, 1, 0], [], []>, transpose_lhs_hint = false} : vector<1x128xf32>, vector<128x128xf32>, vector<1x128xf32> -> vector<1x128xf32>
    %get3A_35 = arith.constant 0 : index
    %get3A_36 = arith.constant 0 : index
    %get3A_37 = arith.constant 0 : index
    %get3A_38 = vector.load %arg3[%get3A_35, %get3A_36, %get3A_37] : memref<2x1000x1xf32, #tpu.memory_space<vmem>>, vector<1x1000x1xf32>
    %get3A_39 = vector.shape_cast %get3A_38 : vector<1x1000x1xf32> to vector<1000x1xf32>
    %get3A_40 = arith.constant 1 : index
    %get3A_41 = arith.constant 0 : index
    %get3A_42 = arith.constant 0 : index
    %get3A_43 = vector.load %arg3[%get3A_40, %get3A_41, %get3A_42] : memref<2x1000x1xf32, #tpu.memory_space<vmem>>, vector<1x1000x1xf32>
    %get3A_44 = vector.shape_cast %get3A_43 : vector<1x1000x1xf32> to vector<1000x1xf32>
    %add3A_45 = arith.addf %get3A_39, %get3A_44 : vector<1000x1xf32>
    %max3A = arith.constant 1.000000e+00 : f32
    %max3A_46 = vector.broadcast %max3A : f32 to vector<1000x1xf32>
    %max3A_47 = arith.maximumf %add3A_45, %max3A_46 : vector<1000x1xf32>
    %div3A = arith.constant 1.000000e+00 : f32
    %div3A_48 = vector.broadcast %div3A : f32 to vector<1000x1xf32>
    %div3A_49 = arith.divf %div3A_48, %max3A_47 : vector<1000x1xf32>
    %mul3A_50 = vector.broadcast %div3A_49 : vector<1000x1xf32> to vector<1000x128xf32>
    %mul3A_51 = arith.mulf %sub3A, %mul3A_50 : vector<1000x128xf32>
    %get3A_52 = arith.constant 0 : index
    %get3A_53 = arith.constant 0 : index
    %get3A_54 = vector.load %arg6[%get3A_52, %get3A_53] : memref<1x128xf32, #tpu.memory_space<vmem>>, vector<1x128xf32>
    %add3A_55 = vector.broadcast %get3A_54 : vector<1x128xf32> to vector<1000x128xf32>
    %add3A_56 = arith.addf %mul3A_51, %add3A_55 : vector<1000x128xf32>
    %add3A_57 = vector.broadcast %dot_general3A_34 : vector<1x128xf32> to vector<1000x128xf32>
    %add3A_58 = arith.addf %add3A_56, %add3A_57 : vector<1000x128xf32>
    %max3A_59 = arith.constant 0.000000e+00 : f32
    %max3A_60 = vector.broadcast %max3A_59 : f32 to vector<1000x128xf32>
    %max3A_61 = arith.maximumf %add3A_58, %max3A_60 : vector<1000x128xf32>
    %swap3A = arith.constant 0 : index
    %swap3A_62 = arith.constant 0 : index
    %swap3A_63 = vector.load %arg8[%swap3A, %swap3A_62] : memref<1000x128xf32, #tpu.memory_space<vmem>>, vector<1000x128xf32>
    tpu.vector_store %arg8[%swap3A, %swap3A_62], %max3A_61 {strides = array<i32>} : memref<1000x128xf32, #tpu.memory_space<vmem>>, vector<1000x128xf32>,
    %get3A_64 = arith.constant 0 : index
    %get3A_65 = arith.constant 0 : index
    %get3A_66 = vector.load %arg7[%get3A_64, %get3A_65] : memref<128x128xf32, #tpu.memory_space<vmem>>, vector<128x128xf32>
    %dot_general3A_67 = arith.constant dense<0.000000e+00> : vector<1000x128xf32>
    %dot_general3A_68 = tpu.matmul %max3A_61, %get3A_66, %dot_general3A_67 {dimension_numbers = #tpu.dot_dimension_numbers<[1], [1], [0], [0], [0, 0, 1, 0], [], []>, transpose_lhs_hint = false} : vector<1000x128xf32>, vector<128x128xf32>, vector<1000x128xf32> -> vector<1000x128xf32>
    %slice3A = vector.extract_strided_slice %dot_general3A_68 {offsets = [0, 0], sizes = [1000, 64], strides = [1, 1]} : vector<1000x128xf32> to vector<1000x64xf32>
    %swap3A_69 = arith.constant 0 : index
    %swap3A_70 = arith.constant 0 : index
    %swap3A_71 = arith.constant 0 : index
    %swap3A_72 = vector.load %arg9[%swap3A_69, %swap3A_70, %swap3A_71] : memref<2x1000x64xf32, #tpu.memory_space<vmem>>, vector<1x1000x64xf32>
    %swap3A_73 = vector.shape_cast %swap3A_72 : vector<1x1000x64xf32> to vector<1000x64xf32>
    %swap3A_74 = vector.shape_cast %slice3A : vector<1000x64xf32> to vector<1x1000x64xf32>
    tpu.vector_store %arg9[%swap3A_69, %swap3A_70, %swap3A_71], %swap3A_74 {strides = array<i32>} : memref<2x1000x64xf32, #tpu.memory_space<vmem>>, vector<1x1000x64xf32>,
    %slice3A_75 = vector.extract_strided_slice %dot_general3A_68 {offsets = [0, 64], sizes = [1000, 64], strides = [1, 1]} : vector<1000x128xf32> to vector<1000x64xf32>
    %swap3A_76 = arith.constant 1 : index
    %swap3A_77 = arith.constant 0 : index
    %swap3A_78 = arith.constant 0 : index
    %swap3A_79 = vector.load %arg9[%swap3A_76, %swap3A_77, %swap3A_78] : memref<2x1000x64xf32, #tpu.memory_space<vmem>>, vector<1x1000x64xf32>
    %swap3A_80 = vector.shape_cast %swap3A_79 : vector<1x1000x64xf32> to vector<1000x64xf32>
    %swap3A_81 = vector.shape_cast %slice3A_75 : vector<1000x64xf32> to vector<1x1000x64xf32>
    tpu.vector_store %arg9[%swap3A_76, %swap3A_77, %swap3A_78], %swap3A_81 {strides = array<i32>} : memref<2x1000x64xf32, #tpu.memory_space<vmem>>, vector<1x1000x64xf32>,
    return
  }
  func.func @transform_0(%arg0: i32) -> (i32, i32, i32) {
    %c0_i32 = arith.constant 0 : i32
    %c0_i32_0 = arith.constant 0 : i32
    %c0_i32_1 = arith.constant 0 : i32
    return %c0_i32, %arg0, %c0_i32_0 : i32, i32, i32
  }
  func.func @transform_1(%arg0: i32) -> (i32, i32, i32) {
    %c0_i32 = arith.constant 0 : i32
    %c0_i32_0 = arith.constant 0 : i32
    %c0_i32_1 = arith.constant 0 : i32
    return %c0_i32, %arg0, %c0_i32_0 : i32, i32, i32
  }
  func.func @transform_2(%arg0: i32) -> (i32, i32, i32) {
    %c0_i32 = arith.constant 0 : i32
    %c0_i32_0 = arith.constant 0 : i32
    %c0_i32_1 = arith.constant 0 : i32
    return %c0_i32, %arg0, %c0_i32_0 : i32, i32, i32
  }
  func.func @transform_3(%arg0: i32) -> (i32, i32) {
    %c0_i32 = arith.constant 0 : i32
    %c0_i32_0 = arith.constant 0 : i32
    %c0_i32_1 = arith.constant 0 : i32
    return %c0_i32, %c0_i32_0 : i32, i32
  }
  func.func @transform_4(%arg0: i32) -> (i32, i32) {
    %c0_i32 = arith.constant 0 : i32
    %c0_i32_0 = arith.constant 0 : i32
    %c0_i32_1 = arith.constant 0 : i32
    return %c0_i32, %c0_i32_0 : i32, i32
  }
  func.func @transform_5(%arg0: i32) -> (i32, i32) {
    %c0_i32 = arith.constant 0 : i32
    %c0_i32_0 = arith.constant 0 : i32
    %c0_i32_1 = arith.constant 0 : i32
    return %c0_i32, %c0_i32_0 : i32, i32
  }
  func.func @transform_6(%arg0: i32) -> (i32, i32) {
    %c0_i32 = arith.constant 0 : i32
    %c0_i32_0 = arith.constant 0 : i32
    %c0_i32_1 = arith.constant 0 : i32
    return %c0_i32, %c0_i32_0 : i32, i32
  }
  func.func @transform_7(%arg0: i32) -> (i32, i32) {
    %c0_i32 = arith.constant 0 : i32
    %c0_i32_0 = arith.constant 0 : i32
    return %arg0, %c0_i32 : i32, i32
  }
  func.func @transform_8(%arg0: i32) -> (i32, i32, i32) {
    %c0_i32 = arith.constant 0 : i32
    %c0_i32_0 = arith.constant 0 : i32
    %c0_i32_1 = arith.constant 0 : i32
    return %c0_i32, %arg0, %c0_i32_0 : i32, i32, i32
  }
}

module attributes {stable_mosaic.version = 14 : i64} {
  func.func @_st2_body(%arg0: i32, %arg1: memref<2x1000x64xf32, #tpu.memory_space<vmem>>, %arg2: memref<2x1000x64xf32, #tpu.memory_space<vmem>>, %arg3: memref<2x1000x1xf32, #tpu.memory_space<vmem>>, %arg4: memref<1000x128xf32, #tpu.memory_space<vmem>>, %arg5: memref<128x128xf32, #tpu.memory_space<vmem>>, %arg6: memref<1x128xf32, #tpu.memory_space<vmem>>, %arg7: memref<128x128xf32, #tpu.memory_space<vmem>>, %arg8: memref<64x128xf32, #tpu.memory_space<vmem>>, %arg9: memref<1x64xf32, #tpu.memory_space<vmem>>, %arg10: memref<2x1000x64xf32, #tpu.memory_space<vmem>>, %arg11: memref<1000x64xf32, #tpu.memory_space<vmem>>) attributes {dimension_semantics = [#tpu.dimension_semantics<arbitrary>], iteration_bounds = array<i64: 10>, scalar_prefetch = 0 : i64, scratch_operands = 0 : i64, tpu.core_type = #tpu.core_type<tc>, window_params = [{transform_indices = @transform_0, window_bounds = array<i64: 2, 1000, 64>}, {transform_indices = @transform_1, window_bounds = array<i64: 2, 1000, 64>}, {transform_indices = @transform_2, window_bounds = array<i64: 2, 1000, 1>}, {transform_indices = @transform_3, window_bounds = array<i64: 1000, 128>}, {pipeline_mode = #tpu.pipeline_mode<synchronous>, transform_indices = @transform_4, window_bounds = array<i64: 128, 128>}, {pipeline_mode = #tpu.pipeline_mode<synchronous>, transform_indices = @transform_5, window_bounds = array<i64: 1, 128>}, {pipeline_mode = #tpu.pipeline_mode<synchronous>, transform_indices = @transform_6, window_bounds = array<i64: 128, 128>}, {pipeline_mode = #tpu.pipeline_mode<synchronous>, transform_indices = @transform_7, window_bounds = array<i64: 64, 128>}, {pipeline_mode = #tpu.pipeline_mode<synchronous>, transform_indices = @transform_8, window_bounds = array<i64: 1, 64>}, {transform_indices = @transform_9, window_bounds = array<i64: 2, 1000, 64>}, {transform_indices = @transform_10, window_bounds = array<i64: 1000, 64>}]} {
    %get3A = arith.constant 0 : index
    %get3A_0 = arith.constant 0 : index
    %get3A_1 = arith.constant 0 : index
    %get3A_2 = vector.load %arg1[%get3A, %get3A_0, %get3A_1] : memref<2x1000x64xf32, #tpu.memory_space<vmem>>, vector<1x1000x64xf32>
    %get3A_3 = vector.shape_cast %get3A_2 : vector<1x1000x64xf32> to vector<1000x64xf32>
    %get3A_4 = arith.constant 1 : index
    %get3A_5 = arith.constant 0 : index
    %get3A_6 = arith.constant 0 : index
    %get3A_7 = vector.load %arg1[%get3A_4, %get3A_5, %get3A_6] : memref<2x1000x64xf32, #tpu.memory_space<vmem>>, vector<1x1000x64xf32>
    %get3A_8 = vector.shape_cast %get3A_7 : vector<1x1000x64xf32> to vector<1000x64xf32>
    %concatenate3A = tpu.concatenate %get3A_3, %get3A_8 in 1 : vector<1000x64xf32>, vector<1000x64xf32> -> vector<1000x128xf32>
    %get3A_9 = arith.constant 0 : index
    %get3A_10 = arith.constant 0 : index
    %get3A_11 = arith.constant 0 : index
    %get3A_12 = vector.load %arg2[%get3A_9, %get3A_10, %get3A_11] : memref<2x1000x64xf32, #tpu.memory_space<vmem>>, vector<1x1000x64xf32>
    %get3A_13 = vector.shape_cast %get3A_12 : vector<1x1000x64xf32> to vector<1000x64xf32>
    %get3A_14 = arith.constant 1 : index
    %get3A_15 = arith.constant 0 : index
    %get3A_16 = arith.constant 0 : index
    %get3A_17 = vector.load %arg2[%get3A_14, %get3A_15, %get3A_16] : memref<2x1000x64xf32, #tpu.memory_space<vmem>>, vector<1x1000x64xf32>
    %get3A_18 = vector.shape_cast %get3A_17 : vector<1x1000x64xf32> to vector<1000x64xf32>
    %concatenate3A_19 = tpu.concatenate %get3A_13, %get3A_18 in 1 : vector<1000x64xf32>, vector<1000x64xf32> -> vector<1000x128xf32>
    %mul3A = arith.constant 1000 : i32
    %mul3A_20 = arith.muli %arg0, %mul3A : i32
    %iota3A = tpu.iota {dimensions = array<i32: 0>} : vector<1000x1xi32>
    %add3A = vector.broadcast %mul3A_20 : i32 to vector<1000x1xi32>
    %add3A_21 = arith.addi %add3A, %iota3A : vector<1000x1xi32>
    %lt3A = arith.constant 1760 : i32
    %lt3A_22 = vector.broadcast %lt3A : i32 to vector<1000x1xi32>
    %lt3A_23 = arith.cmpi slt, %add3A_21, %lt3A_22 : vector<1000x1xi32>
    %jit3A = arith.constant 1.000000e+00 : f32
    %jit3A_24 = arith.constant 0.000000e+00 : f32
    %broadcast_in_dim3A = vector.broadcast %jit3A : f32 to vector<1000x1xf32>
    %broadcast_in_dim3A_25 = vector.broadcast %jit3A_24 : f32 to vector<1000x1xf32>
    %select_n3A = arith.select %lt3A_23, %broadcast_in_dim3A, %broadcast_in_dim3A_25 : vector<1000x1xi1>, vector<1000x1xf32>
    %mul3A_26 = vector.broadcast %select_n3A : vector<1000x1xf32> to vector<1000x128xf32>
    %mul3A_27 = arith.mulf %mul3A_26, %concatenate3A_19 : vector<1000x128xf32>
    %sub3A = arith.subf %concatenate3A, %mul3A_27 : vector<1000x128xf32>
    %get3A_28 = arith.constant 0 : index
    %get3A_29 = arith.constant 0 : index
    %get3A_30 = arith.constant 0 : index
    %get3A_31 = vector.load %arg3[%get3A_28, %get3A_29, %get3A_30] : memref<2x1000x1xf32, #tpu.memory_space<vmem>>, vector<1x1000x1xf32>
    %get3A_32 = vector.shape_cast %get3A_31 : vector<1x1000x1xf32> to vector<1000x1xf32>
    %get3A_33 = arith.constant 1 : index
    %get3A_34 = arith.constant 0 : index
    %get3A_35 = arith.constant 0 : index
    %get3A_36 = vector.load %arg3[%get3A_33, %get3A_34, %get3A_35] : memref<2x1000x1xf32, #tpu.memory_space<vmem>>, vector<1x1000x1xf32>
    %get3A_37 = vector.shape_cast %get3A_36 : vector<1x1000x1xf32> to vector<1000x1xf32>
    %add3A_38 = arith.addf %get3A_32, %get3A_37 : vector<1000x1xf32>
    %max3A = arith.constant 1.000000e+00 : f32
    %max3A_39 = vector.broadcast %max3A : f32 to vector<1000x1xf32>
    %max3A_40 = arith.maximumf %add3A_38, %max3A_39 : vector<1000x1xf32>
    %div3A = arith.constant 1.000000e+00 : f32
    %div3A_41 = vector.broadcast %div3A : f32 to vector<1000x1xf32>
    %div3A_42 = arith.divf %div3A_41, %max3A_40 : vector<1000x1xf32>
    %mul3A_43 = vector.broadcast %div3A_42 : vector<1000x1xf32> to vector<1000x128xf32>
    %mul3A_44 = arith.mulf %sub3A, %mul3A_43 : vector<1000x128xf32>
    %get3A_45 = arith.constant 0 : index
    %get3A_46 = arith.constant 0 : index
    %get3A_47 = vector.load %arg6[%get3A_45, %get3A_46] : memref<1x128xf32, #tpu.memory_space<vmem>>, vector<1x128xf32>
    %add3A_48 = vector.broadcast %get3A_47 : vector<1x128xf32> to vector<1000x128xf32>
    %add3A_49 = arith.addf %mul3A_44, %add3A_48 : vector<1000x128xf32>
    %get3A_50 = arith.constant 0 : index
    %get3A_51 = arith.constant 0 : index
    %get3A_52 = vector.load %arg4[%get3A_50, %get3A_51] : memref<1000x128xf32, #tpu.memory_space<vmem>>, vector<1000x128xf32>
    %get3A_53 = arith.constant 0 : index
    %get3A_54 = arith.constant 0 : index
    %get3A_55 = vector.load %arg5[%get3A_53, %get3A_54] : memref<128x128xf32, #tpu.memory_space<vmem>>, vector<128x128xf32>
    %dot_general3A = arith.constant dense<0.000000e+00> : vector<1000x128xf32>
    %dot_general3A_56 = tpu.matmul %get3A_52, %get3A_55, %dot_general3A {dimension_numbers = #tpu.dot_dimension_numbers<[1], [1], [0], [0], [0, 0, 1, 0], [], []>, transpose_lhs_hint = false} : vector<1000x128xf32>, vector<128x128xf32>, vector<1000x128xf32> -> vector<1000x128xf32>
    %add3A_57 = arith.addf %add3A_49, %dot_general3A_56 : vector<1000x128xf32>
    %max3A_58 = arith.constant 0.000000e+00 : f32
    %max3A_59 = vector.broadcast %max3A_58 : f32 to vector<1000x128xf32>
    %max3A_60 = arith.maximumf %add3A_57, %max3A_59 : vector<1000x128xf32>
    %get3A_61 = arith.constant 0 : index
    %get3A_62 = arith.constant 0 : index
    %get3A_63 = vector.load %arg7[%get3A_61, %get3A_62] : memref<128x128xf32, #tpu.memory_space<vmem>>, vector<128x128xf32>
    %dot_general3A_64 = arith.constant dense<0.000000e+00> : vector<1000x128xf32>
    %dot_general3A_65 = tpu.matmul %max3A_60, %get3A_63, %dot_general3A_64 {dimension_numbers = #tpu.dot_dimension_numbers<[1], [1], [0], [0], [0, 0, 1, 0], [], []>, transpose_lhs_hint = false} : vector<1000x128xf32>, vector<128x128xf32>, vector<1000x128xf32> -> vector<1000x128xf32>
    %slice3A = vector.extract_strided_slice %dot_general3A_65 {offsets = [0, 0], sizes = [1000, 64], strides = [1, 1]} : vector<1000x128xf32> to vector<1000x64xf32>
    %swap3A = arith.constant 0 : index
    %swap3A_66 = arith.constant 0 : index
    %swap3A_67 = arith.constant 0 : index
    %swap3A_68 = vector.load %arg10[%swap3A, %swap3A_66, %swap3A_67] : memref<2x1000x64xf32, #tpu.memory_space<vmem>>, vector<1x1000x64xf32>
    %swap3A_69 = vector.shape_cast %swap3A_68 : vector<1x1000x64xf32> to vector<1000x64xf32>
    %swap3A_70 = vector.shape_cast %slice3A : vector<1000x64xf32> to vector<1x1000x64xf32>
    tpu.vector_store %arg10[%swap3A, %swap3A_66, %swap3A_67], %swap3A_70 {strides = array<i32>} : memref<2x1000x64xf32, #tpu.memory_space<vmem>>, vector<1x1000x64xf32>,
    %slice3A_71 = vector.extract_strided_slice %dot_general3A_65 {offsets = [0, 64], sizes = [1000, 64], strides = [1, 1]} : vector<1000x128xf32> to vector<1000x64xf32>
    %swap3A_72 = arith.constant 1 : index
    %swap3A_73 = arith.constant 0 : index
    %swap3A_74 = arith.constant 0 : index
    %swap3A_75 = vector.load %arg10[%swap3A_72, %swap3A_73, %swap3A_74] : memref<2x1000x64xf32, #tpu.memory_space<vmem>>, vector<1x1000x64xf32>
    %swap3A_76 = vector.shape_cast %swap3A_75 : vector<1x1000x64xf32> to vector<1000x64xf32>
    %swap3A_77 = vector.shape_cast %slice3A_71 : vector<1000x64xf32> to vector<1x1000x64xf32>
    tpu.vector_store %arg10[%swap3A_72, %swap3A_73, %swap3A_74], %swap3A_77 {strides = array<i32>} : memref<2x1000x64xf32, #tpu.memory_space<vmem>>, vector<1x1000x64xf32>,
    %get3A_78 = arith.constant 0 : index
    %get3A_79 = arith.constant 0 : index
    %get3A_80 = vector.load %arg8[%get3A_78, %get3A_79] : memref<64x128xf32, #tpu.memory_space<vmem>>, vector<64x128xf32>
    %dot_general3A_81 = arith.constant dense<0.000000e+00> : vector<1000x64xf32>
    %dot_general3A_82 = tpu.matmul %max3A_60, %get3A_80, %dot_general3A_81 {dimension_numbers = #tpu.dot_dimension_numbers<[1], [1], [0], [0], [0, 0, 1, 0], [], []>, transpose_lhs_hint = false} : vector<1000x128xf32>, vector<64x128xf32>, vector<1000x64xf32> -> vector<1000x64xf32>
    %get3A_83 = arith.constant 0 : index
    %get3A_84 = arith.constant 0 : index
    %get3A_85 = vector.load %arg9[%get3A_83, %get3A_84] : memref<1x64xf32, #tpu.memory_space<vmem>>, vector<1x64xf32>
    %add3A_86 = vector.broadcast %get3A_85 : vector<1x64xf32> to vector<1000x64xf32>
    %add3A_87 = arith.addf %dot_general3A_82, %add3A_86 : vector<1000x64xf32>
    %swap3A_88 = arith.constant 0 : index
    %swap3A_89 = arith.constant 0 : index
    %swap3A_90 = vector.load %arg11[%swap3A_88, %swap3A_89] : memref<1000x64xf32, #tpu.memory_space<vmem>>, vector<1000x64xf32>
    tpu.vector_store %arg11[%swap3A_88, %swap3A_89], %add3A_87 {strides = array<i32>} : memref<1000x64xf32, #tpu.memory_space<vmem>>, vector<1000x64xf32>,
    return
  }
  func.func @transform_0(%arg0: i32) -> (i32, i32, i32) {
    %c0_i32 = arith.constant 0 : i32
    %c0_i32_0 = arith.constant 0 : i32
    %c0_i32_1 = arith.constant 0 : i32
    return %c0_i32, %arg0, %c0_i32_0 : i32, i32, i32
  }
  func.func @transform_1(%arg0: i32) -> (i32, i32, i32) {
    %c0_i32 = arith.constant 0 : i32
    %c0_i32_0 = arith.constant 0 : i32
    %c0_i32_1 = arith.constant 0 : i32
    return %c0_i32, %arg0, %c0_i32_0 : i32, i32, i32
  }
  func.func @transform_2(%arg0: i32) -> (i32, i32, i32) {
    %c0_i32 = arith.constant 0 : i32
    %c0_i32_0 = arith.constant 0 : i32
    %c0_i32_1 = arith.constant 0 : i32
    return %c0_i32, %arg0, %c0_i32_0 : i32, i32, i32
  }
  func.func @transform_3(%arg0: i32) -> (i32, i32) {
    %c0_i32 = arith.constant 0 : i32
    %c0_i32_0 = arith.constant 0 : i32
    return %arg0, %c0_i32 : i32, i32
  }
  func.func @transform_4(%arg0: i32) -> (i32, i32) {
    %c0_i32 = arith.constant 0 : i32
    %c0_i32_0 = arith.constant 0 : i32
    %c0_i32_1 = arith.constant 0 : i32
    return %c0_i32, %c0_i32_0 : i32, i32
  }
  func.func @transform_5(%arg0: i32) -> (i32, i32) {
    %c0_i32 = arith.constant 0 : i32
    %c0_i32_0 = arith.constant 0 : i32
    %c0_i32_1 = arith.constant 0 : i32
    return %c0_i32, %c0_i32_0 : i32, i32
  }
  func.func @transform_6(%arg0: i32) -> (i32, i32) {
    %c0_i32 = arith.constant 0 : i32
    %c0_i32_0 = arith.constant 0 : i32
    %c0_i32_1 = arith.constant 0 : i32
    return %c0_i32, %c0_i32_0 : i32, i32
  }
  func.func @transform_7(%arg0: i32) -> (i32, i32) {
    %c0_i32 = arith.constant 0 : i32
    %c0_i32_0 = arith.constant 0 : i32
    %c0_i32_1 = arith.constant 0 : i32
    return %c0_i32, %c0_i32_0 : i32, i32
  }
  func.func @transform_8(%arg0: i32) -> (i32, i32) {
    %c0_i32 = arith.constant 0 : i32
    %c0_i32_0 = arith.constant 0 : i32
    %c0_i32_1 = arith.constant 0 : i32
    return %c0_i32, %c0_i32_0 : i32, i32
  }
  func.func @transform_9(%arg0: i32) -> (i32, i32, i32) {
    %c0_i32 = arith.constant 0 : i32
    %c0_i32_0 = arith.constant 0 : i32
    %c0_i32_1 = arith.constant 0 : i32
    return %c0_i32, %arg0, %c0_i32_0 : i32, i32, i32
  }
  func.func @transform_10(%arg0: i32) -> (i32, i32) {
    %c0_i32 = arith.constant 0 : i32
    %c0_i32_0 = arith.constant 0 : i32
    return %arg0, %c0_i32 : i32, i32
  }
}

module attributes {stable_mosaic.version = 14 : i64} {
  func.func @_st3_body(%arg0: i32, %arg1: memref<2x1000x64xf32, #tpu.memory_space<vmem>>, %arg2: memref<2x1000x64xf32, #tpu.memory_space<vmem>>, %arg3: memref<2x1000x1xf32, #tpu.memory_space<vmem>>, %arg4: memref<1000x128xf32, #tpu.memory_space<vmem>>, %arg5: memref<128x128xf32, #tpu.memory_space<vmem>>, %arg6: memref<1x128xf32, #tpu.memory_space<vmem>>, %arg7: memref<64x128xf32, #tpu.memory_space<vmem>>, %arg8: memref<1x64xf32, #tpu.memory_space<vmem>>, %arg9: memref<1000x64xf32, #tpu.memory_space<vmem>>) attributes {dimension_semantics = [#tpu.dimension_semantics<arbitrary>], iteration_bounds = array<i64: 10>, scalar_prefetch = 0 : i64, scratch_operands = 0 : i64, tpu.core_type = #tpu.core_type<tc>, window_params = [{transform_indices = @transform_0, window_bounds = array<i64: 2, 1000, 64>}, {transform_indices = @transform_1, window_bounds = array<i64: 2, 1000, 64>}, {transform_indices = @transform_2, window_bounds = array<i64: 2, 1000, 1>}, {transform_indices = @transform_3, window_bounds = array<i64: 1000, 128>}, {pipeline_mode = #tpu.pipeline_mode<synchronous>, transform_indices = @transform_4, window_bounds = array<i64: 128, 128>}, {pipeline_mode = #tpu.pipeline_mode<synchronous>, transform_indices = @transform_5, window_bounds = array<i64: 1, 128>}, {pipeline_mode = #tpu.pipeline_mode<synchronous>, transform_indices = @transform_6, window_bounds = array<i64: 64, 128>}, {pipeline_mode = #tpu.pipeline_mode<synchronous>, transform_indices = @transform_7, window_bounds = array<i64: 1, 64>}, {transform_indices = @transform_8, window_bounds = array<i64: 1000, 64>}]} {
    %get3A = arith.constant 0 : index
    %get3A_0 = arith.constant 0 : index
    %get3A_1 = arith.constant 0 : index
    %get3A_2 = vector.load %arg1[%get3A, %get3A_0, %get3A_1] : memref<2x1000x64xf32, #tpu.memory_space<vmem>>, vector<1x1000x64xf32>
    %get3A_3 = vector.shape_cast %get3A_2 : vector<1x1000x64xf32> to vector<1000x64xf32>
    %get3A_4 = arith.constant 1 : index
    %get3A_5 = arith.constant 0 : index
    %get3A_6 = arith.constant 0 : index
    %get3A_7 = vector.load %arg1[%get3A_4, %get3A_5, %get3A_6] : memref<2x1000x64xf32, #tpu.memory_space<vmem>>, vector<1x1000x64xf32>
    %get3A_8 = vector.shape_cast %get3A_7 : vector<1x1000x64xf32> to vector<1000x64xf32>
    %concatenate3A = tpu.concatenate %get3A_3, %get3A_8 in 1 : vector<1000x64xf32>, vector<1000x64xf32> -> vector<1000x128xf32>
    %get3A_9 = arith.constant 0 : index
    %get3A_10 = arith.constant 0 : index
    %get3A_11 = arith.constant 0 : index
    %get3A_12 = vector.load %arg2[%get3A_9, %get3A_10, %get3A_11] : memref<2x1000x64xf32, #tpu.memory_space<vmem>>, vector<1x1000x64xf32>
    %get3A_13 = vector.shape_cast %get3A_12 : vector<1x1000x64xf32> to vector<1000x64xf32>
    %get3A_14 = arith.constant 1 : index
    %get3A_15 = arith.constant 0 : index
    %get3A_16 = arith.constant 0 : index
    %get3A_17 = vector.load %arg2[%get3A_14, %get3A_15, %get3A_16] : memref<2x1000x64xf32, #tpu.memory_space<vmem>>, vector<1x1000x64xf32>
    %get3A_18 = vector.shape_cast %get3A_17 : vector<1x1000x64xf32> to vector<1000x64xf32>
    %concatenate3A_19 = tpu.concatenate %get3A_13, %get3A_18 in 1 : vector<1000x64xf32>, vector<1000x64xf32> -> vector<1000x128xf32>
    %mul3A = arith.constant 1000 : i32
    %mul3A_20 = arith.muli %arg0, %mul3A : i32
    %iota3A = tpu.iota {dimensions = array<i32: 0>} : vector<1000x1xi32>
    %add3A = vector.broadcast %mul3A_20 : i32 to vector<1000x1xi32>
    %add3A_21 = arith.addi %add3A, %iota3A : vector<1000x1xi32>
    %lt3A = arith.constant 1760 : i32
    %lt3A_22 = vector.broadcast %lt3A : i32 to vector<1000x1xi32>
    %lt3A_23 = arith.cmpi slt, %add3A_21, %lt3A_22 : vector<1000x1xi32>
    %jit3A = arith.constant 1.000000e+00 : f32
    %jit3A_24 = arith.constant 0.000000e+00 : f32
    %broadcast_in_dim3A = vector.broadcast %jit3A : f32 to vector<1000x1xf32>
    %broadcast_in_dim3A_25 = vector.broadcast %jit3A_24 : f32 to vector<1000x1xf32>
    %select_n3A = arith.select %lt3A_23, %broadcast_in_dim3A, %broadcast_in_dim3A_25 : vector<1000x1xi1>, vector<1000x1xf32>
    %mul3A_26 = vector.broadcast %select_n3A : vector<1000x1xf32> to vector<1000x128xf32>
    %mul3A_27 = arith.mulf %mul3A_26, %concatenate3A_19 : vector<1000x128xf32>
    %sub3A = arith.subf %concatenate3A, %mul3A_27 : vector<1000x128xf32>
    %get3A_28 = arith.constant 0 : index
    %get3A_29 = arith.constant 0 : index
    %get3A_30 = arith.constant 0 : index
    %get3A_31 = vector.load %arg3[%get3A_28, %get3A_29, %get3A_30] : memref<2x1000x1xf32, #tpu.memory_space<vmem>>, vector<1x1000x1xf32>
    %get3A_32 = vector.shape_cast %get3A_31 : vector<1x1000x1xf32> to vector<1000x1xf32>
    %get3A_33 = arith.constant 1 : index
    %get3A_34 = arith.constant 0 : index
    %get3A_35 = arith.constant 0 : index
    %get3A_36 = vector.load %arg3[%get3A_33, %get3A_34, %get3A_35] : memref<2x1000x1xf32, #tpu.memory_space<vmem>>, vector<1x1000x1xf32>
    %get3A_37 = vector.shape_cast %get3A_36 : vector<1x1000x1xf32> to vector<1000x1xf32>
    %add3A_38 = arith.addf %get3A_32, %get3A_37 : vector<1000x1xf32>
    %max3A = arith.constant 1.000000e+00 : f32
    %max3A_39 = vector.broadcast %max3A : f32 to vector<1000x1xf32>
    %max3A_40 = arith.maximumf %add3A_38, %max3A_39 : vector<1000x1xf32>
    %div3A = arith.constant 1.000000e+00 : f32
    %div3A_41 = vector.broadcast %div3A : f32 to vector<1000x1xf32>
    %div3A_42 = arith.divf %div3A_41, %max3A_40 : vector<1000x1xf32>
    %mul3A_43 = vector.broadcast %div3A_42 : vector<1000x1xf32> to vector<1000x128xf32>
    %mul3A_44 = arith.mulf %sub3A, %mul3A_43 : vector<1000x128xf32>
    %get3A_45 = arith.constant 0 : index
    %get3A_46 = arith.constant 0 : index
    %get3A_47 = vector.load %arg6[%get3A_45, %get3A_46] : memref<1x128xf32, #tpu.memory_space<vmem>>, vector<1x128xf32>
    %add3A_48 = vector.broadcast %get3A_47 : vector<1x128xf32> to vector<1000x128xf32>
    %add3A_49 = arith.addf %mul3A_44, %add3A_48 : vector<1000x128xf32>
    %get3A_50 = arith.constant 0 : index
    %get3A_51 = arith.constant 0 : index
    %get3A_52 = vector.load %arg4[%get3A_50, %get3A_51] : memref<1000x128xf32, #tpu.memory_space<vmem>>, vector<1000x128xf32>
    %get3A_53 = arith.constant 0 : index
    %get3A_54 = arith.constant 0 : index
    %get3A_55 = vector.load %arg5[%get3A_53, %get3A_54] : memref<128x128xf32, #tpu.memory_space<vmem>>, vector<128x128xf32>
    %dot_general3A = arith.constant dense<0.000000e+00> : vector<1000x128xf32>
    %dot_general3A_56 = tpu.matmul %get3A_52, %get3A_55, %dot_general3A {dimension_numbers = #tpu.dot_dimension_numbers<[1], [1], [0], [0], [0, 0, 1, 0], [], []>, transpose_lhs_hint = false} : vector<1000x128xf32>, vector<128x128xf32>, vector<1000x128xf32> -> vector<1000x128xf32>
    %add3A_57 = arith.addf %add3A_49, %dot_general3A_56 : vector<1000x128xf32>
    %max3A_58 = arith.constant 0.000000e+00 : f32
    %max3A_59 = vector.broadcast %max3A_58 : f32 to vector<1000x128xf32>
    %max3A_60 = arith.maximumf %add3A_57, %max3A_59 : vector<1000x128xf32>
    %get3A_61 = arith.constant 0 : index
    %get3A_62 = arith.constant 0 : index
    %get3A_63 = vector.load %arg7[%get3A_61, %get3A_62] : memref<64x128xf32, #tpu.memory_space<vmem>>, vector<64x128xf32>
    %dot_general3A_64 = arith.constant dense<0.000000e+00> : vector<1000x64xf32>
    %dot_general3A_65 = tpu.matmul %max3A_60, %get3A_63, %dot_general3A_64 {dimension_numbers = #tpu.dot_dimension_numbers<[1], [1], [0], [0], [0, 0, 1, 0], [], []>, transpose_lhs_hint = false} : vector<1000x128xf32>, vector<64x128xf32>, vector<1000x64xf32> -> vector<1000x64xf32>
    %get3A_66 = arith.constant 0 : index
    %get3A_67 = arith.constant 0 : index
    %get3A_68 = vector.load %arg8[%get3A_66, %get3A_67] : memref<1x64xf32, #tpu.memory_space<vmem>>, vector<1x64xf32>
    %add3A_69 = vector.broadcast %get3A_68 : vector<1x64xf32> to vector<1000x64xf32>
    %add3A_70 = arith.addf %dot_general3A_65, %add3A_69 : vector<1000x64xf32>
    %swap3A = arith.constant 0 : index
    %swap3A_71 = arith.constant 0 : index
    %swap3A_72 = vector.load %arg9[%swap3A, %swap3A_71] : memref<1000x64xf32, #tpu.memory_space<vmem>>, vector<1000x64xf32>
    tpu.vector_store %arg9[%swap3A, %swap3A_71], %add3A_70 {strides = array<i32>} : memref<1000x64xf32, #tpu.memory_space<vmem>>, vector<1000x64xf32>,
    return
  }
  func.func @transform_0(%arg0: i32) -> (i32, i32, i32) {
    %c0_i32 = arith.constant 0 : i32
    %c0_i32_0 = arith.constant 0 : i32
    %c0_i32_1 = arith.constant 0 : i32
    return %c0_i32, %arg0, %c0_i32_0 : i32, i32, i32
  }
  func.func @transform_1(%arg0: i32) -> (i32, i32, i32) {
    %c0_i32 = arith.constant 0 : i32
    %c0_i32_0 = arith.constant 0 : i32
    %c0_i32_1 = arith.constant 0 : i32
    return %c0_i32, %arg0, %c0_i32_0 : i32, i32, i32
  }
  func.func @transform_2(%arg0: i32) -> (i32, i32, i32) {
    %c0_i32 = arith.constant 0 : i32
    %c0_i32_0 = arith.constant 0 : i32
    %c0_i32_1 = arith.constant 0 : i32
    return %c0_i32, %arg0, %c0_i32_0 : i32, i32, i32
  }
  func.func @transform_3(%arg0: i32) -> (i32, i32) {
    %c0_i32 = arith.constant 0 : i32
    %c0_i32_0 = arith.constant 0 : i32
    return %arg0, %c0_i32 : i32, i32
  }
  func.func @transform_4(%arg0: i32) -> (i32, i32) {
    %c0_i32 = arith.constant 0 : i32
    %c0_i32_0 = arith.constant 0 : i32
    %c0_i32_1 = arith.constant 0 : i32
    return %c0_i32, %c0_i32_0 : i32, i32
  }
  func.func @transform_5(%arg0: i32) -> (i32, i32) {
    %c0_i32 = arith.constant 0 : i32
    %c0_i32_0 = arith.constant 0 : i32
    %c0_i32_1 = arith.constant 0 : i32
    return %c0_i32, %c0_i32_0 : i32, i32
  }
  func.func @transform_6(%arg0: i32) -> (i32, i32) {
    %c0_i32 = arith.constant 0 : i32
    %c0_i32_0 = arith.constant 0 : i32
    %c0_i32_1 = arith.constant 0 : i32
    return %c0_i32, %c0_i32_0 : i32, i32
  }
  func.func @transform_7(%arg0: i32) -> (i32, i32) {
    %c0_i32 = arith.constant 0 : i32
    %c0_i32_0 = arith.constant 0 : i32
    %c0_i32_1 = arith.constant 0 : i32
    return %c0_i32, %c0_i32_0 : i32, i32
  }
  func.func @transform_8(%arg0: i32) -> (i32, i32) {
    %c0_i32 = arith.constant 0 : i32
    %c0_i32_0 = arith.constant 0 : i32
    return %arg0, %c0_i32 : i32, i32
  }
}

</mosaic_0001>

<sc_bundles>
// kernel: kernel.11.cloned.1.call-start
scs
__scs_entry_jumppad:
0x0: {  	(pc) =	sbr.rel $0x88, $3  }
0x1: {  	(tag) =	ssettag $0x0;
	lr =	simm.s32 $0x1  }
0x2: {  	[smem:$0x3F8F] =	sst lr;
	_ =	strace $0xD0000000  }
0x3: {  	_ = 	snop  }
0x4: {  	_ = 	snop  }
0x5: {  	_ = 	snop  }
0x6: {  	_ = 	snop  }
0x7: {  	_ = 	snop  }
__scs_overlays_trampoline_lowered:
0x8: {  	[smem:$0x3F9E] =	sst s0  }
0x9: {  	[smem:$0x3F9F] =	sst s1  }
0xa: {  	[smem:$0x3FA0] =	sst s2  }
0xb: {  	[smem:$0x3FA1] =	sst s3  }
0xc: {  	[smem:$0x3FA2] =	sst s4  }
0xd: {  	[smem:$0x3FA3] =	sst s5  }
0xe: {  	[smem:$0x3FA4] =	sst s6  }
0xf: {  	[smem:$0x3FA5] =	sst s7  }
0x10: {  	[smem:$0x3FA6] =	sst s8  }
0x11: {  	[smem:$0x3FA7] =	sst s9;
	s0 =	simm.s32 @!p0 $0x0  }
0x12: {  	s1 =	sld [smem:$0x3F8D];
	s0 =	simm.s32 @p0 $0x1  }
0x13: {  	[smem:$0x3FA8] =	sst s0;
	s0 =	simm.s32 @!p1 $0x0  }
0x14: {  	s2 =	sld [smem:$0x3F8C];
	s0 =	simm.s32 @p1 $0x1  }
0x15: {  	[smem:$0x3FA9] =	sst s0;
	s0 =	simm.s32 @!p2 $0x0  }
0x16: {  	s3 =	sld [smem:$0x3FDB];
	s0 =	simm.s32 @p2 $0x1  }
0x17: {  	s4 =	simm.s32 $0x1BF5;
	[smem:$0x3FAB] =	sst s0  }
0x18: {  	s0 =	sld [smem:$0x3F8E];
	_ =	swait.ge [sflag:s4], $0x0  }
0x19: {  	s7 =	sld [smem:$0x3F8F]  }
0x1a: {  	s8 =	sadd.s32 $0xFFFFE003, lr  }
0x1b: {  	s9 =	sadd.s32 $0xFFFFFEF7, lr;
	s5 =	simm.s32 $0xFFFFFFFF;
	p2 =	slt.u32 s8, $0xFFFFF086  }
0x1c: {  	p1 =	slt.u32 s9, $0xF7A;
	s5 =	simm.s32 @!p2 $0x0  }
0x1d: {  	s5 =	simm.s32 @p1 $0x1;
	p0 =	seq.s32 s7, s2  }
0x1e: {  	s7 =	smul.u32 @!p0 $0xF7A, s2;
	p2 =	seq.s32 @!p0 s5, $0x0  }
0x1f: {  	s9 =	smul.u32 $0xF7A, s1;
	s8 =	simm.s32 @!p0 $0x1BF5;
	p2 =	por !p2, p0  }
0x20: {  	[sflag:s8] =	ssyncset.s32 @!p0 $0xFFFFF086;
	s6 =	sadd.s32 @!p0 s3, s7;
	s7 =	simm.s32 @!p0 $0x108  }
0x21: {  	s3 =	sadd.s32 s3, s9;
	s6 =	sadd.s32 @!p0 $0x88, s6;
	s7 =	simm.s32 @p2 $0x1082  }
0x22: {  	[simem:s7], [sflag:s8] =	dma.local @!p0 [hbm:s6], $0xF7A  }
0x23: {  	s9 =	sor.u32 $0xD0000000, s2;
	s6 =	simm.s32 $0x108;
	_ =	swait.ge @!p0 [sflag:s8], $0x0  }
0x24: {  	s3 =	sadd.s32 $0x88, s3;
	s6 =	simm.s32 @!p1 $0x1082;
	[sflag:s4] =	ssyncset.s32 $0xFFFFF086  }
0x25: {  	[simem:s6], [sflag:s4] =	dma.local [hbm:s3], $0xF7A  }
0x26: {  	[smem:$0x3F8F] =	sst s1;
	(tag) =	ssettag s2;
	_ =	strace s9  }
0x27: {  	s1 =	sld [smem:$0x3F9F]  }
0x28: {  	s2 =	sld [smem:$0x3FA0]  }
0x29: {  	s4 =	sld [smem:$0x3FA2]  }
0x2a: {  	p0 =	seq.s32 s5, $0x0;
	s5 =	sld [smem:$0x3FA3]  }
0x2b: {  	s6 =	sld [smem:$0x3FA4]  }
0x2c: {  	s7 =	sld [smem:$0x3FA5]  }
0x2d: {  	s3 =	simm.s32 $0x108;
	s8 =	sld [smem:$0x3FA6]  }
0x2e: {  	s3 =	simm.s32 @!p0 $0x1082;
	s9 =	sld [smem:$0x3FA7]  }
0x2f: {  	lr =	sadd.s32 s0, s3;
	s0 =	sld [smem:$0x3F9E]  }
0x30: {  	s3 =	sld [smem:$0x3FA1]  }
0x31: {  	[smem:$0x3FAA] =	sst s10  }
0x32: {  	s10 =	sld [smem:$0x3FA8];
	_ =	sdelay $0x3  }
0x33: {  	p0 =	seq.s32 s10, $0x1;
	s10 =	sld [smem:$0x3FAA];
	_ =	sdelay $0x3  }
0x34: {  	[smem:$0x3FAA] =	sst s10  }
0x35: {  	s10 =	sld [smem:$0x3FA9];
	_ =	sdelay $0x3  }
0x36: {  	p1 =	seq.s32 s10, $0x1;
	s10 =	sld [smem:$0x3FAA];
	_ =	sdelay $0x3  }
0x37: {  	[smem:$0x3FAA] =	sst s10  }
0x38: {  	s10 =	sld [smem:$0x3FAB]  }
0x39: {  	_ = 	snop;
	(pc) =	sbr.ind lr, $3  }
0x3a: {  	_ = 	snop  }
0x3b: {  	_ = 	snop  }
0x3c: {  	p2 =	seq.s32 s10, $0x1;
	s10 =	sld [smem:$0x3FAA]  }
0x3d: {  	_ =	shalt  }
0x3e: {  	_ =	shalt  }
0x3f: {  	_ =	shalt  }
0x40: {  	_ =	shalt  }
0x41: {  	_ =	shalt  }
0x42: {  	_ =	shalt  }
0x43: {  	_ =	shalt  }
0x44: {  	_ =	shalt  }
0x45: {  	_ =	shalt  }
0x46: {  	_ =	shalt  }
0x47: {  	_ =	shalt  }
0x48: {  	_ =	shalt  }
0x49: {  	_ =	shalt  }
0x4a: {  	_ =	shalt  }
0x4b: {  	_ =	shalt  }
0x4c: {  	_ =	shalt  }
0x4d: {  	_ =	shalt  }
0x4e: {  	_ =	shalt  }
0x4f: {  	_ =	shalt  }
0x50: {  	_ =	shalt  }
0x51: {  	_ =	shalt  }
0x52: {  	_ =	shalt  }
0x53: {  	_ =	shalt  }
0x54: {  	_ =	shalt  }
0x55: {  	_ =	shalt  }
0x56: {  	_ =	shalt  }
0x57: {  	_ =	shalt  }
0x58: {  	_ =	shalt  }
0x59: {  	_ =	shalt  }
0x5a: {  	_ =	shalt  }
0x5b: {  	_ =	shalt  }
0x5c: {  	_ =	shalt  }
0x5d: {  	_ =	shalt  }
0x5e: {  	_ =	shalt  }
0x5f: {  	_ =	shalt  }
0x60: {  	_ =	shalt  }
0x61: {  	_ =	shalt  }
0x62: {  	_ =	shalt  }
0x63: {  	_ =	shalt  }
0x64: {  	_ =	shalt  }
0x65: {  	_ =	shalt  }
0x66: {  	_ =	shalt  }
0x67: {  	_ =	shalt  }
0x68: {  	_ =	shalt  }
0x69: {  	_ =	shalt  }
0x6a: {  	_ =	shalt  }
0x6b: {  	_ =	shalt  }
0x6c: {  	_ =	shalt  }
0x6d: {  	_ =	shalt  }
0x6e: {  	_ =	shalt  }
0x6f: {  	_ =	shalt  }
0x70: {  	_ =	shalt  }
0x71: {  	_ =	shalt  }
0x72: {  	_ =	shalt  }
0x73: {  	_ =	shalt  }
0x74: {  	_ =	shalt  }
0x75: {  	_ =	shalt  }
0x76: {  	_ =	shalt  }
0x77: {  	_ =	shalt  }
0x78: {  	_ =	shalt  }
0x79: {  	_ =	shalt  }
0x7a: {  	_ =	shalt  }
0x7b: {  	_ =	shalt  }
0x7c: {  	_ =	shalt  }
0x7d: {  	_ =	shalt  }
0x7e: {  	_ =	shalt  }
0x7f: {  	_ =	shalt  }
0x80: {  	_ =	shalt  }
0x81: {  	_ =	shalt  }
0x82: {  	_ =	shalt  }
0x83: {  	_ =	shalt  }
0x84: {  	_ =	shalt  }
0x85: {  	_ =	shalt  }
0x86: {  	_ =	shalt  }
0x87: {  	_ =	shalt  }
.Lfunc_end0:
.L_simem_size_0:
called_computation_lowered:
.L_overlay_start_0:
0x88: {  	s2 =	sld [smem:$0x3FD9]  }
0x89: {  	s3 =	sld [smem:$0x3FFE];
	_ =	sdelay $0x1  }
0x8a: {  	s1 =	srdreg.scid  }
0x8b: {  	s0 =	sand.u32 $0x1, s1  }
0x8c: {  	s17 =	sshll.u32 s0, $0xA;
	s2 =	sadd.s32 s3, s2  }
0x8d: {  	s2 =	sadd.s32 s2, s17  }
0x8e: {  	[smem:$0x3FB6] =	sst s2  }
0x8f: {  	_ = 	snop  }
0x90: {  	(tm) =	ssettm $0x1  }
0x91: {  	s18 =	sld [smem:$0x3FFB];
	_ =	sdelay $0x3  }
0x92: {  	_ =	strace s18  }
0x93: {  	s2 =	sld [smem:$0x3FFC];
	_ =	sdelay $0x3  }
0x94: {  	_ =	strace s2  }
0x95: {  	s2 =	sld [smem:$0x3FFD];
	_ =	sdelay $0x3  }
0x96: {  	_ =	strace s2  }
0x97: {  	_ =	strace $0x8FFFFFFF  }
0x98: {  	s19 =	sld [smem:$0x3FDB];
	_ =	sdelay $0x1  }
0x99: {  	s20 =	simm.s32 $_scs_section_size  }
0x9a: {  	s4 =	simm.s32 $_size__tile_overlayer_lowered;
	s5 =	simm.s32 $_tile_overlayer_lowered  }
0x9b: {  	s6 =	simm.s32 $0x1BFF;
	s21 =	sshll.u32 s5, $0x1;
	s3 =	sadd.s32 s20, s19  }
0x9c: {  	s22 =	simm.s32 $0x0;
	s4 =	sshll.u32 s4, $0x1;
	s5 =	sadd.s32 s21, s3  }
0x9d: {  	[timem:s22], [sflag:s6] =	dma.local [hbm:s5], s4  }
0x9e: {  	_ =	swait.ge [sflag:s6], s4  }
0x9f: {  	s4 =	ssub.s32 $0x0, s4;
	[sflag:s6] =	ssyncset.done $0x0  }
0xa0: {  	[sflag:s6] =	ssyncadd.s32 s4;
	_ =	sdelay $0x1  }
0xa1: {  	s23 =	simm.s32 $0x1B8B  }
0xa2: {  	_ =	swait.ge [sflag:s23], $0x1  }
0xa3: {  	[sflag:s23] =	ssyncset.done $0x0  }
0xa4: {  	[sflag:s23] =	ssyncadd.s32 $0xFFFFFFFF  }
0xa5: {  	s4 =	sld [smem:$0x0]  }
0xa6: {  	s5 =	sand.u32 $0xFFFFFFFE, s1  }
0xa7: {  	p0 =	sne.s32 s1, s5  }
0xa8: {  	s5 =	sshll.u32 @p0 s5, $0xE  }
0xa9: {  	s5 =	sadd.s32 @p0 $0x11B8D, s5;
	s6 =	sshll.u32 @p0 s4, $0x11  }
0xaa: {  	s5 =	sor.u32 @p0 s6, s5  }
0xab: {  	[sflag:s5] =	ssyncadd.remote.s32 @p0 $0x1;
	_ =	sdelay $0x1  }
0xac: {  	s5 =	simm.s32 @p0 $0x1B8D  }
0xad: {  	_ =	swait.eq @p0 [sflag:s5], $0x1  }
0xae: {  	[sflag:s5] =	ssyncadd.s32 @p0 $0xFFFFFFFF  }
0xaf: {  	s6 =	sshll.u32 @!p0 s1, $0xE  }
0xb0: {  	s6 =	sor.u32 @!p0 $0x4000, s6;
	s5 =	simm.s32 @!p0 $0x1B8D  }
0xb1: {  	s4 =	sshll.u32 @!p0 s4, $0x11;
	s6 =	sadd.s32 @!p0 $0x11B8D, s6;
	_ =	swait.eq @!p0 [sflag:s5], $0x1  }
0xb2: {  	s4 =	sor.u32 @!p0 s4, s6;
	[sflag:s5] =	ssyncadd.s32 @!p0 $0xFFFFFFFF  }
0xb3: {  	s25 =	simm.s32 $0x1B8E;
	s24 =	sld [smem:$0x3FFE];
	[sflag:s4] =	ssyncadd.remote.s32 @!p0 $0x1  }
0xb4: {  	s26 =	simm.s32 $execute0_lowered;
	[smem:$0x3FD2] =	sst s25  }
0xb5: {  	s5 =	sshll.u32 s26, $0x1;
	_ =	strace $0x80000049;
	[dreg:$0x1] =	wrdreg $0xFFFFFFFF  }
0xb6: {  	s28 =	simm.s32 $_size_execute0_lowered;
	s3 =	sadd.s32 s3, s5;
	[dreg:$0x0] =	wrdreg $0x0  }
0xb7: {  	s5 =	sshll.u32 s28, $0x1;
	[dreg:$0x2] =	wrdreg s3  }
0xb8: {  	[dreg:$0x3] =	wrdreg s5  }
0xb9: {  	[dreg:$0x4] =	wrdreg $0xC0  }
0xba: {  	_ =	task [dreg:s22], $0x5FFFF  }
0xbb: {  	[dreg:$0x1] =	wrdreg $0xFFFFFFFF  }
0xbc: {  	[dreg:$0x0] =	wrdreg $0x60  }
0xbd: {  	[dreg:$0x2] =	wrdreg s24  }
0xbe: {  	[dreg:$0x3] =	wrdreg $0x5D800  }
0xbf: {  	[dreg:$0x4] =	wrdreg $0xA  }
0xc0: {  	_ =	task.clear_ibuf [dreg:s22], $0x5FFFF;
	_ =	strace $0x90000049  }
0xc1: {  	s29 =	simm.s32 $0xA;
	_ =	strace $0x8000004B  }
0xc2: {  	_ =	swait.ge [sflag:s29], $0x1  }
0xc3: {  	[sflag:s29] =	ssyncadd.s32 $0xFFFFFFFF  }
0xc4: {  	_ =	strace $0x9000004B  }
0xc5: {  	_ =	sfence  }
0xc6: {  	s30 =	sld [smem:$0x0];
	_ =	sdelay $0x2  }
0xc7: {  	s31 =	sshll.u32 s1, $0xD;
	s1 =	sshrl.u32 s1, $0x2  }
0xc8: {  	s4 =	sand.u32 $0x4000, s31;
	s1 =	sadd.s32 s1, s30  }
0xc9: {  	s0 =	sor.u32 s4, s0;
	s1 =	sshll.u32 s1, $0x11  }
0xca: {  	s0 =	sor.u32 s1, s0  }
0xcb: {  	s0 =	sadd.s32 $0x8F2B, s0  }
0xcc: {  	[sflag:s0] =	ssyncadd.remote.s32 $0x1  }
0xcd: {  	_ =	sfence.sel $0xFFFF  }
0xce: {  	[dreg:$0x0] =	wrdreg $0xFFFFFFFF;
	(pc) =	sbr.abs _section_cstart, $3  }
0xcf: {  	[dreg:$0x1] =	wrdreg $0xFFFFFFFF  }
0xd0: {  	_ =	task.clear_ibuf [dreg:s22], $0x2FFFF;
	_ =	strace $0x9FFFFFFF  }
0xd1: {  	(tm) =	ssettm $0x7FFFFFFF  }
tec
execute0_lowered:
.L_overlay_start_1:
0x0: {  	(tag) =	ssettag $0x1  }
0x1: {  	s0 =	srdreg.scid;
	s1 =	rddreg [dreg:$0x0]  }
0x2: {  	s2 =	rddreg [dreg:$0x1];
	s10 =	stileid.u32;
	s3 =	simm.s32 $0x0  }
0x3: {  	s16 =	simm.s32 $0x7;
	s17 =	simm.s32 $0x3D80;
	s18 =	simm.s32 $0x4580  }
0x4: {  	s19 =	simm.s32 $0x4D80;
	s20 =	simm.s32 $0x1;
	s0 =	sand.u32 $0x1, s0  }
0x5: {  	s21 =	simm.s32 $0x80;
	[smem:$0x7FF] =	sst s3;
	s4 =	sshll.u32 s0, $0x4  }
0x6: {  	s8 =	sshll.u32 s0, $0xF;
	s23 =	ssub.s32 $0x2, s0;
	s0 =	smul.u32 $0x3D8000, s0  }
0x7: {  	s7 =	sshll.u32 s10, $0xB;
	s5 =	sor.u32 s10, s4;
	s10 =	smul.u32 $0x3D800, s10  }
0x8: {  	s31 =	simm.s32 $0x0;
	_ =	strace $0x8000004A;
	s4 =	smul.u32 $0x7B0, s5  }
0x9: {  	s8 =	sor.u32 s7, s8;
	s24 =	sshrl.u32 s23, $0x1;
	s9 =	smul.u32 $0x3D800, s5  }
0xa: {  	s22 =	sshrl.u32 s8, $0x3;
	s11 =	ssub.s32 s23, s24;
	s5 =	sadd.s32 s7, s2  }
0xb: {  	s23 =	simm.s32 $0x2;
	s24 =	simm.s32 $0x5;
	s0 =	sadd.s32 s10, s0  }
0xc: {  	s11 =	smax.u32 s11, $0x1;
	s6 =	sadd.s32 s4, s1;
	s4 =	sadd.s32 $0x886E00, s1  }
0xd: {  	s1 =	sadd.s32 s22, s1;
	s25 =	sshrl.u32 s9, $0x3;
	s12 =	sadd.s32 $0x2800, s0  }
0xe: {  	s28 =	sadd.s32 $0x2000, s0;
	s14 =	sadd.s32 $0x1800, s0;
	s22 =	simm.s32 $0x4  }
0xf: {  	s6 =	sadd.s32 $0xC7800, s6;
	s7 =	sadd.s32 s4, s25;
	s10 =	sadd.s32 $0xD6E00, s1  }
0x10: {  	s26 =	sshrl.u32 s12, $0x3;
	s30 =	sshrl.u32 s28, $0x3;
	s25 =	simm.s32 $0x3  }
0x11: {  	[dreg:$0x3] =	wrdreg s6;
	s8 =	sadd.s32 $0x100, s7;
	s9 =	sadd.s32 $0x200, s7  }
0x12: {  	v0 =	vimm.f32 $0.0e+00;
	s29 =	sadd.s32 s26, s4;
	s13 =	sadd.s32 s30, s4;
	s26 =	simm.s32 $0x6  }
.LBB2_1:
0x13: {  	s0 =	simm.s32 $0x40;
	s1 =	simm.s32 $0x0  }
.LBB2_2:
0x14: {  	p0 =	sne.s32 s0, $0x1FC0;
	[tilespmem:s1+$0x5580] =	vst v0;
	s1 =	smov.u32 s0;
	s0 =	sadd.s32 $0x40, s0  }
.Ltmp0:
0x15: {  	(pc) =	sbr.rel @p0 .LBB2_2-.Ltmp0, $2  }
0x16: {  	_ =	sdelay $0x2  }
0x17: {  	s1 =	sshra.s32 s1, $0x2  }
0x18: {  	[tilespmem:s1+$0x5580] =	vst v0;
	s0 =	simm.s32 $0x5580  }
0x19: {  	[spmem:s5] =	stream.linear.scatter [tilespmem:s0], [sflag:$0x7], $0x800, $0x38;
	[tilespmem:$0x6580] =	vst v63  }
0x1a: {  	_ =	swait.ge [sflag:s16], $0x800  }
0x1b: {  	[sflag:s16] =	ssyncset.done $0x0  }
0x1c: {  	[sflag:s16] =	ssyncadd.s32 $0xFFFFF800  }
0x1d: {  	[bflag:$0x0] =	sbarrier.arrive $0xFFFF  }
0x1e: {  	s15 =	simm.s32 $0x0;
	s30 =	rddreg [dreg:$0x3]  }
0x1f: {  	[tilespmem:s15], [sflag:$0x7] =	stream.linear.gather [hbm4b:s30+s15], $0x3D80, $0x38;
	[tilespmem:$0x6580] =	vst v63  }
0x20: {  	_ =	swait.ge [sflag:s16], $0x3D80  }
0x21: {  	[sflag:s16] =	ssyncset.done $0x0  }
0x22: {  	[sflag:s16] =	ssyncadd.s32 $0xFFFFC280  }
0x23: {  	[tilespmem:s17], [sflag:$0x1] =	stream.linear.gather [hbm4b:s7+s15], $0x800, $0x38;
	[tilespmem:$0x6580] =	vst v63  }
0x24: {  	_ = 	snop  }
0x25: {  	[tilespmem:s18], [sflag:$0x2] =	stream.linear.gather [hbm4b:s8+s15], $0x800, $0x38;
	[tilespmem:$0x6580] =	vst v63  }
0x26: {  	_ = 	snop  }
0x27: {  	[tilespmem:s19], [sflag:$0x3] =	stream.linear.gather [hbm4b:s9+s15], $0x800, $0x38;
	[tilespmem:$0x6580] =	vst v63  }
0x28: {  	_ =	swait.ge [sflag:s20], $0x800  }
0x29: {  	[sflag:s20] =	ssyncset.done $0x0  }
0x2a: {  	s6 =	simm.s32 $0x0;
	[sflag:s20] =	ssyncadd.s32 $0xFFFFF800  }
0x2b: {  	[spmem:s2] =	stream.indirect.scatter.add.f32 [tilespmem:s17], [sflag:$0x4], $0x10, s6, s21, $0xb8;
	[tilespmem:$0x6580] =	vst v63  }
0x2c: {  	_ =	swait.ge [sflag:s22], $0x800  }
0x2d: {  	s12 =	sshrl.u32 s14, $0x3;
	[sflag:s22] =	ssyncset.done $0x0  }
0x2e: {  	s0 =	sadd.s32 s4, s12;
	[sflag:s22] =	ssyncadd.s32 $0xFFFFF800  }
0x2f: {  	[tilespmem:s17], [sflag:$0x1] =	stream.linear.gather [hbm4b:s0+s3], $0x800, $0x38;
	[tilespmem:$0x6580] =	vst v63  }
0x30: {  	_ =	swait.ge [sflag:s23], $0x800  }
0x31: {  	[sflag:s23] =	ssyncset.done $0x0  }
0x32: {  	s15 =	simm.s32 $0x80;
	[sflag:s23] =	ssyncadd.s32 $0xFFFFF800  }
0x33: {  	[spmem:s2] =	stream.indirect.scatter.add.f32 [tilespmem:s18], [sflag:$0x5], $0x10, s15, s21, $0xb8;
	[tilespmem:$0x6580] =	vst v63  }
0x34: {  	_ =	swait.ge [sflag:s24], $0x800  }
0x35: {  	[sflag:s24] =	ssyncset.done $0x0  }
0x36: {  	[sflag:s24] =	ssyncadd.s32 $0xFFFFF800  }
0x37: {  	[tilespmem:s18], [sflag:$0x2] =	stream.linear.gather [hbm4b:s13+s3], $0x800, $0x38;
	[tilespmem:$0x6580] =	vst v63  }
0x38: {  	_ =	swait.ge [sflag:s25], $0x800  }
0x39: {  	[sflag:s25] =	ssyncset.done $0x0  }
0x3a: {  	s30 =	simm.s32 $0x100;
	[sflag:s25] =	ssyncadd.s32 $0xFFFFF800  }
0x3b: {  	[spmem:s2] =	stream.indirect.scatter.add.f32 [tilespmem:s19], [sflag:$0x6], $0x10, s30, s21, $0xb8;
	[tilespmem:$0x6580] =	vst v63  }
0x3c: {  	s1 =	sadd.s32 $0x1800, s14;
	_ =	swait.ge [sflag:s26], $0x800  }
0x3d: {  	s28 =	sadd.s32 $0x300, s13;
	s12 =	smov.u32 s29;
	[sflag:s26] =	ssyncset.done $0x0  }
0x3e: {  	s0 =	simm.s32 $0x600;
	s15 =	sadd.s32 $0x300, s29;
	[sflag:s26] =	ssyncadd.s32 $0xFFFFF800  }
.LBB2_4:
0x3f: {  	[tilespmem:s19], [sflag:$0x3] =	stream.linear.gather [hbm4b:s12+s3], $0x800, $0x38;
	[tilespmem:$0x6580] =	vst v63  }
0x40: {  	s30 =	smov.u32 s0;
	s12 =	smov.u32 s15  }
0x41: {  	p0 =	sne.s32 s0, $0xEA00;
	s0 =	sadd.s32 $0x600, s0;
	_ =	swait.ge [sflag:s20], $0x800  }
0x42: {  	[sflag:s20] =	ssyncset.done $0x0  }
0x43: {  	s30 =	sshra.s32 s30, $0x2;
	[sflag:s20] =	ssyncadd.s32 $0xFFFFF800  }
0x44: {  	[spmem:s2] =	stream.indirect.scatter.add.f32 [tilespmem:s17], [sflag:$0x4], $0x10, s30, s21, $0xb8;
	[tilespmem:$0x6580] =	vst v63  }
0x45: {  	_ =	swait.ge [sflag:s22], $0x800  }
0x46: {  	s6 =	sshrl.u32 s1, $0x3;
	[sflag:s22] =	ssyncset.done $0x0  }
0x47: {  	s6 =	sadd.s32 s4, s6;
	[sflag:s22] =	ssyncadd.s32 $0xFFFFF800  }
0x48: {  	[tilespmem:s17], [sflag:$0x1] =	stream.linear.gather [hbm4b:s6+s3], $0x800, $0x38;
	[tilespmem:$0x6580] =	vst v63  }
0x49: {  	_ =	swait.ge [sflag:s23], $0x800  }
0x4a: {  	[sflag:s23] =	ssyncset.done $0x0  }
0x4b: {  	s6 =	sadd.s32 $0x80, s30;
	[sflag:s23] =	ssyncadd.s32 $0xFFFFF800  }
0x4c: {  	[spmem:s2] =	stream.indirect.scatter.add.f32 [tilespmem:s18], [sflag:$0x5], $0x10, s6, s21, $0xb8;
	[tilespmem:$0x6580] =	vst v63  }
0x4d: {  	_ =	swait.ge [sflag:s24], $0x800  }
0x4e: {  	[sflag:s24] =	ssyncset.done $0x0  }
0x4f: {  	[sflag:s24] =	ssyncadd.s32 $0xFFFFF800  }
0x50: {  	[tilespmem:s18], [sflag:$0x2] =	stream.linear.gather [hbm4b:s28+s3], $0x800, $0x38;
	[tilespmem:$0x6580] =	vst v63  }
0x51: {  	_ =	swait.ge [sflag:s25], $0x800  }
0x52: {  	[sflag:s25] =	ssyncset.done $0x0  }
.Ltmp1:
0x53: {  	s6 =	sadd.s32 $0x100, s30;
	[sflag:s25] =	ssyncadd.s32 $0xFFFFF800;
	(pc) =	sbr.rel @p0 .LBB2_4-.Ltmp1, $4  }
0x54: {  	[spmem:s2] =	stream.indirect.scatter.add.f32 [tilespmem:s19], [sflag:$0x6], $0x10, s6, s21, $0xb8;
	[tilespmem:$0x6580] =	vst v63  }
0x55: {  	_ =	swait.ge [sflag:s26], $0x800  }
0x56: {  	s1 =	sadd.s32 $0x1800, s1;
	[sflag:s26] =	ssyncset.done $0x0  }
0x57: {  	s15 =	sadd.s32 $0x300, s15;
	s28 =	sadd.s32 $0x300, s28;
	[sflag:s26] =	ssyncadd.s32 $0xFFFFF800  }
0x58: {  	[tilespmem:s19], [sflag:$0x3] =	stream.linear.gather [hbm4b:s12+s3], $0x800, $0x38;
	[tilespmem:$0x6580] =	vst v63  }
0x59: {  	_ =	swait.ge [sflag:s20], $0x800  }
0x5a: {  	[sflag:s20] =	ssyncset.done $0x0  }
0x5b: {  	s0 =	simm.s32 $0x3C00;
	[sflag:s20] =	ssyncadd.s32 $0xFFFFF800  }
0x5c: {  	[spmem:s2] =	stream.indirect.scatter.add.f32 [tilespmem:s17], [sflag:$0x4], $0x10, s0, s21, $0xb8;
	[tilespmem:$0x6580] =	vst v63  }
0x5d: {  	_ =	swait.ge [sflag:s22], $0x800  }
0x5e: {  	[sflag:s22] =	ssyncset.done $0x0  }
0x5f: {  	[sflag:s22] =	ssyncadd.s32 $0xFFFFF800  }
0x60: {  	_ =	swait.ge [sflag:s23], $0x800  }
0x61: {  	[sflag:s23] =	ssyncset.done $0x0  }
0x62: {  	s15 =	simm.s32 $0x3C80;
	[sflag:s23] =	ssyncadd.s32 $0xFFFFF800  }
0x63: {  	[spmem:s2] =	stream.indirect.scatter.add.f32 [tilespmem:s18], [sflag:$0x5], $0x10, s15, s21, $0xb8;
	[tilespmem:$0x6580] =	vst v63  }
0x64: {  	_ =	swait.ge [sflag:s24], $0x800  }
0x65: {  	[sflag:s24] =	ssyncset.done $0x0  }
0x66: {  	[sflag:s24] =	ssyncadd.s32 $0xFFFFF800  }
0x67: {  	_ =	swait.ge [sflag:s25], $0x800  }
0x68: {  	[sflag:s25] =	ssyncset.done $0x0  }
0x69: {  	s28 =	simm.s32 $0x3D00;
	[sflag:s25] =	ssyncadd.s32 $0xFFFFF800  }
0x6a: {  	[spmem:s2] =	stream.indirect.scatter.add.f32 [tilespmem:s19], [sflag:$0x6], $0x10, s28, s21, $0xb8;
	[tilespmem:$0x6580] =	vst v63  }
0x6b: {  	s30 =	stileid.u32;
	_ =	swait.ge [sflag:s26], $0x800  }
0x6c: {  	s1 =	sshrl.u32 s5, $0x3;
	s31 =	sadd.s32 $0x1, s31;
	[sflag:s26] =	ssyncset.done $0x0  }
0x6d: {  	p0 =	sne.s32 s31, s11;
	s0 =	sshll.u32 s30, $0x6;
	[sflag:s26] =	ssyncadd.s32 $0xFFFFF800  }
.Ltmp2:
0x6e: {  	s0 =	sor.u32 $0x1C07, s0;
	[bflag:$0x0] =	sbarrier.arrive $0xFFFF;
	(pc) =	sbr.rel @p0 .LBB2_1-.Ltmp2, $4  }
0x6f: {  	[hbm:s10], [sflag:s0] =	dma.local [spmem:s1], $0x100  }
0x70: {  	_ =	swait.ge [sflag:s16], $0x100  }
0x71: {  	[sflag:s16] =	ssyncset.done $0x0  }
0x72: {  	[sflag:s16] =	ssyncadd.s32 $0xFFFFFF00  }
0x73: {  	_ =	sfence.sel $0x180000  }
0x74: {  	[bflag:$0x0] =	sbarrier.arrive $0xFFFF  }
0x75: {  	_ =	strace $0x9000004A  }
0x76: {  	s0 =	stileid.u32;
	[bflag:$0x2] =	sbarrier.arrive $0xFFFF  }
0x77: {  	p0 =	sne.s32 s0, $0x0;
	s0 =	rddreg [dreg:$0x2]  }
0x78: {  	s0 =	sadd.s32 @!p0 $0x100000, s0  }
0x79: {  	[sflag:s0] =	ssyncadd.tile.s32 @!p0 $0x1;
	_ =	shalt  }
.Lfunc_end2:
_tile_overlayer_lowered:
.L_overlay_start_2:
0x7a: {  	(tag) =	ssettag $0x2  }
0x7b: {  	s0 =	rddreg [dreg:$0x0];
	s2 =	stileid.u32  }
0x7c: {  	s1 =	rddreg [dreg:$0x1];
	p0 =	sne.s32 s2, $0x0  }
0x7d: {  	s3 =	rddreg [dreg:$0x2];
	[bflag:$0x3] =	sbarrier.arrive $0xFFFF;
	s2 =	simm.s32 @!p0 $0x1C07  }
0x7e: {  	[timem:s3], [sflag:s2] =	dma.local @!p0 [hbm:s0], s1  }
0x7f: {  	s0 =	simm.s32 @!p0 $0x7  }
0x80: {  	_ =	swait.ge @!p0 [sflag:s0], s1  }
0x81: {  	s1 =	ssub.s32 @!p0 $0x0, s1;
	[sflag:s0] =	ssyncset.done @!p0 $0x0  }
0x82: {  	[sflag:s0] =	ssyncadd.s32 @!p0 s1  }
0x83: {  	[bflag:$0x3] =	sbarrier.arrive $0xFFFF  }
0x84: {  	_ =	shalt  }

// kernel: kernel.14.cloned.1.call-start
scs
__scs_entry_jumppad:
0x0: {  	(pc) =	sbr.rel $0x88, $3  }
0x1: {  	(tag) =	ssettag $0x0;
	lr =	simm.s32 $0x1  }
0x2: {  	[smem:$0x3F8F] =	sst lr;
	_ =	strace $0xD0000000  }
0x3: {  	_ = 	snop  }
0x4: {  	_ = 	snop  }
0x5: {  	_ = 	snop  }
0x6: {  	_ = 	snop  }
0x7: {  	_ = 	snop  }
__scs_overlays_trampoline_lowered:
0x8: {  	[smem:$0x3F9E] =	sst s0  }
0x9: {  	[smem:$0x3F9F] =	sst s1  }
0xa: {  	[smem:$0x3FA0] =	sst s2  }
0xb: {  	[smem:$0x3FA1] =	sst s3  }
0xc: {  	[smem:$0x3FA2] =	sst s4  }
0xd: {  	[smem:$0x3FA3] =	sst s5  }
0xe: {  	[smem:$0x3FA4] =	sst s6  }
0xf: {  	[smem:$0x3FA5] =	sst s7  }
0x10: {  	[smem:$0x3FA6] =	sst s8  }
0x11: {  	[smem:$0x3FA7] =	sst s9;
	s0 =	simm.s32 @!p0 $0x0  }
0x12: {  	s1 =	sld [smem:$0x3F8D];
	s0 =	simm.s32 @p0 $0x1  }
0x13: {  	[smem:$0x3FA8] =	sst s0;
	s0 =	simm.s32 @!p1 $0x0  }
0x14: {  	s2 =	sld [smem:$0x3F8C];
	s0 =	simm.s32 @p1 $0x1  }
0x15: {  	[smem:$0x3FA9] =	sst s0;
	s0 =	simm.s32 @!p2 $0x0  }
0x16: {  	s3 =	sld [smem:$0x3FDB];
	s0 =	simm.s32 @p2 $0x1  }
0x17: {  	s4 =	simm.s32 $0x1BF5;
	[smem:$0x3FAB] =	sst s0  }
0x18: {  	s0 =	sld [smem:$0x3F8E];
	_ =	swait.ge [sflag:s4], $0x0  }
0x19: {  	s7 =	sld [smem:$0x3F8F]  }
0x1a: {  	s8 =	sadd.s32 $0xFFFFE003, lr  }
0x1b: {  	s9 =	sadd.s32 $0xFFFFFEF7, lr;
	s5 =	simm.s32 $0xFFFFFFFF;
	p2 =	slt.u32 s8, $0xFFFFF086  }
0x1c: {  	p1 =	slt.u32 s9, $0xF7A;
	s5 =	simm.s32 @!p2 $0x0  }
0x1d: {  	s5 =	simm.s32 @p1 $0x1;
	p0 =	seq.s32 s7, s2  }
0x1e: {  	s7 =	smul.u32 @!p0 $0xF7A, s2;
	p2 =	seq.s32 @!p0 s5, $0x0  }
0x1f: {  	s9 =	smul.u32 $0xF7A, s1;
	s8 =	simm.s32 @!p0 $0x1BF5;
	p2 =	por !p2, p0  }
0x20: {  	[sflag:s8] =	ssyncset.s32 @!p0 $0xFFFFF086;
	s6 =	sadd.s32 @!p0 s3, s7;
	s7 =	simm.s32 @!p0 $0x108  }
0x21: {  	s3 =	sadd.s32 s3, s9;
	s6 =	sadd.s32 @!p0 $0x88, s6;
	s7 =	simm.s32 @p2 $0x1082  }
0x22: {  	[simem:s7], [sflag:s8] =	dma.local @!p0 [hbm:s6], $0xF7A  }
0x23: {  	s9 =	sor.u32 $0xD0000000, s2;
	s6 =	simm.s32 $0x108;
	_ =	swait.ge @!p0 [sflag:s8], $0x0  }
0x24: {  	s3 =	sadd.s32 $0x88, s3;
	s6 =	simm.s32 @!p1 $0x1082;
	[sflag:s4] =	ssyncset.s32 $0xFFFFF086  }
0x25: {  	[simem:s6], [sflag:s4] =	dma.local [hbm:s3], $0xF7A  }
0x26: {  	[smem:$0x3F8F] =	sst s1;
	(tag) =	ssettag s2;
	_ =	strace s9  }
0x27: {  	s1 =	sld [smem:$0x3F9F]  }
0x28: {  	s2 =	sld [smem:$0x3FA0]  }
0x29: {  	s4 =	sld [smem:$0x3FA2]  }
0x2a: {  	p0 =	seq.s32 s5, $0x0;
	s5 =	sld [smem:$0x3FA3]  }
0x2b: {  	s6 =	sld [smem:$0x3FA4]  }
0x2c: {  	s7 =	sld [smem:$0x3FA5]  }
0x2d: {  	s3 =	simm.s32 $0x108;
	s8 =	sld [smem:$0x3FA6]  }
0x2e: {  	s3 =	simm.s32 @!p0 $0x1082;
	s9 =	sld [smem:$0x3FA7]  }
0x2f: {  	lr =	sadd.s32 s0, s3;
	s0 =	sld [smem:$0x3F9E]  }
0x30: {  	s3 =	sld [smem:$0x3FA1]  }
0x31: {  	[smem:$0x3FAA] =	sst s10  }
0x32: {  	s10 =	sld [smem:$0x3FA8];
	_ =	sdelay $0x3  }
0x33: {  	p0 =	seq.s32 s10, $0x1;
	s10 =	sld [smem:$0x3FAA];
	_ =	sdelay $0x3  }
0x34: {  	[smem:$0x3FAA] =	sst s10  }
0x35: {  	s10 =	sld [smem:$0x3FA9];
	_ =	sdelay $0x3  }
0x36: {  	p1 =	seq.s32 s10, $0x1;
	s10 =	sld [smem:$0x3FAA];
	_ =	sdelay $0x3  }
0x37: {  	[smem:$0x3FAA] =	sst s10  }
0x38: {  	s10 =	sld [smem:$0x3FAB]  }
0x39: {  	_ = 	snop;
	(pc) =	sbr.ind lr, $3  }
0x3a: {  	_ = 	snop  }
0x3b: {  	_ = 	snop  }
0x3c: {  	p2 =	seq.s32 s10, $0x1;
	s10 =	sld [smem:$0x3FAA]  }
0x3d: {  	_ =	shalt  }
0x3e: {  	_ =	shalt  }
0x3f: {  	_ =	shalt  }
0x40: {  	_ =	shalt  }
0x41: {  	_ =	shalt  }
0x42: {  	_ =	shalt  }
0x43: {  	_ =	shalt  }
0x44: {  	_ =	shalt  }
0x45: {  	_ =	shalt  }
0x46: {  	_ =	shalt  }
0x47: {  	_ =	shalt  }
0x48: {  	_ =	shalt  }
0x49: {  	_ =	shalt  }
0x4a: {  	_ =	shalt  }
0x4b: {  	_ =	shalt  }
0x4c: {  	_ =	shalt  }
0x4d: {  	_ =	shalt  }
0x4e: {  	_ =	shalt  }
0x4f: {  	_ =	shalt  }
0x50: {  	_ =	shalt  }
0x51: {  	_ =	shalt  }
0x52: {  	_ =	shalt  }
0x53: {  	_ =	shalt  }
0x54: {  	_ =	shalt  }
0x55: {  	_ =	shalt  }
0x56: {  	_ =	shalt  }
0x57: {  	_ =	shalt  }
0x58: {  	_ =	shalt  }
0x59: {  	_ =	shalt  }
0x5a: {  	_ =	shalt  }
0x5b: {  	_ =	shalt  }
0x5c: {  	_ =	shalt  }
0x5d: {  	_ =	shalt  }
0x5e: {  	_ =	shalt  }
0x5f: {  	_ =	shalt  }
0x60: {  	_ =	shalt  }
0x61: {  	_ =	shalt  }
0x62: {  	_ =	shalt  }
0x63: {  	_ =	shalt  }
0x64: {  	_ =	shalt  }
0x65: {  	_ =	shalt  }
0x66: {  	_ =	shalt  }
0x67: {  	_ =	shalt  }
0x68: {  	_ =	shalt  }
0x69: {  	_ =	shalt  }
0x6a: {  	_ =	shalt  }
0x6b: {  	_ =	shalt  }
0x6c: {  	_ =	shalt  }
0x6d: {  	_ =	shalt  }
0x6e: {  	_ =	shalt  }
0x6f: {  	_ =	shalt  }
0x70: {  	_ =	shalt  }
0x71: {  	_ =	shalt  }
0x72: {  	_ =	shalt  }
0x73: {  	_ =	shalt  }
0x74: {  	_ =	shalt  }
0x75: {  	_ =	shalt  }
0x76: {  	_ =	shalt  }
0x77: {  	_ =	shalt  }
0x78: {  	_ =	shalt  }
0x79: {  	_ =	shalt  }
0x7a: {  	_ =	shalt  }
0x7b: {  	_ =	shalt  }
0x7c: {  	_ =	shalt  }
0x7d: {  	_ =	shalt  }
0x7e: {  	_ =	shalt  }
0x7f: {  	_ =	shalt  }
0x80: {  	_ =	shalt  }
0x81: {  	_ =	shalt  }
0x82: {  	_ =	shalt  }
0x83: {  	_ =	shalt  }
0x84: {  	_ =	shalt  }
0x85: {  	_ =	shalt  }
0x86: {  	_ =	shalt  }
0x87: {  	_ =	shalt  }
.Lfunc_end0:
.L_simem_size_0:
called_computation.1_lowered:
.L_overlay_start_0:
0x88: {  	s2 =	sld [smem:$0x3FD9]  }
0x89: {  	s3 =	sld [smem:$0x3FFE];
	_ =	sdelay $0x1  }
0x8a: {  	s1 =	srdreg.scid  }
0x8b: {  	s0 =	sand.u32 $0x1, s1  }
0x8c: {  	s15 =	sshll.u32 s0, $0xA;
	s2 =	sadd.s32 s3, s2  }
0x8d: {  	s2 =	sadd.s32 s2, s15  }
0x8e: {  	[smem:$0x3FB6] =	sst s2  }
0x8f: {  	_ = 	snop  }
0x90: {  	s2 =	sld [smem:$0x3FD0];
	_ =	sdelay $0x2  }
0x91: {  	s16 =	simm.s32 $0xC;
	s4 =	simm.s32 $0x10  }
0x92: {  	[smem:s4], [sflag:s16] =	dma.local [hbm:s2], $0x1  }
0x93: {  	_ =	swait.eq [sflag:s16], $0x1  }
0x94: {  	[sflag:s16] =	ssyncset.done $0x0  }
0x95: {  	[sflag:s16] =	ssyncadd.s32 $0xFFFFFFFF  }
0x96: {  	s17 =	sld [smem:$0x11];
	(tm) =	ssettm $0x1  }
0x97: {  	s18 =	sld [smem:$0x3FFB];
	_ =	sdelay $0x3  }
0x98: {  	_ =	strace s18  }
0x99: {  	s2 =	sld [smem:$0x3FFC];
	_ =	sdelay $0x3  }
0x9a: {  	_ =	strace s2  }
0x9b: {  	s2 =	sld [smem:$0x3FFD];
	_ =	sdelay $0x3  }
0x9c: {  	_ =	strace s2  }
0x9d: {  	_ =	strace $0x8FFFFFFF  }
0x9e: {  	s19 =	sld [smem:$0x3FDB];
	_ =	sdelay $0x1  }
0x9f: {  	s20 =	simm.s32 $_scs_section_size  }
0xa0: {  	s5 =	simm.s32 $_size__tile_overlayer_lowered;
	s6 =	simm.s32 $_tile_overlayer_lowered  }
0xa1: {  	s7 =	simm.s32 $0x1BFF;
	s21 =	sshll.u32 s6, $0x1;
	s4 =	sadd.s32 s20, s19  }
0xa2: {  	s22 =	simm.s32 $0x0;
	s5 =	sshll.u32 s5, $0x1;
	s6 =	sadd.s32 s21, s4  }
0xa3: {  	[timem:s22], [sflag:s7] =	dma.local [hbm:s6], s5  }
0xa4: {  	_ =	swait.ge [sflag:s7], s5  }
0xa5: {  	s5 =	ssub.s32 $0x0, s5;
	[sflag:s7] =	ssyncset.done $0x0  }
0xa6: {  	[sflag:s7] =	ssyncadd.s32 s5;
	_ =	sdelay $0x1  }
0xa7: {  	s23 =	simm.s32 $0x1B8B  }
0xa8: {  	_ =	swait.ge [sflag:s23], $0x1  }
0xa9: {  	[sflag:s23] =	ssyncset.done $0x0  }
0xaa: {  	[sflag:s23] =	ssyncadd.s32 $0xFFFFFFFF  }
0xab: {  	s5 =	sld [smem:$0x0]  }
0xac: {  	s6 =	sand.u32 $0xFFFFFFFE, s1  }
0xad: {  	p0 =	sne.s32 s1, s6  }
0xae: {  	s6 =	sshll.u32 @p0 s6, $0xE  }
0xaf: {  	s6 =	sadd.s32 @p0 $0x11B8D, s6;
	s7 =	sshll.u32 @p0 s5, $0x11  }
0xb0: {  	s6 =	sor.u32 @p0 s7, s6  }
0xb1: {  	[sflag:s6] =	ssyncadd.remote.s32 @p0 $0x1;
	_ =	sdelay $0x1  }
0xb2: {  	s6 =	simm.s32 @p0 $0x1B8D  }
0xb3: {  	_ =	swait.eq @p0 [sflag:s6], $0x1  }
0xb4: {  	[sflag:s6] =	ssyncadd.s32 @p0 $0xFFFFFFFF  }
0xb5: {  	s7 =	sshll.u32 @!p0 s1, $0xE  }
0xb6: {  	s7 =	sor.u32 @!p0 $0x4000, s7;
	s6 =	simm.s32 @!p0 $0x1B8D  }
0xb7: {  	s5 =	sshll.u32 @!p0 s5, $0x11;
	s7 =	sadd.s32 @!p0 $0x11B8D, s7;
	_ =	swait.eq @!p0 [sflag:s6], $0x1  }
0xb8: {  	s5 =	sor.u32 @!p0 s5, s7;
	[sflag:s6] =	ssyncadd.s32 @!p0 $0xFFFFFFFF  }
0xb9: {  	s25 =	simm.s32 $0x1B8E;
	s24 =	sld [smem:$0x3FFE];
	[sflag:s5] =	ssyncadd.remote.s32 @!p0 $0x1  }
0xba: {  	s26 =	simm.s32 $execute0_lowered;
	[smem:$0x3FD2] =	sst s25  }
0xbb: {  	s6 =	sshll.u32 s26, $0x1;
	_ =	strace $0x8000004C;
	[dreg:$0x1] =	wrdreg $0xFFFFFFFF  }
0xbc: {  	s28 =	simm.s32 $_size_execute0_lowered;
	s4 =	sadd.s32 s4, s6;
	[dreg:$0x0] =	wrdreg $0x0  }
0xbd: {  	s6 =	sshll.u32 s28, $0x1;
	[dreg:$0x2] =	wrdreg s4  }
0xbe: {  	[dreg:$0x3] =	wrdreg s6  }
0xbf: {  	[dreg:$0x4] =	wrdreg $0xC0  }
0xc0: {  	_ =	task [dreg:s22], $0x5FFFF  }
0xc1: {  	[dreg:$0x1] =	wrdreg $0xFFFFFFFF  }
0xc2: {  	[dreg:$0x0] =	wrdreg $0x60  }
0xc3: {  	[dreg:$0x2] =	wrdreg s24  }
0xc4: {  	[dreg:$0x3] =	wrdreg s17  }
0xc5: {  	[dreg:$0x4] =	wrdreg $0x5D800  }
0xc6: {  	[dreg:$0x5] =	wrdreg $0x9  }
0xc7: {  	_ =	task.clear_ibuf [dreg:s22], $0x6FFFF;
	_ =	strace $0x9000004C  }
0xc8: {  	s29 =	simm.s32 $0x9;
	_ =	strace $0x8000004E  }
0xc9: {  	_ =	swait.ge [sflag:s29], $0x1  }
0xca: {  	[sflag:s29] =	ssyncadd.s32 $0xFFFFFFFF  }
0xcb: {  	_ =	strace $0x9000004E  }
0xcc: {  	_ =	sfence  }
0xcd: {  	s30 =	sld [smem:$0x0];
	_ =	sdelay $0x2  }
0xce: {  	s31 =	sshll.u32 s1, $0xD;
	s1 =	sshrl.u32 s1, $0x2  }
0xcf: {  	s4 =	sand.u32 $0x4000, s31;
	s1 =	sadd.s32 s1, s30  }
0xd0: {  	s0 =	sor.u32 s4, s0;
	s1 =	sshll.u32 s1, $0x11  }
0xd1: {  	s0 =	sor.u32 s1, s0  }
0xd2: {  	s0 =	sadd.s32 $0x8F2B, s0  }
0xd3: {  	[sflag:s0] =	ssyncadd.remote.s32 $0x1  }
0xd4: {  	_ =	sfence.sel $0xFFFF  }
0xd5: {  	[dreg:$0x0] =	wrdreg $0xFFFFFFFF;
	(pc) =	sbr.abs _section_cstart, $3  }
0xd6: {  	[dreg:$0x1] =	wrdreg $0xFFFFFFFF  }
0xd7: {  	_ =	task.clear_ibuf [dreg:s22], $0x2FFFF;
	_ =	strace $0x9FFFFFFF  }
0xd8: {  	(tm) =	ssettm $0x7FFFFFFF  }
0xd9: {  	_ =	shalt  }
tec
execute0_lowered:
.L_overlay_start_1:
0x0: {  	(tag) =	ssettag $0x1  }
0x1: {  	s1 =	rddreg [dreg:$0x0]  }
0x2: {  	s0 =	srdreg.scid;
	s10 =	rddreg [dreg:$0x1]  }
0x3: {  	s12 =	stileid.u32;
	s2 =	rddreg [dreg:$0x2]  }
0x4: {  	s16 =	simm.s32 $0x7;
	s17 =	simm.s32 $0x3D80;
	s18 =	simm.s32 $0x4580  }
0x5: {  	s19 =	simm.s32 $0x4D80;
	s20 =	simm.s32 $0x1;
	s21 =	simm.s32 $0x80  }
0x6: {  	s22 =	simm.s32 $0x4;
	s23 =	simm.s32 $0x2;
	s24 =	simm.s32 $0x5  }
0x7: {  	s31 =	simm.s32 $0x0;
	s0 =	sand.u32 $0x1, s0;
	s9 =	sshll.u32 s12, $0xB  }
0x8: {  	s3 =	sshll.u32 s0, $0x4;
	s7 =	ssub.s32 $0x2, s0;
	s11 =	smul.u32 $0x3D8000, s0  }
0x9: {  	s0 =	sshll.u32 s0, $0xF;
	s5 =	sor.u32 s12, s3;
	s12 =	smul.u32 $0x3D800, s12  }
0xa: {  	s3 =	simm.s32 $0x0;
	s25 =	sshrl.u32 s7, $0x1;
	s4 =	smul.u32 $0x7B0, s5  }
0xb: {  	s0 =	sor.u32 s9, s0;
	[smem:$0x7FF] =	sst s3;
	s8 =	smul.u32 $0x3D800, s5  }
0xc: {  	s5 =	sadd.s32 s9, s2;
	s0 =	sshrl.u32 s0, $0x3;
	_ =	strace $0x8000004D  }
0xd: {  	s12 =	sadd.s32 s12, s11;
	s10 =	sadd.s32 s10, s0;
	s6 =	sadd.s32 s4, s1  }
0xe: {  	s4 =	sadd.s32 $0xE8400, s1;
	s1 =	ssub.s32 s7, s25;
	s26 =	sshrl.u32 s8, $0x3  }
0xf: {  	s11 =	sadd.s32 $0x2800, s12;
	s13 =	sadd.s32 $0x2000, s12;
	s14 =	sadd.s32 $0x1800, s12  }
0x10: {  	s25 =	simm.s32 $0x3;
	s6 =	sadd.s32 $0xD8E00, s6;
	s7 =	sadd.s32 s4, s26  }
0x11: {  	s28 =	sshrl.u32 s11, $0x3;
	s11 =	smax.u32 s1, $0x1;
	s30 =	sshrl.u32 s13, $0x3  }
0x12: {  	s26 =	simm.s32 $0x6;
	[dreg:$0x4] =	wrdreg s6;
	s8 =	sadd.s32 $0x100, s7  }
0x13: {  	v0 =	vimm.f32 $0.0e+00;
	s9 =	sadd.s32 $0x200, s7;
	s29 =	sadd.s32 s28, s4;
	s13 =	sadd.s32 s30, s4  }
.LBB2_1:
0x14: {  	s0 =	simm.s32 $0x40;
	s1 =	simm.s32 $0x0  }
.LBB2_2:
0x15: {  	p0 =	sne.s32 s0, $0x1FC0;
	[tilespmem:s1+$0x5580] =	vst v0;
	s1 =	smov.u32 s0;
	s0 =	sadd.s32 $0x40, s0  }
.Ltmp0:
0x16: {  	(pc) =	sbr.rel @p0 .LBB2_2-.Ltmp0, $2  }
0x17: {  	_ =	sdelay $0x2  }
0x18: {  	s1 =	sshra.s32 s1, $0x2  }
0x19: {  	[tilespmem:s1+$0x5580] =	vst v0;
	s0 =	simm.s32 $0x5580  }
0x1a: {  	[spmem:s5] =	stream.linear.scatter [tilespmem:s0], [sflag:$0x7], $0x800, $0x38;
	[tilespmem:$0x6580] =	vst v63  }
0x1b: {  	_ =	swait.ge [sflag:s16], $0x800  }
0x1c: {  	[sflag:s16] =	ssyncset.done $0x0  }
0x1d: {  	[sflag:s16] =	ssyncadd.s32 $0xFFFFF800  }
0x1e: {  	[bflag:$0x0] =	sbarrier.arrive $0xFFFF  }
0x1f: {  	s15 =	simm.s32 $0x0;
	s30 =	rddreg [dreg:$0x4]  }
0x20: {  	[tilespmem:s15], [sflag:$0x7] =	stream.linear.gather [hbm4b:s30+s15], $0x3D80, $0x38;
	[tilespmem:$0x6580] =	vst v63  }
0x21: {  	_ =	swait.ge [sflag:s16], $0x3D80  }
0x22: {  	[sflag:s16] =	ssyncset.done $0x0  }
0x23: {  	[sflag:s16] =	ssyncadd.s32 $0xFFFFC280  }
0x24: {  	[tilespmem:s17], [sflag:$0x1] =	stream.linear.gather [hbm4b:s7+s15], $0x800, $0x38;
	[tilespmem:$0x6580] =	vst v63  }
0x25: {  	_ = 	snop  }
0x26: {  	[tilespmem:s18], [sflag:$0x2] =	stream.linear.gather [hbm4b:s8+s15], $0x800, $0x38;
	[tilespmem:$0x6580] =	vst v63  }
0x27: {  	_ = 	snop  }
0x28: {  	[tilespmem:s19], [sflag:$0x3] =	stream.linear.gather [hbm4b:s9+s15], $0x800, $0x38;
	[tilespmem:$0x6580] =	vst v63  }
0x29: {  	_ =	swait.ge [sflag:s20], $0x800  }
0x2a: {  	[sflag:s20] =	ssyncset.done $0x0  }
0x2b: {  	s6 =	simm.s32 $0x0;
	[sflag:s20] =	ssyncadd.s32 $0xFFFFF800  }
0x2c: {  	[spmem:s2] =	stream.indirect.scatter.add.f32 [tilespmem:s17], [sflag:$0x4], $0x10, s6, s21, $0xb8;
	[tilespmem:$0x6580] =	vst v63  }
0x2d: {  	_ =	swait.ge [sflag:s22], $0x800  }
0x2e: {  	s12 =	sshrl.u32 s14, $0x3;
	[sflag:s22] =	ssyncset.done $0x0  }
0x2f: {  	s0 =	sadd.s32 s4, s12;
	[sflag:s22] =	ssyncadd.s32 $0xFFFFF800  }
0x30: {  	[tilespmem:s17], [sflag:$0x1] =	stream.linear.gather [hbm4b:s0+s3], $0x800, $0x38;
	[tilespmem:$0x6580] =	vst v63  }
0x31: {  	_ =	swait.ge [sflag:s23], $0x800  }
0x32: {  	[sflag:s23] =	ssyncset.done $0x0  }
0x33: {  	s15 =	simm.s32 $0x80;
	[sflag:s23] =	ssyncadd.s32 $0xFFFFF800  }
0x34: {  	[spmem:s2] =	stream.indirect.scatter.add.f32 [tilespmem:s18], [sflag:$0x5], $0x10, s15, s21, $0xb8;
	[tilespmem:$0x6580] =	vst v63  }
0x35: {  	_ =	swait.ge [sflag:s24], $0x800  }
0x36: {  	[sflag:s24] =	ssyncset.done $0x0  }
0x37: {  	[sflag:s24] =	ssyncadd.s32 $0xFFFFF800  }
0x38: {  	[tilespmem:s18], [sflag:$0x2] =	stream.linear.gather [hbm4b:s13+s3], $0x800, $0x38;
	[tilespmem:$0x6580] =	vst v63  }
0x39: {  	_ =	swait.ge [sflag:s25], $0x800  }
0x3a: {  	[sflag:s25] =	ssyncset.done $0x0  }
0x3b: {  	s30 =	simm.s32 $0x100;
	[sflag:s25] =	ssyncadd.s32 $0xFFFFF800  }
0x3c: {  	[spmem:s2] =	stream.indirect.scatter.add.f32 [tilespmem:s19], [sflag:$0x6], $0x10, s30, s21, $0xb8;
	[tilespmem:$0x6580] =	vst v63  }
0x3d: {  	s1 =	simm.s32 $0x600;
	_ =	swait.ge [sflag:s26], $0x800  }
0x3e: {  	s28 =	sadd.s32 $0x300, s13;
	s12 =	smov.u32 s29;
	[sflag:s26] =	ssyncset.done $0x0  }
0x3f: {  	s0 =	sadd.s32 $0x1800, s14;
	s15 =	sadd.s32 $0x300, s29;
	[sflag:s26] =	ssyncadd.s32 $0xFFFFF800  }
.LBB2_4:
0x40: {  	[tilespmem:s19], [sflag:$0x3] =	stream.linear.gather [hbm4b:s12+s3], $0x800, $0x38;
	[tilespmem:$0x6580] =	vst v63  }
0x41: {  	s30 =	smov.u32 s1;
	s12 =	smov.u32 s15  }
0x42: {  	p0 =	sne.s32 s1, $0xEA00;
	s1 =	sadd.s32 $0x600, s1;
	_ =	swait.ge [sflag:s20], $0x800  }
0x43: {  	[sflag:s20] =	ssyncset.done $0x0  }
0x44: {  	s30 =	sshra.s32 s30, $0x2;
	[sflag:s20] =	ssyncadd.s32 $0xFFFFF800  }
0x45: {  	[spmem:s2] =	stream.indirect.scatter.add.f32 [tilespmem:s17], [sflag:$0x4], $0x10, s30, s21, $0xb8;
	[tilespmem:$0x6580] =	vst v63  }
0x46: {  	_ =	swait.ge [sflag:s22], $0x800  }
0x47: {  	s6 =	sshrl.u32 s0, $0x3;
	[sflag:s22] =	ssyncset.done $0x0  }
0x48: {  	s6 =	sadd.s32 s4, s6;
	[sflag:s22] =	ssyncadd.s32 $0xFFFFF800  }
0x49: {  	[tilespmem:s17], [sflag:$0x1] =	stream.linear.gather [hbm4b:s6+s3], $0x800, $0x38;
	[tilespmem:$0x6580] =	vst v63  }
0x4a: {  	_ =	swait.ge [sflag:s23], $0x800  }
0x4b: {  	[sflag:s23] =	ssyncset.done $0x0  }
0x4c: {  	s6 =	sadd.s32 $0x80, s30;
	[sflag:s23] =	ssyncadd.s32 $0xFFFFF800  }
0x4d: {  	[spmem:s2] =	stream.indirect.scatter.add.f32 [tilespmem:s18], [sflag:$0x5], $0x10, s6, s21, $0xb8;
	[tilespmem:$0x6580] =	vst v63  }
0x4e: {  	_ =	swait.ge [sflag:s24], $0x800  }
0x4f: {  	[sflag:s24] =	ssyncset.done $0x0  }
0x50: {  	[sflag:s24] =	ssyncadd.s32 $0xFFFFF800  }
0x51: {  	[tilespmem:s18], [sflag:$0x2] =	stream.linear.gather [hbm4b:s28+s3], $0x800, $0x38;
	[tilespmem:$0x6580] =	vst v63  }
0x52: {  	_ =	swait.ge [sflag:s25], $0x800  }
0x53: {  	[sflag:s25] =	ssyncset.done $0x0  }
.Ltmp1:
0x54: {  	s6 =	sadd.s32 $0x100, s30;
	[sflag:s25] =	ssyncadd.s32 $0xFFFFF800;
	(pc) =	sbr.rel @p0 .LBB2_4-.Ltmp1, $4  }
0x55: {  	[spmem:s2] =	stream.indirect.scatter.add.f32 [tilespmem:s19], [sflag:$0x6], $0x10, s6, s21, $0xb8;
	[tilespmem:$0x6580] =	vst v63  }
0x56: {  	_ =	swait.ge [sflag:s26], $0x800  }
0x57: {  	s0 =	sadd.s32 $0x1800, s0;
	[sflag:s26] =	ssyncset.done $0x0  }
0x58: {  	s15 =	sadd.s32 $0x300, s15;
	s28 =	sadd.s32 $0x300, s28;
	[sflag:s26] =	ssyncadd.s32 $0xFFFFF800  }
0x59: {  	[tilespmem:s19], [sflag:$0x3] =	stream.linear.gather [hbm4b:s12+s3], $0x800, $0x38;
	[tilespmem:$0x6580] =	vst v63  }
0x5a: {  	_ =	swait.ge [sflag:s20], $0x800  }
0x5b: {  	[sflag:s20] =	ssyncset.done $0x0  }
0x5c: {  	s0 =	simm.s32 $0x3C00;
	[sflag:s20] =	ssyncadd.s32 $0xFFFFF800  }
0x5d: {  	[spmem:s2] =	stream.indirect.scatter.add.f32 [tilespmem:s17], [sflag:$0x4], $0x10, s0, s21, $0xb8;
	[tilespmem:$0x6580] =	vst v63  }
0x5e: {  	_ =	swait.ge [sflag:s22], $0x800  }
0x5f: {  	[sflag:s22] =	ssyncset.done $0x0  }
0x60: {  	[sflag:s22] =	ssyncadd.s32 $0xFFFFF800  }
0x61: {  	_ =	swait.ge [sflag:s23], $0x800  }
0x62: {  	[sflag:s23] =	ssyncset.done $0x0  }
0x63: {  	s15 =	simm.s32 $0x3C80;
	[sflag:s23] =	ssyncadd.s32 $0xFFFFF800  }
0x64: {  	[spmem:s2] =	stream.indirect.scatter.add.f32 [tilespmem:s18], [sflag:$0x5], $0x10, s15, s21, $0xb8;
	[tilespmem:$0x6580] =	vst v63  }
0x65: {  	_ =	swait.ge [sflag:s24], $0x800  }
0x66: {  	[sflag:s24] =	ssyncset.done $0x0  }
0x67: {  	[sflag:s24] =	ssyncadd.s32 $0xFFFFF800  }
0x68: {  	_ =	swait.ge [sflag:s25], $0x800  }
0x69: {  	[sflag:s25] =	ssyncset.done $0x0  }
0x6a: {  	s28 =	simm.s32 $0x3D00;
	[sflag:s25] =	ssyncadd.s32 $0xFFFFF800  }
0x6b: {  	[spmem:s2] =	stream.indirect.scatter.add.f32 [tilespmem:s19], [sflag:$0x6], $0x10, s28, s21, $0xb8;
	[tilespmem:$0x6580] =	vst v63  }
0x6c: {  	s30 =	stileid.u32;
	_ =	swait.ge [sflag:s26], $0x800  }
0x6d: {  	s1 =	sshrl.u32 s5, $0x3;
	s31 =	sadd.s32 $0x1, s31;
	[sflag:s26] =	ssyncset.done $0x0  }
0x6e: {  	p0 =	sne.s32 s31, s11;
	s0 =	sshll.u32 s30, $0x6;
	[sflag:s26] =	ssyncadd.s32 $0xFFFFF800  }
.Ltmp2:
0x6f: {  	s0 =	sor.u32 $0x1C07, s0;
	[bflag:$0x0] =	sbarrier.arrive $0xFFFF;
	(pc) =	sbr.rel @p0 .LBB2_1-.Ltmp2, $4  }
0x70: {  	[hbm:s10], [sflag:s0] =	dma.local [spmem:s1], $0x100  }
0x71: {  	_ =	swait.ge [sflag:s16], $0x100  }
0x72: {  	[sflag:s16] =	ssyncset.done $0x0  }
0x73: {  	[sflag:s16] =	ssyncadd.s32 $0xFFFFFF00  }
0x74: {  	_ =	sfence.sel $0x180000  }
0x75: {  	[bflag:$0x0] =	sbarrier.arrive $0xFFFF  }
0x76: {  	_ =	strace $0x9000004D  }
0x77: {  	s0 =	stileid.u32;
	[bflag:$0x2] =	sbarrier.arrive $0xFFFF  }
0x78: {  	p0 =	sne.s32 s0, $0x0;
	s0 =	rddreg [dreg:$0x3]  }
0x79: {  	s0 =	sadd.s32 @!p0 $0x100000, s0  }
0x7a: {  	[sflag:s0] =	ssyncadd.tile.s32 @!p0 $0x1;
	_ =	shalt  }
.Lfunc_end2:
_tile_overlayer_lowered:
.L_overlay_start_2:
0x7b: {  	(tag) =	ssettag $0x2  }
0x7c: {  	s0 =	rddreg [dreg:$0x0];
	s2 =	stileid.u32  }
0x7d: {  	s1 =	rddreg [dreg:$0x1];
	p0 =	sne.s32 s2, $0x0  }
0x7e: {  	s3 =	rddreg [dreg:$0x2];
	[bflag:$0x3] =	sbarrier.arrive $0xFFFF;
	s2 =	simm.s32 @!p0 $0x1C07  }
0x7f: {  	[timem:s3], [sflag:s2] =	dma.local @!p0 [hbm:s0], s1  }
0x80: {  	s0 =	simm.s32 @!p0 $0x7  }
0x81: {  	_ =	swait.ge @!p0 [sflag:s0], s1  }
0x82: {  	s1 =	ssub.s32 @!p0 $0x0, s1;
	[sflag:s0] =	ssyncset.done @!p0 $0x0  }
0x83: {  	[sflag:s0] =	ssyncadd.s32 @!p0 s1  }
0x84: {  	[bflag:$0x3] =	sbarrier.arrive $0xFFFF  }
0x85: {  	_ =	shalt  }

// kernel: kernel.17.cloned.1.call-start
scs
__scs_entry_jumppad:
0x0: {  	(pc) =	sbr.rel $0x88, $3  }
0x1: {  	(tag) =	ssettag $0x0;
	lr =	simm.s32 $0x1  }
0x2: {  	[smem:$0x3F8F] =	sst lr;
	_ =	strace $0xD0000000  }
0x3: {  	_ = 	snop  }
0x4: {  	_ = 	snop  }
0x5: {  	_ = 	snop  }
0x6: {  	_ = 	snop  }
0x7: {  	_ = 	snop  }
__scs_overlays_trampoline_lowered:
0x8: {  	[smem:$0x3F9E] =	sst s0  }
0x9: {  	[smem:$0x3F9F] =	sst s1  }
0xa: {  	[smem:$0x3FA0] =	sst s2  }
0xb: {  	[smem:$0x3FA1] =	sst s3  }
0xc: {  	[smem:$0x3FA2] =	sst s4  }
0xd: {  	[smem:$0x3FA3] =	sst s5  }
0xe: {  	[smem:$0x3FA4] =	sst s6  }
0xf: {  	[smem:$0x3FA5] =	sst s7  }
0x10: {  	[smem:$0x3FA6] =	sst s8  }
0x11: {  	[smem:$0x3FA7] =	sst s9;
	s0 =	simm.s32 @!p0 $0x0  }
0x12: {  	s1 =	sld [smem:$0x3F8D];
	s0 =	simm.s32 @p0 $0x1  }
0x13: {  	[smem:$0x3FA8] =	sst s0;
	s0 =	simm.s32 @!p1 $0x0  }
0x14: {  	s2 =	sld [smem:$0x3F8C];
	s0 =	simm.s32 @p1 $0x1  }
0x15: {  	[smem:$0x3FA9] =	sst s0;
	s0 =	simm.s32 @!p2 $0x0  }
0x16: {  	s3 =	sld [smem:$0x3FDB];
	s0 =	simm.s32 @p2 $0x1  }
0x17: {  	s4 =	simm.s32 $0x1BF5;
	[smem:$0x3FAB] =	sst s0  }
0x18: {  	s0 =	sld [smem:$0x3F8E];
	_ =	swait.ge [sflag:s4], $0x0  }
0x19: {  	s7 =	sld [smem:$0x3F8F]  }
0x1a: {  	s8 =	sadd.s32 $0xFFFFE003, lr  }
0x1b: {  	s9 =	sadd.s32 $0xFFFFFEF7, lr;
	s5 =	simm.s32 $0xFFFFFFFF;
	p2 =	slt.u32 s8, $0xFFFFF086  }
0x1c: {  	p1 =	slt.u32 s9, $0xF7A;
	s5 =	simm.s32 @!p2 $0x0  }
0x1d: {  	s5 =	simm.s32 @p1 $0x1;
	p0 =	seq.s32 s7, s2  }
0x1e: {  	s7 =	smul.u32 @!p0 $0xF7A, s2;
	p2 =	seq.s32 @!p0 s5, $0x0  }
0x1f: {  	s9 =	smul.u32 $0xF7A, s1;
	s8 =	simm.s32 @!p0 $0x1BF5;
	p2 =	por !p2, p0  }
0x20: {  	[sflag:s8] =	ssyncset.s32 @!p0 $0xFFFFF086;
	s6 =	sadd.s32 @!p0 s3, s7;
	s7 =	simm.s32 @!p0 $0x108  }
0x21: {  	s3 =	sadd.s32 s3, s9;
	s6 =	sadd.s32 @!p0 $0x88, s6;
	s7 =	simm.s32 @p2 $0x1082  }
0x22: {  	[simem:s7], [sflag:s8] =	dma.local @!p0 [hbm:s6], $0xF7A  }
0x23: {  	s9 =	sor.u32 $0xD0000000, s2;
	s6 =	simm.s32 $0x108;
	_ =	swait.ge @!p0 [sflag:s8], $0x0  }
0x24: {  	s3 =	sadd.s32 $0x88, s3;
	s6 =	simm.s32 @!p1 $0x1082;
	[sflag:s4] =	ssyncset.s32 $0xFFFFF086  }
0x25: {  	[simem:s6], [sflag:s4] =	dma.local [hbm:s3], $0xF7A  }
0x26: {  	[smem:$0x3F8F] =	sst s1;
	(tag) =	ssettag s2;
	_ =	strace s9  }
0x27: {  	s1 =	sld [smem:$0x3F9F]  }
0x28: {  	s2 =	sld [smem:$0x3FA0]  }
0x29: {  	s4 =	sld [smem:$0x3FA2]  }
0x2a: {  	p0 =	seq.s32 s5, $0x0;
	s5 =	sld [smem:$0x3FA3]  }
0x2b: {  	s6 =	sld [smem:$0x3FA4]  }
0x2c: {  	s7 =	sld [smem:$0x3FA5]  }
0x2d: {  	s3 =	simm.s32 $0x108;
	s8 =	sld [smem:$0x3FA6]  }
0x2e: {  	s3 =	simm.s32 @!p0 $0x1082;
	s9 =	sld [smem:$0x3FA7]  }
0x2f: {  	lr =	sadd.s32 s0, s3;
	s0 =	sld [smem:$0x3F9E]  }
0x30: {  	s3 =	sld [smem:$0x3FA1]  }
0x31: {  	[smem:$0x3FAA] =	sst s10  }
0x32: {  	s10 =	sld [smem:$0x3FA8];
	_ =	sdelay $0x3  }
0x33: {  	p0 =	seq.s32 s10, $0x1;
	s10 =	sld [smem:$0x3FAA];
	_ =	sdelay $0x3  }
0x34: {  	[smem:$0x3FAA] =	sst s10  }
0x35: {  	s10 =	sld [smem:$0x3FA9];
	_ =	sdelay $0x3  }
0x36: {  	p1 =	seq.s32 s10, $0x1;
	s10 =	sld [smem:$0x3FAA];
	_ =	sdelay $0x3  }
0x37: {  	[smem:$0x3FAA] =	sst s10  }
0x38: {  	s10 =	sld [smem:$0x3FAB]  }
0x39: {  	_ = 	snop;
	(pc) =	sbr.ind lr, $3  }
0x3a: {  	_ = 	snop  }
0x3b: {  	_ = 	snop  }
0x3c: {  	p2 =	seq.s32 s10, $0x1;
	s10 =	sld [smem:$0x3FAA]  }
0x3d: {  	_ =	shalt  }
0x3e: {  	_ =	shalt  }
0x3f: {  	_ =	shalt  }
0x40: {  	_ =	shalt  }
0x41: {  	_ =	shalt  }
0x42: {  	_ =	shalt  }
0x43: {  	_ =	shalt  }
0x44: {  	_ =	shalt  }
0x45: {  	_ =	shalt  }
0x46: {  	_ =	shalt  }
0x47: {  	_ =	shalt  }
0x48: {  	_ =	shalt  }
0x49: {  	_ =	shalt  }
0x4a: {  	_ =	shalt  }
0x4b: {  	_ =	shalt  }
0x4c: {  	_ =	shalt  }
0x4d: {  	_ =	shalt  }
0x4e: {  	_ =	shalt  }
0x4f: {  	_ =	shalt  }
0x50: {  	_ =	shalt  }
0x51: {  	_ =	shalt  }
0x52: {  	_ =	shalt  }
0x53: {  	_ =	shalt  }
0x54: {  	_ =	shalt  }
0x55: {  	_ =	shalt  }
0x56: {  	_ =	shalt  }
0x57: {  	_ =	shalt  }
0x58: {  	_ =	shalt  }
0x59: {  	_ =	shalt  }
0x5a: {  	_ =	shalt  }
0x5b: {  	_ =	shalt  }
0x5c: {  	_ =	shalt  }
0x5d: {  	_ =	shalt  }
0x5e: {  	_ =	shalt  }
0x5f: {  	_ =	shalt  }
0x60: {  	_ =	shalt  }
0x61: {  	_ =	shalt  }
0x62: {  	_ =	shalt  }
0x63: {  	_ =	shalt  }
0x64: {  	_ =	shalt  }
0x65: {  	_ =	shalt  }
0x66: {  	_ =	shalt  }
0x67: {  	_ =	shalt  }
0x68: {  	_ =	shalt  }
0x69: {  	_ =	shalt  }
0x6a: {  	_ =	shalt  }
0x6b: {  	_ =	shalt  }
0x6c: {  	_ =	shalt  }
0x6d: {  	_ =	shalt  }
0x6e: {  	_ =	shalt  }
0x6f: {  	_ =	shalt  }
0x70: {  	_ =	shalt  }
0x71: {  	_ =	shalt  }
0x72: {  	_ =	shalt  }
0x73: {  	_ =	shalt  }
0x74: {  	_ =	shalt  }
0x75: {  	_ =	shalt  }
0x76: {  	_ =	shalt  }
0x77: {  	_ =	shalt  }
0x78: {  	_ =	shalt  }
0x79: {  	_ =	shalt  }
0x7a: {  	_ =	shalt  }
0x7b: {  	_ =	shalt  }
0x7c: {  	_ =	shalt  }
0x7d: {  	_ =	shalt  }
0x7e: {  	_ =	shalt  }
0x7f: {  	_ =	shalt  }
0x80: {  	_ =	shalt  }
0x81: {  	_ =	shalt  }
0x82: {  	_ =	shalt  }
0x83: {  	_ =	shalt  }
0x84: {  	_ =	shalt  }
0x85: {  	_ =	shalt  }
0x86: {  	_ =	shalt  }
0x87: {  	_ =	shalt  }
.Lfunc_end0:
.L_simem_size_0:
called_computation.2_lowered:
.L_overlay_start_0:
0x88: {  	s2 =	sld [smem:$0x3FD9]  }
0x89: {  	s3 =	sld [smem:$0x3FFE];
	_ =	sdelay $0x1  }
0x8a: {  	s1 =	srdreg.scid  }
0x8b: {  	s0 =	sand.u32 $0x1, s1  }
0x8c: {  	s14 =	sshll.u32 s0, $0xA;
	s2 =	sadd.s32 s3, s2  }
0x8d: {  	s2 =	sadd.s32 s2, s14  }
0x8e: {  	[smem:$0x3FB6] =	sst s2  }
0x8f: {  	_ = 	snop  }
0x90: {  	s2 =	sld [smem:$0x3FD0];
	_ =	sdelay $0x2  }
0x91: {  	s15 =	simm.s32 $0xC;
	s4 =	simm.s32 $0x10  }
0x92: {  	[smem:s4], [sflag:s15] =	dma.local [hbm:s2], $0x1  }
0x93: {  	_ =	swait.eq [sflag:s15], $0x1  }
0x94: {  	[sflag:s15] =	ssyncset.done $0x0  }
0x95: {  	[sflag:s15] =	ssyncadd.s32 $0xFFFFFFFF  }
0x96: {  	s16 =	sld [smem:$0x10];
	(tm) =	ssettm $0x1  }
0x97: {  	s17 =	sld [smem:$0x3FFB];
	_ =	sdelay $0x3  }
0x98: {  	_ =	strace s17  }
0x99: {  	s3 =	sld [smem:$0x3FFC];
	_ =	sdelay $0x3  }
0x9a: {  	_ =	strace s3  }
0x9b: {  	s3 =	sld [smem:$0x3FFD];
	_ =	sdelay $0x3  }
0x9c: {  	_ =	strace s3  }
0x9d: {  	_ =	strace $0x8FFFFFFF  }
0x9e: {  	s18 =	sld [smem:$0x3FDB];
	_ =	sdelay $0x1  }
0x9f: {  	s19 =	simm.s32 $_scs_section_size  }
0xa0: {  	s5 =	simm.s32 $_size__tile_overlayer_lowered;
	s6 =	simm.s32 $_tile_overlayer_lowered  }
0xa1: {  	s22 =	simm.s32 $0x1BFF;
	s21 =	sshll.u32 s6, $0x1;
	s3 =	sadd.s32 s19, s18  }
0xa2: {  	s7 =	simm.s32 $0x0;
	s20 =	sshll.u32 s5, $0x1;
	s5 =	sadd.s32 s21, s3  }
0xa3: {  	[timem:s7], [sflag:s22] =	dma.local [hbm:s5], s20  }
0xa4: {  	_ =	swait.ge [sflag:s22], s20  }
0xa5: {  	s4 =	ssub.s32 $0x0, s20;
	[sflag:s22] =	ssyncset.done $0x0  }
0xa6: {  	[sflag:s22] =	ssyncadd.s32 s4;
	_ =	sdelay $0x1  }
0xa7: {  	s23 =	simm.s32 $0x1B8B  }
0xa8: {  	_ =	swait.ge [sflag:s23], $0x1  }
0xa9: {  	[sflag:s23] =	ssyncset.done $0x0  }
0xaa: {  	s25 =	simm.s32 $0x1B8E;
	s24 =	sld [smem:$0x3FFE];
	[sflag:s23] =	ssyncadd.s32 $0xFFFFFFFF  }
0xab: {  	s26 =	simm.s32 $execute0_lowered;
	[smem:$0x3FD2] =	sst s25  }
0xac: {  	s5 =	sshll.u32 s26, $0x1;
	_ =	strace $0x80000046;
	[dreg:$0x1] =	wrdreg $0xFFFFFFFF  }
0xad: {  	s28 =	simm.s32 $_size_execute0_lowered;
	s3 =	sadd.s32 s3, s5;
	[dreg:$0x0] =	wrdreg $0x0  }
0xae: {  	s5 =	sshll.u32 s28, $0x1;
	[dreg:$0x2] =	wrdreg s3  }
0xaf: {  	[dreg:$0x3] =	wrdreg s5  }
0xb0: {  	[dreg:$0x4] =	wrdreg $0xC0  }
0xb1: {  	_ =	task [dreg:s7], $0x5FFFF  }
0xb2: {  	[dreg:$0x1] =	wrdreg $0xFFFFFFFF  }
0xb3: {  	[dreg:$0x0] =	wrdreg $0x60  }
0xb4: {  	[dreg:$0x2] =	wrdreg s24  }
0xb5: {  	[dreg:$0x3] =	wrdreg s16  }
0xb6: {  	[dreg:$0x4] =	wrdreg $0x155000  }
0xb7: {  	[dreg:$0x5] =	wrdreg $0xB  }
0xb8: {  	_ =	task.clear_ibuf [dreg:s7], $0x6FFFF;
	_ =	strace $0x90000046  }
0xb9: {  	s29 =	simm.s32 $0xB;
	_ =	strace $0x80000048  }
0xba: {  	_ =	swait.ge [sflag:s29], $0x1  }
0xbb: {  	[sflag:s29] =	ssyncadd.s32 $0xFFFFFFFF  }
0xbc: {  	_ =	strace $0x90000048  }
0xbd: {  	_ =	sfence  }
0xbe: {  	s30 =	sld [smem:$0x0];
	_ =	sdelay $0x2  }
0xbf: {  	s31 =	sshll.u32 s1, $0xD;
	s1 =	sshrl.u32 s1, $0x2  }
0xc0: {  	s3 =	sand.u32 $0x4000, s31;
	s1 =	sadd.s32 s1, s30  }
0xc1: {  	s0 =	sor.u32 s3, s0;
	s1 =	sshll.u32 s1, $0x11  }
0xc2: {  	s0 =	sor.u32 s1, s0  }
0xc3: {  	s0 =	sadd.s32 $0x8F2B, s0  }
0xc4: {  	[sflag:s0] =	ssyncadd.remote.s32 $0x1  }
0xc5: {  	_ =	sfence.sel $0xFFFF  }
0xc6: {  	[dreg:$0x0] =	wrdreg $0xFFFFFFFF;
	(pc) =	sbr.abs _section_cstart, $3  }
0xc7: {  	[dreg:$0x1] =	wrdreg $0xFFFFFFFF  }
0xc8: {  	_ =	task.clear_ibuf [dreg:s7], $0x2FFFF;
	_ =	strace $0x9FFFFFFF  }
0xc9: {  	(tm) =	ssettm $0x7FFFFFFF  }
tec
execute0_lowered:
.L_overlay_start_1:
0x0: {  	(tag) =	ssettag $0x1  }
0x1: {  	s0 =	rddreg [dreg:$0x0]  }
0x2: {  	s1 =	rddreg [dreg:$0x1]  }
0x3: {  	s2 =	rddreg [dreg:$0x2];
	s3 =	simm.s32 $0x0  }
0x4: {  	s6 =	stileid.u32;
	s4 =	srdreg.scid;
	s21 =	simm.s32 $0x80  }
0x5: {  	s28 =	simm.s32 $0x2;
	s29 =	simm.s32 $0x5;
	s30 =	simm.s32 $0x3  }
0x6: {  	s31 =	simm.s32 $0x6;
	[smem:$0x7FF] =	sst s3;
	s5 =	smul.u32 $0xF50, s6  }
0x7: {  	s7 =	sand.u32 $0x1, s4;
	s11 =	smul.u32 $0x9C40, s6;
	_ =	strace $0x80000047  }
0x8: {  	s4 =	ssub.s32 $0x2, s7;
	s18 =	smul.u32 $0x9C400, s7;
	s10 =	sadd.s32 s5, s0  }
0x9: {  	s0 =	sadd.s32 $0xA0600, s0;
	s22 =	sshrl.u32 s4, $0x1;
	s12 =	sadd.s32 $0x2000, s11  }
0xa: {  	s14 =	sadd.s32 $0x4000, s11;
	s15 =	sadd.s32 $0x6000, s11;
	s16 =	sadd.s32 $0x8000, s11  }
0xb: {  	s17 =	ssub.s32 s4, s22;
	s4 =	sadd.s32 s11, s2;
	s5 =	sadd.s32 s12, s2  }
0xc: {  	s6 =	sadd.s32 s14, s2;
	s7 =	sadd.s32 s15, s2;
	s8 =	sadd.s32 s16, s2  }
0xd: {  	s9 =	sadd.s32 $0x91000, s10;
	s10 =	sadd.s32 $0x81A00, s10;
	s11 =	sadd.s32 s11, s18  }
0xe: {  	s12 =	sadd.s32 s18, s12;
	s13 =	sshrl.u32 s18, $0x3;
	s23 =	sadd.s32 s18, s14  }
0xf: {  	s24 =	sadd.s32 s18, s15;
	s25 =	sadd.s32 s18, s16;
	s22 =	simm.s32 $0x11500  }
0x10: {  	s19 =	sshrl.u32 s11, $0x3;
	s20 =	sshrl.u32 s12, $0x3;
	s11 =	sadd.s32 s1, s13  }
0x11: {  	s1 =	sshrl.u32 s23, $0x3;
	s26 =	sshrl.u32 s24, $0x3;
	s18 =	sshrl.u32 s25, $0x3  }
0x12: {  	s17 =	smax.u32 s17, $0x1;
	s24 =	simm.s32 $0x13500;
	s25 =	simm.s32 $0x1  }
0x13: {  	s12 =	sadd.s32 s0, s19;
	s13 =	sadd.s32 s0, s20;
	s14 =	sadd.s32 s0, s1  }
0x14: {  	s15 =	sadd.s32 s0, s26;
	s16 =	sadd.s32 s0, s18;
	s18 =	simm.s32 $0xF500  }
0x15: {  	v0 =	vimm.f32 $0.0e+00;
	s19 =	simm.s32 $0x7;
	s26 =	simm.s32 $0x4;
	s20 =	simm.s32 $0xF480  }
.LBB2_1:
0x16: {  	s0 =	simm.s32 $0x100;
	s23 =	simm.s32 $0x0  }
.LBB2_2:
0x17: {  	p0 =	sne.s32 s0, $0x7F00;
	[tilespmem:s23+$0xF530] =	vst v0;
	s1 =	smov.u32 s0;
	s0 =	sadd.s32 $0x100, s0  }
.Ltmp0:
0x18: {  	[tilespmem:s23+$0xF520] =	vst v0;
	(pc) =	sbr.rel @p0 .LBB2_2-.Ltmp0, $3  }
0x19: {  	[tilespmem:s23+$0xF500] =	vst v0  }
0x1a: {  	[tilespmem:s23+$0xF510] =	vst v0;
	_ =	sdelay $0x1  }
0x1b: {  	s23 =	sshra.s32 s1, $0x2  }
0x1c: {  	[tilespmem:s23+$0xF530] =	vst v0  }
0x1d: {  	[tilespmem:s23+$0xF520] =	vst v0  }
0x1e: {  	[tilespmem:s23+$0xF500] =	vst v0  }
0x1f: {  	[tilespmem:s23+$0xF510] =	vst v0  }
0x20: {  	[spmem:s4] =	stream.linear.scatter [tilespmem:s18], [sflag:$0x7], $0x2000, $0x38;
	[tilespmem:$0x1F140] =	vst v63  }
0x21: {  	_ =	swait.ge [sflag:s19], $0x2000  }
0x22: {  	[sflag:s19] =	ssyncset.done $0x0  }
0x23: {  	[sflag:s19] =	ssyncadd.s32 $0xFFFFE000  }
0x24: {  	[spmem:s5] =	stream.linear.scatter [tilespmem:s18], [sflag:$0x7], $0x2000, $0x38;
	[tilespmem:$0x1F140] =	vst v63  }
0x25: {  	_ =	swait.ge [sflag:s19], $0x2000  }
0x26: {  	[sflag:s19] =	ssyncset.done $0x0  }
0x27: {  	[sflag:s19] =	ssyncadd.s32 $0xFFFFE000  }
0x28: {  	[spmem:s6] =	stream.linear.scatter [tilespmem:s18], [sflag:$0x7], $0x2000, $0x38;
	[tilespmem:$0x1F140] =	vst v63  }
0x29: {  	_ =	swait.ge [sflag:s19], $0x2000  }
0x2a: {  	[sflag:s19] =	ssyncset.done $0x0  }
0x2b: {  	[sflag:s19] =	ssyncadd.s32 $0xFFFFE000  }
0x2c: {  	[spmem:s7] =	stream.linear.scatter [tilespmem:s18], [sflag:$0x7], $0x2000, $0x38;
	[tilespmem:$0x1F140] =	vst v63  }
0x2d: {  	_ =	swait.ge [sflag:s19], $0x2000  }
0x2e: {  	[sflag:s19] =	ssyncset.done $0x0  }
0x2f: {  	[sflag:s19] =	ssyncadd.s32 $0xFFFFE000  }
0x30: {  	[spmem:s8] =	stream.linear.scatter [tilespmem:s18], [sflag:$0x7], $0x1C40, $0x38;
	[tilespmem:$0x1F140] =	vst v63  }
0x31: {  	_ =	swait.ge [sflag:s19], $0x1C40  }
0x32: {  	[sflag:s19] =	ssyncset.done $0x0  }
0x33: {  	[sflag:s19] =	ssyncadd.s32 $0xFFFFE3C0  }
0x34: {  	s0 =	simm.s32 $0x0;
	[bflag:$0x0] =	sbarrier.arrive $0xFFFF  }
0x35: {  	[tilespmem:s0], [sflag:$0x7] =	stream.linear.gather [hbm4b:s9+s0], $0x7A80, $0x38;
	[tilespmem:$0x1F140] =	vst v63  }
0x36: {  	_ =	swait.ge [sflag:s19], $0x7A80  }
0x37: {  	[sflag:s19] =	ssyncset.done $0x0  }
0x38: {  	s1 =	simm.s32 $0x7A80;
	[sflag:s19] =	ssyncadd.s32 $0xFFFF8580  }
0x39: {  	[tilespmem:s1], [sflag:$0x7] =	stream.linear.gather [hbm4b:s10+s0], $0x7A80, $0x38;
	[tilespmem:$0x1F140] =	vst v63  }
0x3a: {  	_ =	swait.ge [sflag:s19], $0x7A80  }
0x3b: {  	[sflag:s19] =	ssyncset.done $0x0  }
0x3c: {  	[sflag:s19] =	ssyncadd.s32 $0xFFFF8580  }
0x3d: {  	[tilespmem:s18], [sflag:$0x1] =	stream.indirect.gather [hbm4b:s11+s21], $0x40, s0, s21, $0xb8;
	[tilespmem:$0x1F140] =	vst v63  }
0x3e: {  	_ = 	snop  }
0x3f: {  	[tilespmem:s22], [sflag:$0x2] =	stream.indirect.gather [hbm4b:s11+s21], $0x40, s21, s21, $0xb8;
	[tilespmem:$0x1F140] =	vst v63  }
0x40: {  	s1 =	simm.s32 $0x100  }
0x41: {  	[tilespmem:s24], [sflag:$0x3] =	stream.indirect.gather [hbm4b:s11+s21], $0x40, s1, s21, $0xb8;
	[tilespmem:$0x1F140] =	vst v63  }
0x42: {  	_ =	swait.ge [sflag:s25], $0x2000  }
0x43: {  	[sflag:s25] =	ssyncset.done $0x0  }
0x44: {  	s23 =	simm.s32 $0x7A80;
	[sflag:s25] =	ssyncadd.s32 $0xFFFFE000  }
0x45: {  	[spmem:s2] =	stream.indirect.scatter.add.f32 [tilespmem:s18], [sflag:$0x4], $0x40, s23, s21, $0xb8;
	[tilespmem:$0x1F140] =	vst v63  }
0x46: {  	_ =	swait.ge [sflag:s26], $0x2000  }
0x47: {  	[sflag:s26] =	ssyncset.done $0x0  }
0x48: {  	s1 =	simm.s32 $0x180;
	[sflag:s26] =	ssyncadd.s32 $0xFFFFE000  }
0x49: {  	[tilespmem:s18], [sflag:$0x1] =	stream.indirect.gather [hbm4b:s11+s21], $0x40, s1, s21, $0xb8;
	[tilespmem:$0x1F140] =	vst v63  }
0x4a: {  	_ =	swait.ge [sflag:s28], $0x2000  }
0x4b: {  	[sflag:s28] =	ssyncset.done $0x0  }
0x4c: {  	s23 =	simm.s32 $0x7B00;
	[sflag:s28] =	ssyncadd.s32 $0xFFFFE000  }
0x4d: {  	[spmem:s2] =	stream.indirect.scatter.add.f32 [tilespmem:s22], [sflag:$0x5], $0x40, s23, s21, $0xb8;
	[tilespmem:$0x1F140] =	vst v63  }
0x4e: {  	_ =	swait.ge [sflag:s29], $0x2000  }
0x4f: {  	[sflag:s29] =	ssyncset.done $0x0  }
0x50: {  	s1 =	simm.s32 $0x200;
	[sflag:s29] =	ssyncadd.s32 $0xFFFFE000  }
0x51: {  	[tilespmem:s22], [sflag:$0x2] =	stream.indirect.gather [hbm4b:s11+s21], $0x40, s1, s21, $0xb8;
	[tilespmem:$0x1F140] =	vst v63  }
0x52: {  	_ =	swait.ge [sflag:s30], $0x2000  }
0x53: {  	[sflag:s30] =	ssyncset.done $0x0  }
0x54: {  	s23 =	simm.s32 $0x7B80;
	[sflag:s30] =	ssyncadd.s32 $0xFFFFE000  }
0x55: {  	[spmem:s2] =	stream.indirect.scatter.add.f32 [tilespmem:s24], [sflag:$0x6], $0x40, s23, s21, $0xb8;
	[tilespmem:$0x1F140] =	vst v63  }
0x56: {  	_ =	swait.ge [sflag:s31], $0x2000  }
0x57: {  	[sflag:s31] =	ssyncset.done $0x0  }
0x58: {  	s0 =	simm.s32 $0x280;
	s23 =	simm.s32 $0x600;
	[sflag:s31] =	ssyncadd.s32 $0xFFFFE000  }
.LBB2_4:
0x59: {  	[tilespmem:s24], [sflag:$0x3] =	stream.indirect.gather [hbm4b:s11+s21], $0x40, s0, s21, $0xb8;
	[tilespmem:$0x1F140] =	vst v63  }
0x5a: {  	s0 =	smov.u32 s23  }
0x5b: {  	p0 =	sne.s32 s23, $0x1DA00;
	s23 =	sadd.s32 $0x600, s23;
	_ =	swait.ge [sflag:s25], $0x2000  }
0x5c: {  	s0 =	sshra.s32 s0, $0x2;
	[sflag:s25] =	ssyncset.done $0x0  }
0x5d: {  	s1 =	sadd.s32 $0x7A80, s0;
	[sflag:s25] =	ssyncadd.s32 $0xFFFFE000  }
0x5e: {  	[spmem:s2] =	stream.indirect.scatter.add.f32 [tilespmem:s18], [sflag:$0x4], $0x40, s1, s21, $0xb8;
	[tilespmem:$0x1F140] =	vst v63  }
0x5f: {  	_ =	swait.ge [sflag:s26], $0x2000  }
0x60: {  	[sflag:s26] =	ssyncset.done $0x0  }
0x61: {  	s1 =	sadd.s32 $0x180, s0;
	[sflag:s26] =	ssyncadd.s32 $0xFFFFE000  }
0x62: {  	[tilespmem:s18], [sflag:$0x1] =	stream.indirect.gather [hbm4b:s11+s21], $0x40, s1, s21, $0xb8;
	[tilespmem:$0x1F140] =	vst v63  }
0x63: {  	_ =	swait.ge [sflag:s28], $0x2000  }
0x64: {  	[sflag:s28] =	ssyncset.done $0x0  }
0x65: {  	s1 =	sadd.s32 $0x7B00, s0;
	[sflag:s28] =	ssyncadd.s32 $0xFFFFE000  }
0x66: {  	[spmem:s2] =	stream.indirect.scatter.add.f32 [tilespmem:s22], [sflag:$0x5], $0x40, s1, s21, $0xb8;
	[tilespmem:$0x1F140] =	vst v63  }
0x67: {  	_ =	swait.ge [sflag:s29], $0x2000  }
0x68: {  	[sflag:s29] =	ssyncset.done $0x0  }
0x69: {  	s1 =	sadd.s32 $0x200, s0;
	[sflag:s29] =	ssyncadd.s32 $0xFFFFE000  }
0x6a: {  	[tilespmem:s22], [sflag:$0x2] =	stream.indirect.gather [hbm4b:s11+s21], $0x40, s1, s21, $0xb8;
	[tilespmem:$0x1F140] =	vst v63  }
0x6b: {  	_ =	swait.ge [sflag:s30], $0x2000  }
0x6c: {  	[sflag:s30] =	ssyncset.done $0x0  }
.Ltmp1:
0x6d: {  	s1 =	sadd.s32 $0x7B80, s0;
	[sflag:s30] =	ssyncadd.s32 $0xFFFFE000;
	(pc) =	sbr.rel @p0 .LBB2_4-.Ltmp1, $4  }
0x6e: {  	[spmem:s2] =	stream.indirect.scatter.add.f32 [tilespmem:s24], [sflag:$0x6], $0x40, s1, s21, $0xb8;
	[tilespmem:$0x1F140] =	vst v63  }
0x6f: {  	_ =	swait.ge [sflag:s31], $0x2000  }
0x70: {  	[sflag:s31] =	ssyncset.done $0x0  }
0x71: {  	s0 =	sadd.s32 $0x280, s0;
	[sflag:s31] =	ssyncadd.s32 $0xFFFFE000  }
0x72: {  	[tilespmem:s24], [sflag:$0x3] =	stream.indirect.gather [hbm4b:s11+s21], $0x40, s0, s21, $0xb8;
	[tilespmem:$0x1F140] =	vst v63  }
0x73: {  	_ =	swait.ge [sflag:s25], $0x2000  }
0x74: {  	[sflag:s25] =	ssyncset.done $0x0  }
0x75: {  	s1 =	simm.s32 $0xF280;
	[sflag:s25] =	ssyncadd.s32 $0xFFFFE000  }
0x76: {  	[spmem:s2] =	stream.indirect.scatter.add.f32 [tilespmem:s18], [sflag:$0x4], $0x40, s1, s21, $0xb8;
	[tilespmem:$0x1F140] =	vst v63  }
0x77: {  	_ =	swait.ge [sflag:s26], $0x2000  }
0x78: {  	[sflag:s26] =	ssyncset.done $0x0  }
0x79: {  	s23 =	simm.s32 $0x7980;
	[sflag:s26] =	ssyncadd.s32 $0xFFFFE000  }
0x7a: {  	[tilespmem:s18], [sflag:$0x1] =	stream.indirect.gather [hbm4b:s11+s21], $0x40, s23, s21, $0xb8;
	[tilespmem:$0x1F140] =	vst v63  }
0x7b: {  	_ =	swait.ge [sflag:s28], $0x2000  }
0x7c: {  	[sflag:s28] =	ssyncset.done $0x0  }
0x7d: {  	s1 =	simm.s32 $0xF300;
	[sflag:s28] =	ssyncadd.s32 $0xFFFFE000  }
0x7e: {  	[spmem:s2] =	stream.indirect.scatter.add.f32 [tilespmem:s22], [sflag:$0x5], $0x40, s1, s21, $0xb8;
	[tilespmem:$0x1F140] =	vst v63  }
0x7f: {  	_ =	swait.ge [sflag:s29], $0x2000  }
0x80: {  	[sflag:s29] =	ssyncset.done $0x0  }
0x81: {  	s23 =	simm.s32 $0x7A00;
	[sflag:s29] =	ssyncadd.s32 $0xFFFFE000  }
0x82: {  	[tilespmem:s22], [sflag:$0x2] =	stream.indirect.gather [hbm4b:s11+s21], $0x40, s23, s21, $0xb8;
	[tilespmem:$0x1F140] =	vst v63  }
0x83: {  	_ =	swait.ge [sflag:s30], $0x2000  }
0x84: {  	[sflag:s30] =	ssyncset.done $0x0  }
0x85: {  	s1 =	simm.s32 $0xF380;
	[sflag:s30] =	ssyncadd.s32 $0xFFFFE000  }
0x86: {  	[spmem:s2] =	stream.indirect.scatter.add.f32 [tilespmem:s24], [sflag:$0x6], $0x40, s1, s21, $0xb8;
	[tilespmem:$0x1F140] =	vst v63  }
0x87: {  	_ =	swait.ge [sflag:s31], $0x2000  }
0x88: {  	[sflag:s31] =	ssyncset.done $0x0  }
0x89: {  	[sflag:s31] =	ssyncadd.s32 $0xFFFFE000  }
0x8a: {  	_ =	swait.ge [sflag:s25], $0x2000  }
0x8b: {  	[sflag:s25] =	ssyncset.done $0x0  }
0x8c: {  	s23 =	simm.s32 $0xF400;
	[sflag:s25] =	ssyncadd.s32 $0xFFFFE000  }
0x8d: {  	[spmem:s2] =	stream.indirect.scatter.add.f32 [tilespmem:s18], [sflag:$0x7], $0x40, s23, s21, $0xb8;
	[tilespmem:$0x1F140] =	vst v63  }
0x8e: {  	_ =	swait.ge [sflag:s19], $0x2000  }
0x8f: {  	[sflag:s19] =	ssyncset.done $0x0  }
0x90: {  	[sflag:s19] =	ssyncadd.s32 $0xFFFFE000  }
0x91: {  	_ =	swait.ge [sflag:s28], $0x2000  }
0x92: {  	[sflag:s28] =	ssyncset.done $0x0  }
0x93: {  	[sflag:s28] =	ssyncadd.s32 $0xFFFFE000  }
0x94: {  	[spmem:s2] =	stream.indirect.scatter.add.f32 [tilespmem:s22], [sflag:$0x7], $0x40, s20, s21, $0xb8;
	[tilespmem:$0x1F140] =	vst v63  }
0x95: {  	_ =	swait.ge [sflag:s19], $0x2000  }
0x96: {  	s1 =	stileid.u32;
	[sflag:s19] =	ssyncset.done $0x0  }
0x97: {  	s0 =	sshll.u32 s1, $0x6;
	[sflag:s19] =	ssyncadd.s32 $0xFFFFE000  }
0x98: {  	s1 =	sshrl.u32 s4, $0x3;
	s0 =	sor.u32 $0x1C07, s0;
	[bflag:$0x0] =	sbarrier.arrive $0xFFFF  }
0x99: {  	[hbm:s12], [sflag:s0] =	dma.local [spmem:s1], $0x400  }
0x9a: {  	_ =	swait.ge [sflag:s19], $0x400  }
0x9b: {  	[sflag:s19] =	ssyncset.done $0x0  }
0x9c: {  	s23 =	sshrl.u32 s5, $0x3;
	[sflag:s19] =	ssyncadd.s32 $0xFFFFFC00  }
0x9d: {  	[hbm:s13], [sflag:s0] =	dma.local [spmem:s23], $0x400  }
0x9e: {  	_ =	swait.ge [sflag:s19], $0x400  }
0x9f: {  	[sflag:s19] =	ssyncset.done $0x0  }
0xa0: {  	s23 =	sshrl.u32 s6, $0x3;
	[sflag:s19] =	ssyncadd.s32 $0xFFFFFC00  }
0xa1: {  	[hbm:s14], [sflag:s0] =	dma.local [spmem:s23], $0x400  }
0xa2: {  	_ =	swait.ge [sflag:s19], $0x400  }
0xa3: {  	[sflag:s19] =	ssyncset.done $0x0  }
0xa4: {  	s23 =	sshrl.u32 s7, $0x3;
	[sflag:s19] =	ssyncadd.s32 $0xFFFFFC00  }
0xa5: {  	[hbm:s15], [sflag:s0] =	dma.local [spmem:s23], $0x400  }
0xa6: {  	s3 =	sadd.s32 $0x1, s3;
	_ =	swait.ge [sflag:s19], $0x400  }
0xa7: {  	p0 =	sne.s32 s3, s17;
	[sflag:s19] =	ssyncset.done $0x0  }
.Ltmp2:
0xa8: {  	s23 =	sshrl.u32 s8, $0x3;
	[sflag:s19] =	ssyncadd.s32 $0xFFFFFC00;
	(pc) =	sbr.rel @p0 .LBB2_1-.Ltmp2, $4  }
0xa9: {  	[hbm:s16], [sflag:s0] =	dma.local [spmem:s23], $0x388  }
0xaa: {  	_ =	swait.ge [sflag:s19], $0x388  }
0xab: {  	[sflag:s19] =	ssyncset.done $0x0  }
0xac: {  	[sflag:s19] =	ssyncadd.s32 $0xFFFFFC78  }
0xad: {  	_ =	sfence.sel $0x180000  }
0xae: {  	[bflag:$0x0] =	sbarrier.arrive $0xFFFF  }
0xaf: {  	_ =	strace $0x90000047  }
0xb0: {  	s0 =	stileid.u32;
	[bflag:$0x2] =	sbarrier.arrive $0xFFFF  }
0xb1: {  	p0 =	sne.s32 s0, $0x0;
	s0 =	rddreg [dreg:$0x3]  }
0xb2: {  	s0 =	sadd.s32 @!p0 $0x100000, s0  }
0xb3: {  	[sflag:s0] =	ssyncadd.tile.s32 @!p0 $0x1;
	_ =	shalt  }
.Lfunc_end2:
_tile_overlayer_lowered:
.L_overlay_start_2:
0xb4: {  	(tag) =	ssettag $0x2  }
0xb5: {  	s0 =	rddreg [dreg:$0x0];
	s2 =	stileid.u32  }
0xb6: {  	s1 =	rddreg [dreg:$0x1];
	p0 =	sne.s32 s2, $0x0  }
0xb7: {  	s3 =	rddreg [dreg:$0x2];
	[bflag:$0x3] =	sbarrier.arrive $0xFFFF;
	s2 =	simm.s32 @!p0 $0x1C07  }
0xb8: {  	[timem:s3], [sflag:s2] =	dma.local @!p0 [hbm:s0], s1  }
0xb9: {  	s0 =	simm.s32 @!p0 $0x7  }
0xba: {  	_ =	swait.ge @!p0 [sflag:s0], s1  }
0xbb: {  	s1 =	ssub.s32 @!p0 $0x0, s1;
	[sflag:s0] =	ssyncset.done @!p0 $0x0  }
0xbc: {  	[sflag:s0] =	ssyncadd.s32 @!p0 s1  }
0xbd: {  	[bflag:$0x3] =	sbarrier.arrive $0xFFFF  }
0xbe: {  	_ =	shalt  }

// kernel: kernel.20.cloned.1.call-start
scs
__scs_entry_jumppad:
0x0: {  	(pc) =	sbr.rel $0x88, $3  }
0x1: {  	(tag) =	ssettag $0x0;
	lr =	simm.s32 $0x1  }
0x2: {  	[smem:$0x3F8F] =	sst lr;
	_ =	strace $0xD0000000  }
0x3: {  	_ = 	snop  }
0x4: {  	_ = 	snop  }
0x5: {  	_ = 	snop  }
0x6: {  	_ = 	snop  }
0x7: {  	_ = 	snop  }
__scs_overlays_trampoline_lowered:
0x8: {  	[smem:$0x3F9E] =	sst s0  }
0x9: {  	[smem:$0x3F9F] =	sst s1  }
0xa: {  	[smem:$0x3FA0] =	sst s2  }
0xb: {  	[smem:$0x3FA1] =	sst s3  }
0xc: {  	[smem:$0x3FA2] =	sst s4  }
0xd: {  	[smem:$0x3FA3] =	sst s5  }
0xe: {  	[smem:$0x3FA4] =	sst s6  }
0xf: {  	[smem:$0x3FA5] =	sst s7  }
0x10: {  	[smem:$0x3FA6] =	sst s8  }
0x11: {  	[smem:$0x3FA7] =	sst s9;
	s0 =	simm.s32 @!p0 $0x0  }
0x12: {  	s1 =	sld [smem:$0x3F8D];
	s0 =	simm.s32 @p0 $0x1  }
0x13: {  	[smem:$0x3FA8] =	sst s0;
	s0 =	simm.s32 @!p1 $0x0  }
0x14: {  	s2 =	sld [smem:$0x3F8C];
	s0 =	simm.s32 @p1 $0x1  }
0x15: {  	[smem:$0x3FA9] =	sst s0;
	s0 =	simm.s32 @!p2 $0x0  }
0x16: {  	s3 =	sld [smem:$0x3FDB];
	s0 =	simm.s32 @p2 $0x1  }
0x17: {  	s4 =	simm.s32 $0x1BF5;
	[smem:$0x3FAB] =	sst s0  }
0x18: {  	s0 =	sld [smem:$0x3F8E];
	_ =	swait.ge [sflag:s4], $0x0  }
0x19: {  	s7 =	sld [smem:$0x3F8F]  }
0x1a: {  	s8 =	sadd.s32 $0xFFFFE003, lr  }
0x1b: {  	s9 =	sadd.s32 $0xFFFFFEF7, lr;
	s5 =	simm.s32 $0xFFFFFFFF;
	p2 =	slt.u32 s8, $0xFFFFF086  }
0x1c: {  	p1 =	slt.u32 s9, $0xF7A;
	s5 =	simm.s32 @!p2 $0x0  }
0x1d: {  	s5 =	simm.s32 @p1 $0x1;
	p0 =	seq.s32 s7, s2  }
0x1e: {  	s7 =	smul.u32 @!p0 $0xF7A, s2;
	p2 =	seq.s32 @!p0 s5, $0x0  }
0x1f: {  	s9 =	smul.u32 $0xF7A, s1;
	s8 =	simm.s32 @!p0 $0x1BF5;
	p2 =	por !p2, p0  }
0x20: {  	[sflag:s8] =	ssyncset.s32 @!p0 $0xFFFFF086;
	s6 =	sadd.s32 @!p0 s3, s7;
	s7 =	simm.s32 @!p0 $0x108  }
0x21: {  	s3 =	sadd.s32 s3, s9;
	s6 =	sadd.s32 @!p0 $0x88, s6;
	s7 =	simm.s32 @p2 $0x1082  }
0x22: {  	[simem:s7], [sflag:s8] =	dma.local @!p0 [hbm:s6], $0xF7A  }
0x23: {  	s9 =	sor.u32 $0xD0000000, s2;
	s6 =	simm.s32 $0x108;
	_ =	swait.ge @!p0 [sflag:s8], $0x0  }
0x24: {  	s3 =	sadd.s32 $0x88, s3;
	s6 =	simm.s32 @!p1 $0x1082;
	[sflag:s4] =	ssyncset.s32 $0xFFFFF086  }
0x25: {  	[simem:s6], [sflag:s4] =	dma.local [hbm:s3], $0xF7A  }
0x26: {  	[smem:$0x3F8F] =	sst s1;
	(tag) =	ssettag s2;
	_ =	strace s9  }
0x27: {  	s1 =	sld [smem:$0x3F9F]  }
0x28: {  	s2 =	sld [smem:$0x3FA0]  }
0x29: {  	s4 =	sld [smem:$0x3FA2]  }
0x2a: {  	p0 =	seq.s32 s5, $0x0;
	s5 =	sld [smem:$0x3FA3]  }
0x2b: {  	s6 =	sld [smem:$0x3FA4]  }
0x2c: {  	s7 =	sld [smem:$0x3FA5]  }
0x2d: {  	s3 =	simm.s32 $0x108;
	s8 =	sld [smem:$0x3FA6]  }
0x2e: {  	s3 =	simm.s32 @!p0 $0x1082;
	s9 =	sld [smem:$0x3FA7]  }
0x2f: {  	lr =	sadd.s32 s0, s3;
	s0 =	sld [smem:$0x3F9E]  }
0x30: {  	s3 =	sld [smem:$0x3FA1]  }
0x31: {  	[smem:$0x3FAA] =	sst s10  }
0x32: {  	s10 =	sld [smem:$0x3FA8];
	_ =	sdelay $0x3  }
0x33: {  	p0 =	seq.s32 s10, $0x1;
	s10 =	sld [smem:$0x3FAA];
	_ =	sdelay $0x3  }
0x34: {  	[smem:$0x3FAA] =	sst s10  }
0x35: {  	s10 =	sld [smem:$0x3FA9];
	_ =	sdelay $0x3  }
0x36: {  	p1 =	seq.s32 s10, $0x1;
	s10 =	sld [smem:$0x3FAA];
	_ =	sdelay $0x3  }
0x37: {  	[smem:$0x3FAA] =	sst s10  }
0x38: {  	s10 =	sld [smem:$0x3FAB]  }
0x39: {  	_ = 	snop;
	(pc) =	sbr.ind lr, $3  }
0x3a: {  	_ = 	snop  }
0x3b: {  	_ = 	snop  }
0x3c: {  	p2 =	seq.s32 s10, $0x1;
	s10 =	sld [smem:$0x3FAA]  }
0x3d: {  	_ =	shalt  }
0x3e: {  	_ =	shalt  }
0x3f: {  	_ =	shalt  }
0x40: {  	_ =	shalt  }
0x41: {  	_ =	shalt  }
0x42: {  	_ =	shalt  }
0x43: {  	_ =	shalt  }
0x44: {  	_ =	shalt  }
0x45: {  	_ =	shalt  }
0x46: {  	_ =	shalt  }
0x47: {  	_ =	shalt  }
0x48: {  	_ =	shalt  }
0x49: {  	_ =	shalt  }
0x4a: {  	_ =	shalt  }
0x4b: {  	_ =	shalt  }
0x4c: {  	_ =	shalt  }
0x4d: {  	_ =	shalt  }
0x4e: {  	_ =	shalt  }
0x4f: {  	_ =	shalt  }
0x50: {  	_ =	shalt  }
0x51: {  	_ =	shalt  }
0x52: {  	_ =	shalt  }
0x53: {  	_ =	shalt  }
0x54: {  	_ =	shalt  }
0x55: {  	_ =	shalt  }
0x56: {  	_ =	shalt  }
0x57: {  	_ =	shalt  }
0x58: {  	_ =	shalt  }
0x59: {  	_ =	shalt  }
0x5a: {  	_ =	shalt  }
0x5b: {  	_ =	shalt  }
0x5c: {  	_ =	shalt  }
0x5d: {  	_ =	shalt  }
0x5e: {  	_ =	shalt  }
0x5f: {  	_ =	shalt  }
0x60: {  	_ =	shalt  }
0x61: {  	_ =	shalt  }
0x62: {  	_ =	shalt  }
0x63: {  	_ =	shalt  }
0x64: {  	_ =	shalt  }
0x65: {  	_ =	shalt  }
0x66: {  	_ =	shalt  }
0x67: {  	_ =	shalt  }
0x68: {  	_ =	shalt  }
0x69: {  	_ =	shalt  }
0x6a: {  	_ =	shalt  }
0x6b: {  	_ =	shalt  }
0x6c: {  	_ =	shalt  }
0x6d: {  	_ =	shalt  }
0x6e: {  	_ =	shalt  }
0x6f: {  	_ =	shalt  }
0x70: {  	_ =	shalt  }
0x71: {  	_ =	shalt  }
0x72: {  	_ =	shalt  }
0x73: {  	_ =	shalt  }
0x74: {  	_ =	shalt  }
0x75: {  	_ =	shalt  }
0x76: {  	_ =	shalt  }
0x77: {  	_ =	shalt  }
0x78: {  	_ =	shalt  }
0x79: {  	_ =	shalt  }
0x7a: {  	_ =	shalt  }
0x7b: {  	_ =	shalt  }
0x7c: {  	_ =	shalt  }
0x7d: {  	_ =	shalt  }
0x7e: {  	_ =	shalt  }
0x7f: {  	_ =	shalt  }
0x80: {  	_ =	shalt  }
0x81: {  	_ =	shalt  }
0x82: {  	_ =	shalt  }
0x83: {  	_ =	shalt  }
0x84: {  	_ =	shalt  }
0x85: {  	_ =	shalt  }
0x86: {  	_ =	shalt  }
0x87: {  	_ =	shalt  }
.Lfunc_end0:
.L_simem_size_0:
called_computation.3_lowered:
.L_overlay_start_0:
0x88: {  	s2 =	sld [smem:$0x3FD9]  }
0x89: {  	s3 =	sld [smem:$0x3FFE];
	_ =	sdelay $0x1  }
0x8a: {  	s1 =	srdreg.scid  }
0x8b: {  	s0 =	sand.u32 $0x1, s1  }
0x8c: {  	s15 =	sshll.u32 s0, $0xA;
	s2 =	sadd.s32 s3, s2  }
0x8d: {  	s2 =	sadd.s32 s2, s15  }
0x8e: {  	[smem:$0x3FB6] =	sst s2  }
0x8f: {  	_ = 	snop  }
0x90: {  	s2 =	sld [smem:$0x3FD0];
	_ =	sdelay $0x2  }
0x91: {  	s16 =	simm.s32 $0xC;
	s4 =	simm.s32 $0x10  }
0x92: {  	[smem:s4], [sflag:s16] =	dma.local [hbm:s2], $0x1  }
0x93: {  	_ =	swait.eq [sflag:s16], $0x1  }
0x94: {  	[sflag:s16] =	ssyncset.done $0x0  }
0x95: {  	[sflag:s16] =	ssyncadd.s32 $0xFFFFFFFF  }
0x96: {  	s17 =	sld [smem:$0x10];
	(tm) =	ssettm $0x1  }
0x97: {  	s18 =	sld [smem:$0x3FFB];
	_ =	sdelay $0x3  }
0x98: {  	_ =	strace s18  }
0x99: {  	s2 =	sld [smem:$0x3FFC];
	_ =	sdelay $0x3  }
0x9a: {  	_ =	strace s2  }
0x9b: {  	s2 =	sld [smem:$0x3FFD];
	_ =	sdelay $0x3  }
0x9c: {  	_ =	strace s2  }
0x9d: {  	_ =	strace $0x8FFFFFFF  }
0x9e: {  	s19 =	sld [smem:$0x3FDB];
	_ =	sdelay $0x1  }
0x9f: {  	s20 =	simm.s32 $_scs_section_size  }
0xa0: {  	s5 =	simm.s32 $_size__tile_overlayer_lowered;
	s6 =	simm.s32 $_tile_overlayer_lowered  }
0xa1: {  	s7 =	simm.s32 $0x1BFF;
	s21 =	sshll.u32 s6, $0x1;
	s4 =	sadd.s32 s20, s19  }
0xa2: {  	s22 =	simm.s32 $0x0;
	s5 =	sshll.u32 s5, $0x1;
	s6 =	sadd.s32 s21, s4  }
0xa3: {  	[timem:s22], [sflag:s7] =	dma.local [hbm:s6], s5  }
0xa4: {  	_ =	swait.ge [sflag:s7], s5  }
0xa5: {  	s5 =	ssub.s32 $0x0, s5;
	[sflag:s7] =	ssyncset.done $0x0  }
0xa6: {  	[sflag:s7] =	ssyncadd.s32 s5;
	_ =	sdelay $0x1  }
0xa7: {  	s23 =	simm.s32 $0x1B8B  }
0xa8: {  	_ =	swait.ge [sflag:s23], $0x1  }
0xa9: {  	[sflag:s23] =	ssyncset.done $0x0  }
0xaa: {  	[sflag:s23] =	ssyncadd.s32 $0xFFFFFFFF  }
0xab: {  	s5 =	sld [smem:$0x0]  }
0xac: {  	s6 =	sand.u32 $0xFFFFFFFE, s1  }
0xad: {  	p0 =	sne.s32 s1, s6  }
0xae: {  	s6 =	sshll.u32 @p0 s6, $0xE  }
0xaf: {  	s6 =	sadd.s32 @p0 $0x11B8D, s6;
	s7 =	sshll.u32 @p0 s5, $0x11  }
0xb0: {  	s6 =	sor.u32 @p0 s7, s6  }
0xb1: {  	[sflag:s6] =	ssyncadd.remote.s32 @p0 $0x1;
	_ =	sdelay $0x1  }
0xb2: {  	s6 =	simm.s32 @p0 $0x1B8D  }
0xb3: {  	_ =	swait.eq @p0 [sflag:s6], $0x1  }
0xb4: {  	[sflag:s6] =	ssyncadd.s32 @p0 $0xFFFFFFFF  }
0xb5: {  	s7 =	sshll.u32 @!p0 s1, $0xE  }
0xb6: {  	s7 =	sor.u32 @!p0 $0x4000, s7;
	s6 =	simm.s32 @!p0 $0x1B8D  }
0xb7: {  	s5 =	sshll.u32 @!p0 s5, $0x11;
	s7 =	sadd.s32 @!p0 $0x11B8D, s7;
	_ =	swait.eq @!p0 [sflag:s6], $0x1  }
0xb8: {  	s5 =	sor.u32 @!p0 s5, s7;
	[sflag:s6] =	ssyncadd.s32 @!p0 $0xFFFFFFFF  }
0xb9: {  	s25 =	simm.s32 $0x1B8E;
	s24 =	sld [smem:$0x3FFE];
	[sflag:s5] =	ssyncadd.remote.s32 @!p0 $0x1  }
0xba: {  	s26 =	simm.s32 $execute0_lowered;
	[smem:$0x3FD2] =	sst s25  }
0xbb: {  	s6 =	sshll.u32 s26, $0x1;
	_ =	strace $0x8000004F;
	[dreg:$0x1] =	wrdreg $0xFFFFFFFF  }
0xbc: {  	s28 =	simm.s32 $_size_execute0_lowered;
	s4 =	sadd.s32 s4, s6;
	[dreg:$0x0] =	wrdreg $0x0  }
0xbd: {  	s6 =	sshll.u32 s28, $0x1;
	[dreg:$0x2] =	wrdreg s4  }
0xbe: {  	[dreg:$0x3] =	wrdreg s6  }
0xbf: {  	[dreg:$0x4] =	wrdreg $0xC0  }
0xc0: {  	_ =	task [dreg:s22], $0x5FFFF  }
0xc1: {  	[dreg:$0x1] =	wrdreg $0xFFFFFFFF  }
0xc2: {  	[dreg:$0x0] =	wrdreg $0x60  }
0xc3: {  	[dreg:$0x2] =	wrdreg s24  }
0xc4: {  	[dreg:$0x3] =	wrdreg s17  }
0xc5: {  	[dreg:$0x4] =	wrdreg $0x155000  }
0xc6: {  	[dreg:$0x5] =	wrdreg $0xA  }
0xc7: {  	_ =	task.clear_ibuf [dreg:s22], $0x6FFFF;
	_ =	strace $0x9000004F  }
0xc8: {  	s29 =	simm.s32 $0xA;
	_ =	strace $0x80000051  }
0xc9: {  	_ =	swait.ge [sflag:s29], $0x1  }
0xca: {  	[sflag:s29] =	ssyncadd.s32 $0xFFFFFFFF  }
0xcb: {  	_ =	strace $0x90000051  }
0xcc: {  	_ =	sfence  }
0xcd: {  	s30 =	sld [smem:$0x0];
	_ =	sdelay $0x2  }
0xce: {  	s31 =	sshll.u32 s1, $0xD;
	s1 =	sshrl.u32 s1, $0x2  }
0xcf: {  	s4 =	sand.u32 $0x4000, s31;
	s1 =	sadd.s32 s1, s30  }
0xd0: {  	s0 =	sor.u32 s4, s0;
	s1 =	sshll.u32 s1, $0x11  }
0xd1: {  	s0 =	sor.u32 s1, s0  }
0xd2: {  	s0 =	sadd.s32 $0x8F2B, s0  }
0xd3: {  	[sflag:s0] =	ssyncadd.remote.s32 $0x1  }
0xd4: {  	_ =	sfence.sel $0xFFFF  }
0xd5: {  	[dreg:$0x0] =	wrdreg $0xFFFFFFFF;
	(pc) =	sbr.abs _section_cstart, $3  }
0xd6: {  	[dreg:$0x1] =	wrdreg $0xFFFFFFFF  }
0xd7: {  	_ =	task.clear_ibuf [dreg:s22], $0x2FFFF;
	_ =	strace $0x9FFFFFFF  }
0xd8: {  	(tm) =	ssettm $0x7FFFFFFF  }
0xd9: {  	_ =	shalt  }
tec
execute0_lowered:
.L_overlay_start_1:
0x0: {  	(tag) =	ssettag $0x1  }
0x1: {  	s0 =	rddreg [dreg:$0x0]  }
0x2: {  	s1 =	rddreg [dreg:$0x1]  }
0x3: {  	s2 =	rddreg [dreg:$0x2];
	s3 =	simm.s32 $0x0  }
0x4: {  	s6 =	stileid.u32;
	s4 =	srdreg.scid;
	s21 =	simm.s32 $0x80  }
0x5: {  	s28 =	simm.s32 $0x2;
	s29 =	simm.s32 $0x5;
	s30 =	simm.s32 $0x3  }
0x6: {  	s31 =	simm.s32 $0x6;
	[smem:$0x7FF] =	sst s3;
	s5 =	smul.u32 $0xF50, s6  }
0x7: {  	s7 =	sand.u32 $0x1, s4;
	s11 =	smul.u32 $0x9C40, s6;
	_ =	strace $0x80000050  }
0x8: {  	s4 =	ssub.s32 $0x2, s7;
	s18 =	smul.u32 $0x9C400, s7;
	s10 =	sadd.s32 s5, s0  }
0x9: {  	s0 =	sadd.s32 $0x5600, s0;
	s22 =	sshrl.u32 s4, $0x1;
	s12 =	sadd.s32 $0x2000, s11  }
0xa: {  	s14 =	sadd.s32 $0x4000, s11;
	s15 =	sadd.s32 $0x6000, s11;
	s16 =	sadd.s32 $0x8000, s11  }
0xb: {  	s17 =	ssub.s32 s4, s22;
	s4 =	sadd.s32 s11, s2;
	s5 =	sadd.s32 s12, s2  }
0xc: {  	s6 =	sadd.s32 s14, s2;
	s7 =	sadd.s32 s15, s2;
	s8 =	sadd.s32 s16, s2  }
0xd: {  	s9 =	sadd.s32 $0x62E00, s10;
	s10 =	sadd.s32 $0x72400, s10;
	s11 =	sadd.s32 s11, s18  }
0xe: {  	s12 =	sadd.s32 s18, s12;
	s13 =	sshrl.u32 s18, $0x3;
	s23 =	sadd.s32 s18, s14  }
0xf: {  	s24 =	sadd.s32 s18, s15;
	s25 =	sadd.s32 s18, s16;
	s22 =	simm.s32 $0x11500  }
0x10: {  	s19 =	sshrl.u32 s11, $0x3;
	s20 =	sshrl.u32 s12, $0x3;
	s11 =	sadd.s32 s1, s13  }
0x11: {  	s1 =	sshrl.u32 s23, $0x3;
	s26 =	sshrl.u32 s24, $0x3;
	s18 =	sshrl.u32 s25, $0x3  }
0x12: {  	s17 =	smax.u32 s17, $0x1;
	s24 =	simm.s32 $0x13500;
	s25 =	simm.s32 $0x1  }
0x13: {  	s12 =	sadd.s32 s0, s19;
	s13 =	sadd.s32 s0, s20;
	s14 =	sadd.s32 s0, s1  }
0x14: {  	s15 =	sadd.s32 s0, s26;
	s16 =	sadd.s32 s0, s18;
	s18 =	simm.s32 $0xF500  }
0x15: {  	v0 =	vimm.f32 $0.0e+00;
	s19 =	simm.s32 $0x7;
	s26 =	simm.s32 $0x4;
	s20 =	simm.s32 $0xF480  }
.LBB2_1:
0x16: {  	s0 =	simm.s32 $0x100;
	s23 =	simm.s32 $0x0  }
.LBB2_2:
0x17: {  	p0 =	sne.s32 s0, $0x7F00;
	[tilespmem:s23+$0xF530] =	vst v0;
	s1 =	smov.u32 s0;
	s0 =	sadd.s32 $0x100, s0  }
.Ltmp0:
0x18: {  	[tilespmem:s23+$0xF520] =	vst v0;
	(pc) =	sbr.rel @p0 .LBB2_2-.Ltmp0, $3  }
0x19: {  	[tilespmem:s23+$0xF500] =	vst v0  }
0x1a: {  	[tilespmem:s23+$0xF510] =	vst v0;
	_ =	sdelay $0x1  }
0x1b: {  	s23 =	sshra.s32 s1, $0x2  }
0x1c: {  	[tilespmem:s23+$0xF530] =	vst v0  }
0x1d: {  	[tilespmem:s23+$0xF520] =	vst v0  }
0x1e: {  	[tilespmem:s23+$0xF500] =	vst v0  }
0x1f: {  	[tilespmem:s23+$0xF510] =	vst v0  }
0x20: {  	[spmem:s4] =	stream.linear.scatter [tilespmem:s18], [sflag:$0x7], $0x2000, $0x38;
	[tilespmem:$0x1F140] =	vst v63  }
0x21: {  	_ =	swait.ge [sflag:s19], $0x2000  }
0x22: {  	[sflag:s19] =	ssyncset.done $0x0  }
0x23: {  	[sflag:s19] =	ssyncadd.s32 $0xFFFFE000  }
0x24: {  	[spmem:s5] =	stream.linear.scatter [tilespmem:s18], [sflag:$0x7], $0x2000, $0x38;
	[tilespmem:$0x1F140] =	vst v63  }
0x25: {  	_ =	swait.ge [sflag:s19], $0x2000  }
0x26: {  	[sflag:s19] =	ssyncset.done $0x0  }
0x27: {  	[sflag:s19] =	ssyncadd.s32 $0xFFFFE000  }
0x28: {  	[spmem:s6] =	stream.linear.scatter [tilespmem:s18], [sflag:$0x7], $0x2000, $0x38;
	[tilespmem:$0x1F140] =	vst v63  }
0x29: {  	_ =	swait.ge [sflag:s19], $0x2000  }
0x2a: {  	[sflag:s19] =	ssyncset.done $0x0  }
0x2b: {  	[sflag:s19] =	ssyncadd.s32 $0xFFFFE000  }
0x2c: {  	[spmem:s7] =	stream.linear.scatter [tilespmem:s18], [sflag:$0x7], $0x2000, $0x38;
	[tilespmem:$0x1F140] =	vst v63  }
0x2d: {  	_ =	swait.ge [sflag:s19], $0x2000  }
0x2e: {  	[sflag:s19] =	ssyncset.done $0x0  }
0x2f: {  	[sflag:s19] =	ssyncadd.s32 $0xFFFFE000  }
0x30: {  	[spmem:s8] =	stream.linear.scatter [tilespmem:s18], [sflag:$0x7], $0x1C40, $0x38;
	[tilespmem:$0x1F140] =	vst v63  }
0x31: {  	_ =	swait.ge [sflag:s19], $0x1C40  }
0x32: {  	[sflag:s19] =	ssyncset.done $0x0  }
0x33: {  	[sflag:s19] =	ssyncadd.s32 $0xFFFFE3C0  }
0x34: {  	s0 =	simm.s32 $0x0;
	[bflag:$0x0] =	sbarrier.arrive $0xFFFF  }
0x35: {  	[tilespmem:s0], [sflag:$0x7] =	stream.linear.gather [hbm4b:s9+s0], $0x7A80, $0x38;
	[tilespmem:$0x1F140] =	vst v63  }
0x36: {  	_ =	swait.ge [sflag:s19], $0x7A80  }
0x37: {  	[sflag:s19] =	ssyncset.done $0x0  }
0x38: {  	s1 =	simm.s32 $0x7A80;
	[sflag:s19] =	ssyncadd.s32 $0xFFFF8580  }
0x39: {  	[tilespmem:s1], [sflag:$0x7] =	stream.linear.gather [hbm4b:s10+s0], $0x7A80, $0x38;
	[tilespmem:$0x1F140] =	vst v63  }
0x3a: {  	_ =	swait.ge [sflag:s19], $0x7A80  }
0x3b: {  	[sflag:s19] =	ssyncset.done $0x0  }
0x3c: {  	[sflag:s19] =	ssyncadd.s32 $0xFFFF8580  }
0x3d: {  	[tilespmem:s18], [sflag:$0x1] =	stream.indirect.gather [hbm4b:s11+s21], $0x40, s0, s21, $0xb8;
	[tilespmem:$0x1F140] =	vst v63  }
0x3e: {  	_ = 	snop  }
0x3f: {  	[tilespmem:s22], [sflag:$0x2] =	stream.indirect.gather [hbm4b:s11+s21], $0x40, s21, s21, $0xb8;
	[tilespmem:$0x1F140] =	vst v63  }
0x40: {  	s1 =	simm.s32 $0x100  }
0x41: {  	[tilespmem:s24], [sflag:$0x3] =	stream.indirect.gather [hbm4b:s11+s21], $0x40, s1, s21, $0xb8;
	[tilespmem:$0x1F140] =	vst v63  }
0x42: {  	_ =	swait.ge [sflag:s25], $0x2000  }
0x43: {  	[sflag:s25] =	ssyncset.done $0x0  }
0x44: {  	s23 =	simm.s32 $0x7A80;
	[sflag:s25] =	ssyncadd.s32 $0xFFFFE000  }
0x45: {  	[spmem:s2] =	stream.indirect.scatter.add.f32 [tilespmem:s18], [sflag:$0x4], $0x40, s23, s21, $0xb8;
	[tilespmem:$0x1F140] =	vst v63  }
0x46: {  	_ =	swait.ge [sflag:s26], $0x2000  }
0x47: {  	[sflag:s26] =	ssyncset.done $0x0  }
0x48: {  	s1 =	simm.s32 $0x180;
	[sflag:s26] =	ssyncadd.s32 $0xFFFFE000  }
0x49: {  	[tilespmem:s18], [sflag:$0x1] =	stream.indirect.gather [hbm4b:s11+s21], $0x40, s1, s21, $0xb8;
	[tilespmem:$0x1F140] =	vst v63  }
0x4a: {  	_ =	swait.ge [sflag:s28], $0x2000  }
0x4b: {  	[sflag:s28] =	ssyncset.done $0x0  }
0x4c: {  	s23 =	simm.s32 $0x7B00;
	[sflag:s28] =	ssyncadd.s32 $0xFFFFE000  }
0x4d: {  	[spmem:s2] =	stream.indirect.scatter.add.f32 [tilespmem:s22], [sflag:$0x5], $0x40, s23, s21, $0xb8;
	[tilespmem:$0x1F140] =	vst v63  }
0x4e: {  	_ =	swait.ge [sflag:s29], $0x2000  }
0x4f: {  	[sflag:s29] =	ssyncset.done $0x0  }
0x50: {  	s1 =	simm.s32 $0x200;
	[sflag:s29] =	ssyncadd.s32 $0xFFFFE000  }
0x51: {  	[tilespmem:s22], [sflag:$0x2] =	stream.indirect.gather [hbm4b:s11+s21], $0x40, s1, s21, $0xb8;
	[tilespmem:$0x1F140] =	vst v63  }
0x52: {  	_ =	swait.ge [sflag:s30], $0x2000  }
0x53: {  	[sflag:s30] =	ssyncset.done $0x0  }
0x54: {  	s23 =	simm.s32 $0x7B80;
	[sflag:s30] =	ssyncadd.s32 $0xFFFFE000  }
0x55: {  	[spmem:s2] =	stream.indirect.scatter.add.f32 [tilespmem:s24], [sflag:$0x6], $0x40, s23, s21, $0xb8;
	[tilespmem:$0x1F140] =	vst v63  }
0x56: {  	_ =	swait.ge [sflag:s31], $0x2000  }
0x57: {  	[sflag:s31] =	ssyncset.done $0x0  }
0x58: {  	s0 =	simm.s32 $0x280;
	s23 =	simm.s32 $0x600;
	[sflag:s31] =	ssyncadd.s32 $0xFFFFE000  }
.LBB2_4:
0x59: {  	[tilespmem:s24], [sflag:$0x3] =	stream.indirect.gather [hbm4b:s11+s21], $0x40, s0, s21, $0xb8;
	[tilespmem:$0x1F140] =	vst v63  }
0x5a: {  	s0 =	smov.u32 s23  }
0x5b: {  	p0 =	sne.s32 s23, $0x1DA00;
	s23 =	sadd.s32 $0x600, s23;
	_ =	swait.ge [sflag:s25], $0x2000  }
0x5c: {  	s0 =	sshra.s32 s0, $0x2;
	[sflag:s25] =	ssyncset.done $0x0  }
0x5d: {  	s1 =	sadd.s32 $0x7A80, s0;
	[sflag:s25] =	ssyncadd.s32 $0xFFFFE000  }
0x5e: {  	[spmem:s2] =	stream.indirect.scatter.add.f32 [tilespmem:s18], [sflag:$0x4], $0x40, s1, s21, $0xb8;
	[tilespmem:$0x1F140] =	vst v63  }
0x5f: {  	_ =	swait.ge [sflag:s26], $0x2000  }
0x60: {  	[sflag:s26] =	ssyncset.done $0x0  }
0x61: {  	s1 =	sadd.s32 $0x180, s0;
	[sflag:s26] =	ssyncadd.s32 $0xFFFFE000  }
0x62: {  	[tilespmem:s18], [sflag:$0x1] =	stream.indirect.gather [hbm4b:s11+s21], $0x40, s1, s21, $0xb8;
	[tilespmem:$0x1F140] =	vst v63  }
0x63: {  	_ =	swait.ge [sflag:s28], $0x2000  }
0x64: {  	[sflag:s28] =	ssyncset.done $0x0  }
0x65: {  	s1 =	sadd.s32 $0x7B00, s0;
	[sflag:s28] =	ssyncadd.s32 $0xFFFFE000  }
0x66: {  	[spmem:s2] =	stream.indirect.scatter.add.f32 [tilespmem:s22], [sflag:$0x5], $0x40, s1, s21, $0xb8;
	[tilespmem:$0x1F140] =	vst v63  }
0x67: {  	_ =	swait.ge [sflag:s29], $0x2000  }
0x68: {  	[sflag:s29] =	ssyncset.done $0x0  }
0x69: {  	s1 =	sadd.s32 $0x200, s0;
	[sflag:s29] =	ssyncadd.s32 $0xFFFFE000  }
0x6a: {  	[tilespmem:s22], [sflag:$0x2] =	stream.indirect.gather [hbm4b:s11+s21], $0x40, s1, s21, $0xb8;
	[tilespmem:$0x1F140] =	vst v63  }
0x6b: {  	_ =	swait.ge [sflag:s30], $0x2000  }
0x6c: {  	[sflag:s30] =	ssyncset.done $0x0  }
.Ltmp1:
0x6d: {  	s1 =	sadd.s32 $0x7B80, s0;
	[sflag:s30] =	ssyncadd.s32 $0xFFFFE000;
	(pc) =	sbr.rel @p0 .LBB2_4-.Ltmp1, $4  }
0x6e: {  	[spmem:s2] =	stream.indirect.scatter.add.f32 [tilespmem:s24], [sflag:$0x6], $0x40, s1, s21, $0xb8;
	[tilespmem:$0x1F140] =	vst v63  }
0x6f: {  	_ =	swait.ge [sflag:s31], $0x2000  }
0x70: {  	[sflag:s31] =	ssyncset.done $0x0  }
0x71: {  	s0 =	sadd.s32 $0x280, s0;
	[sflag:s31] =	ssyncadd.s32 $0xFFFFE000  }
0x72: {  	[tilespmem:s24], [sflag:$0x3] =	stream.indirect.gather [hbm4b:s11+s21], $0x40, s0, s21, $0xb8;
	[tilespmem:$0x1F140] =	vst v63  }
0x73: {  	_ =	swait.ge [sflag:s25], $0x2000  }
0x74: {  	[sflag:s25] =	ssyncset.done $0x0  }
0x75: {  	s1 =	simm.s32 $0xF280;
	[sflag:s25] =	ssyncadd.s32 $0xFFFFE000  }
0x76: {  	[spmem:s2] =	stream.indirect.scatter.add.f32 [tilespmem:s18], [sflag:$0x4], $0x40, s1, s21, $0xb8;
	[tilespmem:$0x1F140] =	vst v63  }
0x77: {  	_ =	swait.ge [sflag:s26], $0x2000  }
0x78: {  	[sflag:s26] =	ssyncset.done $0x0  }
0x79: {  	s23 =	simm.s32 $0x7980;
	[sflag:s26] =	ssyncadd.s32 $0xFFFFE000  }
0x7a: {  	[tilespmem:s18], [sflag:$0x1] =	stream.indirect.gather [hbm4b:s11+s21], $0x40, s23, s21, $0xb8;
	[tilespmem:$0x1F140] =	vst v63  }
0x7b: {  	_ =	swait.ge [sflag:s28], $0x2000  }
0x7c: {  	[sflag:s28] =	ssyncset.done $0x0  }
0x7d: {  	s1 =	simm.s32 $0xF300;
	[sflag:s28] =	ssyncadd.s32 $0xFFFFE000  }
0x7e: {  	[spmem:s2] =	stream.indirect.scatter.add.f32 [tilespmem:s22], [sflag:$0x5], $0x40, s1, s21, $0xb8;
	[tilespmem:$0x1F140] =	vst v63  }
0x7f: {  	_ =	swait.ge [sflag:s29], $0x2000  }
0x80: {  	[sflag:s29] =	ssyncset.done $0x0  }
0x81: {  	s23 =	simm.s32 $0x7A00;
	[sflag:s29] =	ssyncadd.s32 $0xFFFFE000  }
0x82: {  	[tilespmem:s22], [sflag:$0x2] =	stream.indirect.gather [hbm4b:s11+s21], $0x40, s23, s21, $0xb8;
	[tilespmem:$0x1F140] =	vst v63  }
0x83: {  	_ =	swait.ge [sflag:s30], $0x2000  }
0x84: {  	[sflag:s30] =	ssyncset.done $0x0  }
0x85: {  	s1 =	simm.s32 $0xF380;
	[sflag:s30] =	ssyncadd.s32 $0xFFFFE000  }
0x86: {  	[spmem:s2] =	stream.indirect.scatter.add.f32 [tilespmem:s24], [sflag:$0x6], $0x40, s1, s21, $0xb8;
	[tilespmem:$0x1F140] =	vst v63  }
0x87: {  	_ =	swait.ge [sflag:s31], $0x2000  }
0x88: {  	[sflag:s31] =	ssyncset.done $0x0  }
0x89: {  	[sflag:s31] =	ssyncadd.s32 $0xFFFFE000  }
0x8a: {  	_ =	swait.ge [sflag:s25], $0x2000  }
0x8b: {  	[sflag:s25] =	ssyncset.done $0x0  }
0x8c: {  	s23 =	simm.s32 $0xF400;
	[sflag:s25] =	ssyncadd.s32 $0xFFFFE000  }
0x8d: {  	[spmem:s2] =	stream.indirect.scatter.add.f32 [tilespmem:s18], [sflag:$0x7], $0x40, s23, s21, $0xb8;
	[tilespmem:$0x1F140] =	vst v63  }
0x8e: {  	_ =	swait.ge [sflag:s19], $0x2000  }
0x8f: {  	[sflag:s19] =	ssyncset.done $0x0  }
0x90: {  	[sflag:s19] =	ssyncadd.s32 $0xFFFFE000  }
0x91: {  	_ =	swait.ge [sflag:s28], $0x2000  }
0x92: {  	[sflag:s28] =	ssyncset.done $0x0  }
0x93: {  	[sflag:s28] =	ssyncadd.s32 $0xFFFFE000  }
0x94: {  	[spmem:s2] =	stream.indirect.scatter.add.f32 [tilespmem:s22], [sflag:$0x7], $0x40, s20, s21, $0xb8;
	[tilespmem:$0x1F140] =	vst v63  }
0x95: {  	_ =	swait.ge [sflag:s19], $0x2000  }
0x96: {  	s1 =	stileid.u32;
	[sflag:s19] =	ssyncset.done $0x0  }
0x97: {  	s0 =	sshll.u32 s1, $0x6;
	[sflag:s19] =	ssyncadd.s32 $0xFFFFE000  }
0x98: {  	s1 =	sshrl.u32 s4, $0x3;
	s0 =	sor.u32 $0x1C07, s0;
	[bflag:$0x0] =	sbarrier.arrive $0xFFFF  }
0x99: {  	[hbm:s12], [sflag:s0] =	dma.local [spmem:s1], $0x400  }
0x9a: {  	_ =	swait.ge [sflag:s19], $0x400  }
0x9b: {  	[sflag:s19] =	ssyncset.done $0x0  }
0x9c: {  	s23 =	sshrl.u32 s5, $0x3;
	[sflag:s19] =	ssyncadd.s32 $0xFFFFFC00  }
0x9d: {  	[hbm:s13], [sflag:s0] =	dma.local [spmem:s23], $0x400  }
0x9e: {  	_ =	swait.ge [sflag:s19], $0x400  }
0x9f: {  	[sflag:s19] =	ssyncset.done $0x0  }
0xa0: {  	s23 =	sshrl.u32 s6, $0x3;
	[sflag:s19] =	ssyncadd.s32 $0xFFFFFC00  }
0xa1: {  	[hbm:s14], [sflag:s0] =	dma.local [spmem:s23], $0x400  }
0xa2: {  	_ =	swait.ge [sflag:s19], $0x400  }
0xa3: {  	[sflag:s19] =	ssyncset.done $0x0  }
0xa4: {  	s23 =	sshrl.u32 s7, $0x3;
	[sflag:s19] =	ssyncadd.s32 $0xFFFFFC00  }
0xa5: {  	[hbm:s15], [sflag:s0] =	dma.local [spmem:s23], $0x400  }
0xa6: {  	s3 =	sadd.s32 $0x1, s3;
	_ =	swait.ge [sflag:s19], $0x400  }
0xa7: {  	p0 =	sne.s32 s3, s17;
	[sflag:s19] =	ssyncset.done $0x0  }
.Ltmp2:
0xa8: {  	s23 =	sshrl.u32 s8, $0x3;
	[sflag:s19] =	ssyncadd.s32 $0xFFFFFC00;
	(pc) =	sbr.rel @p0 .LBB2_1-.Ltmp2, $4  }
0xa9: {  	[hbm:s16], [sflag:s0] =	dma.local [spmem:s23], $0x388  }
0xaa: {  	_ =	swait.ge [sflag:s19], $0x388  }
0xab: {  	[sflag:s19] =	ssyncset.done $0x0  }
0xac: {  	[sflag:s19] =	ssyncadd.s32 $0xFFFFFC78  }
0xad: {  	_ =	sfence.sel $0x180000  }
0xae: {  	[bflag:$0x0] =	sbarrier.arrive $0xFFFF  }
0xaf: {  	_ =	strace $0x90000050  }
0xb0: {  	s0 =	stileid.u32;
	[bflag:$0x2] =	sbarrier.arrive $0xFFFF  }
0xb1: {  	p0 =	sne.s32 s0, $0x0;
	s0 =	rddreg [dreg:$0x3]  }
0xb2: {  	s0 =	sadd.s32 @!p0 $0x100000, s0  }
0xb3: {  	[sflag:s0] =	ssyncadd.tile.s32 @!p0 $0x1;
	_ =	shalt  }
.Lfunc_end2:
_tile_overlayer_lowered:
.L_overlay_start_2:
0xb4: {  	(tag) =	ssettag $0x2  }
0xb5: {  	s0 =	rddreg [dreg:$0x0];
	s2 =	stileid.u32  }
0xb6: {  	s1 =	rddreg [dreg:$0x1];
	p0 =	sne.s32 s2, $0x0  }
0xb7: {  	s3 =	rddreg [dreg:$0x2];
	[bflag:$0x3] =	sbarrier.arrive $0xFFFF;
	s2 =	simm.s32 @!p0 $0x1C07  }
0xb8: {  	[timem:s3], [sflag:s2] =	dma.local @!p0 [hbm:s0], s1  }
0xb9: {  	s0 =	simm.s32 @!p0 $0x7  }
0xba: {  	_ =	swait.ge @!p0 [sflag:s0], s1  }
0xbb: {  	s1 =	ssub.s32 @!p0 $0x0, s1;
	[sflag:s0] =	ssyncset.done @!p0 $0x0  }
0xbc: {  	[sflag:s0] =	ssyncadd.s32 @!p0 s1  }
0xbd: {  	[bflag:$0x3] =	sbarrier.arrive $0xFFFF  }
0xbe: {  	_ =	shalt  }

// kernel: kernel.23.cloned.1.call-start
scs
__scs_entry_jumppad:
0x0: {  	(pc) =	sbr.rel $0x88, $3  }
0x1: {  	(tag) =	ssettag $0x0;
	lr =	simm.s32 $0x1  }
0x2: {  	[smem:$0x3F8F] =	sst lr;
	_ =	strace $0xD0000000  }
0x3: {  	_ = 	snop  }
0x4: {  	_ = 	snop  }
0x5: {  	_ = 	snop  }
0x6: {  	_ = 	snop  }
0x7: {  	_ = 	snop  }
__scs_overlays_trampoline_lowered:
0x8: {  	[smem:$0x3F9E] =	sst s0  }
0x9: {  	[smem:$0x3F9F] =	sst s1  }
0xa: {  	[smem:$0x3FA0] =	sst s2  }
0xb: {  	[smem:$0x3FA1] =	sst s3  }
0xc: {  	[smem:$0x3FA2] =	sst s4  }
0xd: {  	[smem:$0x3FA3] =	sst s5  }
0xe: {  	[smem:$0x3FA4] =	sst s6  }
0xf: {  	[smem:$0x3FA5] =	sst s7  }
0x10: {  	[smem:$0x3FA6] =	sst s8  }
0x11: {  	[smem:$0x3FA7] =	sst s9;
	s0 =	simm.s32 @!p0 $0x0  }
0x12: {  	s1 =	sld [smem:$0x3F8D];
	s0 =	simm.s32 @p0 $0x1  }
0x13: {  	[smem:$0x3FA8] =	sst s0;
	s0 =	simm.s32 @!p1 $0x0  }
0x14: {  	s2 =	sld [smem:$0x3F8C];
	s0 =	simm.s32 @p1 $0x1  }
0x15: {  	[smem:$0x3FA9] =	sst s0;
	s0 =	simm.s32 @!p2 $0x0  }
0x16: {  	s3 =	sld [smem:$0x3FDB];
	s0 =	simm.s32 @p2 $0x1  }
0x17: {  	s4 =	simm.s32 $0x1BF5;
	[smem:$0x3FAB] =	sst s0  }
0x18: {  	s0 =	sld [smem:$0x3F8E];
	_ =	swait.ge [sflag:s4], $0x0  }
0x19: {  	s7 =	sld [smem:$0x3F8F]  }
0x1a: {  	s8 =	sadd.s32 $0xFFFFE003, lr  }
0x1b: {  	s9 =	sadd.s32 $0xFFFFFEF7, lr;
	s5 =	simm.s32 $0xFFFFFFFF;
	p2 =	slt.u32 s8, $0xFFFFF086  }
0x1c: {  	p1 =	slt.u32 s9, $0xF7A;
	s5 =	simm.s32 @!p2 $0x0  }
0x1d: {  	s5 =	simm.s32 @p1 $0x1;
	p0 =	seq.s32 s7, s2  }
0x1e: {  	s7 =	smul.u32 @!p0 $0xF7A, s2;
	p2 =	seq.s32 @!p0 s5, $0x0  }
0x1f: {  	s9 =	smul.u32 $0xF7A, s1;
	s8 =	simm.s32 @!p0 $0x1BF5;
	p2 =	por !p2, p0  }
0x20: {  	[sflag:s8] =	ssyncset.s32 @!p0 $0xFFFFF086;
	s6 =	sadd.s32 @!p0 s3, s7;
	s7 =	simm.s32 @!p0 $0x108  }
0x21: {  	s3 =	sadd.s32 s3, s9;
	s6 =	sadd.s32 @!p0 $0x88, s6;
	s7 =	simm.s32 @p2 $0x1082  }
0x22: {  	[simem:s7], [sflag:s8] =	dma.local @!p0 [hbm:s6], $0xF7A  }
0x23: {  	s9 =	sor.u32 $0xD0000000, s2;
	s6 =	simm.s32 $0x108;
	_ =	swait.ge @!p0 [sflag:s8], $0x0  }
0x24: {  	s3 =	sadd.s32 $0x88, s3;
	s6 =	simm.s32 @!p1 $0x1082;
	[sflag:s4] =	ssyncset.s32 $0xFFFFF086  }
0x25: {  	[simem:s6], [sflag:s4] =	dma.local [hbm:s3], $0xF7A  }
0x26: {  	[smem:$0x3F8F] =	sst s1;
	(tag) =	ssettag s2;
	_ =	strace s9  }
0x27: {  	s1 =	sld [smem:$0x3F9F]  }
0x28: {  	s2 =	sld [smem:$0x3FA0]  }
0x29: {  	s4 =	sld [smem:$0x3FA2]  }
0x2a: {  	p0 =	seq.s32 s5, $0x0;
	s5 =	sld [smem:$0x3FA3]  }
0x2b: {  	s6 =	sld [smem:$0x3FA4]  }
0x2c: {  	s7 =	sld [smem:$0x3FA5]  }
0x2d: {  	s3 =	simm.s32 $0x108;
	s8 =	sld [smem:$0x3FA6]  }
0x2e: {  	s3 =	simm.s32 @!p0 $0x1082;
	s9 =	sld [smem:$0x3FA7]  }
0x2f: {  	lr =	sadd.s32 s0, s3;
	s0 =	sld [smem:$0x3F9E]  }
0x30: {  	s3 =	sld [smem:$0x3FA1]  }
0x31: {  	[smem:$0x3FAA] =	sst s10  }
0x32: {  	s10 =	sld [smem:$0x3FA8];
	_ =	sdelay $0x3  }
0x33: {  	p0 =	seq.s32 s10, $0x1;
	s10 =	sld [smem:$0x3FAA];
	_ =	sdelay $0x3  }
0x34: {  	[smem:$0x3FAA] =	sst s10  }
0x35: {  	s10 =	sld [smem:$0x3FA9];
	_ =	sdelay $0x3  }
0x36: {  	p1 =	seq.s32 s10, $0x1;
	s10 =	sld [smem:$0x3FAA];
	_ =	sdelay $0x3  }
0x37: {  	[smem:$0x3FAA] =	sst s10  }
0x38: {  	s10 =	sld [smem:$0x3FAB]  }
0x39: {  	_ = 	snop;
	(pc) =	sbr.ind lr, $3  }
0x3a: {  	_ = 	snop  }
0x3b: {  	_ = 	snop  }
0x3c: {  	p2 =	seq.s32 s10, $0x1;
	s10 =	sld [smem:$0x3FAA]  }
0x3d: {  	_ =	shalt  }
0x3e: {  	_ =	shalt  }
0x3f: {  	_ =	shalt  }
0x40: {  	_ =	shalt  }
0x41: {  	_ =	shalt  }
0x42: {  	_ =	shalt  }
0x43: {  	_ =	shalt  }
0x44: {  	_ =	shalt  }
0x45: {  	_ =	shalt  }
0x46: {  	_ =	shalt  }
0x47: {  	_ =	shalt  }
0x48: {  	_ =	shalt  }
0x49: {  	_ =	shalt  }
0x4a: {  	_ =	shalt  }
0x4b: {  	_ =	shalt  }
0x4c: {  	_ =	shalt  }
0x4d: {  	_ =	shalt  }
0x4e: {  	_ =	shalt  }
0x4f: {  	_ =	shalt  }
0x50: {  	_ =	shalt  }
0x51: {  	_ =	shalt  }
0x52: {  	_ =	shalt  }
0x53: {  	_ =	shalt  }
0x54: {  	_ =	shalt  }
0x55: {  	_ =	shalt  }
0x56: {  	_ =	shalt  }
0x57: {  	_ =	shalt  }
0x58: {  	_ =	shalt  }
0x59: {  	_ =	shalt  }
0x5a: {  	_ =	shalt  }
0x5b: {  	_ =	shalt  }
0x5c: {  	_ =	shalt  }
0x5d: {  	_ =	shalt  }
0x5e: {  	_ =	shalt  }
0x5f: {  	_ =	shalt  }
0x60: {  	_ =	shalt  }
0x61: {  	_ =	shalt  }
0x62: {  	_ =	shalt  }
0x63: {  	_ =	shalt  }
0x64: {  	_ =	shalt  }
0x65: {  	_ =	shalt  }
0x66: {  	_ =	shalt  }
0x67: {  	_ =	shalt  }
0x68: {  	_ =	shalt  }
0x69: {  	_ =	shalt  }
0x6a: {  	_ =	shalt  }
0x6b: {  	_ =	shalt  }
0x6c: {  	_ =	shalt  }
0x6d: {  	_ =	shalt  }
0x6e: {  	_ =	shalt  }
0x6f: {  	_ =	shalt  }
0x70: {  	_ =	shalt  }
0x71: {  	_ =	shalt  }
0x72: {  	_ =	shalt  }
0x73: {  	_ =	shalt  }
0x74: {  	_ =	shalt  }
0x75: {  	_ =	shalt  }
0x76: {  	_ =	shalt  }
0x77: {  	_ =	shalt  }
0x78: {  	_ =	shalt  }
0x79: {  	_ =	shalt  }
0x7a: {  	_ =	shalt  }
0x7b: {  	_ =	shalt  }
0x7c: {  	_ =	shalt  }
0x7d: {  	_ =	shalt  }
0x7e: {  	_ =	shalt  }
0x7f: {  	_ =	shalt  }
0x80: {  	_ =	shalt  }
0x81: {  	_ =	shalt  }
0x82: {  	_ =	shalt  }
0x83: {  	_ =	shalt  }
0x84: {  	_ =	shalt  }
0x85: {  	_ =	shalt  }
0x86: {  	_ =	shalt  }
0x87: {  	_ =	shalt  }
.Lfunc_end0:
.L_simem_size_0:
called_computation.4_lowered:
.L_overlay_start_0:
0x88: {  	s2 =	sld [smem:$0x3FD9]  }
0x89: {  	s3 =	sld [smem:$0x3FFE];
	_ =	sdelay $0x1  }
0x8a: {  	s1 =	srdreg.scid  }
0x8b: {  	s0 =	sand.u32 $0x1, s1  }
0x8c: {  	s16 =	sshll.u32 s0, $0xA;
	s2 =	sadd.s32 s3, s2  }
0x8d: {  	s2 =	sadd.s32 s2, s16  }
0x8e: {  	[smem:$0x3FB6] =	sst s2  }
0x8f: {  	_ = 	snop  }
0x90: {  	(tm) =	ssettm $0x1  }
0x91: {  	s17 =	sld [smem:$0x3FFB];
	_ =	sdelay $0x3  }
0x92: {  	_ =	strace s17  }
0x93: {  	s2 =	sld [smem:$0x3FFC];
	_ =	sdelay $0x3  }
0x94: {  	_ =	strace s2  }
0x95: {  	s2 =	sld [smem:$0x3FFD];
	_ =	sdelay $0x3  }
0x96: {  	_ =	strace s2  }
0x97: {  	_ =	strace $0x8FFFFFFF  }
0x98: {  	s18 =	sld [smem:$0x3FDB];
	_ =	sdelay $0x1  }
0x99: {  	s19 =	simm.s32 $_scs_section_size  }
0x9a: {  	s4 =	simm.s32 $_size__tile_overlayer_lowered;
	s5 =	simm.s32 $_tile_overlayer_lowered  }
0x9b: {  	s22 =	simm.s32 $0x1BFF;
	s21 =	sshll.u32 s5, $0x1;
	s2 =	sadd.s32 s19, s18  }
0x9c: {  	s6 =	simm.s32 $0x0;
	s20 =	sshll.u32 s4, $0x1;
	s4 =	sadd.s32 s21, s2  }
0x9d: {  	[timem:s6], [sflag:s22] =	dma.local [hbm:s4], s20  }
0x9e: {  	_ =	swait.ge [sflag:s22], s20  }
0x9f: {  	s3 =	ssub.s32 $0x0, s20;
	[sflag:s22] =	ssyncset.done $0x0  }
0xa0: {  	[sflag:s22] =	ssyncadd.s32 s3;
	_ =	sdelay $0x1  }
0xa1: {  	s23 =	simm.s32 $0x1B8B  }
0xa2: {  	_ =	swait.ge [sflag:s23], $0x1  }
0xa3: {  	[sflag:s23] =	ssyncset.done $0x0  }
0xa4: {  	s25 =	simm.s32 $0x1B8E;
	s24 =	sld [smem:$0x3FFE];
	[sflag:s23] =	ssyncadd.s32 $0xFFFFFFFF  }
0xa5: {  	s26 =	simm.s32 $execute0_lowered;
	[smem:$0x3FD2] =	sst s25  }
0xa6: {  	s4 =	sshll.u32 s26, $0x1;
	_ =	strace $0x80000052;
	[dreg:$0x1] =	wrdreg $0xFFFFFFFF  }
0xa7: {  	s28 =	simm.s32 $_size_execute0_lowered;
	s2 =	sadd.s32 s2, s4;
	[dreg:$0x0] =	wrdreg $0x0  }
0xa8: {  	s4 =	sshll.u32 s28, $0x1;
	[dreg:$0x2] =	wrdreg s2  }
0xa9: {  	[dreg:$0x3] =	wrdreg s4  }
0xaa: {  	[dreg:$0x4] =	wrdreg $0xC0  }
0xab: {  	_ =	task [dreg:s6], $0x5FFFF  }
0xac: {  	[dreg:$0x1] =	wrdreg $0xFFFFFFFF  }
0xad: {  	[dreg:$0x0] =	wrdreg $0x60  }
0xae: {  	[dreg:$0x2] =	wrdreg s24  }
0xaf: {  	[dreg:$0x3] =	wrdreg $0x155000  }
0xb0: {  	[dreg:$0x4] =	wrdreg $0x9  }
0xb1: {  	_ =	task.clear_ibuf [dreg:s6], $0x5FFFF;
	_ =	strace $0x90000052  }
0xb2: {  	s29 =	simm.s32 $0x9;
	_ =	strace $0x80000054  }
0xb3: {  	_ =	swait.ge [sflag:s29], $0x1  }
0xb4: {  	[sflag:s29] =	ssyncadd.s32 $0xFFFFFFFF  }
0xb5: {  	_ =	strace $0x90000054  }
0xb6: {  	_ =	sfence  }
0xb7: {  	s30 =	sld [smem:$0x0];
	_ =	sdelay $0x2  }
0xb8: {  	s31 =	sshll.u32 s1, $0xD;
	s1 =	sshrl.u32 s1, $0x2  }
0xb9: {  	s3 =	sand.u32 $0x4000, s31;
	s1 =	sadd.s32 s1, s30  }
0xba: {  	s0 =	sor.u32 s3, s0;
	s1 =	sshll.u32 s1, $0x11  }
0xbb: {  	s0 =	sor.u32 s1, s0  }
0xbc: {  	s0 =	sadd.s32 $0x8F2B, s0  }
0xbd: {  	[sflag:s0] =	ssyncadd.remote.s32 $0x1  }
0xbe: {  	_ =	sfence.sel $0xFFFF  }
0xbf: {  	[dreg:$0x0] =	wrdreg $0xFFFFFFFF;
	(pc) =	sbr.abs _section_cstart, $3  }
0xc0: {  	[dreg:$0x1] =	wrdreg $0xFFFFFFFF  }
0xc1: {  	_ =	task.clear_ibuf [dreg:s6], $0x2FFFF;
	_ =	strace $0x9FFFFFFF  }
0xc2: {  	(tm) =	ssettm $0x7FFFFFFF  }
0xc3: {  	_ =	shalt  }
tec
execute0_lowered:
.L_overlay_start_1:
0x0: {  	(tag) =	ssettag $0x1  }
0x1: {  	s0 =	rddreg [dreg:$0x0]  }
0x2: {  	s1 =	rddreg [dreg:$0x1];
	s2 =	srdreg.scid;
	s3 =	simm.s32 $0x0  }
0x3: {  	s6 =	stileid.u32;
	s19 =	simm.s32 $0x7;
	s21 =	simm.s32 $0x80  }
0x4: {  	s22 =	simm.s32 $0x11500;
	s24 =	simm.s32 $0x13500;
	s25 =	simm.s32 $0x1  }
0x5: {  	s28 =	simm.s32 $0x2;
	s29 =	simm.s32 $0x5;
	s30 =	simm.s32 $0x3  }
0x6: {  	s31 =	simm.s32 $0x6;
	s20 =	simm.s32 $0xF480;
	s4 =	smul.u32 $0xF50, s6  }
0x7: {  	s2 =	sand.u32 $0x1, s2;
	[smem:$0x7FF] =	sst s3;
	s10 =	smul.u32 $0x9C40, s6  }
0x8: {  	s14 =	smul.u32 $0x9C400, s2;
	_ =	strace $0x80000053;
	s2 =	ssub.s32 $0x2, s2  }
0x9: {  	s11 =	sadd.s32 s4, s0;
	s26 =	sshrl.u32 s2, $0x1;
	s13 =	sadd.s32 $0x2000, s10  }
0xa: {  	s4 =	sadd.s32 s10, s1;
	s15 =	sadd.s32 $0x4000, s10;
	s16 =	sadd.s32 $0x6000, s10  }
0xb: {  	s17 =	sadd.s32 $0x8000, s10;
	s5 =	sshrl.u32 s14, $0x3;
	s2 =	ssub.s32 s2, s26  }
0xc: {  	s6 =	sadd.s32 s15, s1;
	s7 =	sadd.s32 s16, s1;
	s8 =	sadd.s32 s17, s1  }
0xd: {  	s9 =	sadd.s32 $0x91000, s11;
	s18 =	sadd.s32 s10, s14;
	s10 =	sadd.s32 $0x81A00, s11  }
0xe: {  	s15 =	sadd.s32 s14, s15;
	s16 =	sadd.s32 s14, s16;
	s26 =	simm.s32 $0x4  }
0xf: {  	s12 =	sadd.s32 s5, s0;
	s0 =	sadd.s32 $0xC7800, s0;
	s5 =	sadd.s32 s13, s1  }
0x10: {  	s13 =	sadd.s32 s14, s13;
	s18 =	sshrl.u32 s18, $0x3;
	s14 =	sadd.s32 s14, s17  }
0x11: {  	s15 =	sshrl.u32 s15, $0x3;
	s16 =	sshrl.u32 s16, $0x3;
	s13 =	sshrl.u32 s13, $0x3  }
0x12: {  	s11 =	sadd.s32 $0x53800, s12;
	s12 =	sadd.s32 s0, s18;
	s17 =	sshrl.u32 s14, $0x3  }
0x13: {  	s14 =	sadd.s32 s0, s15;
	s15 =	sadd.s32 s0, s16;
	s18 =	simm.s32 $0xF500  }
0x14: {  	v0 =	vimm.f32 $0.0e+00;
	s13 =	sadd.s32 s0, s13;
	s16 =	sadd.s32 s0, s17;
	s17 =	smax.u32 s2, $0x1  }
.LBB2_1:
0x15: {  	s0 =	simm.s32 $0x100;
	s23 =	simm.s32 $0x0  }
.LBB2_2:
0x16: {  	p0 =	sne.s32 s0, $0x7F00;
	[tilespmem:s23+$0xF530] =	vst v0;
	s2 =	smov.u32 s0;
	s0 =	sadd.s32 $0x100, s0  }
.Ltmp0:
0x17: {  	[tilespmem:s23+$0xF520] =	vst v0;
	(pc) =	sbr.rel @p0 .LBB2_2-.Ltmp0, $3  }
0x18: {  	[tilespmem:s23+$0xF500] =	vst v0  }
0x19: {  	[tilespmem:s23+$0xF510] =	vst v0;
	_ =	sdelay $0x1  }
0x1a: {  	s23 =	sshra.s32 s2, $0x2  }
0x1b: {  	[tilespmem:s23+$0xF530] =	vst v0  }
0x1c: {  	[tilespmem:s23+$0xF520] =	vst v0  }
0x1d: {  	[tilespmem:s23+$0xF500] =	vst v0  }
0x1e: {  	[tilespmem:s23+$0xF510] =	vst v0  }
0x1f: {  	[spmem:s4] =	stream.linear.scatter [tilespmem:s18], [sflag:$0x7], $0x2000, $0x38;
	[tilespmem:$0x1F140] =	vst v63  }
0x20: {  	_ =	swait.ge [sflag:s19], $0x2000  }
0x21: {  	[sflag:s19] =	ssyncset.done $0x0  }
0x22: {  	[sflag:s19] =	ssyncadd.s32 $0xFFFFE000  }
0x23: {  	[spmem:s5] =	stream.linear.scatter [tilespmem:s18], [sflag:$0x7], $0x2000, $0x38;
	[tilespmem:$0x1F140] =	vst v63  }
0x24: {  	_ =	swait.ge [sflag:s19], $0x2000  }
0x25: {  	[sflag:s19] =	ssyncset.done $0x0  }
0x26: {  	[sflag:s19] =	ssyncadd.s32 $0xFFFFE000  }
0x27: {  	[spmem:s6] =	stream.linear.scatter [tilespmem:s18], [sflag:$0x7], $0x2000, $0x38;
	[tilespmem:$0x1F140] =	vst v63  }
0x28: {  	_ =	swait.ge [sflag:s19], $0x2000  }
0x29: {  	[sflag:s19] =	ssyncset.done $0x0  }
0x2a: {  	[sflag:s19] =	ssyncadd.s32 $0xFFFFE000  }
0x2b: {  	[spmem:s7] =	stream.linear.scatter [tilespmem:s18], [sflag:$0x7], $0x2000, $0x38;
	[tilespmem:$0x1F140] =	vst v63  }
0x2c: {  	_ =	swait.ge [sflag:s19], $0x2000  }
0x2d: {  	[sflag:s19] =	ssyncset.done $0x0  }
0x2e: {  	[sflag:s19] =	ssyncadd.s32 $0xFFFFE000  }
0x2f: {  	[spmem:s8] =	stream.linear.scatter [tilespmem:s18], [sflag:$0x7], $0x1C40, $0x38;
	[tilespmem:$0x1F140] =	vst v63  }
0x30: {  	_ =	swait.ge [sflag:s19], $0x1C40  }
0x31: {  	[sflag:s19] =	ssyncset.done $0x0  }
0x32: {  	[sflag:s19] =	ssyncadd.s32 $0xFFFFE3C0  }
0x33: {  	s0 =	simm.s32 $0x0;
	[bflag:$0x0] =	sbarrier.arrive $0xFFFF  }
0x34: {  	[tilespmem:s0], [sflag:$0x7] =	stream.linear.gather [hbm4b:s9+s0], $0x7A80, $0x38;
	[tilespmem:$0x1F140] =	vst v63  }
0x35: {  	_ =	swait.ge [sflag:s19], $0x7A80  }
0x36: {  	[sflag:s19] =	ssyncset.done $0x0  }
0x37: {  	s2 =	simm.s32 $0x7A80;
	[sflag:s19] =	ssyncadd.s32 $0xFFFF8580  }
0x38: {  	[tilespmem:s2], [sflag:$0x7] =	stream.linear.gather [hbm4b:s10+s0], $0x7A80, $0x38;
	[tilespmem:$0x1F140] =	vst v63  }
0x39: {  	_ =	swait.ge [sflag:s19], $0x7A80  }
0x3a: {  	[sflag:s19] =	ssyncset.done $0x0  }
0x3b: {  	[sflag:s19] =	ssyncadd.s32 $0xFFFF8580  }
0x3c: {  	[tilespmem:s18], [sflag:$0x1] =	stream.indirect.gather [hbm4b:s11+s21], $0x40, s0, s21, $0xb8;
	[tilespmem:$0x1F140] =	vst v63  }
0x3d: {  	_ = 	snop  }
0x3e: {  	[tilespmem:s22], [sflag:$0x2] =	stream.indirect.gather [hbm4b:s11+s21], $0x40, s21, s21, $0xb8;
	[tilespmem:$0x1F140] =	vst v63  }
0x3f: {  	s2 =	simm.s32 $0x100  }
0x40: {  	[tilespmem:s24], [sflag:$0x3] =	stream.indirect.gather [hbm4b:s11+s21], $0x40, s2, s21, $0xb8;
	[tilespmem:$0x1F140] =	vst v63  }
0x41: {  	_ =	swait.ge [sflag:s25], $0x2000  }
0x42: {  	[sflag:s25] =	ssyncset.done $0x0  }
0x43: {  	s23 =	simm.s32 $0x7A80;
	[sflag:s25] =	ssyncadd.s32 $0xFFFFE000  }
0x44: {  	[spmem:s1] =	stream.indirect.scatter.add.f32 [tilespmem:s18], [sflag:$0x4], $0x40, s23, s21, $0xb8;
	[tilespmem:$0x1F140] =	vst v63  }
0x45: {  	_ =	swait.ge [sflag:s26], $0x2000  }
0x46: {  	[sflag:s26] =	ssyncset.done $0x0  }
0x47: {  	s2 =	simm.s32 $0x180;
	[sflag:s26] =	ssyncadd.s32 $0xFFFFE000  }
0x48: {  	[tilespmem:s18], [sflag:$0x1] =	stream.indirect.gather [hbm4b:s11+s21], $0x40, s2, s21, $0xb8;
	[tilespmem:$0x1F140] =	vst v63  }
0x49: {  	_ =	swait.ge [sflag:s28], $0x2000  }
0x4a: {  	[sflag:s28] =	ssyncset.done $0x0  }
0x4b: {  	s23 =	simm.s32 $0x7B00;
	[sflag:s28] =	ssyncadd.s32 $0xFFFFE000  }
0x4c: {  	[spmem:s1] =	stream.indirect.scatter.add.f32 [tilespmem:s22], [sflag:$0x5], $0x40, s23, s21, $0xb8;
	[tilespmem:$0x1F140] =	vst v63  }
0x4d: {  	_ =	swait.ge [sflag:s29], $0x2000  }
0x4e: {  	[sflag:s29] =	ssyncset.done $0x0  }
0x4f: {  	s2 =	simm.s32 $0x200;
	[sflag:s29] =	ssyncadd.s32 $0xFFFFE000  }
0x50: {  	[tilespmem:s22], [sflag:$0x2] =	stream.indirect.gather [hbm4b:s11+s21], $0x40, s2, s21, $0xb8;
	[tilespmem:$0x1F140] =	vst v63  }
0x51: {  	_ =	swait.ge [sflag:s30], $0x2000  }
0x52: {  	[sflag:s30] =	ssyncset.done $0x0  }
0x53: {  	s23 =	simm.s32 $0x7B80;
	[sflag:s30] =	ssyncadd.s32 $0xFFFFE000  }
0x54: {  	[spmem:s1] =	stream.indirect.scatter.add.f32 [tilespmem:s24], [sflag:$0x6], $0x40, s23, s21, $0xb8;
	[tilespmem:$0x1F140] =	vst v63  }
0x55: {  	_ =	swait.ge [sflag:s31], $0x2000  }
0x56: {  	[sflag:s31] =	ssyncset.done $0x0  }
0x57: {  	s0 =	simm.s32 $0x280;
	s23 =	simm.s32 $0x600;
	[sflag:s31] =	ssyncadd.s32 $0xFFFFE000  }
.LBB2_4:
0x58: {  	[tilespmem:s24], [sflag:$0x3] =	stream.indirect.gather [hbm4b:s11+s21], $0x40, s0, s21, $0xb8;
	[tilespmem:$0x1F140] =	vst v63  }
0x59: {  	s0 =	smov.u32 s23  }
0x5a: {  	p0 =	sne.s32 s23, $0x1DA00;
	s23 =	sadd.s32 $0x600, s23;
	_ =	swait.ge [sflag:s25], $0x2000  }
0x5b: {  	s0 =	sshra.s32 s0, $0x2;
	[sflag:s25] =	ssyncset.done $0x0  }
0x5c: {  	s2 =	sadd.s32 $0x7A80, s0;
	[sflag:s25] =	ssyncadd.s32 $0xFFFFE000  }
0x5d: {  	[spmem:s1] =	stream.indirect.scatter.add.f32 [tilespmem:s18], [sflag:$0x4], $0x40, s2, s21, $0xb8;
	[tilespmem:$0x1F140] =	vst v63  }
0x5e: {  	_ =	swait.ge [sflag:s26], $0x2000  }
0x5f: {  	[sflag:s26] =	ssyncset.done $0x0  }
0x60: {  	s2 =	sadd.s32 $0x180, s0;
	[sflag:s26] =	ssyncadd.s32 $0xFFFFE000  }
0x61: {  	[tilespmem:s18], [sflag:$0x1] =	stream.indirect.gather [hbm4b:s11+s21], $0x40, s2, s21, $0xb8;
	[tilespmem:$0x1F140] =	vst v63  }
0x62: {  	_ =	swait.ge [sflag:s28], $0x2000  }
0x63: {  	[sflag:s28] =	ssyncset.done $0x0  }
0x64: {  	s2 =	sadd.s32 $0x7B00, s0;
	[sflag:s28] =	ssyncadd.s32 $0xFFFFE000  }
0x65: {  	[spmem:s1] =	stream.indirect.scatter.add.f32 [tilespmem:s22], [sflag:$0x5], $0x40, s2, s21, $0xb8;
	[tilespmem:$0x1F140] =	vst v63  }
0x66: {  	_ =	swait.ge [sflag:s29], $0x2000  }
0x67: {  	[sflag:s29] =	ssyncset.done $0x0  }
0x68: {  	s2 =	sadd.s32 $0x200, s0;
	[sflag:s29] =	ssyncadd.s32 $0xFFFFE000  }
0x69: {  	[tilespmem:s22], [sflag:$0x2] =	stream.indirect.gather [hbm4b:s11+s21], $0x40, s2, s21, $0xb8;
	[tilespmem:$0x1F140] =	vst v63  }
0x6a: {  	_ =	swait.ge [sflag:s30], $0x2000  }
0x6b: {  	[sflag:s30] =	ssyncset.done $0x0  }
.Ltmp1:
0x6c: {  	s2 =	sadd.s32 $0x7B80, s0;
	[sflag:s30] =	ssyncadd.s32 $0xFFFFE000;
	(pc) =	sbr.rel @p0 .LBB2_4-.Ltmp1, $4  }
0x6d: {  	[spmem:s1] =	stream.indirect.scatter.add.f32 [tilespmem:s24], [sflag:$0x6], $0x40, s2, s21, $0xb8;
	[tilespmem:$0x1F140] =	vst v63  }
0x6e: {  	_ =	swait.ge [sflag:s31], $0x2000  }
0x6f: {  	[sflag:s31] =	ssyncset.done $0x0  }
0x70: {  	s0 =	sadd.s32 $0x280, s0;
	[sflag:s31] =	ssyncadd.s32 $0xFFFFE000  }
0x71: {  	[tilespmem:s24], [sflag:$0x3] =	stream.indirect.gather [hbm4b:s11+s21], $0x40, s0, s21, $0xb8;
	[tilespmem:$0x1F140] =	vst v63  }
0x72: {  	_ =	swait.ge [sflag:s25], $0x2000  }
0x73: {  	[sflag:s25] =	ssyncset.done $0x0  }
0x74: {  	s2 =	simm.s32 $0xF280;
	[sflag:s25] =	ssyncadd.s32 $0xFFFFE000  }
0x75: {  	[spmem:s1] =	stream.indirect.scatter.add.f32 [tilespmem:s18], [sflag:$0x4], $0x40, s2, s21, $0xb8;
	[tilespmem:$0x1F140] =	vst v63  }
0x76: {  	_ =	swait.ge [sflag:s26], $0x2000  }
0x77: {  	[sflag:s26] =	ssyncset.done $0x0  }
0x78: {  	s23 =	simm.s32 $0x7980;
	[sflag:s26] =	ssyncadd.s32 $0xFFFFE000  }
0x79: {  	[tilespmem:s18], [sflag:$0x1] =	stream.indirect.gather [hbm4b:s11+s21], $0x40, s23, s21, $0xb8;
	[tilespmem:$0x1F140] =	vst v63  }
0x7a: {  	_ =	swait.ge [sflag:s28], $0x2000  }
0x7b: {  	[sflag:s28] =	ssyncset.done $0x0  }
0x7c: {  	s2 =	simm.s32 $0xF300;
	[sflag:s28] =	ssyncadd.s32 $0xFFFFE000  }
0x7d: {  	[spmem:s1] =	stream.indirect.scatter.add.f32 [tilespmem:s22], [sflag:$0x5], $0x40, s2, s21, $0xb8;
	[tilespmem:$0x1F140] =	vst v63  }
0x7e: {  	_ =	swait.ge [sflag:s29], $0x2000  }
0x7f: {  	[sflag:s29] =	ssyncset.done $0x0  }
0x80: {  	s23 =	simm.s32 $0x7A00;
	[sflag:s29] =	ssyncadd.s32 $0xFFFFE000  }
0x81: {  	[tilespmem:s22], [sflag:$0x2] =	stream.indirect.gather [hbm4b:s11+s21], $0x40, s23, s21, $0xb8;
	[tilespmem:$0x1F140] =	vst v63  }
0x82: {  	_ =	swait.ge [sflag:s30], $0x2000  }
0x83: {  	[sflag:s30] =	ssyncset.done $0x0  }
0x84: {  	s2 =	simm.s32 $0xF380;
	[sflag:s30] =	ssyncadd.s32 $0xFFFFE000  }
0x85: {  	[spmem:s1] =	stream.indirect.scatter.add.f32 [tilespmem:s24], [sflag:$0x6], $0x40, s2, s21, $0xb8;
	[tilespmem:$0x1F140] =	vst v63  }
0x86: {  	_ =	swait.ge [sflag:s31], $0x2000  }
0x87: {  	[sflag:s31] =	ssyncset.done $0x0  }
0x88: {  	[sflag:s31] =	ssyncadd.s32 $0xFFFFE000  }
0x89: {  	_ =	swait.ge [sflag:s25], $0x2000  }
0x8a: {  	[sflag:s25] =	ssyncset.done $0x0  }
0x8b: {  	s23 =	simm.s32 $0xF400;
	[sflag:s25] =	ssyncadd.s32 $0xFFFFE000  }
0x8c: {  	[spmem:s1] =	stream.indirect.scatter.add.f32 [tilespmem:s18], [sflag:$0x7], $0x40, s23, s21, $0xb8;
	[tilespmem:$0x1F140] =	vst v63  }
0x8d: {  	_ =	swait.ge [sflag:s19], $0x2000  }
0x8e: {  	[sflag:s19] =	ssyncset.done $0x0  }
0x8f: {  	[sflag:s19] =	ssyncadd.s32 $0xFFFFE000  }
0x90: {  	_ =	swait.ge [sflag:s28], $0x2000  }
0x91: {  	[sflag:s28] =	ssyncset.done $0x0  }
0x92: {  	[sflag:s28] =	ssyncadd.s32 $0xFFFFE000  }
0x93: {  	[spmem:s1] =	stream.indirect.scatter.add.f32 [tilespmem:s22], [sflag:$0x7], $0x40, s20, s21, $0xb8;
	[tilespmem:$0x1F140] =	vst v63  }
0x94: {  	_ =	swait.ge [sflag:s19], $0x2000  }
0x95: {  	s2 =	stileid.u32;
	[sflag:s19] =	ssyncset.done $0x0  }
0x96: {  	s0 =	sshll.u32 s2, $0x6;
	[sflag:s19] =	ssyncadd.s32 $0xFFFFE000  }
0x97: {  	s2 =	sshrl.u32 s4, $0x3;
	s0 =	sor.u32 $0x1C07, s0;
	[bflag:$0x0] =	sbarrier.arrive $0xFFFF  }
0x98: {  	[hbm:s12], [sflag:s0] =	dma.local [spmem:s2], $0x400  }
0x99: {  	_ =	swait.ge [sflag:s19], $0x400  }
0x9a: {  	[sflag:s19] =	ssyncset.done $0x0  }
0x9b: {  	s23 =	sshrl.u32 s5, $0x3;
	[sflag:s19] =	ssyncadd.s32 $0xFFFFFC00  }
0x9c: {  	[hbm:s13], [sflag:s0] =	dma.local [spmem:s23], $0x400  }
0x9d: {  	_ =	swait.ge [sflag:s19], $0x400  }
0x9e: {  	[sflag:s19] =	ssyncset.done $0x0  }
0x9f: {  	s23 =	sshrl.u32 s6, $0x3;
	[sflag:s19] =	ssyncadd.s32 $0xFFFFFC00  }
0xa0: {  	[hbm:s14], [sflag:s0] =	dma.local [spmem:s23], $0x400  }
0xa1: {  	_ =	swait.ge [sflag:s19], $0x400  }
0xa2: {  	[sflag:s19] =	ssyncset.done $0x0  }
0xa3: {  	s23 =	sshrl.u32 s7, $0x3;
	[sflag:s19] =	ssyncadd.s32 $0xFFFFFC00  }
0xa4: {  	[hbm:s15], [sflag:s0] =	dma.local [spmem:s23], $0x400  }
0xa5: {  	s3 =	sadd.s32 $0x1, s3;
	_ =	swait.ge [sflag:s19], $0x400  }
0xa6: {  	p0 =	sne.s32 s3, s17;
	[sflag:s19] =	ssyncset.done $0x0  }
.Ltmp2:
0xa7: {  	s23 =	sshrl.u32 s8, $0x3;
	[sflag:s19] =	ssyncadd.s32 $0xFFFFFC00;
	(pc) =	sbr.rel @p0 .LBB2_1-.Ltmp2, $4  }
0xa8: {  	[hbm:s16], [sflag:s0] =	dma.local [spmem:s23], $0x388  }
0xa9: {  	_ =	swait.ge [sflag:s19], $0x388  }
0xaa: {  	[sflag:s19] =	ssyncset.done $0x0  }
0xab: {  	[sflag:s19] =	ssyncadd.s32 $0xFFFFFC78  }
0xac: {  	_ =	sfence.sel $0x180000  }
0xad: {  	[bflag:$0x0] =	sbarrier.arrive $0xFFFF  }
0xae: {  	_ =	strace $0x90000053  }
0xaf: {  	s0 =	stileid.u32;
	[bflag:$0x2] =	sbarrier.arrive $0xFFFF  }
0xb0: {  	p0 =	sne.s32 s0, $0x0;
	s0 =	rddreg [dreg:$0x2]  }
0xb1: {  	s0 =	sadd.s32 @!p0 $0x100000, s0  }
0xb2: {  	[sflag:s0] =	ssyncadd.tile.s32 @!p0 $0x1;
	_ =	shalt  }
.Lfunc_end2:
_tile_overlayer_lowered:
.L_overlay_start_2:
0xb3: {  	(tag) =	ssettag $0x2  }
0xb4: {  	s0 =	rddreg [dreg:$0x0];
	s2 =	stileid.u32  }
0xb5: {  	s1 =	rddreg [dreg:$0x1];
	p0 =	sne.s32 s2, $0x0  }
0xb6: {  	s3 =	rddreg [dreg:$0x2];
	[bflag:$0x3] =	sbarrier.arrive $0xFFFF;
	s2 =	simm.s32 @!p0 $0x1C07  }
0xb7: {  	[timem:s3], [sflag:s2] =	dma.local @!p0 [hbm:s0], s1  }
0xb8: {  	s0 =	simm.s32 @!p0 $0x7  }
0xb9: {  	_ =	swait.ge @!p0 [sflag:s0], s1  }
0xba: {  	s1 =	ssub.s32 @!p0 $0x0, s1;
	[sflag:s0] =	ssyncset.done @!p0 $0x0  }
0xbb: {  	[sflag:s0] =	ssyncadd.s32 @!p0 s1  }
0xbc: {  	[bflag:$0x3] =	sbarrier.arrive $0xFFFF  }
0xbd: {  	_ =	shalt  }

</sc_bundles>
